<compile_context>
chip_gen: v7x
topology: tpu7x:2x2x1
jax: 0.10.2.dev20260603
libtpu: 0.0.44.dev20260713+nightly
codegen_flags: <defaults>
</compile_context>

<pallas_src>
import functools

import jax
import jax.numpy as jnp
from jax import lax
from jax.experimental import pallas as pl
from jax.experimental.pallas import tpu as pltpu
from jax.experimental.pallas import tpu_sc as plsc

N = 16384
K = 26
G = 100
W = K * G

NUM_CORES = 2
NUM_SUBCORES = 16
NW = NUM_CORES * NUM_SUBCORES
COLS_PER_W = N // NW
PAIRS = K // 2
CB = 2 * G
CC = COLS_PER_W // 2
L = 16
GROUPS = CC // L


def _worker_body(xt_hbm, zeros_hbm, out_hbm, xv, buf0, buf1, pos0, pos1,
                 sem0, sem1):
    wid = lax.axis_index("s") * NUM_CORES + lax.axis_index("c")
    base_col = wid * COLS_PER_W

    pltpu.sync_copy(xt_hbm.at[:, pl.ds(base_col, COLS_PER_W)], xv)
    pltpu.sync_copy(zeros_hbm, buf0)
    pltpu.sync_copy(zeros_hbm, buf1)

    ci = lax.iota(jnp.int32, L)
    ones_v = jnp.full((L,), 1.0, jnp.float32)
    zero_v = jnp.zeros((L,), jnp.float32)
    one_i = jnp.full((L,), 1, jnp.int32)

    def fill(p, h, buf, posb):
        for half in (0, 1):
            base_r = half * G
            for g in range(GROUPS):
                cols = ci + g * L
                v = xv[2 * p + half, pl.ds(h * CC + g * L, L)]
                rv = base_r + jnp.maximum(v, one_i) - 1
                plsc.store_scatter(buf, [rv, cols], ones_v, mask=v > 0)
                posb[pl.ds((half * GROUPS + g) * L, L)] = rv

    def clear(buf, posb):
        for half in (0, 1):
            for g in range(GROUPS):
                cols = ci + g * L
                rv = posb[pl.ds((half * GROUPS + g) * L, L)]
                plsc.store_scatter(buf, [rv, cols], zero_v)

    def dma_out(p, h, buf, sem):
        return pltpu.make_async_copy(
            buf,
            out_hbm.at[pl.ds(p * CB, CB), pl.ds(base_col + h * CC, CC)],
            sem)

    fill(0, 0, buf0, pos0)
    dma_out(0, 0, buf0, sem0).start()
    fill(0, 1, buf1, pos1)
    dma_out(0, 1, buf1, sem1).start()

    def body(p, _):
        for h, buf, posb, sem in ((0, buf0, pos0, sem0),
                                  (1, buf1, pos1, sem1)):
            dma_out(p - 1, h, buf, sem).wait()
            clear(buf, posb)
            fill(p, h, buf, posb)
            dma_out(p, h, buf, sem).start()
        return 0

    lax.fori_loop(1, PAIRS, body, 0)

    dma_out(PAIRS - 1, 0, buf0, sem0).wait()
    dma_out(PAIRS - 1, 1, buf1, sem1).wait()


_sc_call = functools.partial(
    pl.kernel,
    out_type=jax.ShapeDtypeStruct((W, N), jnp.float32),
    mesh=plsc.VectorSubcoreMesh(core_axis_name="c", subcore_axis_name="s",
                                num_cores=NUM_CORES,
                                num_subcores=NUM_SUBCORES),
    scratch_types=[
        pltpu.VMEM((K, COLS_PER_W), jnp.int32),
        pltpu.VMEM((CB, CC), jnp.float32),
        pltpu.VMEM((CB, CC), jnp.float32),
        pltpu.VMEM((2 * GROUPS * L,), jnp.int32),
        pltpu.VMEM((2 * GROUPS * L,), jnp.int32),
        pltpu.SemaphoreType.DMA,
        pltpu.SemaphoreType.DMA,
    ],
    compiler_params=pltpu.CompilerParams(use_tc_tiling_on_sc=True,
                                         needs_layout_passes=False),
)(_worker_body)


def kernel(x):
    xt = jnp.swapaxes(x.astype(jnp.int32), 0, 1)
    zeros = jnp.zeros((CB, CC), jnp.float32)
    out_t = _sc_call(xt, zeros)
    return jnp.swapaxes(out_t, 0, 1)

# --- scband reference (transcript-rebuilt; emitter-appended) ---
"""Pipeline reference for scband-one-hot-embedding-10806137717131 (READ-ONLY COPY).

The authoritative reference and input builder live on the scoring server;
editing this copy changes nothing except your own understanding.
"""

import jax, jax.numpy as jnp
import numpy as np

COMPONENT_SIZES = [100] * 26

def nullable_one_hot(vec, cats):
    # one-hot over cats+1 classes, then drop class 0 (null indicator)
    return jax.nn.one_hot(vec, cats + 1, dtype=jnp.float32)[..., 1:]

def setup_inputs(seed: int = 0) -> dict:
    key = jax.random.key(seed)
    x = jax.random.randint(key, (16384, 26), 0, 101, dtype=jnp.int64) if jax.config.read('jax_enable_x64') else jax.random.randint(key, (16384, 26), 0, 101, dtype=jnp.int32)
    return {"x": x}

def reference(x):
    outs = [nullable_one_hot(x[..., i], s) for i, s in enumerate(COMPONENT_SIZES)]
    return jnp.concatenate(outs, axis=-1)

if __name__ == "__main__":
    import jax
    _d = setup_inputs()
    print(jax.jit(kernel)(*tuple(_d.values())))

</pallas_src>

<mosaic_0001>
#map = affine_map<(d0, d1) -> (0, 0)>
module attributes {stable_mosaic.version = 14 : i64} {
  func.func @_worker_body(%arg0: i32, %arg1: i32, %arg2: memref<26x16384xi32, #tpu.memory_space<hbm>>, %arg3: memref<200x256xf32, #tpu.memory_space<hbm>>, %arg4: memref<2600x16384xf32, #tpu.memory_space<hbm>>, %arg5: memref<26x512xi32, #tpu.memory_space<vmem>>, %arg6: memref<200x256xf32, #tpu.memory_space<vmem>>, %arg7: memref<200x256xf32, #tpu.memory_space<vmem>>, %arg8: memref<512xi32, #tpu.memory_space<vmem>>, %arg9: memref<512xi32, #tpu.memory_space<vmem>>, %arg10: memref<!tpu.dma_semaphore, #tpu.memory_space<semaphore_mem>>, %arg11: memref<!tpu.dma_semaphore, #tpu.memory_space<semaphore_mem>>) attributes {dimension_semantics = [#tpu.dimension_semantics<core_parallel>, #tpu.dimension_semantics<subcore_parallel>], iteration_bounds = array<i64: 2, 16>, scalar_prefetch = 0 : i64, scratch_operands = 7 : i64, tpu.core_type = #tpu.core_type<sc_vector_subcore>, window_params = [{transform_indices = #map}, {transform_indices = #map}, {transform_indices = #map}]} {
    %mul3A = arith.constant 2 : i32
    %mul3A_0 = arith.muli %arg1, %mul3A : i32
    %add3A = arith.addi %mul3A_0, %arg0 : i32
    %mul3A_1 = arith.constant 512 : i32
    %mul3A_2 = arith.muli %add3A, %mul3A_1 : i32
    "tpu.region"() ({
      %run_scoped3A = tpu.sem_alloc : memref<!tpu.dma_semaphore, #tpu.memory_space<semaphore_mem>>
      %dma_start3A_1247 = arith.constant 0 : i32
      %dma_start3A_1248 = tpu.memref_slice %arg2[%dma_start3A_1247, %mul3A_2] : memref<26x16384xi32, #tpu.memory_space<hbm>> -> memref<26x512xi32, #tpu.memory_space<hbm>>
      %dma_start3A_1249 = arith.constant 0 : i32
      %dma_start3A_1250 = tpu.memref_slice %arg2[%dma_start3A_1249, %mul3A_2] : memref<26x16384xi32, #tpu.memory_space<hbm>> -> memref<26x512xi32, #tpu.memory_space<hbm>>
      tpu.enqueue_dma source(%dma_start3A_1250 : memref<26x512xi32, #tpu.memory_space<hbm>>) target(%arg5 : memref<26x512xi32, #tpu.memory_space<vmem>>) target_semaphore(%run_scoped3A : memref<!tpu.dma_semaphore, #tpu.memory_space<semaphore_mem>>)
      %dma_wait3A_1251 = arith.constant 0 : i32
      %dma_wait3A_1252 = tpu.memref_slice %arg2[%dma_wait3A_1251, %mul3A_2] : memref<26x16384xi32, #tpu.memory_space<hbm>> -> memref<26x512xi32, #tpu.memory_space<hbm>>
      %dma_wait3A_1253 = arith.constant 0 : i32
      %dma_wait3A_1254 = tpu.memref_slice %arg2[%dma_wait3A_1253, %mul3A_2] : memref<26x16384xi32, #tpu.memory_space<hbm>> -> memref<26x512xi32, #tpu.memory_space<hbm>>
      tpu.wait_dma2 semaphore(%run_scoped3A : memref<!tpu.dma_semaphore, #tpu.memory_space<semaphore_mem>>) src(%dma_wait3A_1254 : memref<26x512xi32, #tpu.memory_space<hbm>>) dst(%arg5 : memref<26x512xi32, #tpu.memory_space<vmem>>)
      tpu.yield
    }) : () -> ()
    "tpu.region"() ({
      %run_scoped3A = tpu.sem_alloc : memref<!tpu.dma_semaphore, #tpu.memory_space<semaphore_mem>>
      tpu.enqueue_dma source(%arg3 : memref<200x256xf32, #tpu.memory_space<hbm>>) target(%arg6 : memref<200x256xf32, #tpu.memory_space<vmem>>) target_semaphore(%run_scoped3A : memref<!tpu.dma_semaphore, #tpu.memory_space<semaphore_mem>>)
      tpu.wait_dma2 semaphore(%run_scoped3A : memref<!tpu.dma_semaphore, #tpu.memory_space<semaphore_mem>>) src(%arg3 : memref<200x256xf32, #tpu.memory_space<hbm>>) dst(%arg6 : memref<200x256xf32, #tpu.memory_space<vmem>>)
      tpu.yield
    }) : () -> ()
    "tpu.region"() ({
      %run_scoped3A = tpu.sem_alloc : memref<!tpu.dma_semaphore, #tpu.memory_space<semaphore_mem>>
      tpu.enqueue_dma source(%arg3 : memref<200x256xf32, #tpu.memory_space<hbm>>) target(%arg7 : memref<200x256xf32, #tpu.memory_space<vmem>>) target_semaphore(%run_scoped3A : memref<!tpu.dma_semaphore, #tpu.memory_space<semaphore_mem>>)
      tpu.wait_dma2 semaphore(%run_scoped3A : memref<!tpu.dma_semaphore, #tpu.memory_space<semaphore_mem>>) src(%arg3 : memref<200x256xf32, #tpu.memory_space<hbm>>) dst(%arg7 : memref<200x256xf32, #tpu.memory_space<vmem>>)
      tpu.yield
    }) : () -> ()
    %iota3A = tpu.iota {dimensions = array<i32: 0>} : vector<16xi32>
    %broadcast_in_dim3A = arith.constant 1.000000e+00 : f32
    %broadcast_in_dim3A_3 = vector.broadcast %broadcast_in_dim3A : f32 to vector<16xf32>
    %broadcast_in_dim3A_4 = arith.constant 0.000000e+00 : f32
    %broadcast_in_dim3A_5 = vector.broadcast %broadcast_in_dim3A_4 : f32 to vector<16xf32>
    %broadcast_in_dim3A_6 = arith.constant 1 : i32
    %broadcast_in_dim3A_7 = vector.broadcast %broadcast_in_dim3A_6 : i32 to vector<16xi32>
    %add3A_8 = arith.constant 0 : i32
    %add3A_9 = vector.broadcast %add3A_8 : i32 to vector<16xi32>
    %add3A_10 = arith.addi %iota3A, %add3A_9 : vector<16xi32>
    %get3A = arith.constant 0 : i32
    %get3A_11 = arith.index_cast %get3A : i32 to index
    %get3A_12 = arith.constant 0 : index
    %get3A_13 = tpu.vector_load %arg5[%get3A_11, %get3A_12] {strides = array<i32>} : memref<26x512xi32, #tpu.memory_space<vmem>>, vector<16xi32>,
    %max3A = arith.maxsi %get3A_13, %broadcast_in_dim3A_7 : vector<16xi32>
    %add3A_14 = arith.constant 0 : i32
    %add3A_15 = vector.broadcast %add3A_14 : i32 to vector<16xi32>
    %add3A_16 = arith.addi %add3A_15, %max3A : vector<16xi32>
    %sub3A = arith.constant 1 : i32
    %sub3A_17 = vector.broadcast %sub3A : i32 to vector<16xi32>
    %sub3A_18 = arith.subi %add3A_16, %sub3A_17 : vector<16xi32>
    %gt3A = arith.constant 0 : i32
    %gt3A_19 = vector.broadcast %gt3A : i32 to vector<16xi32>
    %gt3A_20 = arith.cmpi sgt, %get3A_13, %gt3A_19 : vector<16xi32>
    tpu.vector_store_idx %arg6[%sub3A_18, %add3A_10], %broadcast_in_dim3A_3 masked %gt3A_20 : memref<200x256xf32, #tpu.memory_space<vmem>>[vector<16xi32>, vector<16xi32>], vector<16xf32>, vector<16xi1>
    %swap3A = arith.constant 0 : index
    %swap3A_21 = tpu.vector_load %arg8[%swap3A] {strides = array<i32>} : memref<512xi32, #tpu.memory_space<vmem>>, vector<16xi32>,
    tpu.vector_store %arg8[%swap3A], %sub3A_18 {strides = array<i32>} : memref<512xi32, #tpu.memory_space<vmem>>, vector<16xi32>,
    %add3A_22 = arith.constant 16 : i32
    %add3A_23 = vector.broadcast %add3A_22 : i32 to vector<16xi32>
    %add3A_24 = arith.addi %iota3A, %add3A_23 : vector<16xi32>
    %get3A_25 = arith.constant 0 : i32
    %get3A_26 = arith.index_cast %get3A_25 : i32 to index
    %get3A_27 = arith.constant 16 : index
    %get3A_28 = tpu.vector_load %arg5[%get3A_26, %get3A_27] {strides = array<i32>} : memref<26x512xi32, #tpu.memory_space<vmem>>, vector<16xi32>,
    %max3A_29 = arith.maxsi %get3A_28, %broadcast_in_dim3A_7 : vector<16xi32>
    %add3A_30 = arith.constant 0 : i32
    %add3A_31 = vector.broadcast %add3A_30 : i32 to vector<16xi32>
    %add3A_32 = arith.addi %add3A_31, %max3A_29 : vector<16xi32>
    %sub3A_33 = arith.constant 1 : i32
    %sub3A_34 = vector.broadcast %sub3A_33 : i32 to vector<16xi32>
    %sub3A_35 = arith.subi %add3A_32, %sub3A_34 : vector<16xi32>
    %gt3A_36 = arith.constant 0 : i32
    %gt3A_37 = vector.broadcast %gt3A_36 : i32 to vector<16xi32>
    %gt3A_38 = arith.cmpi sgt, %get3A_28, %gt3A_37 : vector<16xi32>
    tpu.vector_store_idx %arg6[%sub3A_35, %add3A_24], %broadcast_in_dim3A_3 masked %gt3A_38 : memref<200x256xf32, #tpu.memory_space<vmem>>[vector<16xi32>, vector<16xi32>], vector<16xf32>, vector<16xi1>
    %swap3A_39 = arith.constant 16 : index
    %swap3A_40 = tpu.vector_load %arg8[%swap3A_39] {strides = array<i32>} : memref<512xi32, #tpu.memory_space<vmem>>, vector<16xi32>,
    tpu.vector_store %arg8[%swap3A_39], %sub3A_35 {strides = array<i32>} : memref<512xi32, #tpu.memory_space<vmem>>, vector<16xi32>,
    %add3A_41 = arith.constant 32 : i32
    %add3A_42 = vector.broadcast %add3A_41 : i32 to vector<16xi32>
    %add3A_43 = arith.addi %iota3A, %add3A_42 : vector<16xi32>
    %get3A_44 = arith.constant 0 : i32
    %get3A_45 = arith.index_cast %get3A_44 : i32 to index
    %get3A_46 = arith.constant 32 : index
    %get3A_47 = tpu.vector_load %arg5[%get3A_45, %get3A_46] {strides = array<i32>} : memref<26x512xi32, #tpu.memory_space<vmem>>, vector<16xi32>,
    %max3A_48 = arith.maxsi %get3A_47, %broadcast_in_dim3A_7 : vector<16xi32>
    %add3A_49 = arith.constant 0 : i32
    %add3A_50 = vector.broadcast %add3A_49 : i32 to vector<16xi32>
    %add3A_51 = arith.addi %add3A_50, %max3A_48 : vector<16xi32>
    %sub3A_52 = arith.constant 1 : i32
    %sub3A_53 = vector.broadcast %sub3A_52 : i32 to vector<16xi32>
    %sub3A_54 = arith.subi %add3A_51, %sub3A_53 : vector<16xi32>
    %gt3A_55 = arith.constant 0 : i32
    %gt3A_56 = vector.broadcast %gt3A_55 : i32 to vector<16xi32>
    %gt3A_57 = arith.cmpi sgt, %get3A_47, %gt3A_56 : vector<16xi32>
    tpu.vector_store_idx %arg6[%sub3A_54, %add3A_43], %broadcast_in_dim3A_3 masked %gt3A_57 : memref<200x256xf32, #tpu.memory_space<vmem>>[vector<16xi32>, vector<16xi32>], vector<16xf32>, vector<16xi1>
    %swap3A_58 = arith.constant 32 : index
    %swap3A_59 = tpu.vector_load %arg8[%swap3A_58] {strides = array<i32>} : memref<512xi32, #tpu.memory_space<vmem>>, vector<16xi32>,
    tpu.vector_store %arg8[%swap3A_58], %sub3A_54 {strides = array<i32>} : memref<512xi32, #tpu.memory_space<vmem>>, vector<16xi32>,
    %add3A_60 = arith.constant 48 : i32
    %add3A_61 = vector.broadcast %add3A_60 : i32 to vector<16xi32>
    %add3A_62 = arith.addi %iota3A, %add3A_61 : vector<16xi32>
    %get3A_63 = arith.constant 0 : i32
    %get3A_64 = arith.index_cast %get3A_63 : i32 to index
    %get3A_65 = arith.constant 48 : index
    %get3A_66 = tpu.vector_load %arg5[%get3A_64, %get3A_65] {strides = array<i32>} : memref<26x512xi32, #tpu.memory_space<vmem>>, vector<16xi32>,
    %max3A_67 = arith.maxsi %get3A_66, %broadcast_in_dim3A_7 : vector<16xi32>
    %add3A_68 = arith.constant 0 : i32
    %add3A_69 = vector.broadcast %add3A_68 : i32 to vector<16xi32>
    %add3A_70 = arith.addi %add3A_69, %max3A_67 : vector<16xi32>
    %sub3A_71 = arith.constant 1 : i32
    %sub3A_72 = vector.broadcast %sub3A_71 : i32 to vector<16xi32>
    %sub3A_73 = arith.subi %add3A_70, %sub3A_72 : vector<16xi32>
    %gt3A_74 = arith.constant 0 : i32
    %gt3A_75 = vector.broadcast %gt3A_74 : i32 to vector<16xi32>
    %gt3A_76 = arith.cmpi sgt, %get3A_66, %gt3A_75 : vector<16xi32>
    tpu.vector_store_idx %arg6[%sub3A_73, %add3A_62], %broadcast_in_dim3A_3 masked %gt3A_76 : memref<200x256xf32, #tpu.memory_space<vmem>>[vector<16xi32>, vector<16xi32>], vector<16xf32>, vector<16xi1>
    %swap3A_77 = arith.constant 48 : index
    %swap3A_78 = tpu.vector_load %arg8[%swap3A_77] {strides = array<i32>} : memref<512xi32, #tpu.memory_space<vmem>>, vector<16xi32>,
    tpu.vector_store %arg8[%swap3A_77], %sub3A_73 {strides = array<i32>} : memref<512xi32, #tpu.memory_space<vmem>>, vector<16xi32>,
    %add3A_79 = arith.constant 64 : i32
    %add3A_80 = vector.broadcast %add3A_79 : i32 to vector<16xi32>
    %add3A_81 = arith.addi %iota3A, %add3A_80 : vector<16xi32>
    %get3A_82 = arith.constant 0 : i32
    %get3A_83 = arith.index_cast %get3A_82 : i32 to index
    %get3A_84 = arith.constant 64 : index
    %get3A_85 = tpu.vector_load %arg5[%get3A_83, %get3A_84] {strides = array<i32>} : memref<26x512xi32, #tpu.memory_space<vmem>>, vector<16xi32>,
    %max3A_86 = arith.maxsi %get3A_85, %broadcast_in_dim3A_7 : vector<16xi32>
    %add3A_87 = arith.constant 0 : i32
    %add3A_88 = vector.broadcast %add3A_87 : i32 to vector<16xi32>
    %add3A_89 = arith.addi %add3A_88, %max3A_86 : vector<16xi32>
    %sub3A_90 = arith.constant 1 : i32
    %sub3A_91 = vector.broadcast %sub3A_90 : i32 to vector<16xi32>
    %sub3A_92 = arith.subi %add3A_89, %sub3A_91 : vector<16xi32>
    %gt3A_93 = arith.constant 0 : i32
    %gt3A_94 = vector.broadcast %gt3A_93 : i32 to vector<16xi32>
    %gt3A_95 = arith.cmpi sgt, %get3A_85, %gt3A_94 : vector<16xi32>
    tpu.vector_store_idx %arg6[%sub3A_92, %add3A_81], %broadcast_in_dim3A_3 masked %gt3A_95 : memref<200x256xf32, #tpu.memory_space<vmem>>[vector<16xi32>, vector<16xi32>], vector<16xf32>, vector<16xi1>
    %swap3A_96 = arith.constant 64 : index
    %swap3A_97 = tpu.vector_load %arg8[%swap3A_96] {strides = array<i32>} : memref<512xi32, #tpu.memory_space<vmem>>, vector<16xi32>,
    tpu.vector_store %arg8[%swap3A_96], %sub3A_92 {strides = array<i32>} : memref<512xi32, #tpu.memory_space<vmem>>, vector<16xi32>,
    %add3A_98 = arith.constant 80 : i32
    %add3A_99 = vector.broadcast %add3A_98 : i32 to vector<16xi32>
    %add3A_100 = arith.addi %iota3A, %add3A_99 : vector<16xi32>
    %get3A_101 = arith.constant 0 : i32
    %get3A_102 = arith.index_cast %get3A_101 : i32 to index
    %get3A_103 = arith.constant 80 : index
    %get3A_104 = tpu.vector_load %arg5[%get3A_102, %get3A_103] {strides = array<i32>} : memref<26x512xi32, #tpu.memory_space<vmem>>, vector<16xi32>,
    %max3A_105 = arith.maxsi %get3A_104, %broadcast_in_dim3A_7 : vector<16xi32>
    %add3A_106 = arith.constant 0 : i32
    %add3A_107 = vector.broadcast %add3A_106 : i32 to vector<16xi32>
    %add3A_108 = arith.addi %add3A_107, %max3A_105 : vector<16xi32>
    %sub3A_109 = arith.constant 1 : i32
    %sub3A_110 = vector.broadcast %sub3A_109 : i32 to vector<16xi32>
    %sub3A_111 = arith.subi %add3A_108, %sub3A_110 : vector<16xi32>
    %gt3A_112 = arith.constant 0 : i32
    %gt3A_113 = vector.broadcast %gt3A_112 : i32 to vector<16xi32>
    %gt3A_114 = arith.cmpi sgt, %get3A_104, %gt3A_113 : vector<16xi32>
    tpu.vector_store_idx %arg6[%sub3A_111, %add3A_100], %broadcast_in_dim3A_3 masked %gt3A_114 : memref<200x256xf32, #tpu.memory_space<vmem>>[vector<16xi32>, vector<16xi32>], vector<16xf32>, vector<16xi1>
    %swap3A_115 = arith.constant 80 : index
    %swap3A_116 = tpu.vector_load %arg8[%swap3A_115] {strides = array<i32>} : memref<512xi32, #tpu.memory_space<vmem>>, vector<16xi32>,
    tpu.vector_store %arg8[%swap3A_115], %sub3A_111 {strides = array<i32>} : memref<512xi32, #tpu.memory_space<vmem>>, vector<16xi32>,
    %add3A_117 = arith.constant 96 : i32
    %add3A_118 = vector.broadcast %add3A_117 : i32 to vector<16xi32>
    %add3A_119 = arith.addi %iota3A, %add3A_118 : vector<16xi32>
    %get3A_120 = arith.constant 0 : i32
    %get3A_121 = arith.index_cast %get3A_120 : i32 to index
    %get3A_122 = arith.constant 96 : index
    %get3A_123 = tpu.vector_load %arg5[%get3A_121, %get3A_122] {strides = array<i32>} : memref<26x512xi32, #tpu.memory_space<vmem>>, vector<16xi32>,
    %max3A_124 = arith.maxsi %get3A_123, %broadcast_in_dim3A_7 : vector<16xi32>
    %add3A_125 = arith.constant 0 : i32
    %add3A_126 = vector.broadcast %add3A_125 : i32 to vector<16xi32>
    %add3A_127 = arith.addi %add3A_126, %max3A_124 : vector<16xi32>
    %sub3A_128 = arith.constant 1 : i32
    %sub3A_129 = vector.broadcast %sub3A_128 : i32 to vector<16xi32>
    %sub3A_130 = arith.subi %add3A_127, %sub3A_129 : vector<16xi32>
    %gt3A_131 = arith.constant 0 : i32
    %gt3A_132 = vector.broadcast %gt3A_131 : i32 to vector<16xi32>
    %gt3A_133 = arith.cmpi sgt, %get3A_123, %gt3A_132 : vector<16xi32>
    tpu.vector_store_idx %arg6[%sub3A_130, %add3A_119], %broadcast_in_dim3A_3 masked %gt3A_133 : memref<200x256xf32, #tpu.memory_space<vmem>>[vector<16xi32>, vector<16xi32>], vector<16xf32>, vector<16xi1>
    %swap3A_134 = arith.constant 96 : index
    %swap3A_135 = tpu.vector_load %arg8[%swap3A_134] {strides = array<i32>} : memref<512xi32, #tpu.memory_space<vmem>>, vector<16xi32>,
    tpu.vector_store %arg8[%swap3A_134], %sub3A_130 {strides = array<i32>} : memref<512xi32, #tpu.memory_space<vmem>>, vector<16xi32>,
    %add3A_136 = arith.constant 112 : i32
    %add3A_137 = vector.broadcast %add3A_136 : i32 to vector<16xi32>
    %add3A_138 = arith.addi %iota3A, %add3A_137 : vector<16xi32>
    %get3A_139 = arith.constant 0 : i32
    %get3A_140 = arith.index_cast %get3A_139 : i32 to index
    %get3A_141 = arith.constant 112 : index
    %get3A_142 = tpu.vector_load %arg5[%get3A_140, %get3A_141] {strides = array<i32>} : memref<26x512xi32, #tpu.memory_space<vmem>>, vector<16xi32>,
    %max3A_143 = arith.maxsi %get3A_142, %broadcast_in_dim3A_7 : vector<16xi32>
    %add3A_144 = arith.constant 0 : i32
    %add3A_145 = vector.broadcast %add3A_144 : i32 to vector<16xi32>
    %add3A_146 = arith.addi %add3A_145, %max3A_143 : vector<16xi32>
    %sub3A_147 = arith.constant 1 : i32
    %sub3A_148 = vector.broadcast %sub3A_147 : i32 to vector<16xi32>
    %sub3A_149 = arith.subi %add3A_146, %sub3A_148 : vector<16xi32>
    %gt3A_150 = arith.constant 0 : i32
    %gt3A_151 = vector.broadcast %gt3A_150 : i32 to vector<16xi32>
    %gt3A_152 = arith.cmpi sgt, %get3A_142, %gt3A_151 : vector<16xi32>
    tpu.vector_store_idx %arg6[%sub3A_149, %add3A_138], %broadcast_in_dim3A_3 masked %gt3A_152 : memref<200x256xf32, #tpu.memory_space<vmem>>[vector<16xi32>, vector<16xi32>], vector<16xf32>, vector<16xi1>
    %swap3A_153 = arith.constant 112 : index
    %swap3A_154 = tpu.vector_load %arg8[%swap3A_153] {strides = array<i32>} : memref<512xi32, #tpu.memory_space<vmem>>, vector<16xi32>,
    tpu.vector_store %arg8[%swap3A_153], %sub3A_149 {strides = array<i32>} : memref<512xi32, #tpu.memory_space<vmem>>, vector<16xi32>,
    %add3A_155 = arith.constant 128 : i32
    %add3A_156 = vector.broadcast %add3A_155 : i32 to vector<16xi32>
    %add3A_157 = arith.addi %iota3A, %add3A_156 : vector<16xi32>
    %get3A_158 = arith.constant 0 : i32
    %get3A_159 = arith.index_cast %get3A_158 : i32 to index
    %get3A_160 = arith.constant 128 : index
    %get3A_161 = tpu.vector_load %arg5[%get3A_159, %get3A_160] {strides = array<i32>} : memref<26x512xi32, #tpu.memory_space<vmem>>, vector<16xi32>,
    %max3A_162 = arith.maxsi %get3A_161, %broadcast_in_dim3A_7 : vector<16xi32>
    %add3A_163 = arith.constant 0 : i32
    %add3A_164 = vector.broadcast %add3A_163 : i32 to vector<16xi32>
    %add3A_165 = arith.addi %add3A_164, %max3A_162 : vector<16xi32>
    %sub3A_166 = arith.constant 1 : i32
    %sub3A_167 = vector.broadcast %sub3A_166 : i32 to vector<16xi32>
    %sub3A_168 = arith.subi %add3A_165, %sub3A_167 : vector<16xi32>
    %gt3A_169 = arith.constant 0 : i32
    %gt3A_170 = vector.broadcast %gt3A_169 : i32 to vector<16xi32>
    %gt3A_171 = arith.cmpi sgt, %get3A_161, %gt3A_170 : vector<16xi32>
    tpu.vector_store_idx %arg6[%sub3A_168, %add3A_157], %broadcast_in_dim3A_3 masked %gt3A_171 : memref<200x256xf32, #tpu.memory_space<vmem>>[vector<16xi32>, vector<16xi32>], vector<16xf32>, vector<16xi1>
    %swap3A_172 = arith.constant 128 : index
    %swap3A_173 = tpu.vector_load %arg8[%swap3A_172] {strides = array<i32>} : memref<512xi32, #tpu.memory_space<vmem>>, vector<16xi32>,
    tpu.vector_store %arg8[%swap3A_172], %sub3A_168 {strides = array<i32>} : memref<512xi32, #tpu.memory_space<vmem>>, vector<16xi32>,
    %add3A_174 = arith.constant 144 : i32
    %add3A_175 = vector.broadcast %add3A_174 : i32 to vector<16xi32>
    %add3A_176 = arith.addi %iota3A, %add3A_175 : vector<16xi32>
    %get3A_177 = arith.constant 0 : i32
    %get3A_178 = arith.index_cast %get3A_177 : i32 to index
    %get3A_179 = arith.constant 144 : index
    %get3A_180 = tpu.vector_load %arg5[%get3A_178, %get3A_179] {strides = array<i32>} : memref<26x512xi32, #tpu.memory_space<vmem>>, vector<16xi32>,
    %max3A_181 = arith.maxsi %get3A_180, %broadcast_in_dim3A_7 : vector<16xi32>
    %add3A_182 = arith.constant 0 : i32
    %add3A_183 = vector.broadcast %add3A_182 : i32 to vector<16xi32>
    %add3A_184 = arith.addi %add3A_183, %max3A_181 : vector<16xi32>
    %sub3A_185 = arith.constant 1 : i32
    %sub3A_186 = vector.broadcast %sub3A_185 : i32 to vector<16xi32>
    %sub3A_187 = arith.subi %add3A_184, %sub3A_186 : vector<16xi32>
    %gt3A_188 = arith.constant 0 : i32
    %gt3A_189 = vector.broadcast %gt3A_188 : i32 to vector<16xi32>
    %gt3A_190 = arith.cmpi sgt, %get3A_180, %gt3A_189 : vector<16xi32>
    tpu.vector_store_idx %arg6[%sub3A_187, %add3A_176], %broadcast_in_dim3A_3 masked %gt3A_190 : memref<200x256xf32, #tpu.memory_space<vmem>>[vector<16xi32>, vector<16xi32>], vector<16xf32>, vector<16xi1>
    %swap3A_191 = arith.constant 144 : index
    %swap3A_192 = tpu.vector_load %arg8[%swap3A_191] {strides = array<i32>} : memref<512xi32, #tpu.memory_space<vmem>>, vector<16xi32>,
    tpu.vector_store %arg8[%swap3A_191], %sub3A_187 {strides = array<i32>} : memref<512xi32, #tpu.memory_space<vmem>>, vector<16xi32>,
    %add3A_193 = arith.constant 160 : i32
    %add3A_194 = vector.broadcast %add3A_193 : i32 to vector<16xi32>
    %add3A_195 = arith.addi %iota3A, %add3A_194 : vector<16xi32>
    %get3A_196 = arith.constant 0 : i32
    %get3A_197 = arith.index_cast %get3A_196 : i32 to index
    %get3A_198 = arith.constant 160 : index
    %get3A_199 = tpu.vector_load %arg5[%get3A_197, %get3A_198] {strides = array<i32>} : memref<26x512xi32, #tpu.memory_space<vmem>>, vector<16xi32>,
    %max3A_200 = arith.maxsi %get3A_199, %broadcast_in_dim3A_7 : vector<16xi32>
    %add3A_201 = arith.constant 0 : i32
    %add3A_202 = vector.broadcast %add3A_201 : i32 to vector<16xi32>
    %add3A_203 = arith.addi %add3A_202, %max3A_200 : vector<16xi32>
    %sub3A_204 = arith.constant 1 : i32
    %sub3A_205 = vector.broadcast %sub3A_204 : i32 to vector<16xi32>
    %sub3A_206 = arith.subi %add3A_203, %sub3A_205 : vector<16xi32>
    %gt3A_207 = arith.constant 0 : i32
    %gt3A_208 = vector.broadcast %gt3A_207 : i32 to vector<16xi32>
    %gt3A_209 = arith.cmpi sgt, %get3A_199, %gt3A_208 : vector<16xi32>
    tpu.vector_store_idx %arg6[%sub3A_206, %add3A_195], %broadcast_in_dim3A_3 masked %gt3A_209 : memref<200x256xf32, #tpu.memory_space<vmem>>[vector<16xi32>, vector<16xi32>], vector<16xf32>, vector<16xi1>
    %swap3A_210 = arith.constant 160 : index
    %swap3A_211 = tpu.vector_load %arg8[%swap3A_210] {strides = array<i32>} : memref<512xi32, #tpu.memory_space<vmem>>, vector<16xi32>,
    tpu.vector_store %arg8[%swap3A_210], %sub3A_206 {strides = array<i32>} : memref<512xi32, #tpu.memory_space<vmem>>, vector<16xi32>,
    %add3A_212 = arith.constant 176 : i32
    %add3A_213 = vector.broadcast %add3A_212 : i32 to vector<16xi32>
    %add3A_214 = arith.addi %iota3A, %add3A_213 : vector<16xi32>
    %get3A_215 = arith.constant 0 : i32
    %get3A_216 = arith.index_cast %get3A_215 : i32 to index
    %get3A_217 = arith.constant 176 : index
    %get3A_218 = tpu.vector_load %arg5[%get3A_216, %get3A_217] {strides = array<i32>} : memref<26x512xi32, #tpu.memory_space<vmem>>, vector<16xi32>,
    %max3A_219 = arith.maxsi %get3A_218, %broadcast_in_dim3A_7 : vector<16xi32>
    %add3A_220 = arith.constant 0 : i32
    %add3A_221 = vector.broadcast %add3A_220 : i32 to vector<16xi32>
    %add3A_222 = arith.addi %add3A_221, %max3A_219 : vector<16xi32>
    %sub3A_223 = arith.constant 1 : i32
    %sub3A_224 = vector.broadcast %sub3A_223 : i32 to vector<16xi32>
    %sub3A_225 = arith.subi %add3A_222, %sub3A_224 : vector<16xi32>
    %gt3A_226 = arith.constant 0 : i32
    %gt3A_227 = vector.broadcast %gt3A_226 : i32 to vector<16xi32>
    %gt3A_228 = arith.cmpi sgt, %get3A_218, %gt3A_227 : vector<16xi32>
    tpu.vector_store_idx %arg6[%sub3A_225, %add3A_214], %broadcast_in_dim3A_3 masked %gt3A_228 : memref<200x256xf32, #tpu.memory_space<vmem>>[vector<16xi32>, vector<16xi32>], vector<16xf32>, vector<16xi1>
    %swap3A_229 = arith.constant 176 : index
    %swap3A_230 = tpu.vector_load %arg8[%swap3A_229] {strides = array<i32>} : memref<512xi32, #tpu.memory_space<vmem>>, vector<16xi32>,
    tpu.vector_store %arg8[%swap3A_229], %sub3A_225 {strides = array<i32>} : memref<512xi32, #tpu.memory_space<vmem>>, vector<16xi32>,
    %add3A_231 = arith.constant 192 : i32
    %add3A_232 = vector.broadcast %add3A_231 : i32 to vector<16xi32>
    %add3A_233 = arith.addi %iota3A, %add3A_232 : vector<16xi32>
    %get3A_234 = arith.constant 0 : i32
    %get3A_235 = arith.index_cast %get3A_234 : i32 to index
    %get3A_236 = arith.constant 192 : index
    %get3A_237 = tpu.vector_load %arg5[%get3A_235, %get3A_236] {strides = array<i32>} : memref<26x512xi32, #tpu.memory_space<vmem>>, vector<16xi32>,
    %max3A_238 = arith.maxsi %get3A_237, %broadcast_in_dim3A_7 : vector<16xi32>
    %add3A_239 = arith.constant 0 : i32
    %add3A_240 = vector.broadcast %add3A_239 : i32 to vector<16xi32>
    %add3A_241 = arith.addi %add3A_240, %max3A_238 : vector<16xi32>
    %sub3A_242 = arith.constant 1 : i32
    %sub3A_243 = vector.broadcast %sub3A_242 : i32 to vector<16xi32>
    %sub3A_244 = arith.subi %add3A_241, %sub3A_243 : vector<16xi32>
    %gt3A_245 = arith.constant 0 : i32
    %gt3A_246 = vector.broadcast %gt3A_245 : i32 to vector<16xi32>
    %gt3A_247 = arith.cmpi sgt, %get3A_237, %gt3A_246 : vector<16xi32>
    tpu.vector_store_idx %arg6[%sub3A_244, %add3A_233], %broadcast_in_dim3A_3 masked %gt3A_247 : memref<200x256xf32, #tpu.memory_space<vmem>>[vector<16xi32>, vector<16xi32>], vector<16xf32>, vector<16xi1>
    %swap3A_248 = arith.constant 192 : index
    %swap3A_249 = tpu.vector_load %arg8[%swap3A_248] {strides = array<i32>} : memref<512xi32, #tpu.memory_space<vmem>>, vector<16xi32>,
    tpu.vector_store %arg8[%swap3A_248], %sub3A_244 {strides = array<i32>} : memref<512xi32, #tpu.memory_space<vmem>>, vector<16xi32>,
    %add3A_250 = arith.constant 208 : i32
    %add3A_251 = vector.broadcast %add3A_250 : i32 to vector<16xi32>
    %add3A_252 = arith.addi %iota3A, %add3A_251 : vector<16xi32>
    %get3A_253 = arith.constant 0 : i32
    %get3A_254 = arith.index_cast %get3A_253 : i32 to index
    %get3A_255 = arith.constant 208 : index
    %get3A_256 = tpu.vector_load %arg5[%get3A_254, %get3A_255] {strides = array<i32>} : memref<26x512xi32, #tpu.memory_space<vmem>>, vector<16xi32>,
    %max3A_257 = arith.maxsi %get3A_256, %broadcast_in_dim3A_7 : vector<16xi32>
    %add3A_258 = arith.constant 0 : i32
    %add3A_259 = vector.broadcast %add3A_258 : i32 to vector<16xi32>
    %add3A_260 = arith.addi %add3A_259, %max3A_257 : vector<16xi32>
    %sub3A_261 = arith.constant 1 : i32
    %sub3A_262 = vector.broadcast %sub3A_261 : i32 to vector<16xi32>
    %sub3A_263 = arith.subi %add3A_260, %sub3A_262 : vector<16xi32>
    %gt3A_264 = arith.constant 0 : i32
    %gt3A_265 = vector.broadcast %gt3A_264 : i32 to vector<16xi32>
    %gt3A_266 = arith.cmpi sgt, %get3A_256, %gt3A_265 : vector<16xi32>
    tpu.vector_store_idx %arg6[%sub3A_263, %add3A_252], %broadcast_in_dim3A_3 masked %gt3A_266 : memref<200x256xf32, #tpu.memory_space<vmem>>[vector<16xi32>, vector<16xi32>], vector<16xf32>, vector<16xi1>
    %swap3A_267 = arith.constant 208 : index
    %swap3A_268 = tpu.vector_load %arg8[%swap3A_267] {strides = array<i32>} : memref<512xi32, #tpu.memory_space<vmem>>, vector<16xi32>,
    tpu.vector_store %arg8[%swap3A_267], %sub3A_263 {strides = array<i32>} : memref<512xi32, #tpu.memory_space<vmem>>, vector<16xi32>,
    %add3A_269 = arith.constant 224 : i32
    %add3A_270 = vector.broadcast %add3A_269 : i32 to vector<16xi32>
    %add3A_271 = arith.addi %iota3A, %add3A_270 : vector<16xi32>
    %get3A_272 = arith.constant 0 : i32
    %get3A_273 = arith.index_cast %get3A_272 : i32 to index
    %get3A_274 = arith.constant 224 : index
    %get3A_275 = tpu.vector_load %arg5[%get3A_273, %get3A_274] {strides = array<i32>} : memref<26x512xi32, #tpu.memory_space<vmem>>, vector<16xi32>,
    %max3A_276 = arith.maxsi %get3A_275, %broadcast_in_dim3A_7 : vector<16xi32>
    %add3A_277 = arith.constant 0 : i32
    %add3A_278 = vector.broadcast %add3A_277 : i32 to vector<16xi32>
    %add3A_279 = arith.addi %add3A_278, %max3A_276 : vector<16xi32>
    %sub3A_280 = arith.constant 1 : i32
    %sub3A_281 = vector.broadcast %sub3A_280 : i32 to vector<16xi32>
    %sub3A_282 = arith.subi %add3A_279, %sub3A_281 : vector<16xi32>
    %gt3A_283 = arith.constant 0 : i32
    %gt3A_284 = vector.broadcast %gt3A_283 : i32 to vector<16xi32>
    %gt3A_285 = arith.cmpi sgt, %get3A_275, %gt3A_284 : vector<16xi32>
    tpu.vector_store_idx %arg6[%sub3A_282, %add3A_271], %broadcast_in_dim3A_3 masked %gt3A_285 : memref<200x256xf32, #tpu.memory_space<vmem>>[vector<16xi32>, vector<16xi32>], vector<16xf32>, vector<16xi1>
    %swap3A_286 = arith.constant 224 : index
    %swap3A_287 = tpu.vector_load %arg8[%swap3A_286] {strides = array<i32>} : memref<512xi32, #tpu.memory_space<vmem>>, vector<16xi32>,
    tpu.vector_store %arg8[%swap3A_286], %sub3A_282 {strides = array<i32>} : memref<512xi32, #tpu.memory_space<vmem>>, vector<16xi32>,
    %add3A_288 = arith.constant 240 : i32
    %add3A_289 = vector.broadcast %add3A_288 : i32 to vector<16xi32>
    %add3A_290 = arith.addi %iota3A, %add3A_289 : vector<16xi32>
    %get3A_291 = arith.constant 0 : i32
    %get3A_292 = arith.index_cast %get3A_291 : i32 to index
    %get3A_293 = arith.constant 240 : index
    %get3A_294 = tpu.vector_load %arg5[%get3A_292, %get3A_293] {strides = array<i32>} : memref<26x512xi32, #tpu.memory_space<vmem>>, vector<16xi32>,
    %max3A_295 = arith.maxsi %get3A_294, %broadcast_in_dim3A_7 : vector<16xi32>
    %add3A_296 = arith.constant 0 : i32
    %add3A_297 = vector.broadcast %add3A_296 : i32 to vector<16xi32>
    %add3A_298 = arith.addi %add3A_297, %max3A_295 : vector<16xi32>
    %sub3A_299 = arith.constant 1 : i32
    %sub3A_300 = vector.broadcast %sub3A_299 : i32 to vector<16xi32>
    %sub3A_301 = arith.subi %add3A_298, %sub3A_300 : vector<16xi32>
    %gt3A_302 = arith.constant 0 : i32
    %gt3A_303 = vector.broadcast %gt3A_302 : i32 to vector<16xi32>
    %gt3A_304 = arith.cmpi sgt, %get3A_294, %gt3A_303 : vector<16xi32>
    tpu.vector_store_idx %arg6[%sub3A_301, %add3A_290], %broadcast_in_dim3A_3 masked %gt3A_304 : memref<200x256xf32, #tpu.memory_space<vmem>>[vector<16xi32>, vector<16xi32>], vector<16xf32>, vector<16xi1>
    %swap3A_305 = arith.constant 240 : index
    %swap3A_306 = tpu.vector_load %arg8[%swap3A_305] {strides = array<i32>} : memref<512xi32, #tpu.memory_space<vmem>>, vector<16xi32>,
    tpu.vector_store %arg8[%swap3A_305], %sub3A_301 {strides = array<i32>} : memref<512xi32, #tpu.memory_space<vmem>>, vector<16xi32>,
    %add3A_307 = arith.constant 0 : i32
    %add3A_308 = vector.broadcast %add3A_307 : i32 to vector<16xi32>
    %add3A_309 = arith.addi %iota3A, %add3A_308 : vector<16xi32>
    %get3A_310 = arith.constant 1 : i32
    %get3A_311 = arith.index_cast %get3A_310 : i32 to index
    %get3A_312 = arith.constant 0 : index
    %get3A_313 = tpu.vector_load %arg5[%get3A_311, %get3A_312] {strides = array<i32>} : memref<26x512xi32, #tpu.memory_space<vmem>>, vector<16xi32>,
    %max3A_314 = arith.maxsi %get3A_313, %broadcast_in_dim3A_7 : vector<16xi32>
    %add3A_315 = arith.constant 100 : i32
    %add3A_316 = vector.broadcast %add3A_315 : i32 to vector<16xi32>
    %add3A_317 = arith.addi %add3A_316, %max3A_314 : vector<16xi32>
    %sub3A_318 = arith.constant 1 : i32
    %sub3A_319 = vector.broadcast %sub3A_318 : i32 to vector<16xi32>
    %sub3A_320 = arith.subi %add3A_317, %sub3A_319 : vector<16xi32>
    %gt3A_321 = arith.constant 0 : i32
    %gt3A_322 = vector.broadcast %gt3A_321 : i32 to vector<16xi32>
    %gt3A_323 = arith.cmpi sgt, %get3A_313, %gt3A_322 : vector<16xi32>
    tpu.vector_store_idx %arg6[%sub3A_320, %add3A_309], %broadcast_in_dim3A_3 masked %gt3A_323 : memref<200x256xf32, #tpu.memory_space<vmem>>[vector<16xi32>, vector<16xi32>], vector<16xf32>, vector<16xi1>
    %swap3A_324 = arith.constant 256 : index
    %swap3A_325 = tpu.vector_load %arg8[%swap3A_324] {strides = array<i32>} : memref<512xi32, #tpu.memory_space<vmem>>, vector<16xi32>,
    tpu.vector_store %arg8[%swap3A_324], %sub3A_320 {strides = array<i32>} : memref<512xi32, #tpu.memory_space<vmem>>, vector<16xi32>,
    %add3A_326 = arith.constant 16 : i32
    %add3A_327 = vector.broadcast %add3A_326 : i32 to vector<16xi32>
    %add3A_328 = arith.addi %iota3A, %add3A_327 : vector<16xi32>
    %get3A_329 = arith.constant 1 : i32
    %get3A_330 = arith.index_cast %get3A_329 : i32 to index
    %get3A_331 = arith.constant 16 : index
    %get3A_332 = tpu.vector_load %arg5[%get3A_330, %get3A_331] {strides = array<i32>} : memref<26x512xi32, #tpu.memory_space<vmem>>, vector<16xi32>,
    %max3A_333 = arith.maxsi %get3A_332, %broadcast_in_dim3A_7 : vector<16xi32>
    %add3A_334 = arith.constant 100 : i32
    %add3A_335 = vector.broadcast %add3A_334 : i32 to vector<16xi32>
    %add3A_336 = arith.addi %add3A_335, %max3A_333 : vector<16xi32>
    %sub3A_337 = arith.constant 1 : i32
    %sub3A_338 = vector.broadcast %sub3A_337 : i32 to vector<16xi32>
    %sub3A_339 = arith.subi %add3A_336, %sub3A_338 : vector<16xi32>
    %gt3A_340 = arith.constant 0 : i32
    %gt3A_341 = vector.broadcast %gt3A_340 : i32 to vector<16xi32>
    %gt3A_342 = arith.cmpi sgt, %get3A_332, %gt3A_341 : vector<16xi32>
    tpu.vector_store_idx %arg6[%sub3A_339, %add3A_328], %broadcast_in_dim3A_3 masked %gt3A_342 : memref<200x256xf32, #tpu.memory_space<vmem>>[vector<16xi32>, vector<16xi32>], vector<16xf32>, vector<16xi1>
    %swap3A_343 = arith.constant 272 : index
    %swap3A_344 = tpu.vector_load %arg8[%swap3A_343] {strides = array<i32>} : memref<512xi32, #tpu.memory_space<vmem>>, vector<16xi32>,
    tpu.vector_store %arg8[%swap3A_343], %sub3A_339 {strides = array<i32>} : memref<512xi32, #tpu.memory_space<vmem>>, vector<16xi32>,
    %add3A_345 = arith.constant 32 : i32
    %add3A_346 = vector.broadcast %add3A_345 : i32 to vector<16xi32>
    %add3A_347 = arith.addi %iota3A, %add3A_346 : vector<16xi32>
    %get3A_348 = arith.constant 1 : i32
    %get3A_349 = arith.index_cast %get3A_348 : i32 to index
    %get3A_350 = arith.constant 32 : index
    %get3A_351 = tpu.vector_load %arg5[%get3A_349, %get3A_350] {strides = array<i32>} : memref<26x512xi32, #tpu.memory_space<vmem>>, vector<16xi32>,
    %max3A_352 = arith.maxsi %get3A_351, %broadcast_in_dim3A_7 : vector<16xi32>
    %add3A_353 = arith.constant 100 : i32
    %add3A_354 = vector.broadcast %add3A_353 : i32 to vector<16xi32>
    %add3A_355 = arith.addi %add3A_354, %max3A_352 : vector<16xi32>
    %sub3A_356 = arith.constant 1 : i32
    %sub3A_357 = vector.broadcast %sub3A_356 : i32 to vector<16xi32>
    %sub3A_358 = arith.subi %add3A_355, %sub3A_357 : vector<16xi32>
    %gt3A_359 = arith.constant 0 : i32
    %gt3A_360 = vector.broadcast %gt3A_359 : i32 to vector<16xi32>
    %gt3A_361 = arith.cmpi sgt, %get3A_351, %gt3A_360 : vector<16xi32>
    tpu.vector_store_idx %arg6[%sub3A_358, %add3A_347], %broadcast_in_dim3A_3 masked %gt3A_361 : memref<200x256xf32, #tpu.memory_space<vmem>>[vector<16xi32>, vector<16xi32>], vector<16xf32>, vector<16xi1>
    %swap3A_362 = arith.constant 288 : index
    %swap3A_363 = tpu.vector_load %arg8[%swap3A_362] {strides = array<i32>} : memref<512xi32, #tpu.memory_space<vmem>>, vector<16xi32>,
    tpu.vector_store %arg8[%swap3A_362], %sub3A_358 {strides = array<i32>} : memref<512xi32, #tpu.memory_space<vmem>>, vector<16xi32>,
    %add3A_364 = arith.constant 48 : i32
    %add3A_365 = vector.broadcast %add3A_364 : i32 to vector<16xi32>
    %add3A_366 = arith.addi %iota3A, %add3A_365 : vector<16xi32>
    %get3A_367 = arith.constant 1 : i32
    %get3A_368 = arith.index_cast %get3A_367 : i32 to index
    %get3A_369 = arith.constant 48 : index
    %get3A_370 = tpu.vector_load %arg5[%get3A_368, %get3A_369] {strides = array<i32>} : memref<26x512xi32, #tpu.memory_space<vmem>>, vector<16xi32>,
    %max3A_371 = arith.maxsi %get3A_370, %broadcast_in_dim3A_7 : vector<16xi32>
    %add3A_372 = arith.constant 100 : i32
    %add3A_373 = vector.broadcast %add3A_372 : i32 to vector<16xi32>
    %add3A_374 = arith.addi %add3A_373, %max3A_371 : vector<16xi32>
    %sub3A_375 = arith.constant 1 : i32
    %sub3A_376 = vector.broadcast %sub3A_375 : i32 to vector<16xi32>
    %sub3A_377 = arith.subi %add3A_374, %sub3A_376 : vector<16xi32>
    %gt3A_378 = arith.constant 0 : i32
    %gt3A_379 = vector.broadcast %gt3A_378 : i32 to vector<16xi32>
    %gt3A_380 = arith.cmpi sgt, %get3A_370, %gt3A_379 : vector<16xi32>
    tpu.vector_store_idx %arg6[%sub3A_377, %add3A_366], %broadcast_in_dim3A_3 masked %gt3A_380 : memref<200x256xf32, #tpu.memory_space<vmem>>[vector<16xi32>, vector<16xi32>], vector<16xf32>, vector<16xi1>
    %swap3A_381 = arith.constant 304 : index
    %swap3A_382 = tpu.vector_load %arg8[%swap3A_381] {strides = array<i32>} : memref<512xi32, #tpu.memory_space<vmem>>, vector<16xi32>,
    tpu.vector_store %arg8[%swap3A_381], %sub3A_377 {strides = array<i32>} : memref<512xi32, #tpu.memory_space<vmem>>, vector<16xi32>,
    %add3A_383 = arith.constant 64 : i32
    %add3A_384 = vector.broadcast %add3A_383 : i32 to vector<16xi32>
    %add3A_385 = arith.addi %iota3A, %add3A_384 : vector<16xi32>
    %get3A_386 = arith.constant 1 : i32
    %get3A_387 = arith.index_cast %get3A_386 : i32 to index
    %get3A_388 = arith.constant 64 : index
    %get3A_389 = tpu.vector_load %arg5[%get3A_387, %get3A_388] {strides = array<i32>} : memref<26x512xi32, #tpu.memory_space<vmem>>, vector<16xi32>,
    %max3A_390 = arith.maxsi %get3A_389, %broadcast_in_dim3A_7 : vector<16xi32>
    %add3A_391 = arith.constant 100 : i32
    %add3A_392 = vector.broadcast %add3A_391 : i32 to vector<16xi32>
    %add3A_393 = arith.addi %add3A_392, %max3A_390 : vector<16xi32>
    %sub3A_394 = arith.constant 1 : i32
    %sub3A_395 = vector.broadcast %sub3A_394 : i32 to vector<16xi32>
    %sub3A_396 = arith.subi %add3A_393, %sub3A_395 : vector<16xi32>
    %gt3A_397 = arith.constant 0 : i32
    %gt3A_398 = vector.broadcast %gt3A_397 : i32 to vector<16xi32>
    %gt3A_399 = arith.cmpi sgt, %get3A_389, %gt3A_398 : vector<16xi32>
    tpu.vector_store_idx %arg6[%sub3A_396, %add3A_385], %broadcast_in_dim3A_3 masked %gt3A_399 : memref<200x256xf32, #tpu.memory_space<vmem>>[vector<16xi32>, vector<16xi32>], vector<16xf32>, vector<16xi1>
    %swap3A_400 = arith.constant 320 : index
    %swap3A_401 = tpu.vector_load %arg8[%swap3A_400] {strides = array<i32>} : memref<512xi32, #tpu.memory_space<vmem>>, vector<16xi32>,
    tpu.vector_store %arg8[%swap3A_400], %sub3A_396 {strides = array<i32>} : memref<512xi32, #tpu.memory_space<vmem>>, vector<16xi32>,
    %add3A_402 = arith.constant 80 : i32
    %add3A_403 = vector.broadcast %add3A_402 : i32 to vector<16xi32>
    %add3A_404 = arith.addi %iota3A, %add3A_403 : vector<16xi32>
    %get3A_405 = arith.constant 1 : i32
    %get3A_406 = arith.index_cast %get3A_405 : i32 to index
    %get3A_407 = arith.constant 80 : index
    %get3A_408 = tpu.vector_load %arg5[%get3A_406, %get3A_407] {strides = array<i32>} : memref<26x512xi32, #tpu.memory_space<vmem>>, vector<16xi32>,
    %max3A_409 = arith.maxsi %get3A_408, %broadcast_in_dim3A_7 : vector<16xi32>
    %add3A_410 = arith.constant 100 : i32
    %add3A_411 = vector.broadcast %add3A_410 : i32 to vector<16xi32>
    %add3A_412 = arith.addi %add3A_411, %max3A_409 : vector<16xi32>
    %sub3A_413 = arith.constant 1 : i32
    %sub3A_414 = vector.broadcast %sub3A_413 : i32 to vector<16xi32>
    %sub3A_415 = arith.subi %add3A_412, %sub3A_414 : vector<16xi32>
    %gt3A_416 = arith.constant 0 : i32
    %gt3A_417 = vector.broadcast %gt3A_416 : i32 to vector<16xi32>
    %gt3A_418 = arith.cmpi sgt, %get3A_408, %gt3A_417 : vector<16xi32>
    tpu.vector_store_idx %arg6[%sub3A_415, %add3A_404], %broadcast_in_dim3A_3 masked %gt3A_418 : memref<200x256xf32, #tpu.memory_space<vmem>>[vector<16xi32>, vector<16xi32>], vector<16xf32>, vector<16xi1>
    %swap3A_419 = arith.constant 336 : index
    %swap3A_420 = tpu.vector_load %arg8[%swap3A_419] {strides = array<i32>} : memref<512xi32, #tpu.memory_space<vmem>>, vector<16xi32>,
    tpu.vector_store %arg8[%swap3A_419], %sub3A_415 {strides = array<i32>} : memref<512xi32, #tpu.memory_space<vmem>>, vector<16xi32>,
    %add3A_421 = arith.constant 96 : i32
    %add3A_422 = vector.broadcast %add3A_421 : i32 to vector<16xi32>
    %add3A_423 = arith.addi %iota3A, %add3A_422 : vector<16xi32>
    %get3A_424 = arith.constant 1 : i32
    %get3A_425 = arith.index_cast %get3A_424 : i32 to index
    %get3A_426 = arith.constant 96 : index
    %get3A_427 = tpu.vector_load %arg5[%get3A_425, %get3A_426] {strides = array<i32>} : memref<26x512xi32, #tpu.memory_space<vmem>>, vector<16xi32>,
    %max3A_428 = arith.maxsi %get3A_427, %broadcast_in_dim3A_7 : vector<16xi32>
    %add3A_429 = arith.constant 100 : i32
    %add3A_430 = vector.broadcast %add3A_429 : i32 to vector<16xi32>
    %add3A_431 = arith.addi %add3A_430, %max3A_428 : vector<16xi32>
    %sub3A_432 = arith.constant 1 : i32
    %sub3A_433 = vector.broadcast %sub3A_432 : i32 to vector<16xi32>
    %sub3A_434 = arith.subi %add3A_431, %sub3A_433 : vector<16xi32>
    %gt3A_435 = arith.constant 0 : i32
    %gt3A_436 = vector.broadcast %gt3A_435 : i32 to vector<16xi32>
    %gt3A_437 = arith.cmpi sgt, %get3A_427, %gt3A_436 : vector<16xi32>
    tpu.vector_store_idx %arg6[%sub3A_434, %add3A_423], %broadcast_in_dim3A_3 masked %gt3A_437 : memref<200x256xf32, #tpu.memory_space<vmem>>[vector<16xi32>, vector<16xi32>], vector<16xf32>, vector<16xi1>
    %swap3A_438 = arith.constant 352 : index
    %swap3A_439 = tpu.vector_load %arg8[%swap3A_438] {strides = array<i32>} : memref<512xi32, #tpu.memory_space<vmem>>, vector<16xi32>,
    tpu.vector_store %arg8[%swap3A_438], %sub3A_434 {strides = array<i32>} : memref<512xi32, #tpu.memory_space<vmem>>, vector<16xi32>,
    %add3A_440 = arith.constant 112 : i32
    %add3A_441 = vector.broadcast %add3A_440 : i32 to vector<16xi32>
    %add3A_442 = arith.addi %iota3A, %add3A_441 : vector<16xi32>
    %get3A_443 = arith.constant 1 : i32
    %get3A_444 = arith.index_cast %get3A_443 : i32 to index
    %get3A_445 = arith.constant 112 : index
    %get3A_446 = tpu.vector_load %arg5[%get3A_444, %get3A_445] {strides = array<i32>} : memref<26x512xi32, #tpu.memory_space<vmem>>, vector<16xi32>,
    %max3A_447 = arith.maxsi %get3A_446, %broadcast_in_dim3A_7 : vector<16xi32>
    %add3A_448 = arith.constant 100 : i32
    %add3A_449 = vector.broadcast %add3A_448 : i32 to vector<16xi32>
    %add3A_450 = arith.addi %add3A_449, %max3A_447 : vector<16xi32>
    %sub3A_451 = arith.constant 1 : i32
    %sub3A_452 = vector.broadcast %sub3A_451 : i32 to vector<16xi32>
    %sub3A_453 = arith.subi %add3A_450, %sub3A_452 : vector<16xi32>
    %gt3A_454 = arith.constant 0 : i32
    %gt3A_455 = vector.broadcast %gt3A_454 : i32 to vector<16xi32>
    %gt3A_456 = arith.cmpi sgt, %get3A_446, %gt3A_455 : vector<16xi32>
    tpu.vector_store_idx %arg6[%sub3A_453, %add3A_442], %broadcast_in_dim3A_3 masked %gt3A_456 : memref<200x256xf32, #tpu.memory_space<vmem>>[vector<16xi32>, vector<16xi32>], vector<16xf32>, vector<16xi1>
    %swap3A_457 = arith.constant 368 : index
    %swap3A_458 = tpu.vector_load %arg8[%swap3A_457] {strides = array<i32>} : memref<512xi32, #tpu.memory_space<vmem>>, vector<16xi32>,
    tpu.vector_store %arg8[%swap3A_457], %sub3A_453 {strides = array<i32>} : memref<512xi32, #tpu.memory_space<vmem>>, vector<16xi32>,
    %add3A_459 = arith.constant 128 : i32
    %add3A_460 = vector.broadcast %add3A_459 : i32 to vector<16xi32>
    %add3A_461 = arith.addi %iota3A, %add3A_460 : vector<16xi32>
    %get3A_462 = arith.constant 1 : i32
    %get3A_463 = arith.index_cast %get3A_462 : i32 to index
    %get3A_464 = arith.constant 128 : index
    %get3A_465 = tpu.vector_load %arg5[%get3A_463, %get3A_464] {strides = array<i32>} : memref<26x512xi32, #tpu.memory_space<vmem>>, vector<16xi32>,
    %max3A_466 = arith.maxsi %get3A_465, %broadcast_in_dim3A_7 : vector<16xi32>
    %add3A_467 = arith.constant 100 : i32
    %add3A_468 = vector.broadcast %add3A_467 : i32 to vector<16xi32>
    %add3A_469 = arith.addi %add3A_468, %max3A_466 : vector<16xi32>
    %sub3A_470 = arith.constant 1 : i32
    %sub3A_471 = vector.broadcast %sub3A_470 : i32 to vector<16xi32>
    %sub3A_472 = arith.subi %add3A_469, %sub3A_471 : vector<16xi32>
    %gt3A_473 = arith.constant 0 : i32
    %gt3A_474 = vector.broadcast %gt3A_473 : i32 to vector<16xi32>
    %gt3A_475 = arith.cmpi sgt, %get3A_465, %gt3A_474 : vector<16xi32>
    tpu.vector_store_idx %arg6[%sub3A_472, %add3A_461], %broadcast_in_dim3A_3 masked %gt3A_475 : memref<200x256xf32, #tpu.memory_space<vmem>>[vector<16xi32>, vector<16xi32>], vector<16xf32>, vector<16xi1>
    %swap3A_476 = arith.constant 384 : index
    %swap3A_477 = tpu.vector_load %arg8[%swap3A_476] {strides = array<i32>} : memref<512xi32, #tpu.memory_space<vmem>>, vector<16xi32>,
    tpu.vector_store %arg8[%swap3A_476], %sub3A_472 {strides = array<i32>} : memref<512xi32, #tpu.memory_space<vmem>>, vector<16xi32>,
    %add3A_478 = arith.constant 144 : i32
    %add3A_479 = vector.broadcast %add3A_478 : i32 to vector<16xi32>
    %add3A_480 = arith.addi %iota3A, %add3A_479 : vector<16xi32>
    %get3A_481 = arith.constant 1 : i32
    %get3A_482 = arith.index_cast %get3A_481 : i32 to index
    %get3A_483 = arith.constant 144 : index
    %get3A_484 = tpu.vector_load %arg5[%get3A_482, %get3A_483] {strides = array<i32>} : memref<26x512xi32, #tpu.memory_space<vmem>>, vector<16xi32>,
    %max3A_485 = arith.maxsi %get3A_484, %broadcast_in_dim3A_7 : vector<16xi32>
    %add3A_486 = arith.constant 100 : i32
    %add3A_487 = vector.broadcast %add3A_486 : i32 to vector<16xi32>
    %add3A_488 = arith.addi %add3A_487, %max3A_485 : vector<16xi32>
    %sub3A_489 = arith.constant 1 : i32
    %sub3A_490 = vector.broadcast %sub3A_489 : i32 to vector<16xi32>
    %sub3A_491 = arith.subi %add3A_488, %sub3A_490 : vector<16xi32>
    %gt3A_492 = arith.constant 0 : i32
    %gt3A_493 = vector.broadcast %gt3A_492 : i32 to vector<16xi32>
    %gt3A_494 = arith.cmpi sgt, %get3A_484, %gt3A_493 : vector<16xi32>
    tpu.vector_store_idx %arg6[%sub3A_491, %add3A_480], %broadcast_in_dim3A_3 masked %gt3A_494 : memref<200x256xf32, #tpu.memory_space<vmem>>[vector<16xi32>, vector<16xi32>], vector<16xf32>, vector<16xi1>
    %swap3A_495 = arith.constant 400 : index
    %swap3A_496 = tpu.vector_load %arg8[%swap3A_495] {strides = array<i32>} : memref<512xi32, #tpu.memory_space<vmem>>, vector<16xi32>,
    tpu.vector_store %arg8[%swap3A_495], %sub3A_491 {strides = array<i32>} : memref<512xi32, #tpu.memory_space<vmem>>, vector<16xi32>,
    %add3A_497 = arith.constant 160 : i32
    %add3A_498 = vector.broadcast %add3A_497 : i32 to vector<16xi32>
    %add3A_499 = arith.addi %iota3A, %add3A_498 : vector<16xi32>
    %get3A_500 = arith.constant 1 : i32
    %get3A_501 = arith.index_cast %get3A_500 : i32 to index
    %get3A_502 = arith.constant 160 : index
    %get3A_503 = tpu.vector_load %arg5[%get3A_501, %get3A_502] {strides = array<i32>} : memref<26x512xi32, #tpu.memory_space<vmem>>, vector<16xi32>,
    %max3A_504 = arith.maxsi %get3A_503, %broadcast_in_dim3A_7 : vector<16xi32>
    %add3A_505 = arith.constant 100 : i32
    %add3A_506 = vector.broadcast %add3A_505 : i32 to vector<16xi32>
    %add3A_507 = arith.addi %add3A_506, %max3A_504 : vector<16xi32>
    %sub3A_508 = arith.constant 1 : i32
    %sub3A_509 = vector.broadcast %sub3A_508 : i32 to vector<16xi32>
    %sub3A_510 = arith.subi %add3A_507, %sub3A_509 : vector<16xi32>
    %gt3A_511 = arith.constant 0 : i32
    %gt3A_512 = vector.broadcast %gt3A_511 : i32 to vector<16xi32>
    %gt3A_513 = arith.cmpi sgt, %get3A_503, %gt3A_512 : vector<16xi32>
    tpu.vector_store_idx %arg6[%sub3A_510, %add3A_499], %broadcast_in_dim3A_3 masked %gt3A_513 : memref<200x256xf32, #tpu.memory_space<vmem>>[vector<16xi32>, vector<16xi32>], vector<16xf32>, vector<16xi1>
    %swap3A_514 = arith.constant 416 : index
    %swap3A_515 = tpu.vector_load %arg8[%swap3A_514] {strides = array<i32>} : memref<512xi32, #tpu.memory_space<vmem>>, vector<16xi32>,
    tpu.vector_store %arg8[%swap3A_514], %sub3A_510 {strides = array<i32>} : memref<512xi32, #tpu.memory_space<vmem>>, vector<16xi32>,
    %add3A_516 = arith.constant 176 : i32
    %add3A_517 = vector.broadcast %add3A_516 : i32 to vector<16xi32>
    %add3A_518 = arith.addi %iota3A, %add3A_517 : vector<16xi32>
    %get3A_519 = arith.constant 1 : i32
    %get3A_520 = arith.index_cast %get3A_519 : i32 to index
    %get3A_521 = arith.constant 176 : index
    %get3A_522 = tpu.vector_load %arg5[%get3A_520, %get3A_521] {strides = array<i32>} : memref<26x512xi32, #tpu.memory_space<vmem>>, vector<16xi32>,
    %max3A_523 = arith.maxsi %get3A_522, %broadcast_in_dim3A_7 : vector<16xi32>
    %add3A_524 = arith.constant 100 : i32
    %add3A_525 = vector.broadcast %add3A_524 : i32 to vector<16xi32>
    %add3A_526 = arith.addi %add3A_525, %max3A_523 : vector<16xi32>
    %sub3A_527 = arith.constant 1 : i32
    %sub3A_528 = vector.broadcast %sub3A_527 : i32 to vector<16xi32>
    %sub3A_529 = arith.subi %add3A_526, %sub3A_528 : vector<16xi32>
    %gt3A_530 = arith.constant 0 : i32
    %gt3A_531 = vector.broadcast %gt3A_530 : i32 to vector<16xi32>
    %gt3A_532 = arith.cmpi sgt, %get3A_522, %gt3A_531 : vector<16xi32>
    tpu.vector_store_idx %arg6[%sub3A_529, %add3A_518], %broadcast_in_dim3A_3 masked %gt3A_532 : memref<200x256xf32, #tpu.memory_space<vmem>>[vector<16xi32>, vector<16xi32>], vector<16xf32>, vector<16xi1>
    %swap3A_533 = arith.constant 432 : index
    %swap3A_534 = tpu.vector_load %arg8[%swap3A_533] {strides = array<i32>} : memref<512xi32, #tpu.memory_space<vmem>>, vector<16xi32>,
    tpu.vector_store %arg8[%swap3A_533], %sub3A_529 {strides = array<i32>} : memref<512xi32, #tpu.memory_space<vmem>>, vector<16xi32>,
    %add3A_535 = arith.constant 192 : i32
    %add3A_536 = vector.broadcast %add3A_535 : i32 to vector<16xi32>
    %add3A_537 = arith.addi %iota3A, %add3A_536 : vector<16xi32>
    %get3A_538 = arith.constant 1 : i32
    %get3A_539 = arith.index_cast %get3A_538 : i32 to index
    %get3A_540 = arith.constant 192 : index
    %get3A_541 = tpu.vector_load %arg5[%get3A_539, %get3A_540] {strides = array<i32>} : memref<26x512xi32, #tpu.memory_space<vmem>>, vector<16xi32>,
    %max3A_542 = arith.maxsi %get3A_541, %broadcast_in_dim3A_7 : vector<16xi32>
    %add3A_543 = arith.constant 100 : i32
    %add3A_544 = vector.broadcast %add3A_543 : i32 to vector<16xi32>
    %add3A_545 = arith.addi %add3A_544, %max3A_542 : vector<16xi32>
    %sub3A_546 = arith.constant 1 : i32
    %sub3A_547 = vector.broadcast %sub3A_546 : i32 to vector<16xi32>
    %sub3A_548 = arith.subi %add3A_545, %sub3A_547 : vector<16xi32>
    %gt3A_549 = arith.constant 0 : i32
    %gt3A_550 = vector.broadcast %gt3A_549 : i32 to vector<16xi32>
    %gt3A_551 = arith.cmpi sgt, %get3A_541, %gt3A_550 : vector<16xi32>
    tpu.vector_store_idx %arg6[%sub3A_548, %add3A_537], %broadcast_in_dim3A_3 masked %gt3A_551 : memref<200x256xf32, #tpu.memory_space<vmem>>[vector<16xi32>, vector<16xi32>], vector<16xf32>, vector<16xi1>
    %swap3A_552 = arith.constant 448 : index
    %swap3A_553 = tpu.vector_load %arg8[%swap3A_552] {strides = array<i32>} : memref<512xi32, #tpu.memory_space<vmem>>, vector<16xi32>,
    tpu.vector_store %arg8[%swap3A_552], %sub3A_548 {strides = array<i32>} : memref<512xi32, #tpu.memory_space<vmem>>, vector<16xi32>,
    %add3A_554 = arith.constant 208 : i32
    %add3A_555 = vector.broadcast %add3A_554 : i32 to vector<16xi32>
    %add3A_556 = arith.addi %iota3A, %add3A_555 : vector<16xi32>
    %get3A_557 = arith.constant 1 : i32
    %get3A_558 = arith.index_cast %get3A_557 : i32 to index
    %get3A_559 = arith.constant 208 : index
    %get3A_560 = tpu.vector_load %arg5[%get3A_558, %get3A_559] {strides = array<i32>} : memref<26x512xi32, #tpu.memory_space<vmem>>, vector<16xi32>,
    %max3A_561 = arith.maxsi %get3A_560, %broadcast_in_dim3A_7 : vector<16xi32>
    %add3A_562 = arith.constant 100 : i32
    %add3A_563 = vector.broadcast %add3A_562 : i32 to vector<16xi32>
    %add3A_564 = arith.addi %add3A_563, %max3A_561 : vector<16xi32>
    %sub3A_565 = arith.constant 1 : i32
    %sub3A_566 = vector.broadcast %sub3A_565 : i32 to vector<16xi32>
    %sub3A_567 = arith.subi %add3A_564, %sub3A_566 : vector<16xi32>
    %gt3A_568 = arith.constant 0 : i32
    %gt3A_569 = vector.broadcast %gt3A_568 : i32 to vector<16xi32>
    %gt3A_570 = arith.cmpi sgt, %get3A_560, %gt3A_569 : vector<16xi32>
    tpu.vector_store_idx %arg6[%sub3A_567, %add3A_556], %broadcast_in_dim3A_3 masked %gt3A_570 : memref<200x256xf32, #tpu.memory_space<vmem>>[vector<16xi32>, vector<16xi32>], vector<16xf32>, vector<16xi1>
    %swap3A_571 = arith.constant 464 : index
    %swap3A_572 = tpu.vector_load %arg8[%swap3A_571] {strides = array<i32>} : memref<512xi32, #tpu.memory_space<vmem>>, vector<16xi32>,
    tpu.vector_store %arg8[%swap3A_571], %sub3A_567 {strides = array<i32>} : memref<512xi32, #tpu.memory_space<vmem>>, vector<16xi32>,
    %add3A_573 = arith.constant 224 : i32
    %add3A_574 = vector.broadcast %add3A_573 : i32 to vector<16xi32>
    %add3A_575 = arith.addi %iota3A, %add3A_574 : vector<16xi32>
    %get3A_576 = arith.constant 1 : i32
    %get3A_577 = arith.index_cast %get3A_576 : i32 to index
    %get3A_578 = arith.constant 224 : index
    %get3A_579 = tpu.vector_load %arg5[%get3A_577, %get3A_578] {strides = array<i32>} : memref<26x512xi32, #tpu.memory_space<vmem>>, vector<16xi32>,
    %max3A_580 = arith.maxsi %get3A_579, %broadcast_in_dim3A_7 : vector<16xi32>
    %add3A_581 = arith.constant 100 : i32
    %add3A_582 = vector.broadcast %add3A_581 : i32 to vector<16xi32>
    %add3A_583 = arith.addi %add3A_582, %max3A_580 : vector<16xi32>
    %sub3A_584 = arith.constant 1 : i32
    %sub3A_585 = vector.broadcast %sub3A_584 : i32 to vector<16xi32>
    %sub3A_586 = arith.subi %add3A_583, %sub3A_585 : vector<16xi32>
    %gt3A_587 = arith.constant 0 : i32
    %gt3A_588 = vector.broadcast %gt3A_587 : i32 to vector<16xi32>
    %gt3A_589 = arith.cmpi sgt, %get3A_579, %gt3A_588 : vector<16xi32>
    tpu.vector_store_idx %arg6[%sub3A_586, %add3A_575], %broadcast_in_dim3A_3 masked %gt3A_589 : memref<200x256xf32, #tpu.memory_space<vmem>>[vector<16xi32>, vector<16xi32>], vector<16xf32>, vector<16xi1>
    %swap3A_590 = arith.constant 480 : index
    %swap3A_591 = tpu.vector_load %arg8[%swap3A_590] {strides = array<i32>} : memref<512xi32, #tpu.memory_space<vmem>>, vector<16xi32>,
    tpu.vector_store %arg8[%swap3A_590], %sub3A_586 {strides = array<i32>} : memref<512xi32, #tpu.memory_space<vmem>>, vector<16xi32>,
    %add3A_592 = arith.constant 240 : i32
    %add3A_593 = vector.broadcast %add3A_592 : i32 to vector<16xi32>
    %add3A_594 = arith.addi %iota3A, %add3A_593 : vector<16xi32>
    %get3A_595 = arith.constant 1 : i32
    %get3A_596 = arith.index_cast %get3A_595 : i32 to index
    %get3A_597 = arith.constant 240 : index
    %get3A_598 = tpu.vector_load %arg5[%get3A_596, %get3A_597] {strides = array<i32>} : memref<26x512xi32, #tpu.memory_space<vmem>>, vector<16xi32>,
    %max3A_599 = arith.maxsi %get3A_598, %broadcast_in_dim3A_7 : vector<16xi32>
    %add3A_600 = arith.constant 100 : i32
    %add3A_601 = vector.broadcast %add3A_600 : i32 to vector<16xi32>
    %add3A_602 = arith.addi %add3A_601, %max3A_599 : vector<16xi32>
    %sub3A_603 = arith.constant 1 : i32
    %sub3A_604 = vector.broadcast %sub3A_603 : i32 to vector<16xi32>
    %sub3A_605 = arith.subi %add3A_602, %sub3A_604 : vector<16xi32>
    %gt3A_606 = arith.constant 0 : i32
    %gt3A_607 = vector.broadcast %gt3A_606 : i32 to vector<16xi32>
    %gt3A_608 = arith.cmpi sgt, %get3A_598, %gt3A_607 : vector<16xi32>
    tpu.vector_store_idx %arg6[%sub3A_605, %add3A_594], %broadcast_in_dim3A_3 masked %gt3A_608 : memref<200x256xf32, #tpu.memory_space<vmem>>[vector<16xi32>, vector<16xi32>], vector<16xf32>, vector<16xi1>
    %swap3A_609 = arith.constant 496 : index
    %swap3A_610 = tpu.vector_load %arg8[%swap3A_609] {strides = array<i32>} : memref<512xi32, #tpu.memory_space<vmem>>, vector<16xi32>,
    tpu.vector_store %arg8[%swap3A_609], %sub3A_605 {strides = array<i32>} : memref<512xi32, #tpu.memory_space<vmem>>, vector<16xi32>,
    %add3A_611 = arith.constant 0 : i32
    %add3A_612 = arith.addi %mul3A_2, %add3A_611 : i32
    %dma_start3A = arith.constant 0 : i32
    %dma_start3A_613 = tpu.memref_slice %arg4[%dma_start3A, %add3A_612] : memref<2600x16384xf32, #tpu.memory_space<hbm>> -> memref<200x256xf32, #tpu.memory_space<hbm>>
    %dma_start3A_614 = arith.constant 0 : i32
    %dma_start3A_615 = tpu.memref_slice %arg4[%dma_start3A_614, %add3A_612] : memref<2600x16384xf32, #tpu.memory_space<hbm>> -> memref<200x256xf32, #tpu.memory_space<hbm>>
    tpu.enqueue_dma source(%arg6 : memref<200x256xf32, #tpu.memory_space<vmem>>) target(%dma_start3A_615 : memref<200x256xf32, #tpu.memory_space<hbm>>) target_semaphore(%arg10 : memref<!tpu.dma_semaphore, #tpu.memory_space<semaphore_mem>>)
    %add3A_616 = arith.constant 0 : i32
    %add3A_617 = vector.broadcast %add3A_616 : i32 to vector<16xi32>
    %add3A_618 = arith.addi %iota3A, %add3A_617 : vector<16xi32>
    %get3A_619 = arith.constant 0 : i32
    %get3A_620 = arith.index_cast %get3A_619 : i32 to index
    %get3A_621 = arith.constant 256 : index
    %get3A_622 = tpu.vector_load %arg5[%get3A_620, %get3A_621] {strides = array<i32>} : memref<26x512xi32, #tpu.memory_space<vmem>>, vector<16xi32>,
    %max3A_623 = arith.maxsi %get3A_622, %broadcast_in_dim3A_7 : vector<16xi32>
    %add3A_624 = arith.constant 0 : i32
    %add3A_625 = vector.broadcast %add3A_624 : i32 to vector<16xi32>
    %add3A_626 = arith.addi %add3A_625, %max3A_623 : vector<16xi32>
    %sub3A_627 = arith.constant 1 : i32
    %sub3A_628 = vector.broadcast %sub3A_627 : i32 to vector<16xi32>
    %sub3A_629 = arith.subi %add3A_626, %sub3A_628 : vector<16xi32>
    %gt3A_630 = arith.constant 0 : i32
    %gt3A_631 = vector.broadcast %gt3A_630 : i32 to vector<16xi32>
    %gt3A_632 = arith.cmpi sgt, %get3A_622, %gt3A_631 : vector<16xi32>
    tpu.vector_store_idx %arg7[%sub3A_629, %add3A_618], %broadcast_in_dim3A_3 masked %gt3A_632 : memref<200x256xf32, #tpu.memory_space<vmem>>[vector<16xi32>, vector<16xi32>], vector<16xf32>, vector<16xi1>
    %swap3A_633 = arith.constant 0 : index
    %swap3A_634 = tpu.vector_load %arg9[%swap3A_633] {strides = array<i32>} : memref<512xi32, #tpu.memory_space<vmem>>, vector<16xi32>,
    tpu.vector_store %arg9[%swap3A_633], %sub3A_629 {strides = array<i32>} : memref<512xi32, #tpu.memory_space<vmem>>, vector<16xi32>,
    %add3A_635 = arith.constant 16 : i32
    %add3A_636 = vector.broadcast %add3A_635 : i32 to vector<16xi32>
    %add3A_637 = arith.addi %iota3A, %add3A_636 : vector<16xi32>
    %get3A_638 = arith.constant 0 : i32
    %get3A_639 = arith.index_cast %get3A_638 : i32 to index
    %get3A_640 = arith.constant 272 : index
    %get3A_641 = tpu.vector_load %arg5[%get3A_639, %get3A_640] {strides = array<i32>} : memref<26x512xi32, #tpu.memory_space<vmem>>, vector<16xi32>,
    %max3A_642 = arith.maxsi %get3A_641, %broadcast_in_dim3A_7 : vector<16xi32>
    %add3A_643 = arith.constant 0 : i32
    %add3A_644 = vector.broadcast %add3A_643 : i32 to vector<16xi32>
    %add3A_645 = arith.addi %add3A_644, %max3A_642 : vector<16xi32>
    %sub3A_646 = arith.constant 1 : i32
    %sub3A_647 = vector.broadcast %sub3A_646 : i32 to vector<16xi32>
    %sub3A_648 = arith.subi %add3A_645, %sub3A_647 : vector<16xi32>
    %gt3A_649 = arith.constant 0 : i32
    %gt3A_650 = vector.broadcast %gt3A_649 : i32 to vector<16xi32>
    %gt3A_651 = arith.cmpi sgt, %get3A_641, %gt3A_650 : vector<16xi32>
    tpu.vector_store_idx %arg7[%sub3A_648, %add3A_637], %broadcast_in_dim3A_3 masked %gt3A_651 : memref<200x256xf32, #tpu.memory_space<vmem>>[vector<16xi32>, vector<16xi32>], vector<16xf32>, vector<16xi1>
    %swap3A_652 = arith.constant 16 : index
    %swap3A_653 = tpu.vector_load %arg9[%swap3A_652] {strides = array<i32>} : memref<512xi32, #tpu.memory_space<vmem>>, vector<16xi32>,
    tpu.vector_store %arg9[%swap3A_652], %sub3A_648 {strides = array<i32>} : memref<512xi32, #tpu.memory_space<vmem>>, vector<16xi32>,
    %add3A_654 = arith.constant 32 : i32
    %add3A_655 = vector.broadcast %add3A_654 : i32 to vector<16xi32>
    %add3A_656 = arith.addi %iota3A, %add3A_655 : vector<16xi32>
    %get3A_657 = arith.constant 0 : i32
    %get3A_658 = arith.index_cast %get3A_657 : i32 to index
    %get3A_659 = arith.constant 288 : index
    %get3A_660 = tpu.vector_load %arg5[%get3A_658, %get3A_659] {strides = array<i32>} : memref<26x512xi32, #tpu.memory_space<vmem>>, vector<16xi32>,
    %max3A_661 = arith.maxsi %get3A_660, %broadcast_in_dim3A_7 : vector<16xi32>
    %add3A_662 = arith.constant 0 : i32
    %add3A_663 = vector.broadcast %add3A_662 : i32 to vector<16xi32>
    %add3A_664 = arith.addi %add3A_663, %max3A_661 : vector<16xi32>
    %sub3A_665 = arith.constant 1 : i32
    %sub3A_666 = vector.broadcast %sub3A_665 : i32 to vector<16xi32>
    %sub3A_667 = arith.subi %add3A_664, %sub3A_666 : vector<16xi32>
    %gt3A_668 = arith.constant 0 : i32
    %gt3A_669 = vector.broadcast %gt3A_668 : i32 to vector<16xi32>
    %gt3A_670 = arith.cmpi sgt, %get3A_660, %gt3A_669 : vector<16xi32>
    tpu.vector_store_idx %arg7[%sub3A_667, %add3A_656], %broadcast_in_dim3A_3 masked %gt3A_670 : memref<200x256xf32, #tpu.memory_space<vmem>>[vector<16xi32>, vector<16xi32>], vector<16xf32>, vector<16xi1>
    %swap3A_671 = arith.constant 32 : index
    %swap3A_672 = tpu.vector_load %arg9[%swap3A_671] {strides = array<i32>} : memref<512xi32, #tpu.memory_space<vmem>>, vector<16xi32>,
    tpu.vector_store %arg9[%swap3A_671], %sub3A_667 {strides = array<i32>} : memref<512xi32, #tpu.memory_space<vmem>>, vector<16xi32>,
    %add3A_673 = arith.constant 48 : i32
    %add3A_674 = vector.broadcast %add3A_673 : i32 to vector<16xi32>
    %add3A_675 = arith.addi %iota3A, %add3A_674 : vector<16xi32>
    %get3A_676 = arith.constant 0 : i32
    %get3A_677 = arith.index_cast %get3A_676 : i32 to index
    %get3A_678 = arith.constant 304 : index
    %get3A_679 = tpu.vector_load %arg5[%get3A_677, %get3A_678] {strides = array<i32>} : memref<26x512xi32, #tpu.memory_space<vmem>>, vector<16xi32>,
    %max3A_680 = arith.maxsi %get3A_679, %broadcast_in_dim3A_7 : vector<16xi32>
    %add3A_681 = arith.constant 0 : i32
    %add3A_682 = vector.broadcast %add3A_681 : i32 to vector<16xi32>
    %add3A_683 = arith.addi %add3A_682, %max3A_680 : vector<16xi32>
    %sub3A_684 = arith.constant 1 : i32
    %sub3A_685 = vector.broadcast %sub3A_684 : i32 to vector<16xi32>
    %sub3A_686 = arith.subi %add3A_683, %sub3A_685 : vector<16xi32>
    %gt3A_687 = arith.constant 0 : i32
    %gt3A_688 = vector.broadcast %gt3A_687 : i32 to vector<16xi32>
    %gt3A_689 = arith.cmpi sgt, %get3A_679, %gt3A_688 : vector<16xi32>
    tpu.vector_store_idx %arg7[%sub3A_686, %add3A_675], %broadcast_in_dim3A_3 masked %gt3A_689 : memref<200x256xf32, #tpu.memory_space<vmem>>[vector<16xi32>, vector<16xi32>], vector<16xf32>, vector<16xi1>
    %swap3A_690 = arith.constant 48 : index
    %swap3A_691 = tpu.vector_load %arg9[%swap3A_690] {strides = array<i32>} : memref<512xi32, #tpu.memory_space<vmem>>, vector<16xi32>,
    tpu.vector_store %arg9[%swap3A_690], %sub3A_686 {strides = array<i32>} : memref<512xi32, #tpu.memory_space<vmem>>, vector<16xi32>,
    %add3A_692 = arith.constant 64 : i32
    %add3A_693 = vector.broadcast %add3A_692 : i32 to vector<16xi32>
    %add3A_694 = arith.addi %iota3A, %add3A_693 : vector<16xi32>
    %get3A_695 = arith.constant 0 : i32
    %get3A_696 = arith.index_cast %get3A_695 : i32 to index
    %get3A_697 = arith.constant 320 : index
    %get3A_698 = tpu.vector_load %arg5[%get3A_696, %get3A_697] {strides = array<i32>} : memref<26x512xi32, #tpu.memory_space<vmem>>, vector<16xi32>,
    %max3A_699 = arith.maxsi %get3A_698, %broadcast_in_dim3A_7 : vector<16xi32>
    %add3A_700 = arith.constant 0 : i32
    %add3A_701 = vector.broadcast %add3A_700 : i32 to vector<16xi32>
    %add3A_702 = arith.addi %add3A_701, %max3A_699 : vector<16xi32>
    %sub3A_703 = arith.constant 1 : i32
    %sub3A_704 = vector.broadcast %sub3A_703 : i32 to vector<16xi32>
    %sub3A_705 = arith.subi %add3A_702, %sub3A_704 : vector<16xi32>
    %gt3A_706 = arith.constant 0 : i32
    %gt3A_707 = vector.broadcast %gt3A_706 : i32 to vector<16xi32>
    %gt3A_708 = arith.cmpi sgt, %get3A_698, %gt3A_707 : vector<16xi32>
    tpu.vector_store_idx %arg7[%sub3A_705, %add3A_694], %broadcast_in_dim3A_3 masked %gt3A_708 : memref<200x256xf32, #tpu.memory_space<vmem>>[vector<16xi32>, vector<16xi32>], vector<16xf32>, vector<16xi1>
    %swap3A_709 = arith.constant 64 : index
    %swap3A_710 = tpu.vector_load %arg9[%swap3A_709] {strides = array<i32>} : memref<512xi32, #tpu.memory_space<vmem>>, vector<16xi32>,
    tpu.vector_store %arg9[%swap3A_709], %sub3A_705 {strides = array<i32>} : memref<512xi32, #tpu.memory_space<vmem>>, vector<16xi32>,
    %add3A_711 = arith.constant 80 : i32
    %add3A_712 = vector.broadcast %add3A_711 : i32 to vector<16xi32>
    %add3A_713 = arith.addi %iota3A, %add3A_712 : vector<16xi32>
    %get3A_714 = arith.constant 0 : i32
    %get3A_715 = arith.index_cast %get3A_714 : i32 to index
    %get3A_716 = arith.constant 336 : index
    %get3A_717 = tpu.vector_load %arg5[%get3A_715, %get3A_716] {strides = array<i32>} : memref<26x512xi32, #tpu.memory_space<vmem>>, vector<16xi32>,
    %max3A_718 = arith.maxsi %get3A_717, %broadcast_in_dim3A_7 : vector<16xi32>
    %add3A_719 = arith.constant 0 : i32
    %add3A_720 = vector.broadcast %add3A_719 : i32 to vector<16xi32>
    %add3A_721 = arith.addi %add3A_720, %max3A_718 : vector<16xi32>
    %sub3A_722 = arith.constant 1 : i32
    %sub3A_723 = vector.broadcast %sub3A_722 : i32 to vector<16xi32>
    %sub3A_724 = arith.subi %add3A_721, %sub3A_723 : vector<16xi32>
    %gt3A_725 = arith.constant 0 : i32
    %gt3A_726 = vector.broadcast %gt3A_725 : i32 to vector<16xi32>
    %gt3A_727 = arith.cmpi sgt, %get3A_717, %gt3A_726 : vector<16xi32>
    tpu.vector_store_idx %arg7[%sub3A_724, %add3A_713], %broadcast_in_dim3A_3 masked %gt3A_727 : memref<200x256xf32, #tpu.memory_space<vmem>>[vector<16xi32>, vector<16xi32>], vector<16xf32>, vector<16xi1>
    %swap3A_728 = arith.constant 80 : index
    %swap3A_729 = tpu.vector_load %arg9[%swap3A_728] {strides = array<i32>} : memref<512xi32, #tpu.memory_space<vmem>>, vector<16xi32>,
    tpu.vector_store %arg9[%swap3A_728], %sub3A_724 {strides = array<i32>} : memref<512xi32, #tpu.memory_space<vmem>>, vector<16xi32>,
    %add3A_730 = arith.constant 96 : i32
    %add3A_731 = vector.broadcast %add3A_730 : i32 to vector<16xi32>
    %add3A_732 = arith.addi %iota3A, %add3A_731 : vector<16xi32>
    %get3A_733 = arith.constant 0 : i32
    %get3A_734 = arith.index_cast %get3A_733 : i32 to index
    %get3A_735 = arith.constant 352 : index
    %get3A_736 = tpu.vector_load %arg5[%get3A_734, %get3A_735] {strides = array<i32>} : memref<26x512xi32, #tpu.memory_space<vmem>>, vector<16xi32>,
    %max3A_737 = arith.maxsi %get3A_736, %broadcast_in_dim3A_7 : vector<16xi32>
    %add3A_738 = arith.constant 0 : i32
    %add3A_739 = vector.broadcast %add3A_738 : i32 to vector<16xi32>
    %add3A_740 = arith.addi %add3A_739, %max3A_737 : vector<16xi32>
    %sub3A_741 = arith.constant 1 : i32
    %sub3A_742 = vector.broadcast %sub3A_741 : i32 to vector<16xi32>
    %sub3A_743 = arith.subi %add3A_740, %sub3A_742 : vector<16xi32>
    %gt3A_744 = arith.constant 0 : i32
    %gt3A_745 = vector.broadcast %gt3A_744 : i32 to vector<16xi32>
    %gt3A_746 = arith.cmpi sgt, %get3A_736, %gt3A_745 : vector<16xi32>
    tpu.vector_store_idx %arg7[%sub3A_743, %add3A_732], %broadcast_in_dim3A_3 masked %gt3A_746 : memref<200x256xf32, #tpu.memory_space<vmem>>[vector<16xi32>, vector<16xi32>], vector<16xf32>, vector<16xi1>
    %swap3A_747 = arith.constant 96 : index
    %swap3A_748 = tpu.vector_load %arg9[%swap3A_747] {strides = array<i32>} : memref<512xi32, #tpu.memory_space<vmem>>, vector<16xi32>,
    tpu.vector_store %arg9[%swap3A_747], %sub3A_743 {strides = array<i32>} : memref<512xi32, #tpu.memory_space<vmem>>, vector<16xi32>,
    %add3A_749 = arith.constant 112 : i32
    %add3A_750 = vector.broadcast %add3A_749 : i32 to vector<16xi32>
    %add3A_751 = arith.addi %iota3A, %add3A_750 : vector<16xi32>
    %get3A_752 = arith.constant 0 : i32
    %get3A_753 = arith.index_cast %get3A_752 : i32 to index
    %get3A_754 = arith.constant 368 : index
    %get3A_755 = tpu.vector_load %arg5[%get3A_753, %get3A_754] {strides = array<i32>} : memref<26x512xi32, #tpu.memory_space<vmem>>, vector<16xi32>,
    %max3A_756 = arith.maxsi %get3A_755, %broadcast_in_dim3A_7 : vector<16xi32>
    %add3A_757 = arith.constant 0 : i32
    %add3A_758 = vector.broadcast %add3A_757 : i32 to vector<16xi32>
    %add3A_759 = arith.addi %add3A_758, %max3A_756 : vector<16xi32>
    %sub3A_760 = arith.constant 1 : i32
    %sub3A_761 = vector.broadcast %sub3A_760 : i32 to vector<16xi32>
    %sub3A_762 = arith.subi %add3A_759, %sub3A_761 : vector<16xi32>
    %gt3A_763 = arith.constant 0 : i32
    %gt3A_764 = vector.broadcast %gt3A_763 : i32 to vector<16xi32>
    %gt3A_765 = arith.cmpi sgt, %get3A_755, %gt3A_764 : vector<16xi32>
    tpu.vector_store_idx %arg7[%sub3A_762, %add3A_751], %broadcast_in_dim3A_3 masked %gt3A_765 : memref<200x256xf32, #tpu.memory_space<vmem>>[vector<16xi32>, vector<16xi32>], vector<16xf32>, vector<16xi1>
    %swap3A_766 = arith.constant 112 : index
    %swap3A_767 = tpu.vector_load %arg9[%swap3A_766] {strides = array<i32>} : memref<512xi32, #tpu.memory_space<vmem>>, vector<16xi32>,
    tpu.vector_store %arg9[%swap3A_766], %sub3A_762 {strides = array<i32>} : memref<512xi32, #tpu.memory_space<vmem>>, vector<16xi32>,
    %add3A_768 = arith.constant 128 : i32
    %add3A_769 = vector.broadcast %add3A_768 : i32 to vector<16xi32>
    %add3A_770 = arith.addi %iota3A, %add3A_769 : vector<16xi32>
    %get3A_771 = arith.constant 0 : i32
    %get3A_772 = arith.index_cast %get3A_771 : i32 to index
    %get3A_773 = arith.constant 384 : index
    %get3A_774 = tpu.vector_load %arg5[%get3A_772, %get3A_773] {strides = array<i32>} : memref<26x512xi32, #tpu.memory_space<vmem>>, vector<16xi32>,
    %max3A_775 = arith.maxsi %get3A_774, %broadcast_in_dim3A_7 : vector<16xi32>
    %add3A_776 = arith.constant 0 : i32
    %add3A_777 = vector.broadcast %add3A_776 : i32 to vector<16xi32>
    %add3A_778 = arith.addi %add3A_777, %max3A_775 : vector<16xi32>
    %sub3A_779 = arith.constant 1 : i32
    %sub3A_780 = vector.broadcast %sub3A_779 : i32 to vector<16xi32>
    %sub3A_781 = arith.subi %add3A_778, %sub3A_780 : vector<16xi32>
    %gt3A_782 = arith.constant 0 : i32
    %gt3A_783 = vector.broadcast %gt3A_782 : i32 to vector<16xi32>
    %gt3A_784 = arith.cmpi sgt, %get3A_774, %gt3A_783 : vector<16xi32>
    tpu.vector_store_idx %arg7[%sub3A_781, %add3A_770], %broadcast_in_dim3A_3 masked %gt3A_784 : memref<200x256xf32, #tpu.memory_space<vmem>>[vector<16xi32>, vector<16xi32>], vector<16xf32>, vector<16xi1>
    %swap3A_785 = arith.constant 128 : index
    %swap3A_786 = tpu.vector_load %arg9[%swap3A_785] {strides = array<i32>} : memref<512xi32, #tpu.memory_space<vmem>>, vector<16xi32>,
    tpu.vector_store %arg9[%swap3A_785], %sub3A_781 {strides = array<i32>} : memref<512xi32, #tpu.memory_space<vmem>>, vector<16xi32>,
    %add3A_787 = arith.constant 144 : i32
    %add3A_788 = vector.broadcast %add3A_787 : i32 to vector<16xi32>
    %add3A_789 = arith.addi %iota3A, %add3A_788 : vector<16xi32>
    %get3A_790 = arith.constant 0 : i32
    %get3A_791 = arith.index_cast %get3A_790 : i32 to index
    %get3A_792 = arith.constant 400 : index
    %get3A_793 = tpu.vector_load %arg5[%get3A_791, %get3A_792] {strides = array<i32>} : memref<26x512xi32, #tpu.memory_space<vmem>>, vector<16xi32>,
    %max3A_794 = arith.maxsi %get3A_793, %broadcast_in_dim3A_7 : vector<16xi32>
    %add3A_795 = arith.constant 0 : i32
    %add3A_796 = vector.broadcast %add3A_795 : i32 to vector<16xi32>
    %add3A_797 = arith.addi %add3A_796, %max3A_794 : vector<16xi32>
    %sub3A_798 = arith.constant 1 : i32
    %sub3A_799 = vector.broadcast %sub3A_798 : i32 to vector<16xi32>
    %sub3A_800 = arith.subi %add3A_797, %sub3A_799 : vector<16xi32>
    %gt3A_801 = arith.constant 0 : i32
    %gt3A_802 = vector.broadcast %gt3A_801 : i32 to vector<16xi32>
    %gt3A_803 = arith.cmpi sgt, %get3A_793, %gt3A_802 : vector<16xi32>
    tpu.vector_store_idx %arg7[%sub3A_800, %add3A_789], %broadcast_in_dim3A_3 masked %gt3A_803 : memref<200x256xf32, #tpu.memory_space<vmem>>[vector<16xi32>, vector<16xi32>], vector<16xf32>, vector<16xi1>
    %swap3A_804 = arith.constant 144 : index
    %swap3A_805 = tpu.vector_load %arg9[%swap3A_804] {strides = array<i32>} : memref<512xi32, #tpu.memory_space<vmem>>, vector<16xi32>,
    tpu.vector_store %arg9[%swap3A_804], %sub3A_800 {strides = array<i32>} : memref<512xi32, #tpu.memory_space<vmem>>, vector<16xi32>,
    %add3A_806 = arith.constant 160 : i32
    %add3A_807 = vector.broadcast %add3A_806 : i32 to vector<16xi32>
    %add3A_808 = arith.addi %iota3A, %add3A_807 : vector<16xi32>
    %get3A_809 = arith.constant 0 : i32
    %get3A_810 = arith.index_cast %get3A_809 : i32 to index
    %get3A_811 = arith.constant 416 : index
    %get3A_812 = tpu.vector_load %arg5[%get3A_810, %get3A_811] {strides = array<i32>} : memref<26x512xi32, #tpu.memory_space<vmem>>, vector<16xi32>,
    %max3A_813 = arith.maxsi %get3A_812, %broadcast_in_dim3A_7 : vector<16xi32>
    %add3A_814 = arith.constant 0 : i32
    %add3A_815 = vector.broadcast %add3A_814 : i32 to vector<16xi32>
    %add3A_816 = arith.addi %add3A_815, %max3A_813 : vector<16xi32>
    %sub3A_817 = arith.constant 1 : i32
    %sub3A_818 = vector.broadcast %sub3A_817 : i32 to vector<16xi32>
    %sub3A_819 = arith.subi %add3A_816, %sub3A_818 : vector<16xi32>
    %gt3A_820 = arith.constant 0 : i32
    %gt3A_821 = vector.broadcast %gt3A_820 : i32 to vector<16xi32>
    %gt3A_822 = arith.cmpi sgt, %get3A_812, %gt3A_821 : vector<16xi32>
    tpu.vector_store_idx %arg7[%sub3A_819, %add3A_808], %broadcast_in_dim3A_3 masked %gt3A_822 : memref<200x256xf32, #tpu.memory_space<vmem>>[vector<16xi32>, vector<16xi32>], vector<16xf32>, vector<16xi1>
    %swap3A_823 = arith.constant 160 : index
    %swap3A_824 = tpu.vector_load %arg9[%swap3A_823] {strides = array<i32>} : memref<512xi32, #tpu.memory_space<vmem>>, vector<16xi32>,
    tpu.vector_store %arg9[%swap3A_823], %sub3A_819 {strides = array<i32>} : memref<512xi32, #tpu.memory_space<vmem>>, vector<16xi32>,
    %add3A_825 = arith.constant 176 : i32
    %add3A_826 = vector.broadcast %add3A_825 : i32 to vector<16xi32>
    %add3A_827 = arith.addi %iota3A, %add3A_826 : vector<16xi32>
    %get3A_828 = arith.constant 0 : i32
    %get3A_829 = arith.index_cast %get3A_828 : i32 to index
    %get3A_830 = arith.constant 432 : index
    %get3A_831 = tpu.vector_load %arg5[%get3A_829, %get3A_830] {strides = array<i32>} : memref<26x512xi32, #tpu.memory_space<vmem>>, vector<16xi32>,
    %max3A_832 = arith.maxsi %get3A_831, %broadcast_in_dim3A_7 : vector<16xi32>
    %add3A_833 = arith.constant 0 : i32
    %add3A_834 = vector.broadcast %add3A_833 : i32 to vector<16xi32>
    %add3A_835 = arith.addi %add3A_834, %max3A_832 : vector<16xi32>
    %sub3A_836 = arith.constant 1 : i32
    %sub3A_837 = vector.broadcast %sub3A_836 : i32 to vector<16xi32>
    %sub3A_838 = arith.subi %add3A_835, %sub3A_837 : vector<16xi32>
    %gt3A_839 = arith.constant 0 : i32
    %gt3A_840 = vector.broadcast %gt3A_839 : i32 to vector<16xi32>
    %gt3A_841 = arith.cmpi sgt, %get3A_831, %gt3A_840 : vector<16xi32>
    tpu.vector_store_idx %arg7[%sub3A_838, %add3A_827], %broadcast_in_dim3A_3 masked %gt3A_841 : memref<200x256xf32, #tpu.memory_space<vmem>>[vector<16xi32>, vector<16xi32>], vector<16xf32>, vector<16xi1>
    %swap3A_842 = arith.constant 176 : index
    %swap3A_843 = tpu.vector_load %arg9[%swap3A_842] {strides = array<i32>} : memref<512xi32, #tpu.memory_space<vmem>>, vector<16xi32>,
    tpu.vector_store %arg9[%swap3A_842], %sub3A_838 {strides = array<i32>} : memref<512xi32, #tpu.memory_space<vmem>>, vector<16xi32>,
    %add3A_844 = arith.constant 192 : i32
    %add3A_845 = vector.broadcast %add3A_844 : i32 to vector<16xi32>
    %add3A_846 = arith.addi %iota3A, %add3A_845 : vector<16xi32>
    %get3A_847 = arith.constant 0 : i32
    %get3A_848 = arith.index_cast %get3A_847 : i32 to index
    %get3A_849 = arith.constant 448 : index
    %get3A_850 = tpu.vector_load %arg5[%get3A_848, %get3A_849] {strides = array<i32>} : memref<26x512xi32, #tpu.memory_space<vmem>>, vector<16xi32>,
    %max3A_851 = arith.maxsi %get3A_850, %broadcast_in_dim3A_7 : vector<16xi32>
    %add3A_852 = arith.constant 0 : i32
    %add3A_853 = vector.broadcast %add3A_852 : i32 to vector<16xi32>
    %add3A_854 = arith.addi %add3A_853, %max3A_851 : vector<16xi32>
    %sub3A_855 = arith.constant 1 : i32
    %sub3A_856 = vector.broadcast %sub3A_855 : i32 to vector<16xi32>
    %sub3A_857 = arith.subi %add3A_854, %sub3A_856 : vector<16xi32>
    %gt3A_858 = arith.constant 0 : i32
    %gt3A_859 = vector.broadcast %gt3A_858 : i32 to vector<16xi32>
    %gt3A_860 = arith.cmpi sgt, %get3A_850, %gt3A_859 : vector<16xi32>
    tpu.vector_store_idx %arg7[%sub3A_857, %add3A_846], %broadcast_in_dim3A_3 masked %gt3A_860 : memref<200x256xf32, #tpu.memory_space<vmem>>[vector<16xi32>, vector<16xi32>], vector<16xf32>, vector<16xi1>
    %swap3A_861 = arith.constant 192 : index
    %swap3A_862 = tpu.vector_load %arg9[%swap3A_861] {strides = array<i32>} : memref<512xi32, #tpu.memory_space<vmem>>, vector<16xi32>,
    tpu.vector_store %arg9[%swap3A_861], %sub3A_857 {strides = array<i32>} : memref<512xi32, #tpu.memory_space<vmem>>, vector<16xi32>,
    %add3A_863 = arith.constant 208 : i32
    %add3A_864 = vector.broadcast %add3A_863 : i32 to vector<16xi32>
    %add3A_865 = arith.addi %iota3A, %add3A_864 : vector<16xi32>
    %get3A_866 = arith.constant 0 : i32
    %get3A_867 = arith.index_cast %get3A_866 : i32 to index
    %get3A_868 = arith.constant 464 : index
    %get3A_869 = tpu.vector_load %arg5[%get3A_867, %get3A_868] {strides = array<i32>} : memref<26x512xi32, #tpu.memory_space<vmem>>, vector<16xi32>,
    %max3A_870 = arith.maxsi %get3A_869, %broadcast_in_dim3A_7 : vector<16xi32>
    %add3A_871 = arith.constant 0 : i32
    %add3A_872 = vector.broadcast %add3A_871 : i32 to vector<16xi32>
    %add3A_873 = arith.addi %add3A_872, %max3A_870 : vector<16xi32>
    %sub3A_874 = arith.constant 1 : i32
    %sub3A_875 = vector.broadcast %sub3A_874 : i32 to vector<16xi32>
    %sub3A_876 = arith.subi %add3A_873, %sub3A_875 : vector<16xi32>
    %gt3A_877 = arith.constant 0 : i32
    %gt3A_878 = vector.broadcast %gt3A_877 : i32 to vector<16xi32>
    %gt3A_879 = arith.cmpi sgt, %get3A_869, %gt3A_878 : vector<16xi32>
    tpu.vector_store_idx %arg7[%sub3A_876, %add3A_865], %broadcast_in_dim3A_3 masked %gt3A_879 : memref<200x256xf32, #tpu.memory_space<vmem>>[vector<16xi32>, vector<16xi32>], vector<16xf32>, vector<16xi1>
    %swap3A_880 = arith.constant 208 : index
    %swap3A_881 = tpu.vector_load %arg9[%swap3A_880] {strides = array<i32>} : memref<512xi32, #tpu.memory_space<vmem>>, vector<16xi32>,
    tpu.vector_store %arg9[%swap3A_880], %sub3A_876 {strides = array<i32>} : memref<512xi32, #tpu.memory_space<vmem>>, vector<16xi32>,
    %add3A_882 = arith.constant 224 : i32
    %add3A_883 = vector.broadcast %add3A_882 : i32 to vector<16xi32>
    %add3A_884 = arith.addi %iota3A, %add3A_883 : vector<16xi32>
    %get3A_885 = arith.constant 0 : i32
    %get3A_886 = arith.index_cast %get3A_885 : i32 to index
    %get3A_887 = arith.constant 480 : index
    %get3A_888 = tpu.vector_load %arg5[%get3A_886, %get3A_887] {strides = array<i32>} : memref<26x512xi32, #tpu.memory_space<vmem>>, vector<16xi32>,
    %max3A_889 = arith.maxsi %get3A_888, %broadcast_in_dim3A_7 : vector<16xi32>
    %add3A_890 = arith.constant 0 : i32
    %add3A_891 = vector.broadcast %add3A_890 : i32 to vector<16xi32>
    %add3A_892 = arith.addi %add3A_891, %max3A_889 : vector<16xi32>
    %sub3A_893 = arith.constant 1 : i32
    %sub3A_894 = vector.broadcast %sub3A_893 : i32 to vector<16xi32>
    %sub3A_895 = arith.subi %add3A_892, %sub3A_894 : vector<16xi32>
    %gt3A_896 = arith.constant 0 : i32
    %gt3A_897 = vector.broadcast %gt3A_896 : i32 to vector<16xi32>
    %gt3A_898 = arith.cmpi sgt, %get3A_888, %gt3A_897 : vector<16xi32>
    tpu.vector_store_idx %arg7[%sub3A_895, %add3A_884], %broadcast_in_dim3A_3 masked %gt3A_898 : memref<200x256xf32, #tpu.memory_space<vmem>>[vector<16xi32>, vector<16xi32>], vector<16xf32>, vector<16xi1>
    %swap3A_899 = arith.constant 224 : index
    %swap3A_900 = tpu.vector_load %arg9[%swap3A_899] {strides = array<i32>} : memref<512xi32, #tpu.memory_space<vmem>>, vector<16xi32>,
    tpu.vector_store %arg9[%swap3A_899], %sub3A_895 {strides = array<i32>} : memref<512xi32, #tpu.memory_space<vmem>>, vector<16xi32>,
    %add3A_901 = arith.constant 240 : i32
    %add3A_902 = vector.broadcast %add3A_901 : i32 to vector<16xi32>
    %add3A_903 = arith.addi %iota3A, %add3A_902 : vector<16xi32>
    %get3A_904 = arith.constant 0 : i32
    %get3A_905 = arith.index_cast %get3A_904 : i32 to index
    %get3A_906 = arith.constant 496 : index
    %get3A_907 = tpu.vector_load %arg5[%get3A_905, %get3A_906] {strides = array<i32>} : memref<26x512xi32, #tpu.memory_space<vmem>>, vector<16xi32>,
    %max3A_908 = arith.maxsi %get3A_907, %broadcast_in_dim3A_7 : vector<16xi32>
    %add3A_909 = arith.constant 0 : i32
    %add3A_910 = vector.broadcast %add3A_909 : i32 to vector<16xi32>
    %add3A_911 = arith.addi %add3A_910, %max3A_908 : vector<16xi32>
    %sub3A_912 = arith.constant 1 : i32
    %sub3A_913 = vector.broadcast %sub3A_912 : i32 to vector<16xi32>
    %sub3A_914 = arith.subi %add3A_911, %sub3A_913 : vector<16xi32>
    %gt3A_915 = arith.constant 0 : i32
    %gt3A_916 = vector.broadcast %gt3A_915 : i32 to vector<16xi32>
    %gt3A_917 = arith.cmpi sgt, %get3A_907, %gt3A_916 : vector<16xi32>
    tpu.vector_store_idx %arg7[%sub3A_914, %add3A_903], %broadcast_in_dim3A_3 masked %gt3A_917 : memref<200x256xf32, #tpu.memory_space<vmem>>[vector<16xi32>, vector<16xi32>], vector<16xf32>, vector<16xi1>
    %swap3A_918 = arith.constant 240 : index
    %swap3A_919 = tpu.vector_load %arg9[%swap3A_918] {strides = array<i32>} : memref<512xi32, #tpu.memory_space<vmem>>, vector<16xi32>,
    tpu.vector_store %arg9[%swap3A_918], %sub3A_914 {strides = array<i32>} : memref<512xi32, #tpu.memory_space<vmem>>, vector<16xi32>,
    %add3A_920 = arith.constant 0 : i32
    %add3A_921 = vector.broadcast %add3A_920 : i32 to vector<16xi32>
    %add3A_922 = arith.addi %iota3A, %add3A_921 : vector<16xi32>
    %get3A_923 = arith.constant 1 : i32
    %get3A_924 = arith.index_cast %get3A_923 : i32 to index
    %get3A_925 = arith.constant 256 : index
    %get3A_926 = tpu.vector_load %arg5[%get3A_924, %get3A_925] {strides = array<i32>} : memref<26x512xi32, #tpu.memory_space<vmem>>, vector<16xi32>,
    %max3A_927 = arith.maxsi %get3A_926, %broadcast_in_dim3A_7 : vector<16xi32>
    %add3A_928 = arith.constant 100 : i32
    %add3A_929 = vector.broadcast %add3A_928 : i32 to vector<16xi32>
    %add3A_930 = arith.addi %add3A_929, %max3A_927 : vector<16xi32>
    %sub3A_931 = arith.constant 1 : i32
    %sub3A_932 = vector.broadcast %sub3A_931 : i32 to vector<16xi32>
    %sub3A_933 = arith.subi %add3A_930, %sub3A_932 : vector<16xi32>
    %gt3A_934 = arith.constant 0 : i32
    %gt3A_935 = vector.broadcast %gt3A_934 : i32 to vector<16xi32>
    %gt3A_936 = arith.cmpi sgt, %get3A_926, %gt3A_935 : vector<16xi32>
    tpu.vector_store_idx %arg7[%sub3A_933, %add3A_922], %broadcast_in_dim3A_3 masked %gt3A_936 : memref<200x256xf32, #tpu.memory_space<vmem>>[vector<16xi32>, vector<16xi32>], vector<16xf32>, vector<16xi1>
    %swap3A_937 = arith.constant 256 : index
    %swap3A_938 = tpu.vector_load %arg9[%swap3A_937] {strides = array<i32>} : memref<512xi32, #tpu.memory_space<vmem>>, vector<16xi32>,
    tpu.vector_store %arg9[%swap3A_937], %sub3A_933 {strides = array<i32>} : memref<512xi32, #tpu.memory_space<vmem>>, vector<16xi32>,
    %add3A_939 = arith.constant 16 : i32
    %add3A_940 = vector.broadcast %add3A_939 : i32 to vector<16xi32>
    %add3A_941 = arith.addi %iota3A, %add3A_940 : vector<16xi32>
    %get3A_942 = arith.constant 1 : i32
    %get3A_943 = arith.index_cast %get3A_942 : i32 to index
    %get3A_944 = arith.constant 272 : index
    %get3A_945 = tpu.vector_load %arg5[%get3A_943, %get3A_944] {strides = array<i32>} : memref<26x512xi32, #tpu.memory_space<vmem>>, vector<16xi32>,
    %max3A_946 = arith.maxsi %get3A_945, %broadcast_in_dim3A_7 : vector<16xi32>
    %add3A_947 = arith.constant 100 : i32
    %add3A_948 = vector.broadcast %add3A_947 : i32 to vector<16xi32>
    %add3A_949 = arith.addi %add3A_948, %max3A_946 : vector<16xi32>
    %sub3A_950 = arith.constant 1 : i32
    %sub3A_951 = vector.broadcast %sub3A_950 : i32 to vector<16xi32>
    %sub3A_952 = arith.subi %add3A_949, %sub3A_951 : vector<16xi32>
    %gt3A_953 = arith.constant 0 : i32
    %gt3A_954 = vector.broadcast %gt3A_953 : i32 to vector<16xi32>
    %gt3A_955 = arith.cmpi sgt, %get3A_945, %gt3A_954 : vector<16xi32>
    tpu.vector_store_idx %arg7[%sub3A_952, %add3A_941], %broadcast_in_dim3A_3 masked %gt3A_955 : memref<200x256xf32, #tpu.memory_space<vmem>>[vector<16xi32>, vector<16xi32>], vector<16xf32>, vector<16xi1>
    %swap3A_956 = arith.constant 272 : index
    %swap3A_957 = tpu.vector_load %arg9[%swap3A_956] {strides = array<i32>} : memref<512xi32, #tpu.memory_space<vmem>>, vector<16xi32>,
    tpu.vector_store %arg9[%swap3A_956], %sub3A_952 {strides = array<i32>} : memref<512xi32, #tpu.memory_space<vmem>>, vector<16xi32>,
    %add3A_958 = arith.constant 32 : i32
    %add3A_959 = vector.broadcast %add3A_958 : i32 to vector<16xi32>
    %add3A_960 = arith.addi %iota3A, %add3A_959 : vector<16xi32>
    %get3A_961 = arith.constant 1 : i32
    %get3A_962 = arith.index_cast %get3A_961 : i32 to index
    %get3A_963 = arith.constant 288 : index
    %get3A_964 = tpu.vector_load %arg5[%get3A_962, %get3A_963] {strides = array<i32>} : memref<26x512xi32, #tpu.memory_space<vmem>>, vector<16xi32>,
    %max3A_965 = arith.maxsi %get3A_964, %broadcast_in_dim3A_7 : vector<16xi32>
    %add3A_966 = arith.constant 100 : i32
    %add3A_967 = vector.broadcast %add3A_966 : i32 to vector<16xi32>
    %add3A_968 = arith.addi %add3A_967, %max3A_965 : vector<16xi32>
    %sub3A_969 = arith.constant 1 : i32
    %sub3A_970 = vector.broadcast %sub3A_969 : i32 to vector<16xi32>
    %sub3A_971 = arith.subi %add3A_968, %sub3A_970 : vector<16xi32>
    %gt3A_972 = arith.constant 0 : i32
    %gt3A_973 = vector.broadcast %gt3A_972 : i32 to vector<16xi32>
    %gt3A_974 = arith.cmpi sgt, %get3A_964, %gt3A_973 : vector<16xi32>
    tpu.vector_store_idx %arg7[%sub3A_971, %add3A_960], %broadcast_in_dim3A_3 masked %gt3A_974 : memref<200x256xf32, #tpu.memory_space<vmem>>[vector<16xi32>, vector<16xi32>], vector<16xf32>, vector<16xi1>
    %swap3A_975 = arith.constant 288 : index
    %swap3A_976 = tpu.vector_load %arg9[%swap3A_975] {strides = array<i32>} : memref<512xi32, #tpu.memory_space<vmem>>, vector<16xi32>,
    tpu.vector_store %arg9[%swap3A_975], %sub3A_971 {strides = array<i32>} : memref<512xi32, #tpu.memory_space<vmem>>, vector<16xi32>,
    %add3A_977 = arith.constant 48 : i32
    %add3A_978 = vector.broadcast %add3A_977 : i32 to vector<16xi32>
    %add3A_979 = arith.addi %iota3A, %add3A_978 : vector<16xi32>
    %get3A_980 = arith.constant 1 : i32
    %get3A_981 = arith.index_cast %get3A_980 : i32 to index
    %get3A_982 = arith.constant 304 : index
    %get3A_983 = tpu.vector_load %arg5[%get3A_981, %get3A_982] {strides = array<i32>} : memref<26x512xi32, #tpu.memory_space<vmem>>, vector<16xi32>,
    %max3A_984 = arith.maxsi %get3A_983, %broadcast_in_dim3A_7 : vector<16xi32>
    %add3A_985 = arith.constant 100 : i32
    %add3A_986 = vector.broadcast %add3A_985 : i32 to vector<16xi32>
    %add3A_987 = arith.addi %add3A_986, %max3A_984 : vector<16xi32>
    %sub3A_988 = arith.constant 1 : i32
    %sub3A_989 = vector.broadcast %sub3A_988 : i32 to vector<16xi32>
    %sub3A_990 = arith.subi %add3A_987, %sub3A_989 : vector<16xi32>
    %gt3A_991 = arith.constant 0 : i32
    %gt3A_992 = vector.broadcast %gt3A_991 : i32 to vector<16xi32>
    %gt3A_993 = arith.cmpi sgt, %get3A_983, %gt3A_992 : vector<16xi32>
    tpu.vector_store_idx %arg7[%sub3A_990, %add3A_979], %broadcast_in_dim3A_3 masked %gt3A_993 : memref<200x256xf32, #tpu.memory_space<vmem>>[vector<16xi32>, vector<16xi32>], vector<16xf32>, vector<16xi1>
    %swap3A_994 = arith.constant 304 : index
    %swap3A_995 = tpu.vector_load %arg9[%swap3A_994] {strides = array<i32>} : memref<512xi32, #tpu.memory_space<vmem>>, vector<16xi32>,
    tpu.vector_store %arg9[%swap3A_994], %sub3A_990 {strides = array<i32>} : memref<512xi32, #tpu.memory_space<vmem>>, vector<16xi32>,
    %add3A_996 = arith.constant 64 : i32
    %add3A_997 = vector.broadcast %add3A_996 : i32 to vector<16xi32>
    %add3A_998 = arith.addi %iota3A, %add3A_997 : vector<16xi32>
    %get3A_999 = arith.constant 1 : i32
    %get3A_1000 = arith.index_cast %get3A_999 : i32 to index
    %get3A_1001 = arith.constant 320 : index
    %get3A_1002 = tpu.vector_load %arg5[%get3A_1000, %get3A_1001] {strides = array<i32>} : memref<26x512xi32, #tpu.memory_space<vmem>>, vector<16xi32>,
    %max3A_1003 = arith.maxsi %get3A_1002, %broadcast_in_dim3A_7 : vector<16xi32>
    %add3A_1004 = arith.constant 100 : i32
    %add3A_1005 = vector.broadcast %add3A_1004 : i32 to vector<16xi32>
    %add3A_1006 = arith.addi %add3A_1005, %max3A_1003 : vector<16xi32>
    %sub3A_1007 = arith.constant 1 : i32
    %sub3A_1008 = vector.broadcast %sub3A_1007 : i32 to vector<16xi32>
    %sub3A_1009 = arith.subi %add3A_1006, %sub3A_1008 : vector<16xi32>
    %gt3A_1010 = arith.constant 0 : i32
    %gt3A_1011 = vector.broadcast %gt3A_1010 : i32 to vector<16xi32>
    %gt3A_1012 = arith.cmpi sgt, %get3A_1002, %gt3A_1011 : vector<16xi32>
    tpu.vector_store_idx %arg7[%sub3A_1009, %add3A_998], %broadcast_in_dim3A_3 masked %gt3A_1012 : memref<200x256xf32, #tpu.memory_space<vmem>>[vector<16xi32>, vector<16xi32>], vector<16xf32>, vector<16xi1>
    %swap3A_1013 = arith.constant 320 : index
    %swap3A_1014 = tpu.vector_load %arg9[%swap3A_1013] {strides = array<i32>} : memref<512xi32, #tpu.memory_space<vmem>>, vector<16xi32>,
    tpu.vector_store %arg9[%swap3A_1013], %sub3A_1009 {strides = array<i32>} : memref<512xi32, #tpu.memory_space<vmem>>, vector<16xi32>,
    %add3A_1015 = arith.constant 80 : i32
    %add3A_1016 = vector.broadcast %add3A_1015 : i32 to vector<16xi32>
    %add3A_1017 = arith.addi %iota3A, %add3A_1016 : vector<16xi32>
    %get3A_1018 = arith.constant 1 : i32
    %get3A_1019 = arith.index_cast %get3A_1018 : i32 to index
    %get3A_1020 = arith.constant 336 : index
    %get3A_1021 = tpu.vector_load %arg5[%get3A_1019, %get3A_1020] {strides = array<i32>} : memref<26x512xi32, #tpu.memory_space<vmem>>, vector<16xi32>,
    %max3A_1022 = arith.maxsi %get3A_1021, %broadcast_in_dim3A_7 : vector<16xi32>
    %add3A_1023 = arith.constant 100 : i32
    %add3A_1024 = vector.broadcast %add3A_1023 : i32 to vector<16xi32>
    %add3A_1025 = arith.addi %add3A_1024, %max3A_1022 : vector<16xi32>
    %sub3A_1026 = arith.constant 1 : i32
    %sub3A_1027 = vector.broadcast %sub3A_1026 : i32 to vector<16xi32>
    %sub3A_1028 = arith.subi %add3A_1025, %sub3A_1027 : vector<16xi32>
    %gt3A_1029 = arith.constant 0 : i32
    %gt3A_1030 = vector.broadcast %gt3A_1029 : i32 to vector<16xi32>
    %gt3A_1031 = arith.cmpi sgt, %get3A_1021, %gt3A_1030 : vector<16xi32>
    tpu.vector_store_idx %arg7[%sub3A_1028, %add3A_1017], %broadcast_in_dim3A_3 masked %gt3A_1031 : memref<200x256xf32, #tpu.memory_space<vmem>>[vector<16xi32>, vector<16xi32>], vector<16xf32>, vector<16xi1>
    %swap3A_1032 = arith.constant 336 : index
    %swap3A_1033 = tpu.vector_load %arg9[%swap3A_1032] {strides = array<i32>} : memref<512xi32, #tpu.memory_space<vmem>>, vector<16xi32>,
    tpu.vector_store %arg9[%swap3A_1032], %sub3A_1028 {strides = array<i32>} : memref<512xi32, #tpu.memory_space<vmem>>, vector<16xi32>,
    %add3A_1034 = arith.constant 96 : i32
    %add3A_1035 = vector.broadcast %add3A_1034 : i32 to vector<16xi32>
    %add3A_1036 = arith.addi %iota3A, %add3A_1035 : vector<16xi32>
    %get3A_1037 = arith.constant 1 : i32
    %get3A_1038 = arith.index_cast %get3A_1037 : i32 to index
    %get3A_1039 = arith.constant 352 : index
    %get3A_1040 = tpu.vector_load %arg5[%get3A_1038, %get3A_1039] {strides = array<i32>} : memref<26x512xi32, #tpu.memory_space<vmem>>, vector<16xi32>,
    %max3A_1041 = arith.maxsi %get3A_1040, %broadcast_in_dim3A_7 : vector<16xi32>
    %add3A_1042 = arith.constant 100 : i32
    %add3A_1043 = vector.broadcast %add3A_1042 : i32 to vector<16xi32>
    %add3A_1044 = arith.addi %add3A_1043, %max3A_1041 : vector<16xi32>
    %sub3A_1045 = arith.constant 1 : i32
    %sub3A_1046 = vector.broadcast %sub3A_1045 : i32 to vector<16xi32>
    %sub3A_1047 = arith.subi %add3A_1044, %sub3A_1046 : vector<16xi32>
    %gt3A_1048 = arith.constant 0 : i32
    %gt3A_1049 = vector.broadcast %gt3A_1048 : i32 to vector<16xi32>
    %gt3A_1050 = arith.cmpi sgt, %get3A_1040, %gt3A_1049 : vector<16xi32>
    tpu.vector_store_idx %arg7[%sub3A_1047, %add3A_1036], %broadcast_in_dim3A_3 masked %gt3A_1050 : memref<200x256xf32, #tpu.memory_space<vmem>>[vector<16xi32>, vector<16xi32>], vector<16xf32>, vector<16xi1>
    %swap3A_1051 = arith.constant 352 : index
    %swap3A_1052 = tpu.vector_load %arg9[%swap3A_1051] {strides = array<i32>} : memref<512xi32, #tpu.memory_space<vmem>>, vector<16xi32>,
    tpu.vector_store %arg9[%swap3A_1051], %sub3A_1047 {strides = array<i32>} : memref<512xi32, #tpu.memory_space<vmem>>, vector<16xi32>,
    %add3A_1053 = arith.constant 112 : i32
    %add3A_1054 = vector.broadcast %add3A_1053 : i32 to vector<16xi32>
    %add3A_1055 = arith.addi %iota3A, %add3A_1054 : vector<16xi32>
    %get3A_1056 = arith.constant 1 : i32
    %get3A_1057 = arith.index_cast %get3A_1056 : i32 to index
    %get3A_1058 = arith.constant 368 : index
    %get3A_1059 = tpu.vector_load %arg5[%get3A_1057, %get3A_1058] {strides = array<i32>} : memref<26x512xi32, #tpu.memory_space<vmem>>, vector<16xi32>,
    %max3A_1060 = arith.maxsi %get3A_1059, %broadcast_in_dim3A_7 : vector<16xi32>
    %add3A_1061 = arith.constant 100 : i32
    %add3A_1062 = vector.broadcast %add3A_1061 : i32 to vector<16xi32>
    %add3A_1063 = arith.addi %add3A_1062, %max3A_1060 : vector<16xi32>
    %sub3A_1064 = arith.constant 1 : i32
    %sub3A_1065 = vector.broadcast %sub3A_1064 : i32 to vector<16xi32>
    %sub3A_1066 = arith.subi %add3A_1063, %sub3A_1065 : vector<16xi32>
    %gt3A_1067 = arith.constant 0 : i32
    %gt3A_1068 = vector.broadcast %gt3A_1067 : i32 to vector<16xi32>
    %gt3A_1069 = arith.cmpi sgt, %get3A_1059, %gt3A_1068 : vector<16xi32>
    tpu.vector_store_idx %arg7[%sub3A_1066, %add3A_1055], %broadcast_in_dim3A_3 masked %gt3A_1069 : memref<200x256xf32, #tpu.memory_space<vmem>>[vector<16xi32>, vector<16xi32>], vector<16xf32>, vector<16xi1>
    %swap3A_1070 = arith.constant 368 : index
    %swap3A_1071 = tpu.vector_load %arg9[%swap3A_1070] {strides = array<i32>} : memref<512xi32, #tpu.memory_space<vmem>>, vector<16xi32>,
    tpu.vector_store %arg9[%swap3A_1070], %sub3A_1066 {strides = array<i32>} : memref<512xi32, #tpu.memory_space<vmem>>, vector<16xi32>,
    %add3A_1072 = arith.constant 128 : i32
    %add3A_1073 = vector.broadcast %add3A_1072 : i32 to vector<16xi32>
    %add3A_1074 = arith.addi %iota3A, %add3A_1073 : vector<16xi32>
    %get3A_1075 = arith.constant 1 : i32
    %get3A_1076 = arith.index_cast %get3A_1075 : i32 to index
    %get3A_1077 = arith.constant 384 : index
    %get3A_1078 = tpu.vector_load %arg5[%get3A_1076, %get3A_1077] {strides = array<i32>} : memref<26x512xi32, #tpu.memory_space<vmem>>, vector<16xi32>,
    %max3A_1079 = arith.maxsi %get3A_1078, %broadcast_in_dim3A_7 : vector<16xi32>
    %add3A_1080 = arith.constant 100 : i32
    %add3A_1081 = vector.broadcast %add3A_1080 : i32 to vector<16xi32>
    %add3A_1082 = arith.addi %add3A_1081, %max3A_1079 : vector<16xi32>
    %sub3A_1083 = arith.constant 1 : i32
    %sub3A_1084 = vector.broadcast %sub3A_1083 : i32 to vector<16xi32>
    %sub3A_1085 = arith.subi %add3A_1082, %sub3A_1084 : vector<16xi32>
    %gt3A_1086 = arith.constant 0 : i32
    %gt3A_1087 = vector.broadcast %gt3A_1086 : i32 to vector<16xi32>
    %gt3A_1088 = arith.cmpi sgt, %get3A_1078, %gt3A_1087 : vector<16xi32>
    tpu.vector_store_idx %arg7[%sub3A_1085, %add3A_1074], %broadcast_in_dim3A_3 masked %gt3A_1088 : memref<200x256xf32, #tpu.memory_space<vmem>>[vector<16xi32>, vector<16xi32>], vector<16xf32>, vector<16xi1>
    %swap3A_1089 = arith.constant 384 : index
    %swap3A_1090 = tpu.vector_load %arg9[%swap3A_1089] {strides = array<i32>} : memref<512xi32, #tpu.memory_space<vmem>>, vector<16xi32>,
    tpu.vector_store %arg9[%swap3A_1089], %sub3A_1085 {strides = array<i32>} : memref<512xi32, #tpu.memory_space<vmem>>, vector<16xi32>,
    %add3A_1091 = arith.constant 144 : i32
    %add3A_1092 = vector.broadcast %add3A_1091 : i32 to vector<16xi32>
    %add3A_1093 = arith.addi %iota3A, %add3A_1092 : vector<16xi32>
    %get3A_1094 = arith.constant 1 : i32
    %get3A_1095 = arith.index_cast %get3A_1094 : i32 to index
    %get3A_1096 = arith.constant 400 : index
    %get3A_1097 = tpu.vector_load %arg5[%get3A_1095, %get3A_1096] {strides = array<i32>} : memref<26x512xi32, #tpu.memory_space<vmem>>, vector<16xi32>,
    %max3A_1098 = arith.maxsi %get3A_1097, %broadcast_in_dim3A_7 : vector<16xi32>
    %add3A_1099 = arith.constant 100 : i32
    %add3A_1100 = vector.broadcast %add3A_1099 : i32 to vector<16xi32>
    %add3A_1101 = arith.addi %add3A_1100, %max3A_1098 : vector<16xi32>
    %sub3A_1102 = arith.constant 1 : i32
    %sub3A_1103 = vector.broadcast %sub3A_1102 : i32 to vector<16xi32>
    %sub3A_1104 = arith.subi %add3A_1101, %sub3A_1103 : vector<16xi32>
    %gt3A_1105 = arith.constant 0 : i32
    %gt3A_1106 = vector.broadcast %gt3A_1105 : i32 to vector<16xi32>
    %gt3A_1107 = arith.cmpi sgt, %get3A_1097, %gt3A_1106 : vector<16xi32>
    tpu.vector_store_idx %arg7[%sub3A_1104, %add3A_1093], %broadcast_in_dim3A_3 masked %gt3A_1107 : memref<200x256xf32, #tpu.memory_space<vmem>>[vector<16xi32>, vector<16xi32>], vector<16xf32>, vector<16xi1>
    %swap3A_1108 = arith.constant 400 : index
    %swap3A_1109 = tpu.vector_load %arg9[%swap3A_1108] {strides = array<i32>} : memref<512xi32, #tpu.memory_space<vmem>>, vector<16xi32>,
    tpu.vector_store %arg9[%swap3A_1108], %sub3A_1104 {strides = array<i32>} : memref<512xi32, #tpu.memory_space<vmem>>, vector<16xi32>,
    %add3A_1110 = arith.constant 160 : i32
    %add3A_1111 = vector.broadcast %add3A_1110 : i32 to vector<16xi32>
    %add3A_1112 = arith.addi %iota3A, %add3A_1111 : vector<16xi32>
    %get3A_1113 = arith.constant 1 : i32
    %get3A_1114 = arith.index_cast %get3A_1113 : i32 to index
    %get3A_1115 = arith.constant 416 : index
    %get3A_1116 = tpu.vector_load %arg5[%get3A_1114, %get3A_1115] {strides = array<i32>} : memref<26x512xi32, #tpu.memory_space<vmem>>, vector<16xi32>,
    %max3A_1117 = arith.maxsi %get3A_1116, %broadcast_in_dim3A_7 : vector<16xi32>
    %add3A_1118 = arith.constant 100 : i32
    %add3A_1119 = vector.broadcast %add3A_1118 : i32 to vector<16xi32>
    %add3A_1120 = arith.addi %add3A_1119, %max3A_1117 : vector<16xi32>
    %sub3A_1121 = arith.constant 1 : i32
    %sub3A_1122 = vector.broadcast %sub3A_1121 : i32 to vector<16xi32>
    %sub3A_1123 = arith.subi %add3A_1120, %sub3A_1122 : vector<16xi32>
    %gt3A_1124 = arith.constant 0 : i32
    %gt3A_1125 = vector.broadcast %gt3A_1124 : i32 to vector<16xi32>
    %gt3A_1126 = arith.cmpi sgt, %get3A_1116, %gt3A_1125 : vector<16xi32>
    tpu.vector_store_idx %arg7[%sub3A_1123, %add3A_1112], %broadcast_in_dim3A_3 masked %gt3A_1126 : memref<200x256xf32, #tpu.memory_space<vmem>>[vector<16xi32>, vector<16xi32>], vector<16xf32>, vector<16xi1>
    %swap3A_1127 = arith.constant 416 : index
    %swap3A_1128 = tpu.vector_load %arg9[%swap3A_1127] {strides = array<i32>} : memref<512xi32, #tpu.memory_space<vmem>>, vector<16xi32>,
    tpu.vector_store %arg9[%swap3A_1127], %sub3A_1123 {strides = array<i32>} : memref<512xi32, #tpu.memory_space<vmem>>, vector<16xi32>,
    %add3A_1129 = arith.constant 176 : i32
    %add3A_1130 = vector.broadcast %add3A_1129 : i32 to vector<16xi32>
    %add3A_1131 = arith.addi %iota3A, %add3A_1130 : vector<16xi32>
    %get3A_1132 = arith.constant 1 : i32
    %get3A_1133 = arith.index_cast %get3A_1132 : i32 to index
    %get3A_1134 = arith.constant 432 : index
    %get3A_1135 = tpu.vector_load %arg5[%get3A_1133, %get3A_1134] {strides = array<i32>} : memref<26x512xi32, #tpu.memory_space<vmem>>, vector<16xi32>,
    %max3A_1136 = arith.maxsi %get3A_1135, %broadcast_in_dim3A_7 : vector<16xi32>
    %add3A_1137 = arith.constant 100 : i32
    %add3A_1138 = vector.broadcast %add3A_1137 : i32 to vector<16xi32>
    %add3A_1139 = arith.addi %add3A_1138, %max3A_1136 : vector<16xi32>
    %sub3A_1140 = arith.constant 1 : i32
    %sub3A_1141 = vector.broadcast %sub3A_1140 : i32 to vector<16xi32>
    %sub3A_1142 = arith.subi %add3A_1139, %sub3A_1141 : vector<16xi32>
    %gt3A_1143 = arith.constant 0 : i32
    %gt3A_1144 = vector.broadcast %gt3A_1143 : i32 to vector<16xi32>
    %gt3A_1145 = arith.cmpi sgt, %get3A_1135, %gt3A_1144 : vector<16xi32>
    tpu.vector_store_idx %arg7[%sub3A_1142, %add3A_1131], %broadcast_in_dim3A_3 masked %gt3A_1145 : memref<200x256xf32, #tpu.memory_space<vmem>>[vector<16xi32>, vector<16xi32>], vector<16xf32>, vector<16xi1>
    %swap3A_1146 = arith.constant 432 : index
    %swap3A_1147 = tpu.vector_load %arg9[%swap3A_1146] {strides = array<i32>} : memref<512xi32, #tpu.memory_space<vmem>>, vector<16xi32>,
    tpu.vector_store %arg9[%swap3A_1146], %sub3A_1142 {strides = array<i32>} : memref<512xi32, #tpu.memory_space<vmem>>, vector<16xi32>,
    %add3A_1148 = arith.constant 192 : i32
    %add3A_1149 = vector.broadcast %add3A_1148 : i32 to vector<16xi32>
    %add3A_1150 = arith.addi %iota3A, %add3A_1149 : vector<16xi32>
    %get3A_1151 = arith.constant 1 : i32
    %get3A_1152 = arith.index_cast %get3A_1151 : i32 to index
    %get3A_1153 = arith.constant 448 : index
    %get3A_1154 = tpu.vector_load %arg5[%get3A_1152, %get3A_1153] {strides = array<i32>} : memref<26x512xi32, #tpu.memory_space<vmem>>, vector<16xi32>,
    %max3A_1155 = arith.maxsi %get3A_1154, %broadcast_in_dim3A_7 : vector<16xi32>
    %add3A_1156 = arith.constant 100 : i32
    %add3A_1157 = vector.broadcast %add3A_1156 : i32 to vector<16xi32>
    %add3A_1158 = arith.addi %add3A_1157, %max3A_1155 : vector<16xi32>
    %sub3A_1159 = arith.constant 1 : i32
    %sub3A_1160 = vector.broadcast %sub3A_1159 : i32 to vector<16xi32>
    %sub3A_1161 = arith.subi %add3A_1158, %sub3A_1160 : vector<16xi32>
    %gt3A_1162 = arith.constant 0 : i32
    %gt3A_1163 = vector.broadcast %gt3A_1162 : i32 to vector<16xi32>
    %gt3A_1164 = arith.cmpi sgt, %get3A_1154, %gt3A_1163 : vector<16xi32>
    tpu.vector_store_idx %arg7[%sub3A_1161, %add3A_1150], %broadcast_in_dim3A_3 masked %gt3A_1164 : memref<200x256xf32, #tpu.memory_space<vmem>>[vector<16xi32>, vector<16xi32>], vector<16xf32>, vector<16xi1>
    %swap3A_1165 = arith.constant 448 : index
    %swap3A_1166 = tpu.vector_load %arg9[%swap3A_1165] {strides = array<i32>} : memref<512xi32, #tpu.memory_space<vmem>>, vector<16xi32>,
    tpu.vector_store %arg9[%swap3A_1165], %sub3A_1161 {strides = array<i32>} : memref<512xi32, #tpu.memory_space<vmem>>, vector<16xi32>,
    %add3A_1167 = arith.constant 208 : i32
    %add3A_1168 = vector.broadcast %add3A_1167 : i32 to vector<16xi32>
    %add3A_1169 = arith.addi %iota3A, %add3A_1168 : vector<16xi32>
    %get3A_1170 = arith.constant 1 : i32
    %get3A_1171 = arith.index_cast %get3A_1170 : i32 to index
    %get3A_1172 = arith.constant 464 : index
    %get3A_1173 = tpu.vector_load %arg5[%get3A_1171, %get3A_1172] {strides = array<i32>} : memref<26x512xi32, #tpu.memory_space<vmem>>, vector<16xi32>,
    %max3A_1174 = arith.maxsi %get3A_1173, %broadcast_in_dim3A_7 : vector<16xi32>
    %add3A_1175 = arith.constant 100 : i32
    %add3A_1176 = vector.broadcast %add3A_1175 : i32 to vector<16xi32>
    %add3A_1177 = arith.addi %add3A_1176, %max3A_1174 : vector<16xi32>
    %sub3A_1178 = arith.constant 1 : i32
    %sub3A_1179 = vector.broadcast %sub3A_1178 : i32 to vector<16xi32>
    %sub3A_1180 = arith.subi %add3A_1177, %sub3A_1179 : vector<16xi32>
    %gt3A_1181 = arith.constant 0 : i32
    %gt3A_1182 = vector.broadcast %gt3A_1181 : i32 to vector<16xi32>
    %gt3A_1183 = arith.cmpi sgt, %get3A_1173, %gt3A_1182 : vector<16xi32>
    tpu.vector_store_idx %arg7[%sub3A_1180, %add3A_1169], %broadcast_in_dim3A_3 masked %gt3A_1183 : memref<200x256xf32, #tpu.memory_space<vmem>>[vector<16xi32>, vector<16xi32>], vector<16xf32>, vector<16xi1>
    %swap3A_1184 = arith.constant 464 : index
    %swap3A_1185 = tpu.vector_load %arg9[%swap3A_1184] {strides = array<i32>} : memref<512xi32, #tpu.memory_space<vmem>>, vector<16xi32>,
    tpu.vector_store %arg9[%swap3A_1184], %sub3A_1180 {strides = array<i32>} : memref<512xi32, #tpu.memory_space<vmem>>, vector<16xi32>,
    %add3A_1186 = arith.constant 224 : i32
    %add3A_1187 = vector.broadcast %add3A_1186 : i32 to vector<16xi32>
    %add3A_1188 = arith.addi %iota3A, %add3A_1187 : vector<16xi32>
    %get3A_1189 = arith.constant 1 : i32
    %get3A_1190 = arith.index_cast %get3A_1189 : i32 to index
    %get3A_1191 = arith.constant 480 : index
    %get3A_1192 = tpu.vector_load %arg5[%get3A_1190, %get3A_1191] {strides = array<i32>} : memref<26x512xi32, #tpu.memory_space<vmem>>, vector<16xi32>,
    %max3A_1193 = arith.maxsi %get3A_1192, %broadcast_in_dim3A_7 : vector<16xi32>
    %add3A_1194 = arith.constant 100 : i32
    %add3A_1195 = vector.broadcast %add3A_1194 : i32 to vector<16xi32>
    %add3A_1196 = arith.addi %add3A_1195, %max3A_1193 : vector<16xi32>
    %sub3A_1197 = arith.constant 1 : i32
    %sub3A_1198 = vector.broadcast %sub3A_1197 : i32 to vector<16xi32>
    %sub3A_1199 = arith.subi %add3A_1196, %sub3A_1198 : vector<16xi32>
    %gt3A_1200 = arith.constant 0 : i32
    %gt3A_1201 = vector.broadcast %gt3A_1200 : i32 to vector<16xi32>
    %gt3A_1202 = arith.cmpi sgt, %get3A_1192, %gt3A_1201 : vector<16xi32>
    tpu.vector_store_idx %arg7[%sub3A_1199, %add3A_1188], %broadcast_in_dim3A_3 masked %gt3A_1202 : memref<200x256xf32, #tpu.memory_space<vmem>>[vector<16xi32>, vector<16xi32>], vector<16xf32>, vector<16xi1>
    %swap3A_1203 = arith.constant 480 : index
    %swap3A_1204 = tpu.vector_load %arg9[%swap3A_1203] {strides = array<i32>} : memref<512xi32, #tpu.memory_space<vmem>>, vector<16xi32>,
    tpu.vector_store %arg9[%swap3A_1203], %sub3A_1199 {strides = array<i32>} : memref<512xi32, #tpu.memory_space<vmem>>, vector<16xi32>,
    %add3A_1205 = arith.constant 240 : i32
    %add3A_1206 = vector.broadcast %add3A_1205 : i32 to vector<16xi32>
    %add3A_1207 = arith.addi %iota3A, %add3A_1206 : vector<16xi32>
    %get3A_1208 = arith.constant 1 : i32
    %get3A_1209 = arith.index_cast %get3A_1208 : i32 to index
    %get3A_1210 = arith.constant 496 : index
    %get3A_1211 = tpu.vector_load %arg5[%get3A_1209, %get3A_1210] {strides = array<i32>} : memref<26x512xi32, #tpu.memory_space<vmem>>, vector<16xi32>,
    %max3A_1212 = arith.maxsi %get3A_1211, %broadcast_in_dim3A_7 : vector<16xi32>
    %add3A_1213 = arith.constant 100 : i32
    %add3A_1214 = vector.broadcast %add3A_1213 : i32 to vector<16xi32>
    %add3A_1215 = arith.addi %add3A_1214, %max3A_1212 : vector<16xi32>
    %sub3A_1216 = arith.constant 1 : i32
    %sub3A_1217 = vector.broadcast %sub3A_1216 : i32 to vector<16xi32>
    %sub3A_1218 = arith.subi %add3A_1215, %sub3A_1217 : vector<16xi32>
    %gt3A_1219 = arith.constant 0 : i32
    %gt3A_1220 = vector.broadcast %gt3A_1219 : i32 to vector<16xi32>
    %gt3A_1221 = arith.cmpi sgt, %get3A_1211, %gt3A_1220 : vector<16xi32>
    tpu.vector_store_idx %arg7[%sub3A_1218, %add3A_1207], %broadcast_in_dim3A_3 masked %gt3A_1221 : memref<200x256xf32, #tpu.memory_space<vmem>>[vector<16xi32>, vector<16xi32>], vector<16xf32>, vector<16xi1>
    %swap3A_1222 = arith.constant 496 : index
    %swap3A_1223 = tpu.vector_load %arg9[%swap3A_1222] {strides = array<i32>} : memref<512xi32, #tpu.memory_space<vmem>>, vector<16xi32>,
    tpu.vector_store %arg9[%swap3A_1222], %sub3A_1218 {strides = array<i32>} : memref<512xi32, #tpu.memory_space<vmem>>, vector<16xi32>,
    %add3A_1224 = arith.constant 256 : i32
    %add3A_1225 = arith.addi %mul3A_2, %add3A_1224 : i32
    %dma_start3A_1226 = arith.constant 0 : i32
    %dma_start3A_1227 = tpu.memref_slice %arg4[%dma_start3A_1226, %add3A_1225] : memref<2600x16384xf32, #tpu.memory_space<hbm>> -> memref<200x256xf32, #tpu.memory_space<hbm>>
    %dma_start3A_1228 = arith.constant 0 : i32
    %dma_start3A_1229 = tpu.memref_slice %arg4[%dma_start3A_1228, %add3A_1225] : memref<2600x16384xf32, #tpu.memory_space<hbm>> -> memref<200x256xf32, #tpu.memory_space<hbm>>
    tpu.enqueue_dma source(%arg7 : memref<200x256xf32, #tpu.memory_space<vmem>>) target(%dma_start3A_1229 : memref<200x256xf32, #tpu.memory_space<hbm>>) target_semaphore(%arg11 : memref<!tpu.dma_semaphore, #tpu.memory_space<semaphore_mem>>)
    %scan3A = arith.constant 0 : i32
    %scan3A_1230 = arith.constant 1 : i32
    %scan3A_1231 = arith.constant 12 : i32
    %scan3A_1232 = arith.addi %scan3A_1230, %scan3A_1231 : i32
    %scan3A_1233 = arith.constant 1 : i32
    %scan3A_1234 = scf.for %scan3A_1247 = %scan3A_1230 to %scan3A_1232 step %scan3A_1233 iter_args(%scan3A_1248 = %scan3A) -> (i32)  : i32 {
      %sub3A_1249 = arith.constant 1 : i32
      %sub3A_1250 = arith.subi %scan3A_1247, %sub3A_1249 : i32
      %mul3A_1251 = arith.constant 200 : i32
      %mul3A_1252 = arith.muli %sub3A_1250, %mul3A_1251 : i32
      %add3A_1253 = arith.constant 0 : i32
      %add3A_1254 = arith.addi %mul3A_2, %add3A_1253 : i32
      %dma_wait3A_1255 = tpu.memref_slice %arg4[%mul3A_1252, %add3A_1254] : memref<2600x16384xf32, #tpu.memory_space<hbm>> -> memref<200x256xf32, #tpu.memory_space<hbm>>
      %dma_wait3A_1256 = tpu.memref_slice %arg4[%mul3A_1252, %add3A_1254] : memref<2600x16384xf32, #tpu.memory_space<hbm>> -> memref<200x256xf32, #tpu.memory_space<hbm>>
      tpu.wait_dma2 semaphore(%arg10 : memref<!tpu.dma_semaphore, #tpu.memory_space<semaphore_mem>>) src(%arg6 : memref<200x256xf32, #tpu.memory_space<vmem>>) dst(%dma_wait3A_1256 : memref<200x256xf32, #tpu.memory_space<hbm>>)
      %add3A_1257 = arith.constant 0 : i32
      %add3A_1258 = vector.broadcast %add3A_1257 : i32 to vector<16xi32>
      %add3A_1259 = arith.addi %iota3A, %add3A_1258 : vector<16xi32>
      %get3A_1260 = arith.constant 0 : index
      %get3A_1261 = tpu.vector_load %arg8[%get3A_1260] {strides = array<i32>} : memref<512xi32, #tpu.memory_space<vmem>>, vector<16xi32>,
      tpu.vector_store_idx %arg6[%get3A_1261, %add3A_1259], %broadcast_in_dim3A_5 : memref<200x256xf32, #tpu.memory_space<vmem>>[vector<16xi32>, vector<16xi32>], vector<16xf32>,
      %add3A_1262 = arith.constant 16 : i32
      %add3A_1263 = vector.broadcast %add3A_1262 : i32 to vector<16xi32>
      %add3A_1264 = arith.addi %iota3A, %add3A_1263 : vector<16xi32>
      %get3A_1265 = arith.constant 16 : index
      %get3A_1266 = tpu.vector_load %arg8[%get3A_1265] {strides = array<i32>} : memref<512xi32, #tpu.memory_space<vmem>>, vector<16xi32>,
      tpu.vector_store_idx %arg6[%get3A_1266, %add3A_1264], %broadcast_in_dim3A_5 : memref<200x256xf32, #tpu.memory_space<vmem>>[vector<16xi32>, vector<16xi32>], vector<16xf32>,
      %add3A_1267 = arith.constant 32 : i32
      %add3A_1268 = vector.broadcast %add3A_1267 : i32 to vector<16xi32>
      %add3A_1269 = arith.addi %iota3A, %add3A_1268 : vector<16xi32>
      %get3A_1270 = arith.constant 32 : index
      %get3A_1271 = tpu.vector_load %arg8[%get3A_1270] {strides = array<i32>} : memref<512xi32, #tpu.memory_space<vmem>>, vector<16xi32>,
      tpu.vector_store_idx %arg6[%get3A_1271, %add3A_1269], %broadcast_in_dim3A_5 : memref<200x256xf32, #tpu.memory_space<vmem>>[vector<16xi32>, vector<16xi32>], vector<16xf32>,
      %add3A_1272 = arith.constant 48 : i32
      %add3A_1273 = vector.broadcast %add3A_1272 : i32 to vector<16xi32>
      %add3A_1274 = arith.addi %iota3A, %add3A_1273 : vector<16xi32>
      %get3A_1275 = arith.constant 48 : index
      %get3A_1276 = tpu.vector_load %arg8[%get3A_1275] {strides = array<i32>} : memref<512xi32, #tpu.memory_space<vmem>>, vector<16xi32>,
      tpu.vector_store_idx %arg6[%get3A_1276, %add3A_1274], %broadcast_in_dim3A_5 : memref<200x256xf32, #tpu.memory_space<vmem>>[vector<16xi32>, vector<16xi32>], vector<16xf32>,
      %add3A_1277 = arith.constant 64 : i32
      %add3A_1278 = vector.broadcast %add3A_1277 : i32 to vector<16xi32>
      %add3A_1279 = arith.addi %iota3A, %add3A_1278 : vector<16xi32>
      %get3A_1280 = arith.constant 64 : index
      %get3A_1281 = tpu.vector_load %arg8[%get3A_1280] {strides = array<i32>} : memref<512xi32, #tpu.memory_space<vmem>>, vector<16xi32>,
      tpu.vector_store_idx %arg6[%get3A_1281, %add3A_1279], %broadcast_in_dim3A_5 : memref<200x256xf32, #tpu.memory_space<vmem>>[vector<16xi32>, vector<16xi32>], vector<16xf32>,
      %add3A_1282 = arith.constant 80 : i32
      %add3A_1283 = vector.broadcast %add3A_1282 : i32 to vector<16xi32>
      %add3A_1284 = arith.addi %iota3A, %add3A_1283 : vector<16xi32>
      %get3A_1285 = arith.constant 80 : index
      %get3A_1286 = tpu.vector_load %arg8[%get3A_1285] {strides = array<i32>} : memref<512xi32, #tpu.memory_space<vmem>>, vector<16xi32>,
      tpu.vector_store_idx %arg6[%get3A_1286, %add3A_1284], %broadcast_in_dim3A_5 : memref<200x256xf32, #tpu.memory_space<vmem>>[vector<16xi32>, vector<16xi32>], vector<16xf32>,
      %add3A_1287 = arith.constant 96 : i32
      %add3A_1288 = vector.broadcast %add3A_1287 : i32 to vector<16xi32>
      %add3A_1289 = arith.addi %iota3A, %add3A_1288 : vector<16xi32>
      %get3A_1290 = arith.constant 96 : index
      %get3A_1291 = tpu.vector_load %arg8[%get3A_1290] {strides = array<i32>} : memref<512xi32, #tpu.memory_space<vmem>>, vector<16xi32>,
      tpu.vector_store_idx %arg6[%get3A_1291, %add3A_1289], %broadcast_in_dim3A_5 : memref<200x256xf32, #tpu.memory_space<vmem>>[vector<16xi32>, vector<16xi32>], vector<16xf32>,
      %add3A_1292 = arith.constant 112 : i32
      %add3A_1293 = vector.broadcast %add3A_1292 : i32 to vector<16xi32>
      %add3A_1294 = arith.addi %iota3A, %add3A_1293 : vector<16xi32>
      %get3A_1295 = arith.constant 112 : index
      %get3A_1296 = tpu.vector_load %arg8[%get3A_1295] {strides = array<i32>} : memref<512xi32, #tpu.memory_space<vmem>>, vector<16xi32>,
      tpu.vector_store_idx %arg6[%get3A_1296, %add3A_1294], %broadcast_in_dim3A_5 : memref<200x256xf32, #tpu.memory_space<vmem>>[vector<16xi32>, vector<16xi32>], vector<16xf32>,
      %add3A_1297 = arith.constant 128 : i32
      %add3A_1298 = vector.broadcast %add3A_1297 : i32 to vector<16xi32>
      %add3A_1299 = arith.addi %iota3A, %add3A_1298 : vector<16xi32>
      %get3A_1300 = arith.constant 128 : index
      %get3A_1301 = tpu.vector_load %arg8[%get3A_1300] {strides = array<i32>} : memref<512xi32, #tpu.memory_space<vmem>>, vector<16xi32>,
      tpu.vector_store_idx %arg6[%get3A_1301, %add3A_1299], %broadcast_in_dim3A_5 : memref<200x256xf32, #tpu.memory_space<vmem>>[vector<16xi32>, vector<16xi32>], vector<16xf32>,
      %add3A_1302 = arith.constant 144 : i32
      %add3A_1303 = vector.broadcast %add3A_1302 : i32 to vector<16xi32>
      %add3A_1304 = arith.addi %iota3A, %add3A_1303 : vector<16xi32>
      %get3A_1305 = arith.constant 144 : index
      %get3A_1306 = tpu.vector_load %arg8[%get3A_1305] {strides = array<i32>} : memref<512xi32, #tpu.memory_space<vmem>>, vector<16xi32>,
      tpu.vector_store_idx %arg6[%get3A_1306, %add3A_1304], %broadcast_in_dim3A_5 : memref<200x256xf32, #tpu.memory_space<vmem>>[vector<16xi32>, vector<16xi32>], vector<16xf32>,
      %add3A_1307 = arith.constant 160 : i32
      %add3A_1308 = vector.broadcast %add3A_1307 : i32 to vector<16xi32>
      %add3A_1309 = arith.addi %iota3A, %add3A_1308 : vector<16xi32>
      %get3A_1310 = arith.constant 160 : index
      %get3A_1311 = tpu.vector_load %arg8[%get3A_1310] {strides = array<i32>} : memref<512xi32, #tpu.memory_space<vmem>>, vector<16xi32>,
      tpu.vector_store_idx %arg6[%get3A_1311, %add3A_1309], %broadcast_in_dim3A_5 : memref<200x256xf32, #tpu.memory_space<vmem>>[vector<16xi32>, vector<16xi32>], vector<16xf32>,
      %add3A_1312 = arith.constant 176 : i32
      %add3A_1313 = vector.broadcast %add3A_1312 : i32 to vector<16xi32>
      %add3A_1314 = arith.addi %iota3A, %add3A_1313 : vector<16xi32>
      %get3A_1315 = arith.constant 176 : index
      %get3A_1316 = tpu.vector_load %arg8[%get3A_1315] {strides = array<i32>} : memref<512xi32, #tpu.memory_space<vmem>>, vector<16xi32>,
      tpu.vector_store_idx %arg6[%get3A_1316, %add3A_1314], %broadcast_in_dim3A_5 : memref<200x256xf32, #tpu.memory_space<vmem>>[vector<16xi32>, vector<16xi32>], vector<16xf32>,
      %add3A_1317 = arith.constant 192 : i32
      %add3A_1318 = vector.broadcast %add3A_1317 : i32 to vector<16xi32>
      %add3A_1319 = arith.addi %iota3A, %add3A_1318 : vector<16xi32>
      %get3A_1320 = arith.constant 192 : index
      %get3A_1321 = tpu.vector_load %arg8[%get3A_1320] {strides = array<i32>} : memref<512xi32, #tpu.memory_space<vmem>>, vector<16xi32>,
      tpu.vector_store_idx %arg6[%get3A_1321, %add3A_1319], %broadcast_in_dim3A_5 : memref<200x256xf32, #tpu.memory_space<vmem>>[vector<16xi32>, vector<16xi32>], vector<16xf32>,
      %add3A_1322 = arith.constant 208 : i32
      %add3A_1323 = vector.broadcast %add3A_1322 : i32 to vector<16xi32>
      %add3A_1324 = arith.addi %iota3A, %add3A_1323 : vector<16xi32>
      %get3A_1325 = arith.constant 208 : index
      %get3A_1326 = tpu.vector_load %arg8[%get3A_1325] {strides = array<i32>} : memref<512xi32, #tpu.memory_space<vmem>>, vector<16xi32>,
      tpu.vector_store_idx %arg6[%get3A_1326, %add3A_1324], %broadcast_in_dim3A_5 : memref<200x256xf32, #tpu.memory_space<vmem>>[vector<16xi32>, vector<16xi32>], vector<16xf32>,
      %add3A_1327 = arith.constant 224 : i32
      %add3A_1328 = vector.broadcast %add3A_1327 : i32 to vector<16xi32>
      %add3A_1329 = arith.addi %iota3A, %add3A_1328 : vector<16xi32>
      %get3A_1330 = arith.constant 224 : index
      %get3A_1331 = tpu.vector_load %arg8[%get3A_1330] {strides = array<i32>} : memref<512xi32, #tpu.memory_space<vmem>>, vector<16xi32>,
      tpu.vector_store_idx %arg6[%get3A_1331, %add3A_1329], %broadcast_in_dim3A_5 : memref<200x256xf32, #tpu.memory_space<vmem>>[vector<16xi32>, vector<16xi32>], vector<16xf32>,
      %add3A_1332 = arith.constant 240 : i32
      %add3A_1333 = vector.broadcast %add3A_1332 : i32 to vector<16xi32>
      %add3A_1334 = arith.addi %iota3A, %add3A_1333 : vector<16xi32>
      %get3A_1335 = arith.constant 240 : index
      %get3A_1336 = tpu.vector_load %arg8[%get3A_1335] {strides = array<i32>} : memref<512xi32, #tpu.memory_space<vmem>>, vector<16xi32>,
      tpu.vector_store_idx %arg6[%get3A_1336, %add3A_1334], %broadcast_in_dim3A_5 : memref<200x256xf32, #tpu.memory_space<vmem>>[vector<16xi32>, vector<16xi32>], vector<16xf32>,
      %add3A_1337 = arith.constant 0 : i32
      %add3A_1338 = vector.broadcast %add3A_1337 : i32 to vector<16xi32>
      %add3A_1339 = arith.addi %iota3A, %add3A_1338 : vector<16xi32>
      %get3A_1340 = arith.constant 256 : index
      %get3A_1341 = tpu.vector_load %arg8[%get3A_1340] {strides = array<i32>} : memref<512xi32, #tpu.memory_space<vmem>>, vector<16xi32>,
      tpu.vector_store_idx %arg6[%get3A_1341, %add3A_1339], %broadcast_in_dim3A_5 : memref<200x256xf32, #tpu.memory_space<vmem>>[vector<16xi32>, vector<16xi32>], vector<16xf32>,
      %add3A_1342 = arith.constant 16 : i32
      %add3A_1343 = vector.broadcast %add3A_1342 : i32 to vector<16xi32>
      %add3A_1344 = arith.addi %iota3A, %add3A_1343 : vector<16xi32>
      %get3A_1345 = arith.constant 272 : index
      %get3A_1346 = tpu.vector_load %arg8[%get3A_1345] {strides = array<i32>} : memref<512xi32, #tpu.memory_space<vmem>>, vector<16xi32>,
      tpu.vector_store_idx %arg6[%get3A_1346, %add3A_1344], %broadcast_in_dim3A_5 : memref<200x256xf32, #tpu.memory_space<vmem>>[vector<16xi32>, vector<16xi32>], vector<16xf32>,
      %add3A_1347 = arith.constant 32 : i32
      %add3A_1348 = vector.broadcast %add3A_1347 : i32 to vector<16xi32>
      %add3A_1349 = arith.addi %iota3A, %add3A_1348 : vector<16xi32>
      %get3A_1350 = arith.constant 288 : index
      %get3A_1351 = tpu.vector_load %arg8[%get3A_1350] {strides = array<i32>} : memref<512xi32, #tpu.memory_space<vmem>>, vector<16xi32>,
      tpu.vector_store_idx %arg6[%get3A_1351, %add3A_1349], %broadcast_in_dim3A_5 : memref<200x256xf32, #tpu.memory_space<vmem>>[vector<16xi32>, vector<16xi32>], vector<16xf32>,
      %add3A_1352 = arith.constant 48 : i32
      %add3A_1353 = vector.broadcast %add3A_1352 : i32 to vector<16xi32>
      %add3A_1354 = arith.addi %iota3A, %add3A_1353 : vector<16xi32>
      %get3A_1355 = arith.constant 304 : index
      %get3A_1356 = tpu.vector_load %arg8[%get3A_1355] {strides = array<i32>} : memref<512xi32, #tpu.memory_space<vmem>>, vector<16xi32>,
      tpu.vector_store_idx %arg6[%get3A_1356, %add3A_1354], %broadcast_in_dim3A_5 : memref<200x256xf32, #tpu.memory_space<vmem>>[vector<16xi32>, vector<16xi32>], vector<16xf32>,
      %add3A_1357 = arith.constant 64 : i32
      %add3A_1358 = vector.broadcast %add3A_1357 : i32 to vector<16xi32>
      %add3A_1359 = arith.addi %iota3A, %add3A_1358 : vector<16xi32>
      %get3A_1360 = arith.constant 320 : index
      %get3A_1361 = tpu.vector_load %arg8[%get3A_1360] {strides = array<i32>} : memref<512xi32, #tpu.memory_space<vmem>>, vector<16xi32>,
      tpu.vector_store_idx %arg6[%get3A_1361, %add3A_1359], %broadcast_in_dim3A_5 : memref<200x256xf32, #tpu.memory_space<vmem>>[vector<16xi32>, vector<16xi32>], vector<16xf32>,
      %add3A_1362 = arith.constant 80 : i32
      %add3A_1363 = vector.broadcast %add3A_1362 : i32 to vector<16xi32>
      %add3A_1364 = arith.addi %iota3A, %add3A_1363 : vector<16xi32>
      %get3A_1365 = arith.constant 336 : index
      %get3A_1366 = tpu.vector_load %arg8[%get3A_1365] {strides = array<i32>} : memref<512xi32, #tpu.memory_space<vmem>>, vector<16xi32>,
      tpu.vector_store_idx %arg6[%get3A_1366, %add3A_1364], %broadcast_in_dim3A_5 : memref<200x256xf32, #tpu.memory_space<vmem>>[vector<16xi32>, vector<16xi32>], vector<16xf32>,
      %add3A_1367 = arith.constant 96 : i32
      %add3A_1368 = vector.broadcast %add3A_1367 : i32 to vector<16xi32>
      %add3A_1369 = arith.addi %iota3A, %add3A_1368 : vector<16xi32>
      %get3A_1370 = arith.constant 352 : index
      %get3A_1371 = tpu.vector_load %arg8[%get3A_1370] {strides = array<i32>} : memref<512xi32, #tpu.memory_space<vmem>>, vector<16xi32>,
      tpu.vector_store_idx %arg6[%get3A_1371, %add3A_1369], %broadcast_in_dim3A_5 : memref<200x256xf32, #tpu.memory_space<vmem>>[vector<16xi32>, vector<16xi32>], vector<16xf32>,
      %add3A_1372 = arith.constant 112 : i32
      %add3A_1373 = vector.broadcast %add3A_1372 : i32 to vector<16xi32>
      %add3A_1374 = arith.addi %iota3A, %add3A_1373 : vector<16xi32>
      %get3A_1375 = arith.constant 368 : index
      %get3A_1376 = tpu.vector_load %arg8[%get3A_1375] {strides = array<i32>} : memref<512xi32, #tpu.memory_space<vmem>>, vector<16xi32>,
      tpu.vector_store_idx %arg6[%get3A_1376, %add3A_1374], %broadcast_in_dim3A_5 : memref<200x256xf32, #tpu.memory_space<vmem>>[vector<16xi32>, vector<16xi32>], vector<16xf32>,
      %add3A_1377 = arith.constant 128 : i32
      %add3A_1378 = vector.broadcast %add3A_1377 : i32 to vector<16xi32>
      %add3A_1379 = arith.addi %iota3A, %add3A_1378 : vector<16xi32>
      %get3A_1380 = arith.constant 384 : index
      %get3A_1381 = tpu.vector_load %arg8[%get3A_1380] {strides = array<i32>} : memref<512xi32, #tpu.memory_space<vmem>>, vector<16xi32>,
      tpu.vector_store_idx %arg6[%get3A_1381, %add3A_1379], %broadcast_in_dim3A_5 : memref<200x256xf32, #tpu.memory_space<vmem>>[vector<16xi32>, vector<16xi32>], vector<16xf32>,
      %add3A_1382 = arith.constant 144 : i32
      %add3A_1383 = vector.broadcast %add3A_1382 : i32 to vector<16xi32>
      %add3A_1384 = arith.addi %iota3A, %add3A_1383 : vector<16xi32>
      %get3A_1385 = arith.constant 400 : index
      %get3A_1386 = tpu.vector_load %arg8[%get3A_1385] {strides = array<i32>} : memref<512xi32, #tpu.memory_space<vmem>>, vector<16xi32>,
      tpu.vector_store_idx %arg6[%get3A_1386, %add3A_1384], %broadcast_in_dim3A_5 : memref<200x256xf32, #tpu.memory_space<vmem>>[vector<16xi32>, vector<16xi32>], vector<16xf32>,
      %add3A_1387 = arith.constant 160 : i32
      %add3A_1388 = vector.broadcast %add3A_1387 : i32 to vector<16xi32>
      %add3A_1389 = arith.addi %iota3A, %add3A_1388 : vector<16xi32>
      %get3A_1390 = arith.constant 416 : index
      %get3A_1391 = tpu.vector_load %arg8[%get3A_1390] {strides = array<i32>} : memref<512xi32, #tpu.memory_space<vmem>>, vector<16xi32>,
      tpu.vector_store_idx %arg6[%get3A_1391, %add3A_1389], %broadcast_in_dim3A_5 : memref<200x256xf32, #tpu.memory_space<vmem>>[vector<16xi32>, vector<16xi32>], vector<16xf32>,
      %add3A_1392 = arith.constant 176 : i32
      %add3A_1393 = vector.broadcast %add3A_1392 : i32 to vector<16xi32>
      %add3A_1394 = arith.addi %iota3A, %add3A_1393 : vector<16xi32>
      %get3A_1395 = arith.constant 432 : index
      %get3A_1396 = tpu.vector_load %arg8[%get3A_1395] {strides = array<i32>} : memref<512xi32, #tpu.memory_space<vmem>>, vector<16xi32>,
      tpu.vector_store_idx %arg6[%get3A_1396, %add3A_1394], %broadcast_in_dim3A_5 : memref<200x256xf32, #tpu.memory_space<vmem>>[vector<16xi32>, vector<16xi32>], vector<16xf32>,
      %add3A_1397 = arith.constant 192 : i32
      %add3A_1398 = vector.broadcast %add3A_1397 : i32 to vector<16xi32>
      %add3A_1399 = arith.addi %iota3A, %add3A_1398 : vector<16xi32>
      %get3A_1400 = arith.constant 448 : index
      %get3A_1401 = tpu.vector_load %arg8[%get3A_1400] {strides = array<i32>} : memref<512xi32, #tpu.memory_space<vmem>>, vector<16xi32>,
      tpu.vector_store_idx %arg6[%get3A_1401, %add3A_1399], %broadcast_in_dim3A_5 : memref<200x256xf32, #tpu.memory_space<vmem>>[vector<16xi32>, vector<16xi32>], vector<16xf32>,
      %add3A_1402 = arith.constant 208 : i32
      %add3A_1403 = vector.broadcast %add3A_1402 : i32 to vector<16xi32>
      %add3A_1404 = arith.addi %iota3A, %add3A_1403 : vector<16xi32>
      %get3A_1405 = arith.constant 464 : index
      %get3A_1406 = tpu.vector_load %arg8[%get3A_1405] {strides = array<i32>} : memref<512xi32, #tpu.memory_space<vmem>>, vector<16xi32>,
      tpu.vector_store_idx %arg6[%get3A_1406, %add3A_1404], %broadcast_in_dim3A_5 : memref<200x256xf32, #tpu.memory_space<vmem>>[vector<16xi32>, vector<16xi32>], vector<16xf32>,
      %add3A_1407 = arith.constant 224 : i32
      %add3A_1408 = vector.broadcast %add3A_1407 : i32 to vector<16xi32>
      %add3A_1409 = arith.addi %iota3A, %add3A_1408 : vector<16xi32>
      %get3A_1410 = arith.constant 480 : index
      %get3A_1411 = tpu.vector_load %arg8[%get3A_1410] {strides = array<i32>} : memref<512xi32, #tpu.memory_space<vmem>>, vector<16xi32>,
      tpu.vector_store_idx %arg6[%get3A_1411, %add3A_1409], %broadcast_in_dim3A_5 : memref<200x256xf32, #tpu.memory_space<vmem>>[vector<16xi32>, vector<16xi32>], vector<16xf32>,
      %add3A_1412 = arith.constant 240 : i32
      %add3A_1413 = vector.broadcast %add3A_1412 : i32 to vector<16xi32>
      %add3A_1414 = arith.addi %iota3A, %add3A_1413 : vector<16xi32>
      %get3A_1415 = arith.constant 496 : index
      %get3A_1416 = tpu.vector_load %arg8[%get3A_1415] {strides = array<i32>} : memref<512xi32, #tpu.memory_space<vmem>>, vector<16xi32>,
      tpu.vector_store_idx %arg6[%get3A_1416, %add3A_1414], %broadcast_in_dim3A_5 : memref<200x256xf32, #tpu.memory_space<vmem>>[vector<16xi32>, vector<16xi32>], vector<16xf32>,
      %add3A_1417 = arith.constant 0 : i32
      %add3A_1418 = vector.broadcast %add3A_1417 : i32 to vector<16xi32>
      %add3A_1419 = arith.addi %iota3A, %add3A_1418 : vector<16xi32>
      %mul3A_1420 = arith.constant 2 : i32
      %mul3A_1421 = arith.muli %mul3A_1420, %scan3A_1247 : i32
      %add3A_1422 = arith.constant 0 : i32
      %add3A_1423 = arith.addi %mul3A_1421, %add3A_1422 : i32
      %get3A_1424 = arith.index_cast %add3A_1423 : i32 to index
      %get3A_1425 = arith.constant 0 : index
      %get3A_1426 = tpu.vector_load %arg5[%get3A_1424, %get3A_1425] {strides = array<i32>} : memref<26x512xi32, #tpu.memory_space<vmem>>, vector<16xi32>,
      %max3A_1427 = arith.maxsi %get3A_1426, %broadcast_in_dim3A_7 : vector<16xi32>
      %add3A_1428 = arith.constant 0 : i32
      %add3A_1429 = vector.broadcast %add3A_1428 : i32 to vector<16xi32>
      %add3A_1430 = arith.addi %add3A_1429, %max3A_1427 : vector<16xi32>
      %sub3A_1431 = arith.constant 1 : i32
      %sub3A_1432 = vector.broadcast %sub3A_1431 : i32 to vector<16xi32>
      %sub3A_1433 = arith.subi %add3A_1430, %sub3A_1432 : vector<16xi32>
      %gt3A_1434 = arith.constant 0 : i32
      %gt3A_1435 = vector.broadcast %gt3A_1434 : i32 to vector<16xi32>
      %gt3A_1436 = arith.cmpi sgt, %get3A_1426, %gt3A_1435 : vector<16xi32>
      tpu.vector_store_idx %arg6[%sub3A_1433, %add3A_1419], %broadcast_in_dim3A_3 masked %gt3A_1436 : memref<200x256xf32, #tpu.memory_space<vmem>>[vector<16xi32>, vector<16xi32>], vector<16xf32>, vector<16xi1>
      %swap3A_1437 = arith.constant 0 : index
      %swap3A_1438 = tpu.vector_load %arg8[%swap3A_1437] {strides = array<i32>} : memref<512xi32, #tpu.memory_space<vmem>>, vector<16xi32>,
      tpu.vector_store %arg8[%swap3A_1437], %sub3A_1433 {strides = array<i32>} : memref<512xi32, #tpu.memory_space<vmem>>, vector<16xi32>,
      %add3A_1439 = arith.constant 16 : i32
      %add3A_1440 = vector.broadcast %add3A_1439 : i32 to vector<16xi32>
      %add3A_1441 = arith.addi %iota3A, %add3A_1440 : vector<16xi32>
      %mul3A_1442 = arith.constant 2 : i32
      %mul3A_1443 = arith.muli %mul3A_1442, %scan3A_1247 : i32
      %add3A_1444 = arith.constant 0 : i32
      %add3A_1445 = arith.addi %mul3A_1443, %add3A_1444 : i32
      %get3A_1446 = arith.index_cast %add3A_1445 : i32 to index
      %get3A_1447 = arith.constant 16 : index
      %get3A_1448 = tpu.vector_load %arg5[%get3A_1446, %get3A_1447] {strides = array<i32>} : memref<26x512xi32, #tpu.memory_space<vmem>>, vector<16xi32>,
      %max3A_1449 = arith.maxsi %get3A_1448, %broadcast_in_dim3A_7 : vector<16xi32>
      %add3A_1450 = arith.constant 0 : i32
      %add3A_1451 = vector.broadcast %add3A_1450 : i32 to vector<16xi32>
      %add3A_1452 = arith.addi %add3A_1451, %max3A_1449 : vector<16xi32>
      %sub3A_1453 = arith.constant 1 : i32
      %sub3A_1454 = vector.broadcast %sub3A_1453 : i32 to vector<16xi32>
      %sub3A_1455 = arith.subi %add3A_1452, %sub3A_1454 : vector<16xi32>
      %gt3A_1456 = arith.constant 0 : i32
      %gt3A_1457 = vector.broadcast %gt3A_1456 : i32 to vector<16xi32>
      %gt3A_1458 = arith.cmpi sgt, %get3A_1448, %gt3A_1457 : vector<16xi32>
      tpu.vector_store_idx %arg6[%sub3A_1455, %add3A_1441], %broadcast_in_dim3A_3 masked %gt3A_1458 : memref<200x256xf32, #tpu.memory_space<vmem>>[vector<16xi32>, vector<16xi32>], vector<16xf32>, vector<16xi1>
      %swap3A_1459 = arith.constant 16 : index
      %swap3A_1460 = tpu.vector_load %arg8[%swap3A_1459] {strides = array<i32>} : memref<512xi32, #tpu.memory_space<vmem>>, vector<16xi32>,
      tpu.vector_store %arg8[%swap3A_1459], %sub3A_1455 {strides = array<i32>} : memref<512xi32, #tpu.memory_space<vmem>>, vector<16xi32>,
      %add3A_1461 = arith.constant 32 : i32
      %add3A_1462 = vector.broadcast %add3A_1461 : i32 to vector<16xi32>
      %add3A_1463 = arith.addi %iota3A, %add3A_1462 : vector<16xi32>
      %mul3A_1464 = arith.constant 2 : i32
      %mul3A_1465 = arith.muli %mul3A_1464, %scan3A_1247 : i32
      %add3A_1466 = arith.constant 0 : i32
      %add3A_1467 = arith.addi %mul3A_1465, %add3A_1466 : i32
      %get3A_1468 = arith.index_cast %add3A_1467 : i32 to index
      %get3A_1469 = arith.constant 32 : index
      %get3A_1470 = tpu.vector_load %arg5[%get3A_1468, %get3A_1469] {strides = array<i32>} : memref<26x512xi32, #tpu.memory_space<vmem>>, vector<16xi32>,
      %max3A_1471 = arith.maxsi %get3A_1470, %broadcast_in_dim3A_7 : vector<16xi32>
      %add3A_1472 = arith.constant 0 : i32
      %add3A_1473 = vector.broadcast %add3A_1472 : i32 to vector<16xi32>
      %add3A_1474 = arith.addi %add3A_1473, %max3A_1471 : vector<16xi32>
      %sub3A_1475 = arith.constant 1 : i32
      %sub3A_1476 = vector.broadcast %sub3A_1475 : i32 to vector<16xi32>
      %sub3A_1477 = arith.subi %add3A_1474, %sub3A_1476 : vector<16xi32>
      %gt3A_1478 = arith.constant 0 : i32
      %gt3A_1479 = vector.broadcast %gt3A_1478 : i32 to vector<16xi32>
      %gt3A_1480 = arith.cmpi sgt, %get3A_1470, %gt3A_1479 : vector<16xi32>
      tpu.vector_store_idx %arg6[%sub3A_1477, %add3A_1463], %broadcast_in_dim3A_3 masked %gt3A_1480 : memref<200x256xf32, #tpu.memory_space<vmem>>[vector<16xi32>, vector<16xi32>], vector<16xf32>, vector<16xi1>
      %swap3A_1481 = arith.constant 32 : index
      %swap3A_1482 = tpu.vector_load %arg8[%swap3A_1481] {strides = array<i32>} : memref<512xi32, #tpu.memory_space<vmem>>, vector<16xi32>,
      tpu.vector_store %arg8[%swap3A_1481], %sub3A_1477 {strides = array<i32>} : memref<512xi32, #tpu.memory_space<vmem>>, vector<16xi32>,
      %add3A_1483 = arith.constant 48 : i32
      %add3A_1484 = vector.broadcast %add3A_1483 : i32 to vector<16xi32>
      %add3A_1485 = arith.addi %iota3A, %add3A_1484 : vector<16xi32>
      %mul3A_1486 = arith.constant 2 : i32
      %mul3A_1487 = arith.muli %mul3A_1486, %scan3A_1247 : i32
      %add3A_1488 = arith.constant 0 : i32
      %add3A_1489 = arith.addi %mul3A_1487, %add3A_1488 : i32
      %get3A_1490 = arith.index_cast %add3A_1489 : i32 to index
      %get3A_1491 = arith.constant 48 : index
      %get3A_1492 = tpu.vector_load %arg5[%get3A_1490, %get3A_1491] {strides = array<i32>} : memref<26x512xi32, #tpu.memory_space<vmem>>, vector<16xi32>,
      %max3A_1493 = arith.maxsi %get3A_1492, %broadcast_in_dim3A_7 : vector<16xi32>
      %add3A_1494 = arith.constant 0 : i32
      %add3A_1495 = vector.broadcast %add3A_1494 : i32 to vector<16xi32>
      %add3A_1496 = arith.addi %add3A_1495, %max3A_1493 : vector<16xi32>
      %sub3A_1497 = arith.constant 1 : i32
      %sub3A_1498 = vector.broadcast %sub3A_1497 : i32 to vector<16xi32>
      %sub3A_1499 = arith.subi %add3A_1496, %sub3A_1498 : vector<16xi32>
      %gt3A_1500 = arith.constant 0 : i32
      %gt3A_1501 = vector.broadcast %gt3A_1500 : i32 to vector<16xi32>
      %gt3A_1502 = arith.cmpi sgt, %get3A_1492, %gt3A_1501 : vector<16xi32>
      tpu.vector_store_idx %arg6[%sub3A_1499, %add3A_1485], %broadcast_in_dim3A_3 masked %gt3A_1502 : memref<200x256xf32, #tpu.memory_space<vmem>>[vector<16xi32>, vector<16xi32>], vector<16xf32>, vector<16xi1>
      %swap3A_1503 = arith.constant 48 : index
      %swap3A_1504 = tpu.vector_load %arg8[%swap3A_1503] {strides = array<i32>} : memref<512xi32, #tpu.memory_space<vmem>>, vector<16xi32>,
      tpu.vector_store %arg8[%swap3A_1503], %sub3A_1499 {strides = array<i32>} : memref<512xi32, #tpu.memory_space<vmem>>, vector<16xi32>,
      %add3A_1505 = arith.constant 64 : i32
      %add3A_1506 = vector.broadcast %add3A_1505 : i32 to vector<16xi32>
      %add3A_1507 = arith.addi %iota3A, %add3A_1506 : vector<16xi32>
      %mul3A_1508 = arith.constant 2 : i32
      %mul3A_1509 = arith.muli %mul3A_1508, %scan3A_1247 : i32
      %add3A_1510 = arith.constant 0 : i32
      %add3A_1511 = arith.addi %mul3A_1509, %add3A_1510 : i32
      %get3A_1512 = arith.index_cast %add3A_1511 : i32 to index
      %get3A_1513 = arith.constant 64 : index
      %get3A_1514 = tpu.vector_load %arg5[%get3A_1512, %get3A_1513] {strides = array<i32>} : memref<26x512xi32, #tpu.memory_space<vmem>>, vector<16xi32>,
      %max3A_1515 = arith.maxsi %get3A_1514, %broadcast_in_dim3A_7 : vector<16xi32>
      %add3A_1516 = arith.constant 0 : i32
      %add3A_1517 = vector.broadcast %add3A_1516 : i32 to vector<16xi32>
      %add3A_1518 = arith.addi %add3A_1517, %max3A_1515 : vector<16xi32>
      %sub3A_1519 = arith.constant 1 : i32
      %sub3A_1520 = vector.broadcast %sub3A_1519 : i32 to vector<16xi32>
      %sub3A_1521 = arith.subi %add3A_1518, %sub3A_1520 : vector<16xi32>
      %gt3A_1522 = arith.constant 0 : i32
      %gt3A_1523 = vector.broadcast %gt3A_1522 : i32 to vector<16xi32>
      %gt3A_1524 = arith.cmpi sgt, %get3A_1514, %gt3A_1523 : vector<16xi32>
      tpu.vector_store_idx %arg6[%sub3A_1521, %add3A_1507], %broadcast_in_dim3A_3 masked %gt3A_1524 : memref<200x256xf32, #tpu.memory_space<vmem>>[vector<16xi32>, vector<16xi32>], vector<16xf32>, vector<16xi1>
      %swap3A_1525 = arith.constant 64 : index
      %swap3A_1526 = tpu.vector_load %arg8[%swap3A_1525] {strides = array<i32>} : memref<512xi32, #tpu.memory_space<vmem>>, vector<16xi32>,
      tpu.vector_store %arg8[%swap3A_1525], %sub3A_1521 {strides = array<i32>} : memref<512xi32, #tpu.memory_space<vmem>>, vector<16xi32>,
      %add3A_1527 = arith.constant 80 : i32
      %add3A_1528 = vector.broadcast %add3A_1527 : i32 to vector<16xi32>
      %add3A_1529 = arith.addi %iota3A, %add3A_1528 : vector<16xi32>
      %mul3A_1530 = arith.constant 2 : i32
      %mul3A_1531 = arith.muli %mul3A_1530, %scan3A_1247 : i32
      %add3A_1532 = arith.constant 0 : i32
      %add3A_1533 = arith.addi %mul3A_1531, %add3A_1532 : i32
      %get3A_1534 = arith.index_cast %add3A_1533 : i32 to index
      %get3A_1535 = arith.constant 80 : index
      %get3A_1536 = tpu.vector_load %arg5[%get3A_1534, %get3A_1535] {strides = array<i32>} : memref<26x512xi32, #tpu.memory_space<vmem>>, vector<16xi32>,
      %max3A_1537 = arith.maxsi %get3A_1536, %broadcast_in_dim3A_7 : vector<16xi32>
      %add3A_1538 = arith.constant 0 : i32
      %add3A_1539 = vector.broadcast %add3A_1538 : i32 to vector<16xi32>
      %add3A_1540 = arith.addi %add3A_1539, %max3A_1537 : vector<16xi32>
      %sub3A_1541 = arith.constant 1 : i32
      %sub3A_1542 = vector.broadcast %sub3A_1541 : i32 to vector<16xi32>
      %sub3A_1543 = arith.subi %add3A_1540, %sub3A_1542 : vector<16xi32>
      %gt3A_1544 = arith.constant 0 : i32
      %gt3A_1545 = vector.broadcast %gt3A_1544 : i32 to vector<16xi32>
      %gt3A_1546 = arith.cmpi sgt, %get3A_1536, %gt3A_1545 : vector<16xi32>
      tpu.vector_store_idx %arg6[%sub3A_1543, %add3A_1529], %broadcast_in_dim3A_3 masked %gt3A_1546 : memref<200x256xf32, #tpu.memory_space<vmem>>[vector<16xi32>, vector<16xi32>], vector<16xf32>, vector<16xi1>
      %swap3A_1547 = arith.constant 80 : index
      %swap3A_1548 = tpu.vector_load %arg8[%swap3A_1547] {strides = array<i32>} : memref<512xi32, #tpu.memory_space<vmem>>, vector<16xi32>,
      tpu.vector_store %arg8[%swap3A_1547], %sub3A_1543 {strides = array<i32>} : memref<512xi32, #tpu.memory_space<vmem>>, vector<16xi32>,
      %add3A_1549 = arith.constant 96 : i32
      %add3A_1550 = vector.broadcast %add3A_1549 : i32 to vector<16xi32>
      %add3A_1551 = arith.addi %iota3A, %add3A_1550 : vector<16xi32>
      %mul3A_1552 = arith.constant 2 : i32
      %mul3A_1553 = arith.muli %mul3A_1552, %scan3A_1247 : i32
      %add3A_1554 = arith.constant 0 : i32
      %add3A_1555 = arith.addi %mul3A_1553, %add3A_1554 : i32
      %get3A_1556 = arith.index_cast %add3A_1555 : i32 to index
      %get3A_1557 = arith.constant 96 : index
      %get3A_1558 = tpu.vector_load %arg5[%get3A_1556, %get3A_1557] {strides = array<i32>} : memref<26x512xi32, #tpu.memory_space<vmem>>, vector<16xi32>,
      %max3A_1559 = arith.maxsi %get3A_1558, %broadcast_in_dim3A_7 : vector<16xi32>
      %add3A_1560 = arith.constant 0 : i32
      %add3A_1561 = vector.broadcast %add3A_1560 : i32 to vector<16xi32>
      %add3A_1562 = arith.addi %add3A_1561, %max3A_1559 : vector<16xi32>
      %sub3A_1563 = arith.constant 1 : i32
      %sub3A_1564 = vector.broadcast %sub3A_1563 : i32 to vector<16xi32>
      %sub3A_1565 = arith.subi %add3A_1562, %sub3A_1564 : vector<16xi32>
      %gt3A_1566 = arith.constant 0 : i32
      %gt3A_1567 = vector.broadcast %gt3A_1566 : i32 to vector<16xi32>
      %gt3A_1568 = arith.cmpi sgt, %get3A_1558, %gt3A_1567 : vector<16xi32>
      tpu.vector_store_idx %arg6[%sub3A_1565, %add3A_1551], %broadcast_in_dim3A_3 masked %gt3A_1568 : memref<200x256xf32, #tpu.memory_space<vmem>>[vector<16xi32>, vector<16xi32>], vector<16xf32>, vector<16xi1>
      %swap3A_1569 = arith.constant 96 : index
      %swap3A_1570 = tpu.vector_load %arg8[%swap3A_1569] {strides = array<i32>} : memref<512xi32, #tpu.memory_space<vmem>>, vector<16xi32>,
      tpu.vector_store %arg8[%swap3A_1569], %sub3A_1565 {strides = array<i32>} : memref<512xi32, #tpu.memory_space<vmem>>, vector<16xi32>,
      %add3A_1571 = arith.constant 112 : i32
      %add3A_1572 = vector.broadcast %add3A_1571 : i32 to vector<16xi32>
      %add3A_1573 = arith.addi %iota3A, %add3A_1572 : vector<16xi32>
      %mul3A_1574 = arith.constant 2 : i32
      %mul3A_1575 = arith.muli %mul3A_1574, %scan3A_1247 : i32
      %add3A_1576 = arith.constant 0 : i32
      %add3A_1577 = arith.addi %mul3A_1575, %add3A_1576 : i32
      %get3A_1578 = arith.index_cast %add3A_1577 : i32 to index
      %get3A_1579 = arith.constant 112 : index
      %get3A_1580 = tpu.vector_load %arg5[%get3A_1578, %get3A_1579] {strides = array<i32>} : memref<26x512xi32, #tpu.memory_space<vmem>>, vector<16xi32>,
      %max3A_1581 = arith.maxsi %get3A_1580, %broadcast_in_dim3A_7 : vector<16xi32>
      %add3A_1582 = arith.constant 0 : i32
      %add3A_1583 = vector.broadcast %add3A_1582 : i32 to vector<16xi32>
      %add3A_1584 = arith.addi %add3A_1583, %max3A_1581 : vector<16xi32>
      %sub3A_1585 = arith.constant 1 : i32
      %sub3A_1586 = vector.broadcast %sub3A_1585 : i32 to vector<16xi32>
      %sub3A_1587 = arith.subi %add3A_1584, %sub3A_1586 : vector<16xi32>
      %gt3A_1588 = arith.constant 0 : i32
      %gt3A_1589 = vector.broadcast %gt3A_1588 : i32 to vector<16xi32>
      %gt3A_1590 = arith.cmpi sgt, %get3A_1580, %gt3A_1589 : vector<16xi32>
      tpu.vector_store_idx %arg6[%sub3A_1587, %add3A_1573], %broadcast_in_dim3A_3 masked %gt3A_1590 : memref<200x256xf32, #tpu.memory_space<vmem>>[vector<16xi32>, vector<16xi32>], vector<16xf32>, vector<16xi1>
      %swap3A_1591 = arith.constant 112 : index
      %swap3A_1592 = tpu.vector_load %arg8[%swap3A_1591] {strides = array<i32>} : memref<512xi32, #tpu.memory_space<vmem>>, vector<16xi32>,
      tpu.vector_store %arg8[%swap3A_1591], %sub3A_1587 {strides = array<i32>} : memref<512xi32, #tpu.memory_space<vmem>>, vector<16xi32>,
      %add3A_1593 = arith.constant 128 : i32
      %add3A_1594 = vector.broadcast %add3A_1593 : i32 to vector<16xi32>
      %add3A_1595 = arith.addi %iota3A, %add3A_1594 : vector<16xi32>
      %mul3A_1596 = arith.constant 2 : i32
      %mul3A_1597 = arith.muli %mul3A_1596, %scan3A_1247 : i32
      %add3A_1598 = arith.constant 0 : i32
      %add3A_1599 = arith.addi %mul3A_1597, %add3A_1598 : i32
      %get3A_1600 = arith.index_cast %add3A_1599 : i32 to index
      %get3A_1601 = arith.constant 128 : index
      %get3A_1602 = tpu.vector_load %arg5[%get3A_1600, %get3A_1601] {strides = array<i32>} : memref<26x512xi32, #tpu.memory_space<vmem>>, vector<16xi32>,
      %max3A_1603 = arith.maxsi %get3A_1602, %broadcast_in_dim3A_7 : vector<16xi32>
      %add3A_1604 = arith.constant 0 : i32
      %add3A_1605 = vector.broadcast %add3A_1604 : i32 to vector<16xi32>
      %add3A_1606 = arith.addi %add3A_1605, %max3A_1603 : vector<16xi32>
      %sub3A_1607 = arith.constant 1 : i32
      %sub3A_1608 = vector.broadcast %sub3A_1607 : i32 to vector<16xi32>
      %sub3A_1609 = arith.subi %add3A_1606, %sub3A_1608 : vector<16xi32>
      %gt3A_1610 = arith.constant 0 : i32
      %gt3A_1611 = vector.broadcast %gt3A_1610 : i32 to vector<16xi32>
      %gt3A_1612 = arith.cmpi sgt, %get3A_1602, %gt3A_1611 : vector<16xi32>
      tpu.vector_store_idx %arg6[%sub3A_1609, %add3A_1595], %broadcast_in_dim3A_3 masked %gt3A_1612 : memref<200x256xf32, #tpu.memory_space<vmem>>[vector<16xi32>, vector<16xi32>], vector<16xf32>, vector<16xi1>
      %swap3A_1613 = arith.constant 128 : index
      %swap3A_1614 = tpu.vector_load %arg8[%swap3A_1613] {strides = array<i32>} : memref<512xi32, #tpu.memory_space<vmem>>, vector<16xi32>,
      tpu.vector_store %arg8[%swap3A_1613], %sub3A_1609 {strides = array<i32>} : memref<512xi32, #tpu.memory_space<vmem>>, vector<16xi32>,
      %add3A_1615 = arith.constant 144 : i32
      %add3A_1616 = vector.broadcast %add3A_1615 : i32 to vector<16xi32>
      %add3A_1617 = arith.addi %iota3A, %add3A_1616 : vector<16xi32>
      %mul3A_1618 = arith.constant 2 : i32
      %mul3A_1619 = arith.muli %mul3A_1618, %scan3A_1247 : i32
      %add3A_1620 = arith.constant 0 : i32
      %add3A_1621 = arith.addi %mul3A_1619, %add3A_1620 : i32
      %get3A_1622 = arith.index_cast %add3A_1621 : i32 to index
      %get3A_1623 = arith.constant 144 : index
      %get3A_1624 = tpu.vector_load %arg5[%get3A_1622, %get3A_1623] {strides = array<i32>} : memref<26x512xi32, #tpu.memory_space<vmem>>, vector<16xi32>,
      %max3A_1625 = arith.maxsi %get3A_1624, %broadcast_in_dim3A_7 : vector<16xi32>
      %add3A_1626 = arith.constant 0 : i32
      %add3A_1627 = vector.broadcast %add3A_1626 : i32 to vector<16xi32>
      %add3A_1628 = arith.addi %add3A_1627, %max3A_1625 : vector<16xi32>
      %sub3A_1629 = arith.constant 1 : i32
      %sub3A_1630 = vector.broadcast %sub3A_1629 : i32 to vector<16xi32>
      %sub3A_1631 = arith.subi %add3A_1628, %sub3A_1630 : vector<16xi32>
      %gt3A_1632 = arith.constant 0 : i32
      %gt3A_1633 = vector.broadcast %gt3A_1632 : i32 to vector<16xi32>
      %gt3A_1634 = arith.cmpi sgt, %get3A_1624, %gt3A_1633 : vector<16xi32>
      tpu.vector_store_idx %arg6[%sub3A_1631, %add3A_1617], %broadcast_in_dim3A_3 masked %gt3A_1634 : memref<200x256xf32, #tpu.memory_space<vmem>>[vector<16xi32>, vector<16xi32>], vector<16xf32>, vector<16xi1>
      %swap3A_1635 = arith.constant 144 : index
      %swap3A_1636 = tpu.vector_load %arg8[%swap3A_1635] {strides = array<i32>} : memref<512xi32, #tpu.memory_space<vmem>>, vector<16xi32>,
      tpu.vector_store %arg8[%swap3A_1635], %sub3A_1631 {strides = array<i32>} : memref<512xi32, #tpu.memory_space<vmem>>, vector<16xi32>,
      %add3A_1637 = arith.constant 160 : i32
      %add3A_1638 = vector.broadcast %add3A_1637 : i32 to vector<16xi32>
      %add3A_1639 = arith.addi %iota3A, %add3A_1638 : vector<16xi32>
      %mul3A_1640 = arith.constant 2 : i32
      %mul3A_1641 = arith.muli %mul3A_1640, %scan3A_1247 : i32
      %add3A_1642 = arith.constant 0 : i32
      %add3A_1643 = arith.addi %mul3A_1641, %add3A_1642 : i32
      %get3A_1644 = arith.index_cast %add3A_1643 : i32 to index
      %get3A_1645 = arith.constant 160 : index
      %get3A_1646 = tpu.vector_load %arg5[%get3A_1644, %get3A_1645] {strides = array<i32>} : memref<26x512xi32, #tpu.memory_space<vmem>>, vector<16xi32>,
      %max3A_1647 = arith.maxsi %get3A_1646, %broadcast_in_dim3A_7 : vector<16xi32>
      %add3A_1648 = arith.constant 0 : i32
      %add3A_1649 = vector.broadcast %add3A_1648 : i32 to vector<16xi32>
      %add3A_1650 = arith.addi %add3A_1649, %max3A_1647 : vector<16xi32>
      %sub3A_1651 = arith.constant 1 : i32
      %sub3A_1652 = vector.broadcast %sub3A_1651 : i32 to vector<16xi32>
      %sub3A_1653 = arith.subi %add3A_1650, %sub3A_1652 : vector<16xi32>
      %gt3A_1654 = arith.constant 0 : i32
      %gt3A_1655 = vector.broadcast %gt3A_1654 : i32 to vector<16xi32>
      %gt3A_1656 = arith.cmpi sgt, %get3A_1646, %gt3A_1655 : vector<16xi32>
      tpu.vector_store_idx %arg6[%sub3A_1653, %add3A_1639], %broadcast_in_dim3A_3 masked %gt3A_1656 : memref<200x256xf32, #tpu.memory_space<vmem>>[vector<16xi32>, vector<16xi32>], vector<16xf32>, vector<16xi1>
      %swap3A_1657 = arith.constant 160 : index
      %swap3A_1658 = tpu.vector_load %arg8[%swap3A_1657] {strides = array<i32>} : memref<512xi32, #tpu.memory_space<vmem>>, vector<16xi32>,
      tpu.vector_store %arg8[%swap3A_1657], %sub3A_1653 {strides = array<i32>} : memref<512xi32, #tpu.memory_space<vmem>>, vector<16xi32>,
      %add3A_1659 = arith.constant 176 : i32
      %add3A_1660 = vector.broadcast %add3A_1659 : i32 to vector<16xi32>
      %add3A_1661 = arith.addi %iota3A, %add3A_1660 : vector<16xi32>
      %mul3A_1662 = arith.constant 2 : i32
      %mul3A_1663 = arith.muli %mul3A_1662, %scan3A_1247 : i32
      %add3A_1664 = arith.constant 0 : i32
      %add3A_1665 = arith.addi %mul3A_1663, %add3A_1664 : i32
      %get3A_1666 = arith.index_cast %add3A_1665 : i32 to index
      %get3A_1667 = arith.constant 176 : index
      %get3A_1668 = tpu.vector_load %arg5[%get3A_1666, %get3A_1667] {strides = array<i32>} : memref<26x512xi32, #tpu.memory_space<vmem>>, vector<16xi32>,
      %max3A_1669 = arith.maxsi %get3A_1668, %broadcast_in_dim3A_7 : vector<16xi32>
      %add3A_1670 = arith.constant 0 : i32
      %add3A_1671 = vector.broadcast %add3A_1670 : i32 to vector<16xi32>
      %add3A_1672 = arith.addi %add3A_1671, %max3A_1669 : vector<16xi32>
      %sub3A_1673 = arith.constant 1 : i32
      %sub3A_1674 = vector.broadcast %sub3A_1673 : i32 to vector<16xi32>
      %sub3A_1675 = arith.subi %add3A_1672, %sub3A_1674 : vector<16xi32>
      %gt3A_1676 = arith.constant 0 : i32
      %gt3A_1677 = vector.broadcast %gt3A_1676 : i32 to vector<16xi32>
      %gt3A_1678 = arith.cmpi sgt, %get3A_1668, %gt3A_1677 : vector<16xi32>
      tpu.vector_store_idx %arg6[%sub3A_1675, %add3A_1661], %broadcast_in_dim3A_3 masked %gt3A_1678 : memref<200x256xf32, #tpu.memory_space<vmem>>[vector<16xi32>, vector<16xi32>], vector<16xf32>, vector<16xi1>
      %swap3A_1679 = arith.constant 176 : index
      %swap3A_1680 = tpu.vector_load %arg8[%swap3A_1679] {strides = array<i32>} : memref<512xi32, #tpu.memory_space<vmem>>, vector<16xi32>,
      tpu.vector_store %arg8[%swap3A_1679], %sub3A_1675 {strides = array<i32>} : memref<512xi32, #tpu.memory_space<vmem>>, vector<16xi32>,
      %add3A_1681 = arith.constant 192 : i32
      %add3A_1682 = vector.broadcast %add3A_1681 : i32 to vector<16xi32>
      %add3A_1683 = arith.addi %iota3A, %add3A_1682 : vector<16xi32>
      %mul3A_1684 = arith.constant 2 : i32
      %mul3A_1685 = arith.muli %mul3A_1684, %scan3A_1247 : i32
      %add3A_1686 = arith.constant 0 : i32
      %add3A_1687 = arith.addi %mul3A_1685, %add3A_1686 : i32
      %get3A_1688 = arith.index_cast %add3A_1687 : i32 to index
      %get3A_1689 = arith.constant 192 : index
      %get3A_1690 = tpu.vector_load %arg5[%get3A_1688, %get3A_1689] {strides = array<i32>} : memref<26x512xi32, #tpu.memory_space<vmem>>, vector<16xi32>,
      %max3A_1691 = arith.maxsi %get3A_1690, %broadcast_in_dim3A_7 : vector<16xi32>
      %add3A_1692 = arith.constant 0 : i32
      %add3A_1693 = vector.broadcast %add3A_1692 : i32 to vector<16xi32>
      %add3A_1694 = arith.addi %add3A_1693, %max3A_1691 : vector<16xi32>
      %sub3A_1695 = arith.constant 1 : i32
      %sub3A_1696 = vector.broadcast %sub3A_1695 : i32 to vector<16xi32>
      %sub3A_1697 = arith.subi %add3A_1694, %sub3A_1696 : vector<16xi32>
      %gt3A_1698 = arith.constant 0 : i32
      %gt3A_1699 = vector.broadcast %gt3A_1698 : i32 to vector<16xi32>
      %gt3A_1700 = arith.cmpi sgt, %get3A_1690, %gt3A_1699 : vector<16xi32>
      tpu.vector_store_idx %arg6[%sub3A_1697, %add3A_1683], %broadcast_in_dim3A_3 masked %gt3A_1700 : memref<200x256xf32, #tpu.memory_space<vmem>>[vector<16xi32>, vector<16xi32>], vector<16xf32>, vector<16xi1>
      %swap3A_1701 = arith.constant 192 : index
      %swap3A_1702 = tpu.vector_load %arg8[%swap3A_1701] {strides = array<i32>} : memref<512xi32, #tpu.memory_space<vmem>>, vector<16xi32>,
      tpu.vector_store %arg8[%swap3A_1701], %sub3A_1697 {strides = array<i32>} : memref<512xi32, #tpu.memory_space<vmem>>, vector<16xi32>,
      %add3A_1703 = arith.constant 208 : i32
      %add3A_1704 = vector.broadcast %add3A_1703 : i32 to vector<16xi32>
      %add3A_1705 = arith.addi %iota3A, %add3A_1704 : vector<16xi32>
      %mul3A_1706 = arith.constant 2 : i32
      %mul3A_1707 = arith.muli %mul3A_1706, %scan3A_1247 : i32
      %add3A_1708 = arith.constant 0 : i32
      %add3A_1709 = arith.addi %mul3A_1707, %add3A_1708 : i32
      %get3A_1710 = arith.index_cast %add3A_1709 : i32 to index
      %get3A_1711 = arith.constant 208 : index
      %get3A_1712 = tpu.vector_load %arg5[%get3A_1710, %get3A_1711] {strides = array<i32>} : memref<26x512xi32, #tpu.memory_space<vmem>>, vector<16xi32>,
      %max3A_1713 = arith.maxsi %get3A_1712, %broadcast_in_dim3A_7 : vector<16xi32>
      %add3A_1714 = arith.constant 0 : i32
      %add3A_1715 = vector.broadcast %add3A_1714 : i32 to vector<16xi32>
      %add3A_1716 = arith.addi %add3A_1715, %max3A_1713 : vector<16xi32>
      %sub3A_1717 = arith.constant 1 : i32
      %sub3A_1718 = vector.broadcast %sub3A_1717 : i32 to vector<16xi32>
      %sub3A_1719 = arith.subi %add3A_1716, %sub3A_1718 : vector<16xi32>
      %gt3A_1720 = arith.constant 0 : i32
      %gt3A_1721 = vector.broadcast %gt3A_1720 : i32 to vector<16xi32>
      %gt3A_1722 = arith.cmpi sgt, %get3A_1712, %gt3A_1721 : vector<16xi32>
      tpu.vector_store_idx %arg6[%sub3A_1719, %add3A_1705], %broadcast_in_dim3A_3 masked %gt3A_1722 : memref<200x256xf32, #tpu.memory_space<vmem>>[vector<16xi32>, vector<16xi32>], vector<16xf32>, vector<16xi1>
      %swap3A_1723 = arith.constant 208 : index
      %swap3A_1724 = tpu.vector_load %arg8[%swap3A_1723] {strides = array<i32>} : memref<512xi32, #tpu.memory_space<vmem>>, vector<16xi32>,
      tpu.vector_store %arg8[%swap3A_1723], %sub3A_1719 {strides = array<i32>} : memref<512xi32, #tpu.memory_space<vmem>>, vector<16xi32>,
      %add3A_1725 = arith.constant 224 : i32
      %add3A_1726 = vector.broadcast %add3A_1725 : i32 to vector<16xi32>
      %add3A_1727 = arith.addi %iota3A, %add3A_1726 : vector<16xi32>
      %mul3A_1728 = arith.constant 2 : i32
      %mul3A_1729 = arith.muli %mul3A_1728, %scan3A_1247 : i32
      %add3A_1730 = arith.constant 0 : i32
      %add3A_1731 = arith.addi %mul3A_1729, %add3A_1730 : i32
      %get3A_1732 = arith.index_cast %add3A_1731 : i32 to index
      %get3A_1733 = arith.constant 224 : index
      %get3A_1734 = tpu.vector_load %arg5[%get3A_1732, %get3A_1733] {strides = array<i32>} : memref<26x512xi32, #tpu.memory_space<vmem>>, vector<16xi32>,
      %max3A_1735 = arith.maxsi %get3A_1734, %broadcast_in_dim3A_7 : vector<16xi32>
      %add3A_1736 = arith.constant 0 : i32
      %add3A_1737 = vector.broadcast %add3A_1736 : i32 to vector<16xi32>
      %add3A_1738 = arith.addi %add3A_1737, %max3A_1735 : vector<16xi32>
      %sub3A_1739 = arith.constant 1 : i32
      %sub3A_1740 = vector.broadcast %sub3A_1739 : i32 to vector<16xi32>
      %sub3A_1741 = arith.subi %add3A_1738, %sub3A_1740 : vector<16xi32>
      %gt3A_1742 = arith.constant 0 : i32
      %gt3A_1743 = vector.broadcast %gt3A_1742 : i32 to vector<16xi32>
      %gt3A_1744 = arith.cmpi sgt, %get3A_1734, %gt3A_1743 : vector<16xi32>
      tpu.vector_store_idx %arg6[%sub3A_1741, %add3A_1727], %broadcast_in_dim3A_3 masked %gt3A_1744 : memref<200x256xf32, #tpu.memory_space<vmem>>[vector<16xi32>, vector<16xi32>], vector<16xf32>, vector<16xi1>
      %swap3A_1745 = arith.constant 224 : index
      %swap3A_1746 = tpu.vector_load %arg8[%swap3A_1745] {strides = array<i32>} : memref<512xi32, #tpu.memory_space<vmem>>, vector<16xi32>,
      tpu.vector_store %arg8[%swap3A_1745], %sub3A_1741 {strides = array<i32>} : memref<512xi32, #tpu.memory_space<vmem>>, vector<16xi32>,
      %add3A_1747 = arith.constant 240 : i32
      %add3A_1748 = vector.broadcast %add3A_1747 : i32 to vector<16xi32>
      %add3A_1749 = arith.addi %iota3A, %add3A_1748 : vector<16xi32>
      %mul3A_1750 = arith.constant 2 : i32
      %mul3A_1751 = arith.muli %mul3A_1750, %scan3A_1247 : i32
      %add3A_1752 = arith.constant 0 : i32
      %add3A_1753 = arith.addi %mul3A_1751, %add3A_1752 : i32
      %get3A_1754 = arith.index_cast %add3A_1753 : i32 to index
      %get3A_1755 = arith.constant 240 : index
      %get3A_1756 = tpu.vector_load %arg5[%get3A_1754, %get3A_1755] {strides = array<i32>} : memref<26x512xi32, #tpu.memory_space<vmem>>, vector<16xi32>,
      %max3A_1757 = arith.maxsi %get3A_1756, %broadcast_in_dim3A_7 : vector<16xi32>
      %add3A_1758 = arith.constant 0 : i32
      %add3A_1759 = vector.broadcast %add3A_1758 : i32 to vector<16xi32>
      %add3A_1760 = arith.addi %add3A_1759, %max3A_1757 : vector<16xi32>
      %sub3A_1761 = arith.constant 1 : i32
      %sub3A_1762 = vector.broadcast %sub3A_1761 : i32 to vector<16xi32>
      %sub3A_1763 = arith.subi %add3A_1760, %sub3A_1762 : vector<16xi32>
      %gt3A_1764 = arith.constant 0 : i32
      %gt3A_1765 = vector.broadcast %gt3A_1764 : i32 to vector<16xi32>
      %gt3A_1766 = arith.cmpi sgt, %get3A_1756, %gt3A_1765 : vector<16xi32>
      tpu.vector_store_idx %arg6[%sub3A_1763, %add3A_1749], %broadcast_in_dim3A_3 masked %gt3A_1766 : memref<200x256xf32, #tpu.memory_space<vmem>>[vector<16xi32>, vector<16xi32>], vector<16xf32>, vector<16xi1>
      %swap3A_1767 = arith.constant 240 : index
      %swap3A_1768 = tpu.vector_load %arg8[%swap3A_1767] {strides = array<i32>} : memref<512xi32, #tpu.memory_space<vmem>>, vector<16xi32>,
      tpu.vector_store %arg8[%swap3A_1767], %sub3A_1763 {strides = array<i32>} : memref<512xi32, #tpu.memory_space<vmem>>, vector<16xi32>,
      %add3A_1769 = arith.constant 0 : i32
      %add3A_1770 = vector.broadcast %add3A_1769 : i32 to vector<16xi32>
      %add3A_1771 = arith.addi %iota3A, %add3A_1770 : vector<16xi32>
      %mul3A_1772 = arith.constant 2 : i32
      %mul3A_1773 = arith.muli %mul3A_1772, %scan3A_1247 : i32
      %add3A_1774 = arith.constant 1 : i32
      %add3A_1775 = arith.addi %mul3A_1773, %add3A_1774 : i32
      %get3A_1776 = arith.index_cast %add3A_1775 : i32 to index
      %get3A_1777 = arith.constant 0 : index
      %get3A_1778 = tpu.vector_load %arg5[%get3A_1776, %get3A_1777] {strides = array<i32>} : memref<26x512xi32, #tpu.memory_space<vmem>>, vector<16xi32>,
      %max3A_1779 = arith.maxsi %get3A_1778, %broadcast_in_dim3A_7 : vector<16xi32>
      %add3A_1780 = arith.constant 100 : i32
      %add3A_1781 = vector.broadcast %add3A_1780 : i32 to vector<16xi32>
      %add3A_1782 = arith.addi %add3A_1781, %max3A_1779 : vector<16xi32>
      %sub3A_1783 = arith.constant 1 : i32
      %sub3A_1784 = vector.broadcast %sub3A_1783 : i32 to vector<16xi32>
      %sub3A_1785 = arith.subi %add3A_1782, %sub3A_1784 : vector<16xi32>
      %gt3A_1786 = arith.constant 0 : i32
      %gt3A_1787 = vector.broadcast %gt3A_1786 : i32 to vector<16xi32>
      %gt3A_1788 = arith.cmpi sgt, %get3A_1778, %gt3A_1787 : vector<16xi32>
      tpu.vector_store_idx %arg6[%sub3A_1785, %add3A_1771], %broadcast_in_dim3A_3 masked %gt3A_1788 : memref<200x256xf32, #tpu.memory_space<vmem>>[vector<16xi32>, vector<16xi32>], vector<16xf32>, vector<16xi1>
      %swap3A_1789 = arith.constant 256 : index
      %swap3A_1790 = tpu.vector_load %arg8[%swap3A_1789] {strides = array<i32>} : memref<512xi32, #tpu.memory_space<vmem>>, vector<16xi32>,
      tpu.vector_store %arg8[%swap3A_1789], %sub3A_1785 {strides = array<i32>} : memref<512xi32, #tpu.memory_space<vmem>>, vector<16xi32>,
      %add3A_1791 = arith.constant 16 : i32
      %add3A_1792 = vector.broadcast %add3A_1791 : i32 to vector<16xi32>
      %add3A_1793 = arith.addi %iota3A, %add3A_1792 : vector<16xi32>
      %mul3A_1794 = arith.constant 2 : i32
      %mul3A_1795 = arith.muli %mul3A_1794, %scan3A_1247 : i32
      %add3A_1796 = arith.constant 1 : i32
      %add3A_1797 = arith.addi %mul3A_1795, %add3A_1796 : i32
      %get3A_1798 = arith.index_cast %add3A_1797 : i32 to index
      %get3A_1799 = arith.constant 16 : index
      %get3A_1800 = tpu.vector_load %arg5[%get3A_1798, %get3A_1799] {strides = array<i32>} : memref<26x512xi32, #tpu.memory_space<vmem>>, vector<16xi32>,
      %max3A_1801 = arith.maxsi %get3A_1800, %broadcast_in_dim3A_7 : vector<16xi32>
      %add3A_1802 = arith.constant 100 : i32
      %add3A_1803 = vector.broadcast %add3A_1802 : i32 to vector<16xi32>
      %add3A_1804 = arith.addi %add3A_1803, %max3A_1801 : vector<16xi32>
      %sub3A_1805 = arith.constant 1 : i32
      %sub3A_1806 = vector.broadcast %sub3A_1805 : i32 to vector<16xi32>
      %sub3A_1807 = arith.subi %add3A_1804, %sub3A_1806 : vector<16xi32>
      %gt3A_1808 = arith.constant 0 : i32
      %gt3A_1809 = vector.broadcast %gt3A_1808 : i32 to vector<16xi32>
      %gt3A_1810 = arith.cmpi sgt, %get3A_1800, %gt3A_1809 : vector<16xi32>
      tpu.vector_store_idx %arg6[%sub3A_1807, %add3A_1793], %broadcast_in_dim3A_3 masked %gt3A_1810 : memref<200x256xf32, #tpu.memory_space<vmem>>[vector<16xi32>, vector<16xi32>], vector<16xf32>, vector<16xi1>
      %swap3A_1811 = arith.constant 272 : index
      %swap3A_1812 = tpu.vector_load %arg8[%swap3A_1811] {strides = array<i32>} : memref<512xi32, #tpu.memory_space<vmem>>, vector<16xi32>,
      tpu.vector_store %arg8[%swap3A_1811], %sub3A_1807 {strides = array<i32>} : memref<512xi32, #tpu.memory_space<vmem>>, vector<16xi32>,
      %add3A_1813 = arith.constant 32 : i32
      %add3A_1814 = vector.broadcast %add3A_1813 : i32 to vector<16xi32>
      %add3A_1815 = arith.addi %iota3A, %add3A_1814 : vector<16xi32>
      %mul3A_1816 = arith.constant 2 : i32
      %mul3A_1817 = arith.muli %mul3A_1816, %scan3A_1247 : i32
      %add3A_1818 = arith.constant 1 : i32
      %add3A_1819 = arith.addi %mul3A_1817, %add3A_1818 : i32
      %get3A_1820 = arith.index_cast %add3A_1819 : i32 to index
      %get3A_1821 = arith.constant 32 : index
      %get3A_1822 = tpu.vector_load %arg5[%get3A_1820, %get3A_1821] {strides = array<i32>} : memref<26x512xi32, #tpu.memory_space<vmem>>, vector<16xi32>,
      %max3A_1823 = arith.maxsi %get3A_1822, %broadcast_in_dim3A_7 : vector<16xi32>
      %add3A_1824 = arith.constant 100 : i32
      %add3A_1825 = vector.broadcast %add3A_1824 : i32 to vector<16xi32>
      %add3A_1826 = arith.addi %add3A_1825, %max3A_1823 : vector<16xi32>
      %sub3A_1827 = arith.constant 1 : i32
      %sub3A_1828 = vector.broadcast %sub3A_1827 : i32 to vector<16xi32>
      %sub3A_1829 = arith.subi %add3A_1826, %sub3A_1828 : vector<16xi32>
      %gt3A_1830 = arith.constant 0 : i32
      %gt3A_1831 = vector.broadcast %gt3A_1830 : i32 to vector<16xi32>
      %gt3A_1832 = arith.cmpi sgt, %get3A_1822, %gt3A_1831 : vector<16xi32>
      tpu.vector_store_idx %arg6[%sub3A_1829, %add3A_1815], %broadcast_in_dim3A_3 masked %gt3A_1832 : memref<200x256xf32, #tpu.memory_space<vmem>>[vector<16xi32>, vector<16xi32>], vector<16xf32>, vector<16xi1>
      %swap3A_1833 = arith.constant 288 : index
      %swap3A_1834 = tpu.vector_load %arg8[%swap3A_1833] {strides = array<i32>} : memref<512xi32, #tpu.memory_space<vmem>>, vector<16xi32>,
      tpu.vector_store %arg8[%swap3A_1833], %sub3A_1829 {strides = array<i32>} : memref<512xi32, #tpu.memory_space<vmem>>, vector<16xi32>,
      %add3A_1835 = arith.constant 48 : i32
      %add3A_1836 = vector.broadcast %add3A_1835 : i32 to vector<16xi32>
      %add3A_1837 = arith.addi %iota3A, %add3A_1836 : vector<16xi32>
      %mul3A_1838 = arith.constant 2 : i32
      %mul3A_1839 = arith.muli %mul3A_1838, %scan3A_1247 : i32
      %add3A_1840 = arith.constant 1 : i32
      %add3A_1841 = arith.addi %mul3A_1839, %add3A_1840 : i32
      %get3A_1842 = arith.index_cast %add3A_1841 : i32 to index
      %get3A_1843 = arith.constant 48 : index
      %get3A_1844 = tpu.vector_load %arg5[%get3A_1842, %get3A_1843] {strides = array<i32>} : memref<26x512xi32, #tpu.memory_space<vmem>>, vector<16xi32>,
      %max3A_1845 = arith.maxsi %get3A_1844, %broadcast_in_dim3A_7 : vector<16xi32>
      %add3A_1846 = arith.constant 100 : i32
      %add3A_1847 = vector.broadcast %add3A_1846 : i32 to vector<16xi32>
      %add3A_1848 = arith.addi %add3A_1847, %max3A_1845 : vector<16xi32>
      %sub3A_1849 = arith.constant 1 : i32
      %sub3A_1850 = vector.broadcast %sub3A_1849 : i32 to vector<16xi32>
      %sub3A_1851 = arith.subi %add3A_1848, %sub3A_1850 : vector<16xi32>
      %gt3A_1852 = arith.constant 0 : i32
      %gt3A_1853 = vector.broadcast %gt3A_1852 : i32 to vector<16xi32>
      %gt3A_1854 = arith.cmpi sgt, %get3A_1844, %gt3A_1853 : vector<16xi32>
      tpu.vector_store_idx %arg6[%sub3A_1851, %add3A_1837], %broadcast_in_dim3A_3 masked %gt3A_1854 : memref<200x256xf32, #tpu.memory_space<vmem>>[vector<16xi32>, vector<16xi32>], vector<16xf32>, vector<16xi1>
      %swap3A_1855 = arith.constant 304 : index
      %swap3A_1856 = tpu.vector_load %arg8[%swap3A_1855] {strides = array<i32>} : memref<512xi32, #tpu.memory_space<vmem>>, vector<16xi32>,
      tpu.vector_store %arg8[%swap3A_1855], %sub3A_1851 {strides = array<i32>} : memref<512xi32, #tpu.memory_space<vmem>>, vector<16xi32>,
      %add3A_1857 = arith.constant 64 : i32
      %add3A_1858 = vector.broadcast %add3A_1857 : i32 to vector<16xi32>
      %add3A_1859 = arith.addi %iota3A, %add3A_1858 : vector<16xi32>
      %mul3A_1860 = arith.constant 2 : i32
      %mul3A_1861 = arith.muli %mul3A_1860, %scan3A_1247 : i32
      %add3A_1862 = arith.constant 1 : i32
      %add3A_1863 = arith.addi %mul3A_1861, %add3A_1862 : i32
      %get3A_1864 = arith.index_cast %add3A_1863 : i32 to index
      %get3A_1865 = arith.constant 64 : index
      %get3A_1866 = tpu.vector_load %arg5[%get3A_1864, %get3A_1865] {strides = array<i32>} : memref<26x512xi32, #tpu.memory_space<vmem>>, vector<16xi32>,
      %max3A_1867 = arith.maxsi %get3A_1866, %broadcast_in_dim3A_7 : vector<16xi32>
      %add3A_1868 = arith.constant 100 : i32
      %add3A_1869 = vector.broadcast %add3A_1868 : i32 to vector<16xi32>
      %add3A_1870 = arith.addi %add3A_1869, %max3A_1867 : vector<16xi32>
      %sub3A_1871 = arith.constant 1 : i32
      %sub3A_1872 = vector.broadcast %sub3A_1871 : i32 to vector<16xi32>
      %sub3A_1873 = arith.subi %add3A_1870, %sub3A_1872 : vector<16xi32>
      %gt3A_1874 = arith.constant 0 : i32
      %gt3A_1875 = vector.broadcast %gt3A_1874 : i32 to vector<16xi32>
      %gt3A_1876 = arith.cmpi sgt, %get3A_1866, %gt3A_1875 : vector<16xi32>
      tpu.vector_store_idx %arg6[%sub3A_1873, %add3A_1859], %broadcast_in_dim3A_3 masked %gt3A_1876 : memref<200x256xf32, #tpu.memory_space<vmem>>[vector<16xi32>, vector<16xi32>], vector<16xf32>, vector<16xi1>
      %swap3A_1877 = arith.constant 320 : index
      %swap3A_1878 = tpu.vector_load %arg8[%swap3A_1877] {strides = array<i32>} : memref<512xi32, #tpu.memory_space<vmem>>, vector<16xi32>,
      tpu.vector_store %arg8[%swap3A_1877], %sub3A_1873 {strides = array<i32>} : memref<512xi32, #tpu.memory_space<vmem>>, vector<16xi32>,
      %add3A_1879 = arith.constant 80 : i32
      %add3A_1880 = vector.broadcast %add3A_1879 : i32 to vector<16xi32>
      %add3A_1881 = arith.addi %iota3A, %add3A_1880 : vector<16xi32>
      %mul3A_1882 = arith.constant 2 : i32
      %mul3A_1883 = arith.muli %mul3A_1882, %scan3A_1247 : i32
      %add3A_1884 = arith.constant 1 : i32
      %add3A_1885 = arith.addi %mul3A_1883, %add3A_1884 : i32
      %get3A_1886 = arith.index_cast %add3A_1885 : i32 to index
      %get3A_1887 = arith.constant 80 : index
      %get3A_1888 = tpu.vector_load %arg5[%get3A_1886, %get3A_1887] {strides = array<i32>} : memref<26x512xi32, #tpu.memory_space<vmem>>, vector<16xi32>,
      %max3A_1889 = arith.maxsi %get3A_1888, %broadcast_in_dim3A_7 : vector<16xi32>
      %add3A_1890 = arith.constant 100 : i32
      %add3A_1891 = vector.broadcast %add3A_1890 : i32 to vector<16xi32>
      %add3A_1892 = arith.addi %add3A_1891, %max3A_1889 : vector<16xi32>
      %sub3A_1893 = arith.constant 1 : i32
      %sub3A_1894 = vector.broadcast %sub3A_1893 : i32 to vector<16xi32>
      %sub3A_1895 = arith.subi %add3A_1892, %sub3A_1894 : vector<16xi32>
      %gt3A_1896 = arith.constant 0 : i32
      %gt3A_1897 = vector.broadcast %gt3A_1896 : i32 to vector<16xi32>
      %gt3A_1898 = arith.cmpi sgt, %get3A_1888, %gt3A_1897 : vector<16xi32>
      tpu.vector_store_idx %arg6[%sub3A_1895, %add3A_1881], %broadcast_in_dim3A_3 masked %gt3A_1898 : memref<200x256xf32, #tpu.memory_space<vmem>>[vector<16xi32>, vector<16xi32>], vector<16xf32>, vector<16xi1>
      %swap3A_1899 = arith.constant 336 : index
      %swap3A_1900 = tpu.vector_load %arg8[%swap3A_1899] {strides = array<i32>} : memref<512xi32, #tpu.memory_space<vmem>>, vector<16xi32>,
      tpu.vector_store %arg8[%swap3A_1899], %sub3A_1895 {strides = array<i32>} : memref<512xi32, #tpu.memory_space<vmem>>, vector<16xi32>,
      %add3A_1901 = arith.constant 96 : i32
      %add3A_1902 = vector.broadcast %add3A_1901 : i32 to vector<16xi32>
      %add3A_1903 = arith.addi %iota3A, %add3A_1902 : vector<16xi32>
      %mul3A_1904 = arith.constant 2 : i32
      %mul3A_1905 = arith.muli %mul3A_1904, %scan3A_1247 : i32
      %add3A_1906 = arith.constant 1 : i32
      %add3A_1907 = arith.addi %mul3A_1905, %add3A_1906 : i32
      %get3A_1908 = arith.index_cast %add3A_1907 : i32 to index
      %get3A_1909 = arith.constant 96 : index
      %get3A_1910 = tpu.vector_load %arg5[%get3A_1908, %get3A_1909] {strides = array<i32>} : memref<26x512xi32, #tpu.memory_space<vmem>>, vector<16xi32>,
      %max3A_1911 = arith.maxsi %get3A_1910, %broadcast_in_dim3A_7 : vector<16xi32>
      %add3A_1912 = arith.constant 100 : i32
      %add3A_1913 = vector.broadcast %add3A_1912 : i32 to vector<16xi32>
      %add3A_1914 = arith.addi %add3A_1913, %max3A_1911 : vector<16xi32>
      %sub3A_1915 = arith.constant 1 : i32
      %sub3A_1916 = vector.broadcast %sub3A_1915 : i32 to vector<16xi32>
      %sub3A_1917 = arith.subi %add3A_1914, %sub3A_1916 : vector<16xi32>
      %gt3A_1918 = arith.constant 0 : i32
      %gt3A_1919 = vector.broadcast %gt3A_1918 : i32 to vector<16xi32>
      %gt3A_1920 = arith.cmpi sgt, %get3A_1910, %gt3A_1919 : vector<16xi32>
      tpu.vector_store_idx %arg6[%sub3A_1917, %add3A_1903], %broadcast_in_dim3A_3 masked %gt3A_1920 : memref<200x256xf32, #tpu.memory_space<vmem>>[vector<16xi32>, vector<16xi32>], vector<16xf32>, vector<16xi1>
      %swap3A_1921 = arith.constant 352 : index
      %swap3A_1922 = tpu.vector_load %arg8[%swap3A_1921] {strides = array<i32>} : memref<512xi32, #tpu.memory_space<vmem>>, vector<16xi32>,
      tpu.vector_store %arg8[%swap3A_1921], %sub3A_1917 {strides = array<i32>} : memref<512xi32, #tpu.memory_space<vmem>>, vector<16xi32>,
      %add3A_1923 = arith.constant 112 : i32
      %add3A_1924 = vector.broadcast %add3A_1923 : i32 to vector<16xi32>
      %add3A_1925 = arith.addi %iota3A, %add3A_1924 : vector<16xi32>
      %mul3A_1926 = arith.constant 2 : i32
      %mul3A_1927 = arith.muli %mul3A_1926, %scan3A_1247 : i32
      %add3A_1928 = arith.constant 1 : i32
      %add3A_1929 = arith.addi %mul3A_1927, %add3A_1928 : i32
      %get3A_1930 = arith.index_cast %add3A_1929 : i32 to index
      %get3A_1931 = arith.constant 112 : index
      %get3A_1932 = tpu.vector_load %arg5[%get3A_1930, %get3A_1931] {strides = array<i32>} : memref<26x512xi32, #tpu.memory_space<vmem>>, vector<16xi32>,
      %max3A_1933 = arith.maxsi %get3A_1932, %broadcast_in_dim3A_7 : vector<16xi32>
      %add3A_1934 = arith.constant 100 : i32
      %add3A_1935 = vector.broadcast %add3A_1934 : i32 to vector<16xi32>
      %add3A_1936 = arith.addi %add3A_1935, %max3A_1933 : vector<16xi32>
      %sub3A_1937 = arith.constant 1 : i32
      %sub3A_1938 = vector.broadcast %sub3A_1937 : i32 to vector<16xi32>
      %sub3A_1939 = arith.subi %add3A_1936, %sub3A_1938 : vector<16xi32>
      %gt3A_1940 = arith.constant 0 : i32
      %gt3A_1941 = vector.broadcast %gt3A_1940 : i32 to vector<16xi32>
      %gt3A_1942 = arith.cmpi sgt, %get3A_1932, %gt3A_1941 : vector<16xi32>
      tpu.vector_store_idx %arg6[%sub3A_1939, %add3A_1925], %broadcast_in_dim3A_3 masked %gt3A_1942 : memref<200x256xf32, #tpu.memory_space<vmem>>[vector<16xi32>, vector<16xi32>], vector<16xf32>, vector<16xi1>
      %swap3A_1943 = arith.constant 368 : index
      %swap3A_1944 = tpu.vector_load %arg8[%swap3A_1943] {strides = array<i32>} : memref<512xi32, #tpu.memory_space<vmem>>, vector<16xi32>,
      tpu.vector_store %arg8[%swap3A_1943], %sub3A_1939 {strides = array<i32>} : memref<512xi32, #tpu.memory_space<vmem>>, vector<16xi32>,
      %add3A_1945 = arith.constant 128 : i32
      %add3A_1946 = vector.broadcast %add3A_1945 : i32 to vector<16xi32>
      %add3A_1947 = arith.addi %iota3A, %add3A_1946 : vector<16xi32>
      %mul3A_1948 = arith.constant 2 : i32
      %mul3A_1949 = arith.muli %mul3A_1948, %scan3A_1247 : i32
      %add3A_1950 = arith.constant 1 : i32
      %add3A_1951 = arith.addi %mul3A_1949, %add3A_1950 : i32
      %get3A_1952 = arith.index_cast %add3A_1951 : i32 to index
      %get3A_1953 = arith.constant 128 : index
      %get3A_1954 = tpu.vector_load %arg5[%get3A_1952, %get3A_1953] {strides = array<i32>} : memref<26x512xi32, #tpu.memory_space<vmem>>, vector<16xi32>,
      %max3A_1955 = arith.maxsi %get3A_1954, %broadcast_in_dim3A_7 : vector<16xi32>
      %add3A_1956 = arith.constant 100 : i32
      %add3A_1957 = vector.broadcast %add3A_1956 : i32 to vector<16xi32>
      %add3A_1958 = arith.addi %add3A_1957, %max3A_1955 : vector<16xi32>
      %sub3A_1959 = arith.constant 1 : i32
      %sub3A_1960 = vector.broadcast %sub3A_1959 : i32 to vector<16xi32>
      %sub3A_1961 = arith.subi %add3A_1958, %sub3A_1960 : vector<16xi32>
      %gt3A_1962 = arith.constant 0 : i32
      %gt3A_1963 = vector.broadcast %gt3A_1962 : i32 to vector<16xi32>
      %gt3A_1964 = arith.cmpi sgt, %get3A_1954, %gt3A_1963 : vector<16xi32>
      tpu.vector_store_idx %arg6[%sub3A_1961, %add3A_1947], %broadcast_in_dim3A_3 masked %gt3A_1964 : memref<200x256xf32, #tpu.memory_space<vmem>>[vector<16xi32>, vector<16xi32>], vector<16xf32>, vector<16xi1>
      %swap3A_1965 = arith.constant 384 : index
      %swap3A_1966 = tpu.vector_load %arg8[%swap3A_1965] {strides = array<i32>} : memref<512xi32, #tpu.memory_space<vmem>>, vector<16xi32>,
      tpu.vector_store %arg8[%swap3A_1965], %sub3A_1961 {strides = array<i32>} : memref<512xi32, #tpu.memory_space<vmem>>, vector<16xi32>,
      %add3A_1967 = arith.constant 144 : i32
      %add3A_1968 = vector.broadcast %add3A_1967 : i32 to vector<16xi32>
      %add3A_1969 = arith.addi %iota3A, %add3A_1968 : vector<16xi32>
      %mul3A_1970 = arith.constant 2 : i32
      %mul3A_1971 = arith.muli %mul3A_1970, %scan3A_1247 : i32
      %add3A_1972 = arith.constant 1 : i32
      %add3A_1973 = arith.addi %mul3A_1971, %add3A_1972 : i32
      %get3A_1974 = arith.index_cast %add3A_1973 : i32 to index
      %get3A_1975 = arith.constant 144 : index
      %get3A_1976 = tpu.vector_load %arg5[%get3A_1974, %get3A_1975] {strides = array<i32>} : memref<26x512xi32, #tpu.memory_space<vmem>>, vector<16xi32>,
      %max3A_1977 = arith.maxsi %get3A_1976, %broadcast_in_dim3A_7 : vector<16xi32>
      %add3A_1978 = arith.constant 100 : i32
      %add3A_1979 = vector.broadcast %add3A_1978 : i32 to vector<16xi32>
      %add3A_1980 = arith.addi %add3A_1979, %max3A_1977 : vector<16xi32>
      %sub3A_1981 = arith.constant 1 : i32
      %sub3A_1982 = vector.broadcast %sub3A_1981 : i32 to vector<16xi32>
      %sub3A_1983 = arith.subi %add3A_1980, %sub3A_1982 : vector<16xi32>
      %gt3A_1984 = arith.constant 0 : i32
      %gt3A_1985 = vector.broadcast %gt3A_1984 : i32 to vector<16xi32>
      %gt3A_1986 = arith.cmpi sgt, %get3A_1976, %gt3A_1985 : vector<16xi32>
      tpu.vector_store_idx %arg6[%sub3A_1983, %add3A_1969], %broadcast_in_dim3A_3 masked %gt3A_1986 : memref<200x256xf32, #tpu.memory_space<vmem>>[vector<16xi32>, vector<16xi32>], vector<16xf32>, vector<16xi1>
      %swap3A_1987 = arith.constant 400 : index
      %swap3A_1988 = tpu.vector_load %arg8[%swap3A_1987] {strides = array<i32>} : memref<512xi32, #tpu.memory_space<vmem>>, vector<16xi32>,
      tpu.vector_store %arg8[%swap3A_1987], %sub3A_1983 {strides = array<i32>} : memref<512xi32, #tpu.memory_space<vmem>>, vector<16xi32>,
      %add3A_1989 = arith.constant 160 : i32
      %add3A_1990 = vector.broadcast %add3A_1989 : i32 to vector<16xi32>
      %add3A_1991 = arith.addi %iota3A, %add3A_1990 : vector<16xi32>
      %mul3A_1992 = arith.constant 2 : i32
      %mul3A_1993 = arith.muli %mul3A_1992, %scan3A_1247 : i32
      %add3A_1994 = arith.constant 1 : i32
      %add3A_1995 = arith.addi %mul3A_1993, %add3A_1994 : i32
      %get3A_1996 = arith.index_cast %add3A_1995 : i32 to index
      %get3A_1997 = arith.constant 160 : index
      %get3A_1998 = tpu.vector_load %arg5[%get3A_1996, %get3A_1997] {strides = array<i32>} : memref<26x512xi32, #tpu.memory_space<vmem>>, vector<16xi32>,
      %max3A_1999 = arith.maxsi %get3A_1998, %broadcast_in_dim3A_7 : vector<16xi32>
      %add3A_2000 = arith.constant 100 : i32
      %add3A_2001 = vector.broadcast %add3A_2000 : i32 to vector<16xi32>
      %add3A_2002 = arith.addi %add3A_2001, %max3A_1999 : vector<16xi32>
      %sub3A_2003 = arith.constant 1 : i32
      %sub3A_2004 = vector.broadcast %sub3A_2003 : i32 to vector<16xi32>
      %sub3A_2005 = arith.subi %add3A_2002, %sub3A_2004 : vector<16xi32>
      %gt3A_2006 = arith.constant 0 : i32
      %gt3A_2007 = vector.broadcast %gt3A_2006 : i32 to vector<16xi32>
      %gt3A_2008 = arith.cmpi sgt, %get3A_1998, %gt3A_2007 : vector<16xi32>
      tpu.vector_store_idx %arg6[%sub3A_2005, %add3A_1991], %broadcast_in_dim3A_3 masked %gt3A_2008 : memref<200x256xf32, #tpu.memory_space<vmem>>[vector<16xi32>, vector<16xi32>], vector<16xf32>, vector<16xi1>
      %swap3A_2009 = arith.constant 416 : index
      %swap3A_2010 = tpu.vector_load %arg8[%swap3A_2009] {strides = array<i32>} : memref<512xi32, #tpu.memory_space<vmem>>, vector<16xi32>,
      tpu.vector_store %arg8[%swap3A_2009], %sub3A_2005 {strides = array<i32>} : memref<512xi32, #tpu.memory_space<vmem>>, vector<16xi32>,
      %add3A_2011 = arith.constant 176 : i32
      %add3A_2012 = vector.broadcast %add3A_2011 : i32 to vector<16xi32>
      %add3A_2013 = arith.addi %iota3A, %add3A_2012 : vector<16xi32>
      %mul3A_2014 = arith.constant 2 : i32
      %mul3A_2015 = arith.muli %mul3A_2014, %scan3A_1247 : i32
      %add3A_2016 = arith.constant 1 : i32
      %add3A_2017 = arith.addi %mul3A_2015, %add3A_2016 : i32
      %get3A_2018 = arith.index_cast %add3A_2017 : i32 to index
      %get3A_2019 = arith.constant 176 : index
      %get3A_2020 = tpu.vector_load %arg5[%get3A_2018, %get3A_2019] {strides = array<i32>} : memref<26x512xi32, #tpu.memory_space<vmem>>, vector<16xi32>,
      %max3A_2021 = arith.maxsi %get3A_2020, %broadcast_in_dim3A_7 : vector<16xi32>
      %add3A_2022 = arith.constant 100 : i32
      %add3A_2023 = vector.broadcast %add3A_2022 : i32 to vector<16xi32>
      %add3A_2024 = arith.addi %add3A_2023, %max3A_2021 : vector<16xi32>
      %sub3A_2025 = arith.constant 1 : i32
      %sub3A_2026 = vector.broadcast %sub3A_2025 : i32 to vector<16xi32>
      %sub3A_2027 = arith.subi %add3A_2024, %sub3A_2026 : vector<16xi32>
      %gt3A_2028 = arith.constant 0 : i32
      %gt3A_2029 = vector.broadcast %gt3A_2028 : i32 to vector<16xi32>
      %gt3A_2030 = arith.cmpi sgt, %get3A_2020, %gt3A_2029 : vector<16xi32>
      tpu.vector_store_idx %arg6[%sub3A_2027, %add3A_2013], %broadcast_in_dim3A_3 masked %gt3A_2030 : memref<200x256xf32, #tpu.memory_space<vmem>>[vector<16xi32>, vector<16xi32>], vector<16xf32>, vector<16xi1>
      %swap3A_2031 = arith.constant 432 : index
      %swap3A_2032 = tpu.vector_load %arg8[%swap3A_2031] {strides = array<i32>} : memref<512xi32, #tpu.memory_space<vmem>>, vector<16xi32>,
      tpu.vector_store %arg8[%swap3A_2031], %sub3A_2027 {strides = array<i32>} : memref<512xi32, #tpu.memory_space<vmem>>, vector<16xi32>,
      %add3A_2033 = arith.constant 192 : i32
      %add3A_2034 = vector.broadcast %add3A_2033 : i32 to vector<16xi32>
      %add3A_2035 = arith.addi %iota3A, %add3A_2034 : vector<16xi32>
      %mul3A_2036 = arith.constant 2 : i32
      %mul3A_2037 = arith.muli %mul3A_2036, %scan3A_1247 : i32
      %add3A_2038 = arith.constant 1 : i32
      %add3A_2039 = arith.addi %mul3A_2037, %add3A_2038 : i32
      %get3A_2040 = arith.index_cast %add3A_2039 : i32 to index
      %get3A_2041 = arith.constant 192 : index
      %get3A_2042 = tpu.vector_load %arg5[%get3A_2040, %get3A_2041] {strides = array<i32>} : memref<26x512xi32, #tpu.memory_space<vmem>>, vector<16xi32>,
      %max3A_2043 = arith.maxsi %get3A_2042, %broadcast_in_dim3A_7 : vector<16xi32>
      %add3A_2044 = arith.constant 100 : i32
      %add3A_2045 = vector.broadcast %add3A_2044 : i32 to vector<16xi32>
      %add3A_2046 = arith.addi %add3A_2045, %max3A_2043 : vector<16xi32>
      %sub3A_2047 = arith.constant 1 : i32
      %sub3A_2048 = vector.broadcast %sub3A_2047 : i32 to vector<16xi32>
      %sub3A_2049 = arith.subi %add3A_2046, %sub3A_2048 : vector<16xi32>
      %gt3A_2050 = arith.constant 0 : i32
      %gt3A_2051 = vector.broadcast %gt3A_2050 : i32 to vector<16xi32>
      %gt3A_2052 = arith.cmpi sgt, %get3A_2042, %gt3A_2051 : vector<16xi32>
      tpu.vector_store_idx %arg6[%sub3A_2049, %add3A_2035], %broadcast_in_dim3A_3 masked %gt3A_2052 : memref<200x256xf32, #tpu.memory_space<vmem>>[vector<16xi32>, vector<16xi32>], vector<16xf32>, vector<16xi1>
      %swap3A_2053 = arith.constant 448 : index
      %swap3A_2054 = tpu.vector_load %arg8[%swap3A_2053] {strides = array<i32>} : memref<512xi32, #tpu.memory_space<vmem>>, vector<16xi32>,
      tpu.vector_store %arg8[%swap3A_2053], %sub3A_2049 {strides = array<i32>} : memref<512xi32, #tpu.memory_space<vmem>>, vector<16xi32>,
      %add3A_2055 = arith.constant 208 : i32
      %add3A_2056 = vector.broadcast %add3A_2055 : i32 to vector<16xi32>
      %add3A_2057 = arith.addi %iota3A, %add3A_2056 : vector<16xi32>
      %mul3A_2058 = arith.constant 2 : i32
      %mul3A_2059 = arith.muli %mul3A_2058, %scan3A_1247 : i32
      %add3A_2060 = arith.constant 1 : i32
      %add3A_2061 = arith.addi %mul3A_2059, %add3A_2060 : i32
      %get3A_2062 = arith.index_cast %add3A_2061 : i32 to index
      %get3A_2063 = arith.constant 208 : index
      %get3A_2064 = tpu.vector_load %arg5[%get3A_2062, %get3A_2063] {strides = array<i32>} : memref<26x512xi32, #tpu.memory_space<vmem>>, vector<16xi32>,
      %max3A_2065 = arith.maxsi %get3A_2064, %broadcast_in_dim3A_7 : vector<16xi32>
      %add3A_2066 = arith.constant 100 : i32
      %add3A_2067 = vector.broadcast %add3A_2066 : i32 to vector<16xi32>
      %add3A_2068 = arith.addi %add3A_2067, %max3A_2065 : vector<16xi32>
      %sub3A_2069 = arith.constant 1 : i32
      %sub3A_2070 = vector.broadcast %sub3A_2069 : i32 to vector<16xi32>
      %sub3A_2071 = arith.subi %add3A_2068, %sub3A_2070 : vector<16xi32>
      %gt3A_2072 = arith.constant 0 : i32
      %gt3A_2073 = vector.broadcast %gt3A_2072 : i32 to vector<16xi32>
      %gt3A_2074 = arith.cmpi sgt, %get3A_2064, %gt3A_2073 : vector<16xi32>
      tpu.vector_store_idx %arg6[%sub3A_2071, %add3A_2057], %broadcast_in_dim3A_3 masked %gt3A_2074 : memref<200x256xf32, #tpu.memory_space<vmem>>[vector<16xi32>, vector<16xi32>], vector<16xf32>, vector<16xi1>
      %swap3A_2075 = arith.constant 464 : index
      %swap3A_2076 = tpu.vector_load %arg8[%swap3A_2075] {strides = array<i32>} : memref<512xi32, #tpu.memory_space<vmem>>, vector<16xi32>,
      tpu.vector_store %arg8[%swap3A_2075], %sub3A_2071 {strides = array<i32>} : memref<512xi32, #tpu.memory_space<vmem>>, vector<16xi32>,
      %add3A_2077 = arith.constant 224 : i32
      %add3A_2078 = vector.broadcast %add3A_2077 : i32 to vector<16xi32>
      %add3A_2079 = arith.addi %iota3A, %add3A_2078 : vector<16xi32>
      %mul3A_2080 = arith.constant 2 : i32
      %mul3A_2081 = arith.muli %mul3A_2080, %scan3A_1247 : i32
      %add3A_2082 = arith.constant 1 : i32
      %add3A_2083 = arith.addi %mul3A_2081, %add3A_2082 : i32
      %get3A_2084 = arith.index_cast %add3A_2083 : i32 to index
      %get3A_2085 = arith.constant 224 : index
      %get3A_2086 = tpu.vector_load %arg5[%get3A_2084, %get3A_2085] {strides = array<i32>} : memref<26x512xi32, #tpu.memory_space<vmem>>, vector<16xi32>,
      %max3A_2087 = arith.maxsi %get3A_2086, %broadcast_in_dim3A_7 : vector<16xi32>
      %add3A_2088 = arith.constant 100 : i32
      %add3A_2089 = vector.broadcast %add3A_2088 : i32 to vector<16xi32>
      %add3A_2090 = arith.addi %add3A_2089, %max3A_2087 : vector<16xi32>
      %sub3A_2091 = arith.constant 1 : i32
      %sub3A_2092 = vector.broadcast %sub3A_2091 : i32 to vector<16xi32>
      %sub3A_2093 = arith.subi %add3A_2090, %sub3A_2092 : vector<16xi32>
      %gt3A_2094 = arith.constant 0 : i32
      %gt3A_2095 = vector.broadcast %gt3A_2094 : i32 to vector<16xi32>
      %gt3A_2096 = arith.cmpi sgt, %get3A_2086, %gt3A_2095 : vector<16xi32>
      tpu.vector_store_idx %arg6[%sub3A_2093, %add3A_2079], %broadcast_in_dim3A_3 masked %gt3A_2096 : memref<200x256xf32, #tpu.memory_space<vmem>>[vector<16xi32>, vector<16xi32>], vector<16xf32>, vector<16xi1>
      %swap3A_2097 = arith.constant 480 : index
      %swap3A_2098 = tpu.vector_load %arg8[%swap3A_2097] {strides = array<i32>} : memref<512xi32, #tpu.memory_space<vmem>>, vector<16xi32>,
      tpu.vector_store %arg8[%swap3A_2097], %sub3A_2093 {strides = array<i32>} : memref<512xi32, #tpu.memory_space<vmem>>, vector<16xi32>,
      %add3A_2099 = arith.constant 240 : i32
      %add3A_2100 = vector.broadcast %add3A_2099 : i32 to vector<16xi32>
      %add3A_2101 = arith.addi %iota3A, %add3A_2100 : vector<16xi32>
      %mul3A_2102 = arith.constant 2 : i32
      %mul3A_2103 = arith.muli %mul3A_2102, %scan3A_1247 : i32
      %add3A_2104 = arith.constant 1 : i32
      %add3A_2105 = arith.addi %mul3A_2103, %add3A_2104 : i32
      %get3A_2106 = arith.index_cast %add3A_2105 : i32 to index
      %get3A_2107 = arith.constant 240 : index
      %get3A_2108 = tpu.vector_load %arg5[%get3A_2106, %get3A_2107] {strides = array<i32>} : memref<26x512xi32, #tpu.memory_space<vmem>>, vector<16xi32>,
      %max3A_2109 = arith.maxsi %get3A_2108, %broadcast_in_dim3A_7 : vector<16xi32>
      %add3A_2110 = arith.constant 100 : i32
      %add3A_2111 = vector.broadcast %add3A_2110 : i32 to vector<16xi32>
      %add3A_2112 = arith.addi %add3A_2111, %max3A_2109 : vector<16xi32>
      %sub3A_2113 = arith.constant 1 : i32
      %sub3A_2114 = vector.broadcast %sub3A_2113 : i32 to vector<16xi32>
      %sub3A_2115 = arith.subi %add3A_2112, %sub3A_2114 : vector<16xi32>
      %gt3A_2116 = arith.constant 0 : i32
      %gt3A_2117 = vector.broadcast %gt3A_2116 : i32 to vector<16xi32>
      %gt3A_2118 = arith.cmpi sgt, %get3A_2108, %gt3A_2117 : vector<16xi32>
      tpu.vector_store_idx %arg6[%sub3A_2115, %add3A_2101], %broadcast_in_dim3A_3 masked %gt3A_2118 : memref<200x256xf32, #tpu.memory_space<vmem>>[vector<16xi32>, vector<16xi32>], vector<16xf32>, vector<16xi1>
      %swap3A_2119 = arith.constant 496 : index
      %swap3A_2120 = tpu.vector_load %arg8[%swap3A_2119] {strides = array<i32>} : memref<512xi32, #tpu.memory_space<vmem>>, vector<16xi32>,
      tpu.vector_store %arg8[%swap3A_2119], %sub3A_2115 {strides = array<i32>} : memref<512xi32, #tpu.memory_space<vmem>>, vector<16xi32>,
      %mul3A_2121 = arith.constant 200 : i32
      %mul3A_2122 = arith.muli %scan3A_1247, %mul3A_2121 : i32
      %add3A_2123 = arith.constant 0 : i32
      %add3A_2124 = arith.addi %mul3A_2, %add3A_2123 : i32
      %dma_start3A_2125 = tpu.memref_slice %arg4[%mul3A_2122, %add3A_2124] : memref<2600x16384xf32, #tpu.memory_space<hbm>> -> memref<200x256xf32, #tpu.memory_space<hbm>>
      %dma_start3A_2126 = tpu.memref_slice %arg4[%mul3A_2122, %add3A_2124] : memref<2600x16384xf32, #tpu.memory_space<hbm>> -> memref<200x256xf32, #tpu.memory_space<hbm>>
      tpu.enqueue_dma source(%arg6 : memref<200x256xf32, #tpu.memory_space<vmem>>) target(%dma_start3A_2126 : memref<200x256xf32, #tpu.memory_space<hbm>>) target_semaphore(%arg10 : memref<!tpu.dma_semaphore, #tpu.memory_space<semaphore_mem>>)
      %sub3A_2127 = arith.constant 1 : i32
      %sub3A_2128 = arith.subi %scan3A_1247, %sub3A_2127 : i32
      %mul3A_2129 = arith.constant 200 : i32
      %mul3A_2130 = arith.muli %sub3A_2128, %mul3A_2129 : i32
      %add3A_2131 = arith.constant 256 : i32
      %add3A_2132 = arith.addi %mul3A_2, %add3A_2131 : i32
      %dma_wait3A_2133 = tpu.memref_slice %arg4[%mul3A_2130, %add3A_2132] : memref<2600x16384xf32, #tpu.memory_space<hbm>> -> memref<200x256xf32, #tpu.memory_space<hbm>>
      %dma_wait3A_2134 = tpu.memref_slice %arg4[%mul3A_2130, %add3A_2132] : memref<2600x16384xf32, #tpu.memory_space<hbm>> -> memref<200x256xf32, #tpu.memory_space<hbm>>
      tpu.wait_dma2 semaphore(%arg11 : memref<!tpu.dma_semaphore, #tpu.memory_space<semaphore_mem>>) src(%arg7 : memref<200x256xf32, #tpu.memory_space<vmem>>) dst(%dma_wait3A_2134 : memref<200x256xf32, #tpu.memory_space<hbm>>)
      %add3A_2135 = arith.constant 0 : i32
      %add3A_2136 = vector.broadcast %add3A_2135 : i32 to vector<16xi32>
      %add3A_2137 = arith.addi %iota3A, %add3A_2136 : vector<16xi32>
      %get3A_2138 = arith.constant 0 : index
      %get3A_2139 = tpu.vector_load %arg9[%get3A_2138] {strides = array<i32>} : memref<512xi32, #tpu.memory_space<vmem>>, vector<16xi32>,
      tpu.vector_store_idx %arg7[%get3A_2139, %add3A_2137], %broadcast_in_dim3A_5 : memref<200x256xf32, #tpu.memory_space<vmem>>[vector<16xi32>, vector<16xi32>], vector<16xf32>,
      %add3A_2140 = arith.constant 16 : i32
      %add3A_2141 = vector.broadcast %add3A_2140 : i32 to vector<16xi32>
      %add3A_2142 = arith.addi %iota3A, %add3A_2141 : vector<16xi32>
      %get3A_2143 = arith.constant 16 : index
      %get3A_2144 = tpu.vector_load %arg9[%get3A_2143] {strides = array<i32>} : memref<512xi32, #tpu.memory_space<vmem>>, vector<16xi32>,
      tpu.vector_store_idx %arg7[%get3A_2144, %add3A_2142], %broadcast_in_dim3A_5 : memref<200x256xf32, #tpu.memory_space<vmem>>[vector<16xi32>, vector<16xi32>], vector<16xf32>,
      %add3A_2145 = arith.constant 32 : i32
      %add3A_2146 = vector.broadcast %add3A_2145 : i32 to vector<16xi32>
      %add3A_2147 = arith.addi %iota3A, %add3A_2146 : vector<16xi32>
      %get3A_2148 = arith.constant 32 : index
      %get3A_2149 = tpu.vector_load %arg9[%get3A_2148] {strides = array<i32>} : memref<512xi32, #tpu.memory_space<vmem>>, vector<16xi32>,
      tpu.vector_store_idx %arg7[%get3A_2149, %add3A_2147], %broadcast_in_dim3A_5 : memref<200x256xf32, #tpu.memory_space<vmem>>[vector<16xi32>, vector<16xi32>], vector<16xf32>,
      %add3A_2150 = arith.constant 48 : i32
      %add3A_2151 = vector.broadcast %add3A_2150 : i32 to vector<16xi32>
      %add3A_2152 = arith.addi %iota3A, %add3A_2151 : vector<16xi32>
      %get3A_2153 = arith.constant 48 : index
      %get3A_2154 = tpu.vector_load %arg9[%get3A_2153] {strides = array<i32>} : memref<512xi32, #tpu.memory_space<vmem>>, vector<16xi32>,
      tpu.vector_store_idx %arg7[%get3A_2154, %add3A_2152], %broadcast_in_dim3A_5 : memref<200x256xf32, #tpu.memory_space<vmem>>[vector<16xi32>, vector<16xi32>], vector<16xf32>,
      %add3A_2155 = arith.constant 64 : i32
      %add3A_2156 = vector.broadcast %add3A_2155 : i32 to vector<16xi32>
      %add3A_2157 = arith.addi %iota3A, %add3A_2156 : vector<16xi32>
      %get3A_2158 = arith.constant 64 : index
      %get3A_2159 = tpu.vector_load %arg9[%get3A_2158] {strides = array<i32>} : memref<512xi32, #tpu.memory_space<vmem>>, vector<16xi32>,
      tpu.vector_store_idx %arg7[%get3A_2159, %add3A_2157], %broadcast_in_dim3A_5 : memref<200x256xf32, #tpu.memory_space<vmem>>[vector<16xi32>, vector<16xi32>], vector<16xf32>,
      %add3A_2160 = arith.constant 80 : i32
      %add3A_2161 = vector.broadcast %add3A_2160 : i32 to vector<16xi32>
      %add3A_2162 = arith.addi %iota3A, %add3A_2161 : vector<16xi32>
      %get3A_2163 = arith.constant 80 : index
      %get3A_2164 = tpu.vector_load %arg9[%get3A_2163] {strides = array<i32>} : memref<512xi32, #tpu.memory_space<vmem>>, vector<16xi32>,
      tpu.vector_store_idx %arg7[%get3A_2164, %add3A_2162], %broadcast_in_dim3A_5 : memref<200x256xf32, #tpu.memory_space<vmem>>[vector<16xi32>, vector<16xi32>], vector<16xf32>,
      %add3A_2165 = arith.constant 96 : i32
      %add3A_2166 = vector.broadcast %add3A_2165 : i32 to vector<16xi32>
      %add3A_2167 = arith.addi %iota3A, %add3A_2166 : vector<16xi32>
      %get3A_2168 = arith.constant 96 : index
      %get3A_2169 = tpu.vector_load %arg9[%get3A_2168] {strides = array<i32>} : memref<512xi32, #tpu.memory_space<vmem>>, vector<16xi32>,
      tpu.vector_store_idx %arg7[%get3A_2169, %add3A_2167], %broadcast_in_dim3A_5 : memref<200x256xf32, #tpu.memory_space<vmem>>[vector<16xi32>, vector<16xi32>], vector<16xf32>,
      %add3A_2170 = arith.constant 112 : i32
      %add3A_2171 = vector.broadcast %add3A_2170 : i32 to vector<16xi32>
      %add3A_2172 = arith.addi %iota3A, %add3A_2171 : vector<16xi32>
      %get3A_2173 = arith.constant 112 : index
      %get3A_2174 = tpu.vector_load %arg9[%get3A_2173] {strides = array<i32>} : memref<512xi32, #tpu.memory_space<vmem>>, vector<16xi32>,
      tpu.vector_store_idx %arg7[%get3A_2174, %add3A_2172], %broadcast_in_dim3A_5 : memref<200x256xf32, #tpu.memory_space<vmem>>[vector<16xi32>, vector<16xi32>], vector<16xf32>,
      %add3A_2175 = arith.constant 128 : i32
      %add3A_2176 = vector.broadcast %add3A_2175 : i32 to vector<16xi32>
      %add3A_2177 = arith.addi %iota3A, %add3A_2176 : vector<16xi32>
      %get3A_2178 = arith.constant 128 : index
      %get3A_2179 = tpu.vector_load %arg9[%get3A_2178] {strides = array<i32>} : memref<512xi32, #tpu.memory_space<vmem>>, vector<16xi32>,
      tpu.vector_store_idx %arg7[%get3A_2179, %add3A_2177], %broadcast_in_dim3A_5 : memref<200x256xf32, #tpu.memory_space<vmem>>[vector<16xi32>, vector<16xi32>], vector<16xf32>,
      %add3A_2180 = arith.constant 144 : i32
      %add3A_2181 = vector.broadcast %add3A_2180 : i32 to vector<16xi32>
      %add3A_2182 = arith.addi %iota3A, %add3A_2181 : vector<16xi32>
      %get3A_2183 = arith.constant 144 : index
      %get3A_2184 = tpu.vector_load %arg9[%get3A_2183] {strides = array<i32>} : memref<512xi32, #tpu.memory_space<vmem>>, vector<16xi32>,
      tpu.vector_store_idx %arg7[%get3A_2184, %add3A_2182], %broadcast_in_dim3A_5 : memref<200x256xf32, #tpu.memory_space<vmem>>[vector<16xi32>, vector<16xi32>], vector<16xf32>,
      %add3A_2185 = arith.constant 160 : i32
      %add3A_2186 = vector.broadcast %add3A_2185 : i32 to vector<16xi32>
      %add3A_2187 = arith.addi %iota3A, %add3A_2186 : vector<16xi32>
      %get3A_2188 = arith.constant 160 : index
      %get3A_2189 = tpu.vector_load %arg9[%get3A_2188] {strides = array<i32>} : memref<512xi32, #tpu.memory_space<vmem>>, vector<16xi32>,
      tpu.vector_store_idx %arg7[%get3A_2189, %add3A_2187], %broadcast_in_dim3A_5 : memref<200x256xf32, #tpu.memory_space<vmem>>[vector<16xi32>, vector<16xi32>], vector<16xf32>,
      %add3A_2190 = arith.constant 176 : i32
      %add3A_2191 = vector.broadcast %add3A_2190 : i32 to vector<16xi32>
      %add3A_2192 = arith.addi %iota3A, %add3A_2191 : vector<16xi32>
      %get3A_2193 = arith.constant 176 : index
      %get3A_2194 = tpu.vector_load %arg9[%get3A_2193] {strides = array<i32>} : memref<512xi32, #tpu.memory_space<vmem>>, vector<16xi32>,
      tpu.vector_store_idx %arg7[%get3A_2194, %add3A_2192], %broadcast_in_dim3A_5 : memref<200x256xf32, #tpu.memory_space<vmem>>[vector<16xi32>, vector<16xi32>], vector<16xf32>,
      %add3A_2195 = arith.constant 192 : i32
      %add3A_2196 = vector.broadcast %add3A_2195 : i32 to vector<16xi32>
      %add3A_2197 = arith.addi %iota3A, %add3A_2196 : vector<16xi32>
      %get3A_2198 = arith.constant 192 : index
      %get3A_2199 = tpu.vector_load %arg9[%get3A_2198] {strides = array<i32>} : memref<512xi32, #tpu.memory_space<vmem>>, vector<16xi32>,
      tpu.vector_store_idx %arg7[%get3A_2199, %add3A_2197], %broadcast_in_dim3A_5 : memref<200x256xf32, #tpu.memory_space<vmem>>[vector<16xi32>, vector<16xi32>], vector<16xf32>,
      %add3A_2200 = arith.constant 208 : i32
      %add3A_2201 = vector.broadcast %add3A_2200 : i32 to vector<16xi32>
      %add3A_2202 = arith.addi %iota3A, %add3A_2201 : vector<16xi32>
      %get3A_2203 = arith.constant 208 : index
      %get3A_2204 = tpu.vector_load %arg9[%get3A_2203] {strides = array<i32>} : memref<512xi32, #tpu.memory_space<vmem>>, vector<16xi32>,
      tpu.vector_store_idx %arg7[%get3A_2204, %add3A_2202], %broadcast_in_dim3A_5 : memref<200x256xf32, #tpu.memory_space<vmem>>[vector<16xi32>, vector<16xi32>], vector<16xf32>,
      %add3A_2205 = arith.constant 224 : i32
      %add3A_2206 = vector.broadcast %add3A_2205 : i32 to vector<16xi32>
      %add3A_2207 = arith.addi %iota3A, %add3A_2206 : vector<16xi32>
      %get3A_2208 = arith.constant 224 : index
      %get3A_2209 = tpu.vector_load %arg9[%get3A_2208] {strides = array<i32>} : memref<512xi32, #tpu.memory_space<vmem>>, vector<16xi32>,
      tpu.vector_store_idx %arg7[%get3A_2209, %add3A_2207], %broadcast_in_dim3A_5 : memref<200x256xf32, #tpu.memory_space<vmem>>[vector<16xi32>, vector<16xi32>], vector<16xf32>,
      %add3A_2210 = arith.constant 240 : i32
      %add3A_2211 = vector.broadcast %add3A_2210 : i32 to vector<16xi32>
      %add3A_2212 = arith.addi %iota3A, %add3A_2211 : vector<16xi32>
      %get3A_2213 = arith.constant 240 : index
      %get3A_2214 = tpu.vector_load %arg9[%get3A_2213] {strides = array<i32>} : memref<512xi32, #tpu.memory_space<vmem>>, vector<16xi32>,
      tpu.vector_store_idx %arg7[%get3A_2214, %add3A_2212], %broadcast_in_dim3A_5 : memref<200x256xf32, #tpu.memory_space<vmem>>[vector<16xi32>, vector<16xi32>], vector<16xf32>,
      %add3A_2215 = arith.constant 0 : i32
      %add3A_2216 = vector.broadcast %add3A_2215 : i32 to vector<16xi32>
      %add3A_2217 = arith.addi %iota3A, %add3A_2216 : vector<16xi32>
      %get3A_2218 = arith.constant 256 : index
      %get3A_2219 = tpu.vector_load %arg9[%get3A_2218] {strides = array<i32>} : memref<512xi32, #tpu.memory_space<vmem>>, vector<16xi32>,
      tpu.vector_store_idx %arg7[%get3A_2219, %add3A_2217], %broadcast_in_dim3A_5 : memref<200x256xf32, #tpu.memory_space<vmem>>[vector<16xi32>, vector<16xi32>], vector<16xf32>,
      %add3A_2220 = arith.constant 16 : i32
      %add3A_2221 = vector.broadcast %add3A_2220 : i32 to vector<16xi32>
      %add3A_2222 = arith.addi %iota3A, %add3A_2221 : vector<16xi32>
      %get3A_2223 = arith.constant 272 : index
      %get3A_2224 = tpu.vector_load %arg9[%get3A_2223] {strides = array<i32>} : memref<512xi32, #tpu.memory_space<vmem>>, vector<16xi32>,
      tpu.vector_store_idx %arg7[%get3A_2224, %add3A_2222], %broadcast_in_dim3A_5 : memref<200x256xf32, #tpu.memory_space<vmem>>[vector<16xi32>, vector<16xi32>], vector<16xf32>,
      %add3A_2225 = arith.constant 32 : i32
      %add3A_2226 = vector.broadcast %add3A_2225 : i32 to vector<16xi32>
      %add3A_2227 = arith.addi %iota3A, %add3A_2226 : vector<16xi32>
      %get3A_2228 = arith.constant 288 : index
      %get3A_2229 = tpu.vector_load %arg9[%get3A_2228] {strides = array<i32>} : memref<512xi32, #tpu.memory_space<vmem>>, vector<16xi32>,
      tpu.vector_store_idx %arg7[%get3A_2229, %add3A_2227], %broadcast_in_dim3A_5 : memref<200x256xf32, #tpu.memory_space<vmem>>[vector<16xi32>, vector<16xi32>], vector<16xf32>,
      %add3A_2230 = arith.constant 48 : i32
      %add3A_2231 = vector.broadcast %add3A_2230 : i32 to vector<16xi32>
      %add3A_2232 = arith.addi %iota3A, %add3A_2231 : vector<16xi32>
      %get3A_2233 = arith.constant 304 : index
      %get3A_2234 = tpu.vector_load %arg9[%get3A_2233] {strides = array<i32>} : memref<512xi32, #tpu.memory_space<vmem>>, vector<16xi32>,
      tpu.vector_store_idx %arg7[%get3A_2234, %add3A_2232], %broadcast_in_dim3A_5 : memref<200x256xf32, #tpu.memory_space<vmem>>[vector<16xi32>, vector<16xi32>], vector<16xf32>,
      %add3A_2235 = arith.constant 64 : i32
      %add3A_2236 = vector.broadcast %add3A_2235 : i32 to vector<16xi32>
      %add3A_2237 = arith.addi %iota3A, %add3A_2236 : vector<16xi32>
      %get3A_2238 = arith.constant 320 : index
      %get3A_2239 = tpu.vector_load %arg9[%get3A_2238] {strides = array<i32>} : memref<512xi32, #tpu.memory_space<vmem>>, vector<16xi32>,
      tpu.vector_store_idx %arg7[%get3A_2239, %add3A_2237], %broadcast_in_dim3A_5 : memref<200x256xf32, #tpu.memory_space<vmem>>[vector<16xi32>, vector<16xi32>], vector<16xf32>,
      %add3A_2240 = arith.constant 80 : i32
      %add3A_2241 = vector.broadcast %add3A_2240 : i32 to vector<16xi32>
      %add3A_2242 = arith.addi %iota3A, %add3A_2241 : vector<16xi32>
      %get3A_2243 = arith.constant 336 : index
      %get3A_2244 = tpu.vector_load %arg9[%get3A_2243] {strides = array<i32>} : memref<512xi32, #tpu.memory_space<vmem>>, vector<16xi32>,
      tpu.vector_store_idx %arg7[%get3A_2244, %add3A_2242], %broadcast_in_dim3A_5 : memref<200x256xf32, #tpu.memory_space<vmem>>[vector<16xi32>, vector<16xi32>], vector<16xf32>,
      %add3A_2245 = arith.constant 96 : i32
      %add3A_2246 = vector.broadcast %add3A_2245 : i32 to vector<16xi32>
      %add3A_2247 = arith.addi %iota3A, %add3A_2246 : vector<16xi32>
      %get3A_2248 = arith.constant 352 : index
      %get3A_2249 = tpu.vector_load %arg9[%get3A_2248] {strides = array<i32>} : memref<512xi32, #tpu.memory_space<vmem>>, vector<16xi32>,
      tpu.vector_store_idx %arg7[%get3A_2249, %add3A_2247], %broadcast_in_dim3A_5 : memref<200x256xf32, #tpu.memory_space<vmem>>[vector<16xi32>, vector<16xi32>], vector<16xf32>,
      %add3A_2250 = arith.constant 112 : i32
      %add3A_2251 = vector.broadcast %add3A_2250 : i32 to vector<16xi32>
      %add3A_2252 = arith.addi %iota3A, %add3A_2251 : vector<16xi32>
      %get3A_2253 = arith.constant 368 : index
      %get3A_2254 = tpu.vector_load %arg9[%get3A_2253] {strides = array<i32>} : memref<512xi32, #tpu.memory_space<vmem>>, vector<16xi32>,
      tpu.vector_store_idx %arg7[%get3A_2254, %add3A_2252], %broadcast_in_dim3A_5 : memref<200x256xf32, #tpu.memory_space<vmem>>[vector<16xi32>, vector<16xi32>], vector<16xf32>,
      %add3A_2255 = arith.constant 128 : i32
      %add3A_2256 = vector.broadcast %add3A_2255 : i32 to vector<16xi32>
      %add3A_2257 = arith.addi %iota3A, %add3A_2256 : vector<16xi32>
      %get3A_2258 = arith.constant 384 : index
      %get3A_2259 = tpu.vector_load %arg9[%get3A_2258] {strides = array<i32>} : memref<512xi32, #tpu.memory_space<vmem>>, vector<16xi32>,
      tpu.vector_store_idx %arg7[%get3A_2259, %add3A_2257], %broadcast_in_dim3A_5 : memref<200x256xf32, #tpu.memory_space<vmem>>[vector<16xi32>, vector<16xi32>], vector<16xf32>,
      %add3A_2260 = arith.constant 144 : i32
      %add3A_2261 = vector.broadcast %add3A_2260 : i32 to vector<16xi32>
      %add3A_2262 = arith.addi %iota3A, %add3A_2261 : vector<16xi32>
      %get3A_2263 = arith.constant 400 : index
      %get3A_2264 = tpu.vector_load %arg9[%get3A_2263] {strides = array<i32>} : memref<512xi32, #tpu.memory_space<vmem>>, vector<16xi32>,
      tpu.vector_store_idx %arg7[%get3A_2264, %add3A_2262], %broadcast_in_dim3A_5 : memref<200x256xf32, #tpu.memory_space<vmem>>[vector<16xi32>, vector<16xi32>], vector<16xf32>,
      %add3A_2265 = arith.constant 160 : i32
      %add3A_2266 = vector.broadcast %add3A_2265 : i32 to vector<16xi32>
      %add3A_2267 = arith.addi %iota3A, %add3A_2266 : vector<16xi32>
      %get3A_2268 = arith.constant 416 : index
      %get3A_2269 = tpu.vector_load %arg9[%get3A_2268] {strides = array<i32>} : memref<512xi32, #tpu.memory_space<vmem>>, vector<16xi32>,
      tpu.vector_store_idx %arg7[%get3A_2269, %add3A_2267], %broadcast_in_dim3A_5 : memref<200x256xf32, #tpu.memory_space<vmem>>[vector<16xi32>, vector<16xi32>], vector<16xf32>,
      %add3A_2270 = arith.constant 176 : i32
      %add3A_2271 = vector.broadcast %add3A_2270 : i32 to vector<16xi32>
      %add3A_2272 = arith.addi %iota3A, %add3A_2271 : vector<16xi32>
      %get3A_2273 = arith.constant 432 : index
      %get3A_2274 = tpu.vector_load %arg9[%get3A_2273] {strides = array<i32>} : memref<512xi32, #tpu.memory_space<vmem>>, vector<16xi32>,
      tpu.vector_store_idx %arg7[%get3A_2274, %add3A_2272], %broadcast_in_dim3A_5 : memref<200x256xf32, #tpu.memory_space<vmem>>[vector<16xi32>, vector<16xi32>], vector<16xf32>,
      %add3A_2275 = arith.constant 192 : i32
      %add3A_2276 = vector.broadcast %add3A_2275 : i32 to vector<16xi32>
      %add3A_2277 = arith.addi %iota3A, %add3A_2276 : vector<16xi32>
      %get3A_2278 = arith.constant 448 : index
      %get3A_2279 = tpu.vector_load %arg9[%get3A_2278] {strides = array<i32>} : memref<512xi32, #tpu.memory_space<vmem>>, vector<16xi32>,
      tpu.vector_store_idx %arg7[%get3A_2279, %add3A_2277], %broadcast_in_dim3A_5 : memref<200x256xf32, #tpu.memory_space<vmem>>[vector<16xi32>, vector<16xi32>], vector<16xf32>,
      %add3A_2280 = arith.constant 208 : i32
      %add3A_2281 = vector.broadcast %add3A_2280 : i32 to vector<16xi32>
      %add3A_2282 = arith.addi %iota3A, %add3A_2281 : vector<16xi32>
      %get3A_2283 = arith.constant 464 : index
      %get3A_2284 = tpu.vector_load %arg9[%get3A_2283] {strides = array<i32>} : memref<512xi32, #tpu.memory_space<vmem>>, vector<16xi32>,
      tpu.vector_store_idx %arg7[%get3A_2284, %add3A_2282], %broadcast_in_dim3A_5 : memref<200x256xf32, #tpu.memory_space<vmem>>[vector<16xi32>, vector<16xi32>], vector<16xf32>,
      %add3A_2285 = arith.constant 224 : i32
      %add3A_2286 = vector.broadcast %add3A_2285 : i32 to vector<16xi32>
      %add3A_2287 = arith.addi %iota3A, %add3A_2286 : vector<16xi32>
      %get3A_2288 = arith.constant 480 : index
      %get3A_2289 = tpu.vector_load %arg9[%get3A_2288] {strides = array<i32>} : memref<512xi32, #tpu.memory_space<vmem>>, vector<16xi32>,
      tpu.vector_store_idx %arg7[%get3A_2289, %add3A_2287], %broadcast_in_dim3A_5 : memref<200x256xf32, #tpu.memory_space<vmem>>[vector<16xi32>, vector<16xi32>], vector<16xf32>,
      %add3A_2290 = arith.constant 240 : i32
      %add3A_2291 = vector.broadcast %add3A_2290 : i32 to vector<16xi32>
      %add3A_2292 = arith.addi %iota3A, %add3A_2291 : vector<16xi32>
      %get3A_2293 = arith.constant 496 : index
      %get3A_2294 = tpu.vector_load %arg9[%get3A_2293] {strides = array<i32>} : memref<512xi32, #tpu.memory_space<vmem>>, vector<16xi32>,
      tpu.vector_store_idx %arg7[%get3A_2294, %add3A_2292], %broadcast_in_dim3A_5 : memref<200x256xf32, #tpu.memory_space<vmem>>[vector<16xi32>, vector<16xi32>], vector<16xf32>,
      %add3A_2295 = arith.constant 0 : i32
      %add3A_2296 = vector.broadcast %add3A_2295 : i32 to vector<16xi32>
      %add3A_2297 = arith.addi %iota3A, %add3A_2296 : vector<16xi32>
      %mul3A_2298 = arith.constant 2 : i32
      %mul3A_2299 = arith.muli %mul3A_2298, %scan3A_1247 : i32
      %add3A_2300 = arith.constant 0 : i32
      %add3A_2301 = arith.addi %mul3A_2299, %add3A_2300 : i32
      %get3A_2302 = arith.index_cast %add3A_2301 : i32 to index
      %get3A_2303 = arith.constant 256 : index
      %get3A_2304 = tpu.vector_load %arg5[%get3A_2302, %get3A_2303] {strides = array<i32>} : memref<26x512xi32, #tpu.memory_space<vmem>>, vector<16xi32>,
      %max3A_2305 = arith.maxsi %get3A_2304, %broadcast_in_dim3A_7 : vector<16xi32>
      %add3A_2306 = arith.constant 0 : i32
      %add3A_2307 = vector.broadcast %add3A_2306 : i32 to vector<16xi32>
      %add3A_2308 = arith.addi %add3A_2307, %max3A_2305 : vector<16xi32>
      %sub3A_2309 = arith.constant 1 : i32
      %sub3A_2310 = vector.broadcast %sub3A_2309 : i32 to vector<16xi32>
      %sub3A_2311 = arith.subi %add3A_2308, %sub3A_2310 : vector<16xi32>
      %gt3A_2312 = arith.constant 0 : i32
      %gt3A_2313 = vector.broadcast %gt3A_2312 : i32 to vector<16xi32>
      %gt3A_2314 = arith.cmpi sgt, %get3A_2304, %gt3A_2313 : vector<16xi32>
      tpu.vector_store_idx %arg7[%sub3A_2311, %add3A_2297], %broadcast_in_dim3A_3 masked %gt3A_2314 : memref<200x256xf32, #tpu.memory_space<vmem>>[vector<16xi32>, vector<16xi32>], vector<16xf32>, vector<16xi1>
      %swap3A_2315 = arith.constant 0 : index
      %swap3A_2316 = tpu.vector_load %arg9[%swap3A_2315] {strides = array<i32>} : memref<512xi32, #tpu.memory_space<vmem>>, vector<16xi32>,
      tpu.vector_store %arg9[%swap3A_2315], %sub3A_2311 {strides = array<i32>} : memref<512xi32, #tpu.memory_space<vmem>>, vector<16xi32>,
      %add3A_2317 = arith.constant 16 : i32
      %add3A_2318 = vector.broadcast %add3A_2317 : i32 to vector<16xi32>
      %add3A_2319 = arith.addi %iota3A, %add3A_2318 : vector<16xi32>
      %mul3A_2320 = arith.constant 2 : i32
      %mul3A_2321 = arith.muli %mul3A_2320, %scan3A_1247 : i32
      %add3A_2322 = arith.constant 0 : i32
      %add3A_2323 = arith.addi %mul3A_2321, %add3A_2322 : i32
      %get3A_2324 = arith.index_cast %add3A_2323 : i32 to index
      %get3A_2325 = arith.constant 272 : index
      %get3A_2326 = tpu.vector_load %arg5[%get3A_2324, %get3A_2325] {strides = array<i32>} : memref<26x512xi32, #tpu.memory_space<vmem>>, vector<16xi32>,
      %max3A_2327 = arith.maxsi %get3A_2326, %broadcast_in_dim3A_7 : vector<16xi32>
      %add3A_2328 = arith.constant 0 : i32
      %add3A_2329 = vector.broadcast %add3A_2328 : i32 to vector<16xi32>
      %add3A_2330 = arith.addi %add3A_2329, %max3A_2327 : vector<16xi32>
      %sub3A_2331 = arith.constant 1 : i32
      %sub3A_2332 = vector.broadcast %sub3A_2331 : i32 to vector<16xi32>
      %sub3A_2333 = arith.subi %add3A_2330, %sub3A_2332 : vector<16xi32>
      %gt3A_2334 = arith.constant 0 : i32
      %gt3A_2335 = vector.broadcast %gt3A_2334 : i32 to vector<16xi32>
      %gt3A_2336 = arith.cmpi sgt, %get3A_2326, %gt3A_2335 : vector<16xi32>
      tpu.vector_store_idx %arg7[%sub3A_2333, %add3A_2319], %broadcast_in_dim3A_3 masked %gt3A_2336 : memref<200x256xf32, #tpu.memory_space<vmem>>[vector<16xi32>, vector<16xi32>], vector<16xf32>, vector<16xi1>
      %swap3A_2337 = arith.constant 16 : index
      %swap3A_2338 = tpu.vector_load %arg9[%swap3A_2337] {strides = array<i32>} : memref<512xi32, #tpu.memory_space<vmem>>, vector<16xi32>,
      tpu.vector_store %arg9[%swap3A_2337], %sub3A_2333 {strides = array<i32>} : memref<512xi32, #tpu.memory_space<vmem>>, vector<16xi32>,
      %add3A_2339 = arith.constant 32 : i32
      %add3A_2340 = vector.broadcast %add3A_2339 : i32 to vector<16xi32>
      %add3A_2341 = arith.addi %iota3A, %add3A_2340 : vector<16xi32>
      %mul3A_2342 = arith.constant 2 : i32
      %mul3A_2343 = arith.muli %mul3A_2342, %scan3A_1247 : i32
      %add3A_2344 = arith.constant 0 : i32
      %add3A_2345 = arith.addi %mul3A_2343, %add3A_2344 : i32
      %get3A_2346 = arith.index_cast %add3A_2345 : i32 to index
      %get3A_2347 = arith.constant 288 : index
      %get3A_2348 = tpu.vector_load %arg5[%get3A_2346, %get3A_2347] {strides = array<i32>} : memref<26x512xi32, #tpu.memory_space<vmem>>, vector<16xi32>,
      %max3A_2349 = arith.maxsi %get3A_2348, %broadcast_in_dim3A_7 : vector<16xi32>
      %add3A_2350 = arith.constant 0 : i32
      %add3A_2351 = vector.broadcast %add3A_2350 : i32 to vector<16xi32>
      %add3A_2352 = arith.addi %add3A_2351, %max3A_2349 : vector<16xi32>
      %sub3A_2353 = arith.constant 1 : i32
      %sub3A_2354 = vector.broadcast %sub3A_2353 : i32 to vector<16xi32>
      %sub3A_2355 = arith.subi %add3A_2352, %sub3A_2354 : vector<16xi32>
      %gt3A_2356 = arith.constant 0 : i32
      %gt3A_2357 = vector.broadcast %gt3A_2356 : i32 to vector<16xi32>
      %gt3A_2358 = arith.cmpi sgt, %get3A_2348, %gt3A_2357 : vector<16xi32>
      tpu.vector_store_idx %arg7[%sub3A_2355, %add3A_2341], %broadcast_in_dim3A_3 masked %gt3A_2358 : memref<200x256xf32, #tpu.memory_space<vmem>>[vector<16xi32>, vector<16xi32>], vector<16xf32>, vector<16xi1>
      %swap3A_2359 = arith.constant 32 : index
      %swap3A_2360 = tpu.vector_load %arg9[%swap3A_2359] {strides = array<i32>} : memref<512xi32, #tpu.memory_space<vmem>>, vector<16xi32>,
      tpu.vector_store %arg9[%swap3A_2359], %sub3A_2355 {strides = array<i32>} : memref<512xi32, #tpu.memory_space<vmem>>, vector<16xi32>,
      %add3A_2361 = arith.constant 48 : i32
      %add3A_2362 = vector.broadcast %add3A_2361 : i32 to vector<16xi32>
      %add3A_2363 = arith.addi %iota3A, %add3A_2362 : vector<16xi32>
      %mul3A_2364 = arith.constant 2 : i32
      %mul3A_2365 = arith.muli %mul3A_2364, %scan3A_1247 : i32
      %add3A_2366 = arith.constant 0 : i32
      %add3A_2367 = arith.addi %mul3A_2365, %add3A_2366 : i32
      %get3A_2368 = arith.index_cast %add3A_2367 : i32 to index
      %get3A_2369 = arith.constant 304 : index
      %get3A_2370 = tpu.vector_load %arg5[%get3A_2368, %get3A_2369] {strides = array<i32>} : memref<26x512xi32, #tpu.memory_space<vmem>>, vector<16xi32>,
      %max3A_2371 = arith.maxsi %get3A_2370, %broadcast_in_dim3A_7 : vector<16xi32>
      %add3A_2372 = arith.constant 0 : i32
      %add3A_2373 = vector.broadcast %add3A_2372 : i32 to vector<16xi32>
      %add3A_2374 = arith.addi %add3A_2373, %max3A_2371 : vector<16xi32>
      %sub3A_2375 = arith.constant 1 : i32
      %sub3A_2376 = vector.broadcast %sub3A_2375 : i32 to vector<16xi32>
      %sub3A_2377 = arith.subi %add3A_2374, %sub3A_2376 : vector<16xi32>
      %gt3A_2378 = arith.constant 0 : i32
      %gt3A_2379 = vector.broadcast %gt3A_2378 : i32 to vector<16xi32>
      %gt3A_2380 = arith.cmpi sgt, %get3A_2370, %gt3A_2379 : vector<16xi32>
      tpu.vector_store_idx %arg7[%sub3A_2377, %add3A_2363], %broadcast_in_dim3A_3 masked %gt3A_2380 : memref<200x256xf32, #tpu.memory_space<vmem>>[vector<16xi32>, vector<16xi32>], vector<16xf32>, vector<16xi1>
      %swap3A_2381 = arith.constant 48 : index
      %swap3A_2382 = tpu.vector_load %arg9[%swap3A_2381] {strides = array<i32>} : memref<512xi32, #tpu.memory_space<vmem>>, vector<16xi32>,
      tpu.vector_store %arg9[%swap3A_2381], %sub3A_2377 {strides = array<i32>} : memref<512xi32, #tpu.memory_space<vmem>>, vector<16xi32>,
      %add3A_2383 = arith.constant 64 : i32
      %add3A_2384 = vector.broadcast %add3A_2383 : i32 to vector<16xi32>
      %add3A_2385 = arith.addi %iota3A, %add3A_2384 : vector<16xi32>
      %mul3A_2386 = arith.constant 2 : i32
      %mul3A_2387 = arith.muli %mul3A_2386, %scan3A_1247 : i32
      %add3A_2388 = arith.constant 0 : i32
      %add3A_2389 = arith.addi %mul3A_2387, %add3A_2388 : i32
      %get3A_2390 = arith.index_cast %add3A_2389 : i32 to index
      %get3A_2391 = arith.constant 320 : index
      %get3A_2392 = tpu.vector_load %arg5[%get3A_2390, %get3A_2391] {strides = array<i32>} : memref<26x512xi32, #tpu.memory_space<vmem>>, vector<16xi32>,
      %max3A_2393 = arith.maxsi %get3A_2392, %broadcast_in_dim3A_7 : vector<16xi32>
      %add3A_2394 = arith.constant 0 : i32
      %add3A_2395 = vector.broadcast %add3A_2394 : i32 to vector<16xi32>
      %add3A_2396 = arith.addi %add3A_2395, %max3A_2393 : vector<16xi32>
      %sub3A_2397 = arith.constant 1 : i32
      %sub3A_2398 = vector.broadcast %sub3A_2397 : i32 to vector<16xi32>
      %sub3A_2399 = arith.subi %add3A_2396, %sub3A_2398 : vector<16xi32>
      %gt3A_2400 = arith.constant 0 : i32
      %gt3A_2401 = vector.broadcast %gt3A_2400 : i32 to vector<16xi32>
      %gt3A_2402 = arith.cmpi sgt, %get3A_2392, %gt3A_2401 : vector<16xi32>
      tpu.vector_store_idx %arg7[%sub3A_2399, %add3A_2385], %broadcast_in_dim3A_3 masked %gt3A_2402 : memref<200x256xf32, #tpu.memory_space<vmem>>[vector<16xi32>, vector<16xi32>], vector<16xf32>, vector<16xi1>
      %swap3A_2403 = arith.constant 64 : index
      %swap3A_2404 = tpu.vector_load %arg9[%swap3A_2403] {strides = array<i32>} : memref<512xi32, #tpu.memory_space<vmem>>, vector<16xi32>,
      tpu.vector_store %arg9[%swap3A_2403], %sub3A_2399 {strides = array<i32>} : memref<512xi32, #tpu.memory_space<vmem>>, vector<16xi32>,
      %add3A_2405 = arith.constant 80 : i32
      %add3A_2406 = vector.broadcast %add3A_2405 : i32 to vector<16xi32>
      %add3A_2407 = arith.addi %iota3A, %add3A_2406 : vector<16xi32>
      %mul3A_2408 = arith.constant 2 : i32
      %mul3A_2409 = arith.muli %mul3A_2408, %scan3A_1247 : i32
      %add3A_2410 = arith.constant 0 : i32
      %add3A_2411 = arith.addi %mul3A_2409, %add3A_2410 : i32
      %get3A_2412 = arith.index_cast %add3A_2411 : i32 to index
      %get3A_2413 = arith.constant 336 : index
      %get3A_2414 = tpu.vector_load %arg5[%get3A_2412, %get3A_2413] {strides = array<i32>} : memref<26x512xi32, #tpu.memory_space<vmem>>, vector<16xi32>,
      %max3A_2415 = arith.maxsi %get3A_2414, %broadcast_in_dim3A_7 : vector<16xi32>
      %add3A_2416 = arith.constant 0 : i32
      %add3A_2417 = vector.broadcast %add3A_2416 : i32 to vector<16xi32>
      %add3A_2418 = arith.addi %add3A_2417, %max3A_2415 : vector<16xi32>
      %sub3A_2419 = arith.constant 1 : i32
      %sub3A_2420 = vector.broadcast %sub3A_2419 : i32 to vector<16xi32>
      %sub3A_2421 = arith.subi %add3A_2418, %sub3A_2420 : vector<16xi32>
      %gt3A_2422 = arith.constant 0 : i32
      %gt3A_2423 = vector.broadcast %gt3A_2422 : i32 to vector<16xi32>
      %gt3A_2424 = arith.cmpi sgt, %get3A_2414, %gt3A_2423 : vector<16xi32>
      tpu.vector_store_idx %arg7[%sub3A_2421, %add3A_2407], %broadcast_in_dim3A_3 masked %gt3A_2424 : memref<200x256xf32, #tpu.memory_space<vmem>>[vector<16xi32>, vector<16xi32>], vector<16xf32>, vector<16xi1>
      %swap3A_2425 = arith.constant 80 : index
      %swap3A_2426 = tpu.vector_load %arg9[%swap3A_2425] {strides = array<i32>} : memref<512xi32, #tpu.memory_space<vmem>>, vector<16xi32>,
      tpu.vector_store %arg9[%swap3A_2425], %sub3A_2421 {strides = array<i32>} : memref<512xi32, #tpu.memory_space<vmem>>, vector<16xi32>,
      %add3A_2427 = arith.constant 96 : i32
      %add3A_2428 = vector.broadcast %add3A_2427 : i32 to vector<16xi32>
      %add3A_2429 = arith.addi %iota3A, %add3A_2428 : vector<16xi32>
      %mul3A_2430 = arith.constant 2 : i32
      %mul3A_2431 = arith.muli %mul3A_2430, %scan3A_1247 : i32
      %add3A_2432 = arith.constant 0 : i32
      %add3A_2433 = arith.addi %mul3A_2431, %add3A_2432 : i32
      %get3A_2434 = arith.index_cast %add3A_2433 : i32 to index
      %get3A_2435 = arith.constant 352 : index
      %get3A_2436 = tpu.vector_load %arg5[%get3A_2434, %get3A_2435] {strides = array<i32>} : memref<26x512xi32, #tpu.memory_space<vmem>>, vector<16xi32>,
      %max3A_2437 = arith.maxsi %get3A_2436, %broadcast_in_dim3A_7 : vector<16xi32>
      %add3A_2438 = arith.constant 0 : i32
      %add3A_2439 = vector.broadcast %add3A_2438 : i32 to vector<16xi32>
      %add3A_2440 = arith.addi %add3A_2439, %max3A_2437 : vector<16xi32>
      %sub3A_2441 = arith.constant 1 : i32
      %sub3A_2442 = vector.broadcast %sub3A_2441 : i32 to vector<16xi32>
      %sub3A_2443 = arith.subi %add3A_2440, %sub3A_2442 : vector<16xi32>
      %gt3A_2444 = arith.constant 0 : i32
      %gt3A_2445 = vector.broadcast %gt3A_2444 : i32 to vector<16xi32>
      %gt3A_2446 = arith.cmpi sgt, %get3A_2436, %gt3A_2445 : vector<16xi32>
      tpu.vector_store_idx %arg7[%sub3A_2443, %add3A_2429], %broadcast_in_dim3A_3 masked %gt3A_2446 : memref<200x256xf32, #tpu.memory_space<vmem>>[vector<16xi32>, vector<16xi32>], vector<16xf32>, vector<16xi1>
      %swap3A_2447 = arith.constant 96 : index
      %swap3A_2448 = tpu.vector_load %arg9[%swap3A_2447] {strides = array<i32>} : memref<512xi32, #tpu.memory_space<vmem>>, vector<16xi32>,
      tpu.vector_store %arg9[%swap3A_2447], %sub3A_2443 {strides = array<i32>} : memref<512xi32, #tpu.memory_space<vmem>>, vector<16xi32>,
      %add3A_2449 = arith.constant 112 : i32
      %add3A_2450 = vector.broadcast %add3A_2449 : i32 to vector<16xi32>
      %add3A_2451 = arith.addi %iota3A, %add3A_2450 : vector<16xi32>
      %mul3A_2452 = arith.constant 2 : i32
      %mul3A_2453 = arith.muli %mul3A_2452, %scan3A_1247 : i32
      %add3A_2454 = arith.constant 0 : i32
      %add3A_2455 = arith.addi %mul3A_2453, %add3A_2454 : i32
      %get3A_2456 = arith.index_cast %add3A_2455 : i32 to index
      %get3A_2457 = arith.constant 368 : index
      %get3A_2458 = tpu.vector_load %arg5[%get3A_2456, %get3A_2457] {strides = array<i32>} : memref<26x512xi32, #tpu.memory_space<vmem>>, vector<16xi32>,
      %max3A_2459 = arith.maxsi %get3A_2458, %broadcast_in_dim3A_7 : vector<16xi32>
      %add3A_2460 = arith.constant 0 : i32
      %add3A_2461 = vector.broadcast %add3A_2460 : i32 to vector<16xi32>
      %add3A_2462 = arith.addi %add3A_2461, %max3A_2459 : vector<16xi32>
      %sub3A_2463 = arith.constant 1 : i32
      %sub3A_2464 = vector.broadcast %sub3A_2463 : i32 to vector<16xi32>
      %sub3A_2465 = arith.subi %add3A_2462, %sub3A_2464 : vector<16xi32>
      %gt3A_2466 = arith.constant 0 : i32
      %gt3A_2467 = vector.broadcast %gt3A_2466 : i32 to vector<16xi32>
      %gt3A_2468 = arith.cmpi sgt, %get3A_2458, %gt3A_2467 : vector<16xi32>
      tpu.vector_store_idx %arg7[%sub3A_2465, %add3A_2451], %broadcast_in_dim3A_3 masked %gt3A_2468 : memref<200x256xf32, #tpu.memory_space<vmem>>[vector<16xi32>, vector<16xi32>], vector<16xf32>, vector<16xi1>
      %swap3A_2469 = arith.constant 112 : index
      %swap3A_2470 = tpu.vector_load %arg9[%swap3A_2469] {strides = array<i32>} : memref<512xi32, #tpu.memory_space<vmem>>, vector<16xi32>,
      tpu.vector_store %arg9[%swap3A_2469], %sub3A_2465 {strides = array<i32>} : memref<512xi32, #tpu.memory_space<vmem>>, vector<16xi32>,
      %add3A_2471 = arith.constant 128 : i32
      %add3A_2472 = vector.broadcast %add3A_2471 : i32 to vector<16xi32>
      %add3A_2473 = arith.addi %iota3A, %add3A_2472 : vector<16xi32>
      %mul3A_2474 = arith.constant 2 : i32
      %mul3A_2475 = arith.muli %mul3A_2474, %scan3A_1247 : i32
      %add3A_2476 = arith.constant 0 : i32
      %add3A_2477 = arith.addi %mul3A_2475, %add3A_2476 : i32
      %get3A_2478 = arith.index_cast %add3A_2477 : i32 to index
      %get3A_2479 = arith.constant 384 : index
      %get3A_2480 = tpu.vector_load %arg5[%get3A_2478, %get3A_2479] {strides = array<i32>} : memref<26x512xi32, #tpu.memory_space<vmem>>, vector<16xi32>,
      %max3A_2481 = arith.maxsi %get3A_2480, %broadcast_in_dim3A_7 : vector<16xi32>
      %add3A_2482 = arith.constant 0 : i32
      %add3A_2483 = vector.broadcast %add3A_2482 : i32 to vector<16xi32>
      %add3A_2484 = arith.addi %add3A_2483, %max3A_2481 : vector<16xi32>
      %sub3A_2485 = arith.constant 1 : i32
      %sub3A_2486 = vector.broadcast %sub3A_2485 : i32 to vector<16xi32>
      %sub3A_2487 = arith.subi %add3A_2484, %sub3A_2486 : vector<16xi32>
      %gt3A_2488 = arith.constant 0 : i32
      %gt3A_2489 = vector.broadcast %gt3A_2488 : i32 to vector<16xi32>
      %gt3A_2490 = arith.cmpi sgt, %get3A_2480, %gt3A_2489 : vector<16xi32>
      tpu.vector_store_idx %arg7[%sub3A_2487, %add3A_2473], %broadcast_in_dim3A_3 masked %gt3A_2490 : memref<200x256xf32, #tpu.memory_space<vmem>>[vector<16xi32>, vector<16xi32>], vector<16xf32>, vector<16xi1>
      %swap3A_2491 = arith.constant 128 : index
      %swap3A_2492 = tpu.vector_load %arg9[%swap3A_2491] {strides = array<i32>} : memref<512xi32, #tpu.memory_space<vmem>>, vector<16xi32>,
      tpu.vector_store %arg9[%swap3A_2491], %sub3A_2487 {strides = array<i32>} : memref<512xi32, #tpu.memory_space<vmem>>, vector<16xi32>,
      %add3A_2493 = arith.constant 144 : i32
      %add3A_2494 = vector.broadcast %add3A_2493 : i32 to vector<16xi32>
      %add3A_2495 = arith.addi %iota3A, %add3A_2494 : vector<16xi32>
      %mul3A_2496 = arith.constant 2 : i32
      %mul3A_2497 = arith.muli %mul3A_2496, %scan3A_1247 : i32
      %add3A_2498 = arith.constant 0 : i32
      %add3A_2499 = arith.addi %mul3A_2497, %add3A_2498 : i32
      %get3A_2500 = arith.index_cast %add3A_2499 : i32 to index
      %get3A_2501 = arith.constant 400 : index
      %get3A_2502 = tpu.vector_load %arg5[%get3A_2500, %get3A_2501] {strides = array<i32>} : memref<26x512xi32, #tpu.memory_space<vmem>>, vector<16xi32>,
      %max3A_2503 = arith.maxsi %get3A_2502, %broadcast_in_dim3A_7 : vector<16xi32>
      %add3A_2504 = arith.constant 0 : i32
      %add3A_2505 = vector.broadcast %add3A_2504 : i32 to vector<16xi32>
      %add3A_2506 = arith.addi %add3A_2505, %max3A_2503 : vector<16xi32>
      %sub3A_2507 = arith.constant 1 : i32
      %sub3A_2508 = vector.broadcast %sub3A_2507 : i32 to vector<16xi32>
      %sub3A_2509 = arith.subi %add3A_2506, %sub3A_2508 : vector<16xi32>
      %gt3A_2510 = arith.constant 0 : i32
      %gt3A_2511 = vector.broadcast %gt3A_2510 : i32 to vector<16xi32>
      %gt3A_2512 = arith.cmpi sgt, %get3A_2502, %gt3A_2511 : vector<16xi32>
      tpu.vector_store_idx %arg7[%sub3A_2509, %add3A_2495], %broadcast_in_dim3A_3 masked %gt3A_2512 : memref<200x256xf32, #tpu.memory_space<vmem>>[vector<16xi32>, vector<16xi32>], vector<16xf32>, vector<16xi1>
      %swap3A_2513 = arith.constant 144 : index
      %swap3A_2514 = tpu.vector_load %arg9[%swap3A_2513] {strides = array<i32>} : memref<512xi32, #tpu.memory_space<vmem>>, vector<16xi32>,
      tpu.vector_store %arg9[%swap3A_2513], %sub3A_2509 {strides = array<i32>} : memref<512xi32, #tpu.memory_space<vmem>>, vector<16xi32>,
      %add3A_2515 = arith.constant 160 : i32
      %add3A_2516 = vector.broadcast %add3A_2515 : i32 to vector<16xi32>
      %add3A_2517 = arith.addi %iota3A, %add3A_2516 : vector<16xi32>
      %mul3A_2518 = arith.constant 2 : i32
      %mul3A_2519 = arith.muli %mul3A_2518, %scan3A_1247 : i32
      %add3A_2520 = arith.constant 0 : i32
      %add3A_2521 = arith.addi %mul3A_2519, %add3A_2520 : i32
      %get3A_2522 = arith.index_cast %add3A_2521 : i32 to index
      %get3A_2523 = arith.constant 416 : index
      %get3A_2524 = tpu.vector_load %arg5[%get3A_2522, %get3A_2523] {strides = array<i32>} : memref<26x512xi32, #tpu.memory_space<vmem>>, vector<16xi32>,
      %max3A_2525 = arith.maxsi %get3A_2524, %broadcast_in_dim3A_7 : vector<16xi32>
      %add3A_2526 = arith.constant 0 : i32
      %add3A_2527 = vector.broadcast %add3A_2526 : i32 to vector<16xi32>
      %add3A_2528 = arith.addi %add3A_2527, %max3A_2525 : vector<16xi32>
      %sub3A_2529 = arith.constant 1 : i32
      %sub3A_2530 = vector.broadcast %sub3A_2529 : i32 to vector<16xi32>
      %sub3A_2531 = arith.subi %add3A_2528, %sub3A_2530 : vector<16xi32>
      %gt3A_2532 = arith.constant 0 : i32
      %gt3A_2533 = vector.broadcast %gt3A_2532 : i32 to vector<16xi32>
      %gt3A_2534 = arith.cmpi sgt, %get3A_2524, %gt3A_2533 : vector<16xi32>
      tpu.vector_store_idx %arg7[%sub3A_2531, %add3A_2517], %broadcast_in_dim3A_3 masked %gt3A_2534 : memref<200x256xf32, #tpu.memory_space<vmem>>[vector<16xi32>, vector<16xi32>], vector<16xf32>, vector<16xi1>
      %swap3A_2535 = arith.constant 160 : index
      %swap3A_2536 = tpu.vector_load %arg9[%swap3A_2535] {strides = array<i32>} : memref<512xi32, #tpu.memory_space<vmem>>, vector<16xi32>,
      tpu.vector_store %arg9[%swap3A_2535], %sub3A_2531 {strides = array<i32>} : memref<512xi32, #tpu.memory_space<vmem>>, vector<16xi32>,
      %add3A_2537 = arith.constant 176 : i32
      %add3A_2538 = vector.broadcast %add3A_2537 : i32 to vector<16xi32>
      %add3A_2539 = arith.addi %iota3A, %add3A_2538 : vector<16xi32>
      %mul3A_2540 = arith.constant 2 : i32
      %mul3A_2541 = arith.muli %mul3A_2540, %scan3A_1247 : i32
      %add3A_2542 = arith.constant 0 : i32
      %add3A_2543 = arith.addi %mul3A_2541, %add3A_2542 : i32
      %get3A_2544 = arith.index_cast %add3A_2543 : i32 to index
      %get3A_2545 = arith.constant 432 : index
      %get3A_2546 = tpu.vector_load %arg5[%get3A_2544, %get3A_2545] {strides = array<i32>} : memref<26x512xi32, #tpu.memory_space<vmem>>, vector<16xi32>,
      %max3A_2547 = arith.maxsi %get3A_2546, %broadcast_in_dim3A_7 : vector<16xi32>
      %add3A_2548 = arith.constant 0 : i32
      %add3A_2549 = vector.broadcast %add3A_2548 : i32 to vector<16xi32>
      %add3A_2550 = arith.addi %add3A_2549, %max3A_2547 : vector<16xi32>
      %sub3A_2551 = arith.constant 1 : i32
      %sub3A_2552 = vector.broadcast %sub3A_2551 : i32 to vector<16xi32>
      %sub3A_2553 = arith.subi %add3A_2550, %sub3A_2552 : vector<16xi32>
      %gt3A_2554 = arith.constant 0 : i32
      %gt3A_2555 = vector.broadcast %gt3A_2554 : i32 to vector<16xi32>
      %gt3A_2556 = arith.cmpi sgt, %get3A_2546, %gt3A_2555 : vector<16xi32>
      tpu.vector_store_idx %arg7[%sub3A_2553, %add3A_2539], %broadcast_in_dim3A_3 masked %gt3A_2556 : memref<200x256xf32, #tpu.memory_space<vmem>>[vector<16xi32>, vector<16xi32>], vector<16xf32>, vector<16xi1>
      %swap3A_2557 = arith.constant 176 : index
      %swap3A_2558 = tpu.vector_load %arg9[%swap3A_2557] {strides = array<i32>} : memref<512xi32, #tpu.memory_space<vmem>>, vector<16xi32>,
      tpu.vector_store %arg9[%swap3A_2557], %sub3A_2553 {strides = array<i32>} : memref<512xi32, #tpu.memory_space<vmem>>, vector<16xi32>,
      %add3A_2559 = arith.constant 192 : i32
      %add3A_2560 = vector.broadcast %add3A_2559 : i32 to vector<16xi32>
      %add3A_2561 = arith.addi %iota3A, %add3A_2560 : vector<16xi32>
      %mul3A_2562 = arith.constant 2 : i32
      %mul3A_2563 = arith.muli %mul3A_2562, %scan3A_1247 : i32
      %add3A_2564 = arith.constant 0 : i32
      %add3A_2565 = arith.addi %mul3A_2563, %add3A_2564 : i32
      %get3A_2566 = arith.index_cast %add3A_2565 : i32 to index
      %get3A_2567 = arith.constant 448 : index
      %get3A_2568 = tpu.vector_load %arg5[%get3A_2566, %get3A_2567] {strides = array<i32>} : memref<26x512xi32, #tpu.memory_space<vmem>>, vector<16xi32>,
      %max3A_2569 = arith.maxsi %get3A_2568, %broadcast_in_dim3A_7 : vector<16xi32>
      %add3A_2570 = arith.constant 0 : i32
      %add3A_2571 = vector.broadcast %add3A_2570 : i32 to vector<16xi32>
      %add3A_2572 = arith.addi %add3A_2571, %max3A_2569 : vector<16xi32>
      %sub3A_2573 = arith.constant 1 : i32
      %sub3A_2574 = vector.broadcast %sub3A_2573 : i32 to vector<16xi32>
      %sub3A_2575 = arith.subi %add3A_2572, %sub3A_2574 : vector<16xi32>
      %gt3A_2576 = arith.constant 0 : i32
      %gt3A_2577 = vector.broadcast %gt3A_2576 : i32 to vector<16xi32>
      %gt3A_2578 = arith.cmpi sgt, %get3A_2568, %gt3A_2577 : vector<16xi32>
      tpu.vector_store_idx %arg7[%sub3A_2575, %add3A_2561], %broadcast_in_dim3A_3 masked %gt3A_2578 : memref<200x256xf32, #tpu.memory_space<vmem>>[vector<16xi32>, vector<16xi32>], vector<16xf32>, vector<16xi1>
      %swap3A_2579 = arith.constant 192 : index
      %swap3A_2580 = tpu.vector_load %arg9[%swap3A_2579] {strides = array<i32>} : memref<512xi32, #tpu.memory_space<vmem>>, vector<16xi32>,
      tpu.vector_store %arg9[%swap3A_2579], %sub3A_2575 {strides = array<i32>} : memref<512xi32, #tpu.memory_space<vmem>>, vector<16xi32>,
      %add3A_2581 = arith.constant 208 : i32
      %add3A_2582 = vector.broadcast %add3A_2581 : i32 to vector<16xi32>
      %add3A_2583 = arith.addi %iota3A, %add3A_2582 : vector<16xi32>
      %mul3A_2584 = arith.constant 2 : i32
      %mul3A_2585 = arith.muli %mul3A_2584, %scan3A_1247 : i32
      %add3A_2586 = arith.constant 0 : i32
      %add3A_2587 = arith.addi %mul3A_2585, %add3A_2586 : i32
      %get3A_2588 = arith.index_cast %add3A_2587 : i32 to index
      %get3A_2589 = arith.constant 464 : index
      %get3A_2590 = tpu.vector_load %arg5[%get3A_2588, %get3A_2589] {strides = array<i32>} : memref<26x512xi32, #tpu.memory_space<vmem>>, vector<16xi32>,
      %max3A_2591 = arith.maxsi %get3A_2590, %broadcast_in_dim3A_7 : vector<16xi32>
      %add3A_2592 = arith.constant 0 : i32
      %add3A_2593 = vector.broadcast %add3A_2592 : i32 to vector<16xi32>
      %add3A_2594 = arith.addi %add3A_2593, %max3A_2591 : vector<16xi32>
      %sub3A_2595 = arith.constant 1 : i32
      %sub3A_2596 = vector.broadcast %sub3A_2595 : i32 to vector<16xi32>
      %sub3A_2597 = arith.subi %add3A_2594, %sub3A_2596 : vector<16xi32>
      %gt3A_2598 = arith.constant 0 : i32
      %gt3A_2599 = vector.broadcast %gt3A_2598 : i32 to vector<16xi32>
      %gt3A_2600 = arith.cmpi sgt, %get3A_2590, %gt3A_2599 : vector<16xi32>
      tpu.vector_store_idx %arg7[%sub3A_2597, %add3A_2583], %broadcast_in_dim3A_3 masked %gt3A_2600 : memref<200x256xf32, #tpu.memory_space<vmem>>[vector<16xi32>, vector<16xi32>], vector<16xf32>, vector<16xi1>
      %swap3A_2601 = arith.constant 208 : index
      %swap3A_2602 = tpu.vector_load %arg9[%swap3A_2601] {strides = array<i32>} : memref<512xi32, #tpu.memory_space<vmem>>, vector<16xi32>,
      tpu.vector_store %arg9[%swap3A_2601], %sub3A_2597 {strides = array<i32>} : memref<512xi32, #tpu.memory_space<vmem>>, vector<16xi32>,
      %add3A_2603 = arith.constant 224 : i32
      %add3A_2604 = vector.broadcast %add3A_2603 : i32 to vector<16xi32>
      %add3A_2605 = arith.addi %iota3A, %add3A_2604 : vector<16xi32>
      %mul3A_2606 = arith.constant 2 : i32
      %mul3A_2607 = arith.muli %mul3A_2606, %scan3A_1247 : i32
      %add3A_2608 = arith.constant 0 : i32
      %add3A_2609 = arith.addi %mul3A_2607, %add3A_2608 : i32
      %get3A_2610 = arith.index_cast %add3A_2609 : i32 to index
      %get3A_2611 = arith.constant 480 : index
      %get3A_2612 = tpu.vector_load %arg5[%get3A_2610, %get3A_2611] {strides = array<i32>} : memref<26x512xi32, #tpu.memory_space<vmem>>, vector<16xi32>,
      %max3A_2613 = arith.maxsi %get3A_2612, %broadcast_in_dim3A_7 : vector<16xi32>
      %add3A_2614 = arith.constant 0 : i32
      %add3A_2615 = vector.broadcast %add3A_2614 : i32 to vector<16xi32>
      %add3A_2616 = arith.addi %add3A_2615, %max3A_2613 : vector<16xi32>
      %sub3A_2617 = arith.constant 1 : i32
      %sub3A_2618 = vector.broadcast %sub3A_2617 : i32 to vector<16xi32>
      %sub3A_2619 = arith.subi %add3A_2616, %sub3A_2618 : vector<16xi32>
      %gt3A_2620 = arith.constant 0 : i32
      %gt3A_2621 = vector.broadcast %gt3A_2620 : i32 to vector<16xi32>
      %gt3A_2622 = arith.cmpi sgt, %get3A_2612, %gt3A_2621 : vector<16xi32>
      tpu.vector_store_idx %arg7[%sub3A_2619, %add3A_2605], %broadcast_in_dim3A_3 masked %gt3A_2622 : memref<200x256xf32, #tpu.memory_space<vmem>>[vector<16xi32>, vector<16xi32>], vector<16xf32>, vector<16xi1>
      %swap3A_2623 = arith.constant 224 : index
      %swap3A_2624 = tpu.vector_load %arg9[%swap3A_2623] {strides = array<i32>} : memref<512xi32, #tpu.memory_space<vmem>>, vector<16xi32>,
      tpu.vector_store %arg9[%swap3A_2623], %sub3A_2619 {strides = array<i32>} : memref<512xi32, #tpu.memory_space<vmem>>, vector<16xi32>,
      %add3A_2625 = arith.constant 240 : i32
      %add3A_2626 = vector.broadcast %add3A_2625 : i32 to vector<16xi32>
      %add3A_2627 = arith.addi %iota3A, %add3A_2626 : vector<16xi32>
      %mul3A_2628 = arith.constant 2 : i32
      %mul3A_2629 = arith.muli %mul3A_2628, %scan3A_1247 : i32
      %add3A_2630 = arith.constant 0 : i32
      %add3A_2631 = arith.addi %mul3A_2629, %add3A_2630 : i32
      %get3A_2632 = arith.index_cast %add3A_2631 : i32 to index
      %get3A_2633 = arith.constant 496 : index
      %get3A_2634 = tpu.vector_load %arg5[%get3A_2632, %get3A_2633] {strides = array<i32>} : memref<26x512xi32, #tpu.memory_space<vmem>>, vector<16xi32>,
      %max3A_2635 = arith.maxsi %get3A_2634, %broadcast_in_dim3A_7 : vector<16xi32>
      %add3A_2636 = arith.constant 0 : i32
      %add3A_2637 = vector.broadcast %add3A_2636 : i32 to vector<16xi32>
      %add3A_2638 = arith.addi %add3A_2637, %max3A_2635 : vector<16xi32>
      %sub3A_2639 = arith.constant 1 : i32
      %sub3A_2640 = vector.broadcast %sub3A_2639 : i32 to vector<16xi32>
      %sub3A_2641 = arith.subi %add3A_2638, %sub3A_2640 : vector<16xi32>
      %gt3A_2642 = arith.constant 0 : i32
      %gt3A_2643 = vector.broadcast %gt3A_2642 : i32 to vector<16xi32>
      %gt3A_2644 = arith.cmpi sgt, %get3A_2634, %gt3A_2643 : vector<16xi32>
      tpu.vector_store_idx %arg7[%sub3A_2641, %add3A_2627], %broadcast_in_dim3A_3 masked %gt3A_2644 : memref<200x256xf32, #tpu.memory_space<vmem>>[vector<16xi32>, vector<16xi32>], vector<16xf32>, vector<16xi1>
      %swap3A_2645 = arith.constant 240 : index
      %swap3A_2646 = tpu.vector_load %arg9[%swap3A_2645] {strides = array<i32>} : memref<512xi32, #tpu.memory_space<vmem>>, vector<16xi32>,
      tpu.vector_store %arg9[%swap3A_2645], %sub3A_2641 {strides = array<i32>} : memref<512xi32, #tpu.memory_space<vmem>>, vector<16xi32>,
      %add3A_2647 = arith.constant 0 : i32
      %add3A_2648 = vector.broadcast %add3A_2647 : i32 to vector<16xi32>
      %add3A_2649 = arith.addi %iota3A, %add3A_2648 : vector<16xi32>
      %mul3A_2650 = arith.constant 2 : i32
      %mul3A_2651 = arith.muli %mul3A_2650, %scan3A_1247 : i32
      %add3A_2652 = arith.constant 1 : i32
      %add3A_2653 = arith.addi %mul3A_2651, %add3A_2652 : i32
      %get3A_2654 = arith.index_cast %add3A_2653 : i32 to index
      %get3A_2655 = arith.constant 256 : index
      %get3A_2656 = tpu.vector_load %arg5[%get3A_2654, %get3A_2655] {strides = array<i32>} : memref<26x512xi32, #tpu.memory_space<vmem>>, vector<16xi32>,
      %max3A_2657 = arith.maxsi %get3A_2656, %broadcast_in_dim3A_7 : vector<16xi32>
      %add3A_2658 = arith.constant 100 : i32
      %add3A_2659 = vector.broadcast %add3A_2658 : i32 to vector<16xi32>
      %add3A_2660 = arith.addi %add3A_2659, %max3A_2657 : vector<16xi32>
      %sub3A_2661 = arith.constant 1 : i32
      %sub3A_2662 = vector.broadcast %sub3A_2661 : i32 to vector<16xi32>
      %sub3A_2663 = arith.subi %add3A_2660, %sub3A_2662 : vector<16xi32>
      %gt3A_2664 = arith.constant 0 : i32
      %gt3A_2665 = vector.broadcast %gt3A_2664 : i32 to vector<16xi32>
      %gt3A_2666 = arith.cmpi sgt, %get3A_2656, %gt3A_2665 : vector<16xi32>
      tpu.vector_store_idx %arg7[%sub3A_2663, %add3A_2649], %broadcast_in_dim3A_3 masked %gt3A_2666 : memref<200x256xf32, #tpu.memory_space<vmem>>[vector<16xi32>, vector<16xi32>], vector<16xf32>, vector<16xi1>
      %swap3A_2667 = arith.constant 256 : index
      %swap3A_2668 = tpu.vector_load %arg9[%swap3A_2667] {strides = array<i32>} : memref<512xi32, #tpu.memory_space<vmem>>, vector<16xi32>,
      tpu.vector_store %arg9[%swap3A_2667], %sub3A_2663 {strides = array<i32>} : memref<512xi32, #tpu.memory_space<vmem>>, vector<16xi32>,
      %add3A_2669 = arith.constant 16 : i32
      %add3A_2670 = vector.broadcast %add3A_2669 : i32 to vector<16xi32>
      %add3A_2671 = arith.addi %iota3A, %add3A_2670 : vector<16xi32>
      %mul3A_2672 = arith.constant 2 : i32
      %mul3A_2673 = arith.muli %mul3A_2672, %scan3A_1247 : i32
      %add3A_2674 = arith.constant 1 : i32
      %add3A_2675 = arith.addi %mul3A_2673, %add3A_2674 : i32
      %get3A_2676 = arith.index_cast %add3A_2675 : i32 to index
      %get3A_2677 = arith.constant 272 : index
      %get3A_2678 = tpu.vector_load %arg5[%get3A_2676, %get3A_2677] {strides = array<i32>} : memref<26x512xi32, #tpu.memory_space<vmem>>, vector<16xi32>,
      %max3A_2679 = arith.maxsi %get3A_2678, %broadcast_in_dim3A_7 : vector<16xi32>
      %add3A_2680 = arith.constant 100 : i32
      %add3A_2681 = vector.broadcast %add3A_2680 : i32 to vector<16xi32>
      %add3A_2682 = arith.addi %add3A_2681, %max3A_2679 : vector<16xi32>
      %sub3A_2683 = arith.constant 1 : i32
      %sub3A_2684 = vector.broadcast %sub3A_2683 : i32 to vector<16xi32>
      %sub3A_2685 = arith.subi %add3A_2682, %sub3A_2684 : vector<16xi32>
      %gt3A_2686 = arith.constant 0 : i32
      %gt3A_2687 = vector.broadcast %gt3A_2686 : i32 to vector<16xi32>
      %gt3A_2688 = arith.cmpi sgt, %get3A_2678, %gt3A_2687 : vector<16xi32>
      tpu.vector_store_idx %arg7[%sub3A_2685, %add3A_2671], %broadcast_in_dim3A_3 masked %gt3A_2688 : memref<200x256xf32, #tpu.memory_space<vmem>>[vector<16xi32>, vector<16xi32>], vector<16xf32>, vector<16xi1>
      %swap3A_2689 = arith.constant 272 : index
      %swap3A_2690 = tpu.vector_load %arg9[%swap3A_2689] {strides = array<i32>} : memref<512xi32, #tpu.memory_space<vmem>>, vector<16xi32>,
      tpu.vector_store %arg9[%swap3A_2689], %sub3A_2685 {strides = array<i32>} : memref<512xi32, #tpu.memory_space<vmem>>, vector<16xi32>,
      %add3A_2691 = arith.constant 32 : i32
      %add3A_2692 = vector.broadcast %add3A_2691 : i32 to vector<16xi32>
      %add3A_2693 = arith.addi %iota3A, %add3A_2692 : vector<16xi32>
      %mul3A_2694 = arith.constant 2 : i32
      %mul3A_2695 = arith.muli %mul3A_2694, %scan3A_1247 : i32
      %add3A_2696 = arith.constant 1 : i32
      %add3A_2697 = arith.addi %mul3A_2695, %add3A_2696 : i32
      %get3A_2698 = arith.index_cast %add3A_2697 : i32 to index
      %get3A_2699 = arith.constant 288 : index
      %get3A_2700 = tpu.vector_load %arg5[%get3A_2698, %get3A_2699] {strides = array<i32>} : memref<26x512xi32, #tpu.memory_space<vmem>>, vector<16xi32>,
      %max3A_2701 = arith.maxsi %get3A_2700, %broadcast_in_dim3A_7 : vector<16xi32>
      %add3A_2702 = arith.constant 100 : i32
      %add3A_2703 = vector.broadcast %add3A_2702 : i32 to vector<16xi32>
      %add3A_2704 = arith.addi %add3A_2703, %max3A_2701 : vector<16xi32>
      %sub3A_2705 = arith.constant 1 : i32
      %sub3A_2706 = vector.broadcast %sub3A_2705 : i32 to vector<16xi32>
      %sub3A_2707 = arith.subi %add3A_2704, %sub3A_2706 : vector<16xi32>
      %gt3A_2708 = arith.constant 0 : i32
      %gt3A_2709 = vector.broadcast %gt3A_2708 : i32 to vector<16xi32>
      %gt3A_2710 = arith.cmpi sgt, %get3A_2700, %gt3A_2709 : vector<16xi32>
      tpu.vector_store_idx %arg7[%sub3A_2707, %add3A_2693], %broadcast_in_dim3A_3 masked %gt3A_2710 : memref<200x256xf32, #tpu.memory_space<vmem>>[vector<16xi32>, vector<16xi32>], vector<16xf32>, vector<16xi1>
      %swap3A_2711 = arith.constant 288 : index
      %swap3A_2712 = tpu.vector_load %arg9[%swap3A_2711] {strides = array<i32>} : memref<512xi32, #tpu.memory_space<vmem>>, vector<16xi32>,
      tpu.vector_store %arg9[%swap3A_2711], %sub3A_2707 {strides = array<i32>} : memref<512xi32, #tpu.memory_space<vmem>>, vector<16xi32>,
      %add3A_2713 = arith.constant 48 : i32
      %add3A_2714 = vector.broadcast %add3A_2713 : i32 to vector<16xi32>
      %add3A_2715 = arith.addi %iota3A, %add3A_2714 : vector<16xi32>
      %mul3A_2716 = arith.constant 2 : i32
      %mul3A_2717 = arith.muli %mul3A_2716, %scan3A_1247 : i32
      %add3A_2718 = arith.constant 1 : i32
      %add3A_2719 = arith.addi %mul3A_2717, %add3A_2718 : i32
      %get3A_2720 = arith.index_cast %add3A_2719 : i32 to index
      %get3A_2721 = arith.constant 304 : index
      %get3A_2722 = tpu.vector_load %arg5[%get3A_2720, %get3A_2721] {strides = array<i32>} : memref<26x512xi32, #tpu.memory_space<vmem>>, vector<16xi32>,
      %max3A_2723 = arith.maxsi %get3A_2722, %broadcast_in_dim3A_7 : vector<16xi32>
      %add3A_2724 = arith.constant 100 : i32
      %add3A_2725 = vector.broadcast %add3A_2724 : i32 to vector<16xi32>
      %add3A_2726 = arith.addi %add3A_2725, %max3A_2723 : vector<16xi32>
      %sub3A_2727 = arith.constant 1 : i32
      %sub3A_2728 = vector.broadcast %sub3A_2727 : i32 to vector<16xi32>
      %sub3A_2729 = arith.subi %add3A_2726, %sub3A_2728 : vector<16xi32>
      %gt3A_2730 = arith.constant 0 : i32
      %gt3A_2731 = vector.broadcast %gt3A_2730 : i32 to vector<16xi32>
      %gt3A_2732 = arith.cmpi sgt, %get3A_2722, %gt3A_2731 : vector<16xi32>
      tpu.vector_store_idx %arg7[%sub3A_2729, %add3A_2715], %broadcast_in_dim3A_3 masked %gt3A_2732 : memref<200x256xf32, #tpu.memory_space<vmem>>[vector<16xi32>, vector<16xi32>], vector<16xf32>, vector<16xi1>
      %swap3A_2733 = arith.constant 304 : index
      %swap3A_2734 = tpu.vector_load %arg9[%swap3A_2733] {strides = array<i32>} : memref<512xi32, #tpu.memory_space<vmem>>, vector<16xi32>,
      tpu.vector_store %arg9[%swap3A_2733], %sub3A_2729 {strides = array<i32>} : memref<512xi32, #tpu.memory_space<vmem>>, vector<16xi32>,
      %add3A_2735 = arith.constant 64 : i32
      %add3A_2736 = vector.broadcast %add3A_2735 : i32 to vector<16xi32>
      %add3A_2737 = arith.addi %iota3A, %add3A_2736 : vector<16xi32>
      %mul3A_2738 = arith.constant 2 : i32
      %mul3A_2739 = arith.muli %mul3A_2738, %scan3A_1247 : i32
      %add3A_2740 = arith.constant 1 : i32
      %add3A_2741 = arith.addi %mul3A_2739, %add3A_2740 : i32
      %get3A_2742 = arith.index_cast %add3A_2741 : i32 to index
      %get3A_2743 = arith.constant 320 : index
      %get3A_2744 = tpu.vector_load %arg5[%get3A_2742, %get3A_2743] {strides = array<i32>} : memref<26x512xi32, #tpu.memory_space<vmem>>, vector<16xi32>,
      %max3A_2745 = arith.maxsi %get3A_2744, %broadcast_in_dim3A_7 : vector<16xi32>
      %add3A_2746 = arith.constant 100 : i32
      %add3A_2747 = vector.broadcast %add3A_2746 : i32 to vector<16xi32>
      %add3A_2748 = arith.addi %add3A_2747, %max3A_2745 : vector<16xi32>
      %sub3A_2749 = arith.constant 1 : i32
      %sub3A_2750 = vector.broadcast %sub3A_2749 : i32 to vector<16xi32>
      %sub3A_2751 = arith.subi %add3A_2748, %sub3A_2750 : vector<16xi32>
      %gt3A_2752 = arith.constant 0 : i32
      %gt3A_2753 = vector.broadcast %gt3A_2752 : i32 to vector<16xi32>
      %gt3A_2754 = arith.cmpi sgt, %get3A_2744, %gt3A_2753 : vector<16xi32>
      tpu.vector_store_idx %arg7[%sub3A_2751, %add3A_2737], %broadcast_in_dim3A_3 masked %gt3A_2754 : memref<200x256xf32, #tpu.memory_space<vmem>>[vector<16xi32>, vector<16xi32>], vector<16xf32>, vector<16xi1>
      %swap3A_2755 = arith.constant 320 : index
      %swap3A_2756 = tpu.vector_load %arg9[%swap3A_2755] {strides = array<i32>} : memref<512xi32, #tpu.memory_space<vmem>>, vector<16xi32>,
      tpu.vector_store %arg9[%swap3A_2755], %sub3A_2751 {strides = array<i32>} : memref<512xi32, #tpu.memory_space<vmem>>, vector<16xi32>,
      %add3A_2757 = arith.constant 80 : i32
      %add3A_2758 = vector.broadcast %add3A_2757 : i32 to vector<16xi32>
      %add3A_2759 = arith.addi %iota3A, %add3A_2758 : vector<16xi32>
      %mul3A_2760 = arith.constant 2 : i32
      %mul3A_2761 = arith.muli %mul3A_2760, %scan3A_1247 : i32
      %add3A_2762 = arith.constant 1 : i32
      %add3A_2763 = arith.addi %mul3A_2761, %add3A_2762 : i32
      %get3A_2764 = arith.index_cast %add3A_2763 : i32 to index
      %get3A_2765 = arith.constant 336 : index
      %get3A_2766 = tpu.vector_load %arg5[%get3A_2764, %get3A_2765] {strides = array<i32>} : memref<26x512xi32, #tpu.memory_space<vmem>>, vector<16xi32>,
      %max3A_2767 = arith.maxsi %get3A_2766, %broadcast_in_dim3A_7 : vector<16xi32>
      %add3A_2768 = arith.constant 100 : i32
      %add3A_2769 = vector.broadcast %add3A_2768 : i32 to vector<16xi32>
      %add3A_2770 = arith.addi %add3A_2769, %max3A_2767 : vector<16xi32>
      %sub3A_2771 = arith.constant 1 : i32
      %sub3A_2772 = vector.broadcast %sub3A_2771 : i32 to vector<16xi32>
      %sub3A_2773 = arith.subi %add3A_2770, %sub3A_2772 : vector<16xi32>
      %gt3A_2774 = arith.constant 0 : i32
      %gt3A_2775 = vector.broadcast %gt3A_2774 : i32 to vector<16xi32>
      %gt3A_2776 = arith.cmpi sgt, %get3A_2766, %gt3A_2775 : vector<16xi32>
      tpu.vector_store_idx %arg7[%sub3A_2773, %add3A_2759], %broadcast_in_dim3A_3 masked %gt3A_2776 : memref<200x256xf32, #tpu.memory_space<vmem>>[vector<16xi32>, vector<16xi32>], vector<16xf32>, vector<16xi1>
      %swap3A_2777 = arith.constant 336 : index
      %swap3A_2778 = tpu.vector_load %arg9[%swap3A_2777] {strides = array<i32>} : memref<512xi32, #tpu.memory_space<vmem>>, vector<16xi32>,
      tpu.vector_store %arg9[%swap3A_2777], %sub3A_2773 {strides = array<i32>} : memref<512xi32, #tpu.memory_space<vmem>>, vector<16xi32>,
      %add3A_2779 = arith.constant 96 : i32
      %add3A_2780 = vector.broadcast %add3A_2779 : i32 to vector<16xi32>
      %add3A_2781 = arith.addi %iota3A, %add3A_2780 : vector<16xi32>
      %mul3A_2782 = arith.constant 2 : i32
      %mul3A_2783 = arith.muli %mul3A_2782, %scan3A_1247 : i32
      %add3A_2784 = arith.constant 1 : i32
      %add3A_2785 = arith.addi %mul3A_2783, %add3A_2784 : i32
      %get3A_2786 = arith.index_cast %add3A_2785 : i32 to index
      %get3A_2787 = arith.constant 352 : index
      %get3A_2788 = tpu.vector_load %arg5[%get3A_2786, %get3A_2787] {strides = array<i32>} : memref<26x512xi32, #tpu.memory_space<vmem>>, vector<16xi32>,
      %max3A_2789 = arith.maxsi %get3A_2788, %broadcast_in_dim3A_7 : vector<16xi32>
      %add3A_2790 = arith.constant 100 : i32
      %add3A_2791 = vector.broadcast %add3A_2790 : i32 to vector<16xi32>
      %add3A_2792 = arith.addi %add3A_2791, %max3A_2789 : vector<16xi32>
      %sub3A_2793 = arith.constant 1 : i32
      %sub3A_2794 = vector.broadcast %sub3A_2793 : i32 to vector<16xi32>
      %sub3A_2795 = arith.subi %add3A_2792, %sub3A_2794 : vector<16xi32>
      %gt3A_2796 = arith.constant 0 : i32
      %gt3A_2797 = vector.broadcast %gt3A_2796 : i32 to vector<16xi32>
      %gt3A_2798 = arith.cmpi sgt, %get3A_2788, %gt3A_2797 : vector<16xi32>
      tpu.vector_store_idx %arg7[%sub3A_2795, %add3A_2781], %broadcast_in_dim3A_3 masked %gt3A_2798 : memref<200x256xf32, #tpu.memory_space<vmem>>[vector<16xi32>, vector<16xi32>], vector<16xf32>, vector<16xi1>
      %swap3A_2799 = arith.constant 352 : index
      %swap3A_2800 = tpu.vector_load %arg9[%swap3A_2799] {strides = array<i32>} : memref<512xi32, #tpu.memory_space<vmem>>, vector<16xi32>,
      tpu.vector_store %arg9[%swap3A_2799], %sub3A_2795 {strides = array<i32>} : memref<512xi32, #tpu.memory_space<vmem>>, vector<16xi32>,
      %add3A_2801 = arith.constant 112 : i32
      %add3A_2802 = vector.broadcast %add3A_2801 : i32 to vector<16xi32>
      %add3A_2803 = arith.addi %iota3A, %add3A_2802 : vector<16xi32>
      %mul3A_2804 = arith.constant 2 : i32
      %mul3A_2805 = arith.muli %mul3A_2804, %scan3A_1247 : i32
      %add3A_2806 = arith.constant 1 : i32
      %add3A_2807 = arith.addi %mul3A_2805, %add3A_2806 : i32
      %get3A_2808 = arith.index_cast %add3A_2807 : i32 to index
      %get3A_2809 = arith.constant 368 : index
      %get3A_2810 = tpu.vector_load %arg5[%get3A_2808, %get3A_2809] {strides = array<i32>} : memref<26x512xi32, #tpu.memory_space<vmem>>, vector<16xi32>,
      %max3A_2811 = arith.maxsi %get3A_2810, %broadcast_in_dim3A_7 : vector<16xi32>
      %add3A_2812 = arith.constant 100 : i32
      %add3A_2813 = vector.broadcast %add3A_2812 : i32 to vector<16xi32>
      %add3A_2814 = arith.addi %add3A_2813, %max3A_2811 : vector<16xi32>
      %sub3A_2815 = arith.constant 1 : i32
      %sub3A_2816 = vector.broadcast %sub3A_2815 : i32 to vector<16xi32>
      %sub3A_2817 = arith.subi %add3A_2814, %sub3A_2816 : vector<16xi32>
      %gt3A_2818 = arith.constant 0 : i32
      %gt3A_2819 = vector.broadcast %gt3A_2818 : i32 to vector<16xi32>
      %gt3A_2820 = arith.cmpi sgt, %get3A_2810, %gt3A_2819 : vector<16xi32>
      tpu.vector_store_idx %arg7[%sub3A_2817, %add3A_2803], %broadcast_in_dim3A_3 masked %gt3A_2820 : memref<200x256xf32, #tpu.memory_space<vmem>>[vector<16xi32>, vector<16xi32>], vector<16xf32>, vector<16xi1>
      %swap3A_2821 = arith.constant 368 : index
      %swap3A_2822 = tpu.vector_load %arg9[%swap3A_2821] {strides = array<i32>} : memref<512xi32, #tpu.memory_space<vmem>>, vector<16xi32>,
      tpu.vector_store %arg9[%swap3A_2821], %sub3A_2817 {strides = array<i32>} : memref<512xi32, #tpu.memory_space<vmem>>, vector<16xi32>,
      %add3A_2823 = arith.constant 128 : i32
      %add3A_2824 = vector.broadcast %add3A_2823 : i32 to vector<16xi32>
      %add3A_2825 = arith.addi %iota3A, %add3A_2824 : vector<16xi32>
      %mul3A_2826 = arith.constant 2 : i32
      %mul3A_2827 = arith.muli %mul3A_2826, %scan3A_1247 : i32
      %add3A_2828 = arith.constant 1 : i32
      %add3A_2829 = arith.addi %mul3A_2827, %add3A_2828 : i32
      %get3A_2830 = arith.index_cast %add3A_2829 : i32 to index
      %get3A_2831 = arith.constant 384 : index
      %get3A_2832 = tpu.vector_load %arg5[%get3A_2830, %get3A_2831] {strides = array<i32>} : memref<26x512xi32, #tpu.memory_space<vmem>>, vector<16xi32>,
      %max3A_2833 = arith.maxsi %get3A_2832, %broadcast_in_dim3A_7 : vector<16xi32>
      %add3A_2834 = arith.constant 100 : i32
      %add3A_2835 = vector.broadcast %add3A_2834 : i32 to vector<16xi32>
      %add3A_2836 = arith.addi %add3A_2835, %max3A_2833 : vector<16xi32>
      %sub3A_2837 = arith.constant 1 : i32
      %sub3A_2838 = vector.broadcast %sub3A_2837 : i32 to vector<16xi32>
      %sub3A_2839 = arith.subi %add3A_2836, %sub3A_2838 : vector<16xi32>
      %gt3A_2840 = arith.constant 0 : i32
      %gt3A_2841 = vector.broadcast %gt3A_2840 : i32 to vector<16xi32>
      %gt3A_2842 = arith.cmpi sgt, %get3A_2832, %gt3A_2841 : vector<16xi32>
      tpu.vector_store_idx %arg7[%sub3A_2839, %add3A_2825], %broadcast_in_dim3A_3 masked %gt3A_2842 : memref<200x256xf32, #tpu.memory_space<vmem>>[vector<16xi32>, vector<16xi32>], vector<16xf32>, vector<16xi1>
      %swap3A_2843 = arith.constant 384 : index
      %swap3A_2844 = tpu.vector_load %arg9[%swap3A_2843] {strides = array<i32>} : memref<512xi32, #tpu.memory_space<vmem>>, vector<16xi32>,
      tpu.vector_store %arg9[%swap3A_2843], %sub3A_2839 {strides = array<i32>} : memref<512xi32, #tpu.memory_space<vmem>>, vector<16xi32>,
      %add3A_2845 = arith.constant 144 : i32
      %add3A_2846 = vector.broadcast %add3A_2845 : i32 to vector<16xi32>
      %add3A_2847 = arith.addi %iota3A, %add3A_2846 : vector<16xi32>
      %mul3A_2848 = arith.constant 2 : i32
      %mul3A_2849 = arith.muli %mul3A_2848, %scan3A_1247 : i32
      %add3A_2850 = arith.constant 1 : i32
      %add3A_2851 = arith.addi %mul3A_2849, %add3A_2850 : i32
      %get3A_2852 = arith.index_cast %add3A_2851 : i32 to index
      %get3A_2853 = arith.constant 400 : index
      %get3A_2854 = tpu.vector_load %arg5[%get3A_2852, %get3A_2853] {strides = array<i32>} : memref<26x512xi32, #tpu.memory_space<vmem>>, vector<16xi32>,
      %max3A_2855 = arith.maxsi %get3A_2854, %broadcast_in_dim3A_7 : vector<16xi32>
      %add3A_2856 = arith.constant 100 : i32
      %add3A_2857 = vector.broadcast %add3A_2856 : i32 to vector<16xi32>
      %add3A_2858 = arith.addi %add3A_2857, %max3A_2855 : vector<16xi32>
      %sub3A_2859 = arith.constant 1 : i32
      %sub3A_2860 = vector.broadcast %sub3A_2859 : i32 to vector<16xi32>
      %sub3A_2861 = arith.subi %add3A_2858, %sub3A_2860 : vector<16xi32>
      %gt3A_2862 = arith.constant 0 : i32
      %gt3A_2863 = vector.broadcast %gt3A_2862 : i32 to vector<16xi32>
      %gt3A_2864 = arith.cmpi sgt, %get3A_2854, %gt3A_2863 : vector<16xi32>
      tpu.vector_store_idx %arg7[%sub3A_2861, %add3A_2847], %broadcast_in_dim3A_3 masked %gt3A_2864 : memref<200x256xf32, #tpu.memory_space<vmem>>[vector<16xi32>, vector<16xi32>], vector<16xf32>, vector<16xi1>
      %swap3A_2865 = arith.constant 400 : index
      %swap3A_2866 = tpu.vector_load %arg9[%swap3A_2865] {strides = array<i32>} : memref<512xi32, #tpu.memory_space<vmem>>, vector<16xi32>,
      tpu.vector_store %arg9[%swap3A_2865], %sub3A_2861 {strides = array<i32>} : memref<512xi32, #tpu.memory_space<vmem>>, vector<16xi32>,
      %add3A_2867 = arith.constant 160 : i32
      %add3A_2868 = vector.broadcast %add3A_2867 : i32 to vector<16xi32>
      %add3A_2869 = arith.addi %iota3A, %add3A_2868 : vector<16xi32>
      %mul3A_2870 = arith.constant 2 : i32
      %mul3A_2871 = arith.muli %mul3A_2870, %scan3A_1247 : i32
      %add3A_2872 = arith.constant 1 : i32
      %add3A_2873 = arith.addi %mul3A_2871, %add3A_2872 : i32
      %get3A_2874 = arith.index_cast %add3A_2873 : i32 to index
      %get3A_2875 = arith.constant 416 : index
      %get3A_2876 = tpu.vector_load %arg5[%get3A_2874, %get3A_2875] {strides = array<i32>} : memref<26x512xi32, #tpu.memory_space<vmem>>, vector<16xi32>,
      %max3A_2877 = arith.maxsi %get3A_2876, %broadcast_in_dim3A_7 : vector<16xi32>
      %add3A_2878 = arith.constant 100 : i32
      %add3A_2879 = vector.broadcast %add3A_2878 : i32 to vector<16xi32>
      %add3A_2880 = arith.addi %add3A_2879, %max3A_2877 : vector<16xi32>
      %sub3A_2881 = arith.constant 1 : i32
      %sub3A_2882 = vector.broadcast %sub3A_2881 : i32 to vector<16xi32>
      %sub3A_2883 = arith.subi %add3A_2880, %sub3A_2882 : vector<16xi32>
      %gt3A_2884 = arith.constant 0 : i32
      %gt3A_2885 = vector.broadcast %gt3A_2884 : i32 to vector<16xi32>
      %gt3A_2886 = arith.cmpi sgt, %get3A_2876, %gt3A_2885 : vector<16xi32>
      tpu.vector_store_idx %arg7[%sub3A_2883, %add3A_2869], %broadcast_in_dim3A_3 masked %gt3A_2886 : memref<200x256xf32, #tpu.memory_space<vmem>>[vector<16xi32>, vector<16xi32>], vector<16xf32>, vector<16xi1>
      %swap3A_2887 = arith.constant 416 : index
      %swap3A_2888 = tpu.vector_load %arg9[%swap3A_2887] {strides = array<i32>} : memref<512xi32, #tpu.memory_space<vmem>>, vector<16xi32>,
      tpu.vector_store %arg9[%swap3A_2887], %sub3A_2883 {strides = array<i32>} : memref<512xi32, #tpu.memory_space<vmem>>, vector<16xi32>,
      %add3A_2889 = arith.constant 176 : i32
      %add3A_2890 = vector.broadcast %add3A_2889 : i32 to vector<16xi32>
      %add3A_2891 = arith.addi %iota3A, %add3A_2890 : vector<16xi32>
      %mul3A_2892 = arith.constant 2 : i32
      %mul3A_2893 = arith.muli %mul3A_2892, %scan3A_1247 : i32
      %add3A_2894 = arith.constant 1 : i32
      %add3A_2895 = arith.addi %mul3A_2893, %add3A_2894 : i32
      %get3A_2896 = arith.index_cast %add3A_2895 : i32 to index
      %get3A_2897 = arith.constant 432 : index
      %get3A_2898 = tpu.vector_load %arg5[%get3A_2896, %get3A_2897] {strides = array<i32>} : memref<26x512xi32, #tpu.memory_space<vmem>>, vector<16xi32>,
      %max3A_2899 = arith.maxsi %get3A_2898, %broadcast_in_dim3A_7 : vector<16xi32>
      %add3A_2900 = arith.constant 100 : i32
      %add3A_2901 = vector.broadcast %add3A_2900 : i32 to vector<16xi32>
      %add3A_2902 = arith.addi %add3A_2901, %max3A_2899 : vector<16xi32>
      %sub3A_2903 = arith.constant 1 : i32
      %sub3A_2904 = vector.broadcast %sub3A_2903 : i32 to vector<16xi32>
      %sub3A_2905 = arith.subi %add3A_2902, %sub3A_2904 : vector<16xi32>
      %gt3A_2906 = arith.constant 0 : i32
      %gt3A_2907 = vector.broadcast %gt3A_2906 : i32 to vector<16xi32>
      %gt3A_2908 = arith.cmpi sgt, %get3A_2898, %gt3A_2907 : vector<16xi32>
      tpu.vector_store_idx %arg7[%sub3A_2905, %add3A_2891], %broadcast_in_dim3A_3 masked %gt3A_2908 : memref<200x256xf32, #tpu.memory_space<vmem>>[vector<16xi32>, vector<16xi32>], vector<16xf32>, vector<16xi1>
      %swap3A_2909 = arith.constant 432 : index
      %swap3A_2910 = tpu.vector_load %arg9[%swap3A_2909] {strides = array<i32>} : memref<512xi32, #tpu.memory_space<vmem>>, vector<16xi32>,
      tpu.vector_store %arg9[%swap3A_2909], %sub3A_2905 {strides = array<i32>} : memref<512xi32, #tpu.memory_space<vmem>>, vector<16xi32>,
      %add3A_2911 = arith.constant 192 : i32
      %add3A_2912 = vector.broadcast %add3A_2911 : i32 to vector<16xi32>
      %add3A_2913 = arith.addi %iota3A, %add3A_2912 : vector<16xi32>
      %mul3A_2914 = arith.constant 2 : i32
      %mul3A_2915 = arith.muli %mul3A_2914, %scan3A_1247 : i32
      %add3A_2916 = arith.constant 1 : i32
      %add3A_2917 = arith.addi %mul3A_2915, %add3A_2916 : i32
      %get3A_2918 = arith.index_cast %add3A_2917 : i32 to index
      %get3A_2919 = arith.constant 448 : index
      %get3A_2920 = tpu.vector_load %arg5[%get3A_2918, %get3A_2919] {strides = array<i32>} : memref<26x512xi32, #tpu.memory_space<vmem>>, vector<16xi32>,
      %max3A_2921 = arith.maxsi %get3A_2920, %broadcast_in_dim3A_7 : vector<16xi32>
      %add3A_2922 = arith.constant 100 : i32
      %add3A_2923 = vector.broadcast %add3A_2922 : i32 to vector<16xi32>
      %add3A_2924 = arith.addi %add3A_2923, %max3A_2921 : vector<16xi32>
      %sub3A_2925 = arith.constant 1 : i32
      %sub3A_2926 = vector.broadcast %sub3A_2925 : i32 to vector<16xi32>
      %sub3A_2927 = arith.subi %add3A_2924, %sub3A_2926 : vector<16xi32>
      %gt3A_2928 = arith.constant 0 : i32
      %gt3A_2929 = vector.broadcast %gt3A_2928 : i32 to vector<16xi32>
      %gt3A_2930 = arith.cmpi sgt, %get3A_2920, %gt3A_2929 : vector<16xi32>
      tpu.vector_store_idx %arg7[%sub3A_2927, %add3A_2913], %broadcast_in_dim3A_3 masked %gt3A_2930 : memref<200x256xf32, #tpu.memory_space<vmem>>[vector<16xi32>, vector<16xi32>], vector<16xf32>, vector<16xi1>
      %swap3A_2931 = arith.constant 448 : index
      %swap3A_2932 = tpu.vector_load %arg9[%swap3A_2931] {strides = array<i32>} : memref<512xi32, #tpu.memory_space<vmem>>, vector<16xi32>,
      tpu.vector_store %arg9[%swap3A_2931], %sub3A_2927 {strides = array<i32>} : memref<512xi32, #tpu.memory_space<vmem>>, vector<16xi32>,
      %add3A_2933 = arith.constant 208 : i32
      %add3A_2934 = vector.broadcast %add3A_2933 : i32 to vector<16xi32>
      %add3A_2935 = arith.addi %iota3A, %add3A_2934 : vector<16xi32>
      %mul3A_2936 = arith.constant 2 : i32
      %mul3A_2937 = arith.muli %mul3A_2936, %scan3A_1247 : i32
      %add3A_2938 = arith.constant 1 : i32
      %add3A_2939 = arith.addi %mul3A_2937, %add3A_2938 : i32
      %get3A_2940 = arith.index_cast %add3A_2939 : i32 to index
      %get3A_2941 = arith.constant 464 : index
      %get3A_2942 = tpu.vector_load %arg5[%get3A_2940, %get3A_2941] {strides = array<i32>} : memref<26x512xi32, #tpu.memory_space<vmem>>, vector<16xi32>,
      %max3A_2943 = arith.maxsi %get3A_2942, %broadcast_in_dim3A_7 : vector<16xi32>
      %add3A_2944 = arith.constant 100 : i32
      %add3A_2945 = vector.broadcast %add3A_2944 : i32 to vector<16xi32>
      %add3A_2946 = arith.addi %add3A_2945, %max3A_2943 : vector<16xi32>
      %sub3A_2947 = arith.constant 1 : i32
      %sub3A_2948 = vector.broadcast %sub3A_2947 : i32 to vector<16xi32>
      %sub3A_2949 = arith.subi %add3A_2946, %sub3A_2948 : vector<16xi32>
      %gt3A_2950 = arith.constant 0 : i32
      %gt3A_2951 = vector.broadcast %gt3A_2950 : i32 to vector<16xi32>
      %gt3A_2952 = arith.cmpi sgt, %get3A_2942, %gt3A_2951 : vector<16xi32>
      tpu.vector_store_idx %arg7[%sub3A_2949, %add3A_2935], %broadcast_in_dim3A_3 masked %gt3A_2952 : memref<200x256xf32, #tpu.memory_space<vmem>>[vector<16xi32>, vector<16xi32>], vector<16xf32>, vector<16xi1>
      %swap3A_2953 = arith.constant 464 : index
      %swap3A_2954 = tpu.vector_load %arg9[%swap3A_2953] {strides = array<i32>} : memref<512xi32, #tpu.memory_space<vmem>>, vector<16xi32>,
      tpu.vector_store %arg9[%swap3A_2953], %sub3A_2949 {strides = array<i32>} : memref<512xi32, #tpu.memory_space<vmem>>, vector<16xi32>,
      %add3A_2955 = arith.constant 224 : i32
      %add3A_2956 = vector.broadcast %add3A_2955 : i32 to vector<16xi32>
      %add3A_2957 = arith.addi %iota3A, %add3A_2956 : vector<16xi32>
      %mul3A_2958 = arith.constant 2 : i32
      %mul3A_2959 = arith.muli %mul3A_2958, %scan3A_1247 : i32
      %add3A_2960 = arith.constant 1 : i32
      %add3A_2961 = arith.addi %mul3A_2959, %add3A_2960 : i32
      %get3A_2962 = arith.index_cast %add3A_2961 : i32 to index
      %get3A_2963 = arith.constant 480 : index
      %get3A_2964 = tpu.vector_load %arg5[%get3A_2962, %get3A_2963] {strides = array<i32>} : memref<26x512xi32, #tpu.memory_space<vmem>>, vector<16xi32>,
      %max3A_2965 = arith.maxsi %get3A_2964, %broadcast_in_dim3A_7 : vector<16xi32>
      %add3A_2966 = arith.constant 100 : i32
      %add3A_2967 = vector.broadcast %add3A_2966 : i32 to vector<16xi32>
      %add3A_2968 = arith.addi %add3A_2967, %max3A_2965 : vector<16xi32>
      %sub3A_2969 = arith.constant 1 : i32
      %sub3A_2970 = vector.broadcast %sub3A_2969 : i32 to vector<16xi32>
      %sub3A_2971 = arith.subi %add3A_2968, %sub3A_2970 : vector<16xi32>
      %gt3A_2972 = arith.constant 0 : i32
      %gt3A_2973 = vector.broadcast %gt3A_2972 : i32 to vector<16xi32>
      %gt3A_2974 = arith.cmpi sgt, %get3A_2964, %gt3A_2973 : vector<16xi32>
      tpu.vector_store_idx %arg7[%sub3A_2971, %add3A_2957], %broadcast_in_dim3A_3 masked %gt3A_2974 : memref<200x256xf32, #tpu.memory_space<vmem>>[vector<16xi32>, vector<16xi32>], vector<16xf32>, vector<16xi1>
      %swap3A_2975 = arith.constant 480 : index
      %swap3A_2976 = tpu.vector_load %arg9[%swap3A_2975] {strides = array<i32>} : memref<512xi32, #tpu.memory_space<vmem>>, vector<16xi32>,
      tpu.vector_store %arg9[%swap3A_2975], %sub3A_2971 {strides = array<i32>} : memref<512xi32, #tpu.memory_space<vmem>>, vector<16xi32>,
      %add3A_2977 = arith.constant 240 : i32
      %add3A_2978 = vector.broadcast %add3A_2977 : i32 to vector<16xi32>
      %add3A_2979 = arith.addi %iota3A, %add3A_2978 : vector<16xi32>
      %mul3A_2980 = arith.constant 2 : i32
      %mul3A_2981 = arith.muli %mul3A_2980, %scan3A_1247 : i32
      %add3A_2982 = arith.constant 1 : i32
      %add3A_2983 = arith.addi %mul3A_2981, %add3A_2982 : i32
      %get3A_2984 = arith.index_cast %add3A_2983 : i32 to index
      %get3A_2985 = arith.constant 496 : index
      %get3A_2986 = tpu.vector_load %arg5[%get3A_2984, %get3A_2985] {strides = array<i32>} : memref<26x512xi32, #tpu.memory_space<vmem>>, vector<16xi32>,
      %max3A_2987 = arith.maxsi %get3A_2986, %broadcast_in_dim3A_7 : vector<16xi32>
      %add3A_2988 = arith.constant 100 : i32
      %add3A_2989 = vector.broadcast %add3A_2988 : i32 to vector<16xi32>
      %add3A_2990 = arith.addi %add3A_2989, %max3A_2987 : vector<16xi32>
      %sub3A_2991 = arith.constant 1 : i32
      %sub3A_2992 = vector.broadcast %sub3A_2991 : i32 to vector<16xi32>
      %sub3A_2993 = arith.subi %add3A_2990, %sub3A_2992 : vector<16xi32>
      %gt3A_2994 = arith.constant 0 : i32
      %gt3A_2995 = vector.broadcast %gt3A_2994 : i32 to vector<16xi32>
      %gt3A_2996 = arith.cmpi sgt, %get3A_2986, %gt3A_2995 : vector<16xi32>
      tpu.vector_store_idx %arg7[%sub3A_2993, %add3A_2979], %broadcast_in_dim3A_3 masked %gt3A_2996 : memref<200x256xf32, #tpu.memory_space<vmem>>[vector<16xi32>, vector<16xi32>], vector<16xf32>, vector<16xi1>
      %swap3A_2997 = arith.constant 496 : index
      %swap3A_2998 = tpu.vector_load %arg9[%swap3A_2997] {strides = array<i32>} : memref<512xi32, #tpu.memory_space<vmem>>, vector<16xi32>,
      tpu.vector_store %arg9[%swap3A_2997], %sub3A_2993 {strides = array<i32>} : memref<512xi32, #tpu.memory_space<vmem>>, vector<16xi32>,
      %mul3A_2999 = arith.constant 200 : i32
      %mul3A_3000 = arith.muli %scan3A_1247, %mul3A_2999 : i32
      %add3A_3001 = arith.constant 256 : i32
      %add3A_3002 = arith.addi %mul3A_2, %add3A_3001 : i32
      %dma_start3A_3003 = tpu.memref_slice %arg4[%mul3A_3000, %add3A_3002] : memref<2600x16384xf32, #tpu.memory_space<hbm>> -> memref<200x256xf32, #tpu.memory_space<hbm>>
      %dma_start3A_3004 = tpu.memref_slice %arg4[%mul3A_3000, %add3A_3002] : memref<2600x16384xf32, #tpu.memory_space<hbm>> -> memref<200x256xf32, #tpu.memory_space<hbm>>
      tpu.enqueue_dma source(%arg7 : memref<200x256xf32, #tpu.memory_space<vmem>>) target(%dma_start3A_3004 : memref<200x256xf32, #tpu.memory_space<hbm>>) target_semaphore(%arg11 : memref<!tpu.dma_semaphore, #tpu.memory_space<semaphore_mem>>)
      %scan3A_3005 = arith.constant 0 : i32
      scf.yield %scan3A_3005 : i32
    }
    %scan3A_1235 = arith.constant 12 : i32
    %add3A_1236 = arith.constant 0 : i32
    %add3A_1237 = arith.addi %mul3A_2, %add3A_1236 : i32
    %dma_wait3A = arith.constant 2400 : i32
    %dma_wait3A_1238 = tpu.memref_slice %arg4[%dma_wait3A, %add3A_1237] : memref<2600x16384xf32, #tpu.memory_space<hbm>> -> memref<200x256xf32, #tpu.memory_space<hbm>>
    %dma_wait3A_1239 = arith.constant 2400 : i32
    %dma_wait3A_1240 = tpu.memref_slice %arg4[%dma_wait3A_1239, %add3A_1237] : memref<2600x16384xf32, #tpu.memory_space<hbm>> -> memref<200x256xf32, #tpu.memory_space<hbm>>
    tpu.wait_dma2 semaphore(%arg10 : memref<!tpu.dma_semaphore, #tpu.memory_space<semaphore_mem>>) src(%arg6 : memref<200x256xf32, #tpu.memory_space<vmem>>) dst(%dma_wait3A_1240 : memref<200x256xf32, #tpu.memory_space<hbm>>)
    %add3A_1241 = arith.constant 256 : i32
    %add3A_1242 = arith.addi %mul3A_2, %add3A_1241 : i32
    %dma_wait3A_1243 = arith.constant 2400 : i32
    %dma_wait3A_1244 = tpu.memref_slice %arg4[%dma_wait3A_1243, %add3A_1242] : memref<2600x16384xf32, #tpu.memory_space<hbm>> -> memref<200x256xf32, #tpu.memory_space<hbm>>
    %dma_wait3A_1245 = arith.constant 2400 : i32
    %dma_wait3A_1246 = tpu.memref_slice %arg4[%dma_wait3A_1245, %add3A_1242] : memref<2600x16384xf32, #tpu.memory_space<hbm>> -> memref<200x256xf32, #tpu.memory_space<hbm>>
    tpu.wait_dma2 semaphore(%arg11 : memref<!tpu.dma_semaphore, #tpu.memory_space<semaphore_mem>>) src(%arg7 : memref<200x256xf32, #tpu.memory_space<vmem>>) dst(%dma_wait3A_1246 : memref<200x256xf32, #tpu.memory_space<hbm>>)
    return
  }
}

</mosaic_0001>

<sc_bundles>
// kernel: kernel.3.cloned.1.call-start
scs
__scs_entry_jumppad:
0x0: {  	(pc) =	sbr.rel $0x88, $3  }
0x1: {  	(tag) =	ssettag $0x0;
	lr =	simm.s32 $0x1  }
0x2: {  	[smem:$0x3FA0] =	sst lr;
	_ =	strace $0xD0000000  }
0x3: {  	_ = 	snop  }
0x4: {  	_ = 	snop  }
0x5: {  	_ = 	snop  }
0x6: {  	_ = 	snop  }
0x7: {  	_ = 	snop  }
__scs_overlays_trampoline_lowered:
0x8: {  	[smem:$0x3FAF] =	sst s0  }
0x9: {  	[smem:$0x3FB0] =	sst s1  }
0xa: {  	[smem:$0x3FB1] =	sst s2  }
0xb: {  	[smem:$0x3FB2] =	sst s3  }
0xc: {  	[smem:$0x3FB3] =	sst s4  }
0xd: {  	[smem:$0x3FB4] =	sst s5  }
0xe: {  	[smem:$0x3FB5] =	sst s6  }
0xf: {  	[smem:$0x3FB6] =	sst s7  }
0x10: {  	[smem:$0x3FB7] =	sst s8  }
0x11: {  	[smem:$0x3FB8] =	sst s9;
	s0 =	simm.s32 @!p0 $0x0  }
0x12: {  	s1 =	sld [smem:$0x3F9E];
	s0 =	simm.s32 @p0 $0x1  }
0x13: {  	[smem:$0x3FB9] =	sst s0;
	s0 =	simm.s32 @!p1 $0x0  }
0x14: {  	s2 =	sld [smem:$0x3F9D];
	s0 =	simm.s32 @p1 $0x1  }
0x15: {  	[smem:$0x3FBA] =	sst s0;
	s0 =	simm.s32 @!p2 $0x0  }
0x16: {  	s3 =	sld [smem:$0x3FDB];
	s0 =	simm.s32 @p2 $0x1  }
0x17: {  	s4 =	simm.s32 $0x1BF5;
	[smem:$0x3FBC] =	sst s0  }
0x18: {  	s0 =	sld [smem:$0x3F9F];
	_ =	swait.ge [sflag:s4], $0x0  }
0x19: {  	s7 =	sld [smem:$0x3FA0]  }
0x1a: {  	s8 =	sadd.s32 $0xFFFFE003, lr  }
0x1b: {  	s9 =	sadd.s32 $0xFFFFFEF7, lr;
	s5 =	simm.s32 $0xFFFFFFFF;
	p2 =	slt.u32 s8, $0xFFFFF086  }
0x1c: {  	p1 =	slt.u32 s9, $0xF7A;
	s5 =	simm.s32 @!p2 $0x0  }
0x1d: {  	s5 =	simm.s32 @p1 $0x1;
	p0 =	seq.s32 s7, s2  }
0x1e: {  	s7 =	smul.u32 @!p0 $0xF7A, s2;
	p2 =	seq.s32 @!p0 s5, $0x0  }
0x1f: {  	s9 =	smul.u32 $0xF7A, s1;
	s8 =	simm.s32 @!p0 $0x1BF5;
	p2 =	por !p2, p0  }
0x20: {  	[sflag:s8] =	ssyncset.s32 @!p0 $0xFFFFF086;
	s6 =	sadd.s32 @!p0 s3, s7;
	s7 =	simm.s32 @!p0 $0x108  }
0x21: {  	s3 =	sadd.s32 s3, s9;
	s6 =	sadd.s32 @!p0 $0x88, s6;
	s7 =	simm.s32 @p2 $0x1082  }
0x22: {  	[simem:s7], [sflag:s8] =	dma.local @!p0 [hbm:s6], $0xF7A  }
0x23: {  	s9 =	sor.u32 $0xD0000000, s2;
	s6 =	simm.s32 $0x108;
	_ =	swait.ge @!p0 [sflag:s8], $0x0  }
0x24: {  	s3 =	sadd.s32 $0x88, s3;
	s6 =	simm.s32 @!p1 $0x1082;
	[sflag:s4] =	ssyncset.s32 $0xFFFFF086  }
0x25: {  	[simem:s6], [sflag:s4] =	dma.local [hbm:s3], $0xF7A  }
0x26: {  	[smem:$0x3FA0] =	sst s1;
	(tag) =	ssettag s2;
	_ =	strace s9  }
0x27: {  	s1 =	sld [smem:$0x3FB0]  }
0x28: {  	s2 =	sld [smem:$0x3FB1]  }
0x29: {  	s4 =	sld [smem:$0x3FB3]  }
0x2a: {  	p0 =	seq.s32 s5, $0x0;
	s5 =	sld [smem:$0x3FB4]  }
0x2b: {  	s6 =	sld [smem:$0x3FB5]  }
0x2c: {  	s7 =	sld [smem:$0x3FB6]  }
0x2d: {  	s3 =	simm.s32 $0x108;
	s8 =	sld [smem:$0x3FB7]  }
0x2e: {  	s3 =	simm.s32 @!p0 $0x1082;
	s9 =	sld [smem:$0x3FB8]  }
0x2f: {  	lr =	sadd.s32 s0, s3;
	s0 =	sld [smem:$0x3FAF]  }
0x30: {  	s3 =	sld [smem:$0x3FB2]  }
0x31: {  	[smem:$0x3FBB] =	sst s10  }
0x32: {  	s10 =	sld [smem:$0x3FB9];
	_ =	sdelay $0x3  }
0x33: {  	p0 =	seq.s32 s10, $0x1;
	s10 =	sld [smem:$0x3FBB];
	_ =	sdelay $0x3  }
0x34: {  	[smem:$0x3FBB] =	sst s10  }
0x35: {  	s10 =	sld [smem:$0x3FBA];
	_ =	sdelay $0x3  }
0x36: {  	p1 =	seq.s32 s10, $0x1;
	s10 =	sld [smem:$0x3FBB];
	_ =	sdelay $0x3  }
0x37: {  	[smem:$0x3FBB] =	sst s10  }
0x38: {  	s10 =	sld [smem:$0x3FBC]  }
0x39: {  	_ = 	snop;
	(pc) =	sbr.ind lr, $3  }
0x3a: {  	_ = 	snop  }
0x3b: {  	_ = 	snop  }
0x3c: {  	p2 =	seq.s32 s10, $0x1;
	s10 =	sld [smem:$0x3FBB]  }
0x3d: {  	_ =	shalt  }
0x3e: {  	_ =	shalt  }
0x3f: {  	_ =	shalt  }
0x40: {  	_ =	shalt  }
0x41: {  	_ =	shalt  }
0x42: {  	_ =	shalt  }
0x43: {  	_ =	shalt  }
0x44: {  	_ =	shalt  }
0x45: {  	_ =	shalt  }
0x46: {  	_ =	shalt  }
0x47: {  	_ =	shalt  }
0x48: {  	_ =	shalt  }
0x49: {  	_ =	shalt  }
0x4a: {  	_ =	shalt  }
0x4b: {  	_ =	shalt  }
0x4c: {  	_ =	shalt  }
0x4d: {  	_ =	shalt  }
0x4e: {  	_ =	shalt  }
0x4f: {  	_ =	shalt  }
0x50: {  	_ =	shalt  }
0x51: {  	_ =	shalt  }
0x52: {  	_ =	shalt  }
0x53: {  	_ =	shalt  }
0x54: {  	_ =	shalt  }
0x55: {  	_ =	shalt  }
0x56: {  	_ =	shalt  }
0x57: {  	_ =	shalt  }
0x58: {  	_ =	shalt  }
0x59: {  	_ =	shalt  }
0x5a: {  	_ =	shalt  }
0x5b: {  	_ =	shalt  }
0x5c: {  	_ =	shalt  }
0x5d: {  	_ =	shalt  }
0x5e: {  	_ =	shalt  }
0x5f: {  	_ =	shalt  }
0x60: {  	_ =	shalt  }
0x61: {  	_ =	shalt  }
0x62: {  	_ =	shalt  }
0x63: {  	_ =	shalt  }
0x64: {  	_ =	shalt  }
0x65: {  	_ =	shalt  }
0x66: {  	_ =	shalt  }
0x67: {  	_ =	shalt  }
0x68: {  	_ =	shalt  }
0x69: {  	_ =	shalt  }
0x6a: {  	_ =	shalt  }
0x6b: {  	_ =	shalt  }
0x6c: {  	_ =	shalt  }
0x6d: {  	_ =	shalt  }
0x6e: {  	_ =	shalt  }
0x6f: {  	_ =	shalt  }
0x70: {  	_ =	shalt  }
0x71: {  	_ =	shalt  }
0x72: {  	_ =	shalt  }
0x73: {  	_ =	shalt  }
0x74: {  	_ =	shalt  }
0x75: {  	_ =	shalt  }
0x76: {  	_ =	shalt  }
0x77: {  	_ =	shalt  }
0x78: {  	_ =	shalt  }
0x79: {  	_ =	shalt  }
0x7a: {  	_ =	shalt  }
0x7b: {  	_ =	shalt  }
0x7c: {  	_ =	shalt  }
0x7d: {  	_ =	shalt  }
0x7e: {  	_ =	shalt  }
0x7f: {  	_ =	shalt  }
0x80: {  	_ =	shalt  }
0x81: {  	_ =	shalt  }
0x82: {  	_ =	shalt  }
0x83: {  	_ =	shalt  }
0x84: {  	_ =	shalt  }
0x85: {  	_ =	shalt  }
0x86: {  	_ =	shalt  }
0x87: {  	_ =	shalt  }
.Lfunc_end0:
.L_simem_size_0:
called_computation_lowered:
.L_overlay_start_0:
0x88: {  	s2 =	sld [smem:$0x3FD9]  }
0x89: {  	s3 =	sld [smem:$0x3FFE];
	_ =	sdelay $0x1  }
0x8a: {  	s1 =	srdreg.scid  }
0x8b: {  	s0 =	sand.u32 $0x1, s1  }
0x8c: {  	s17 =	sshll.u32 s0, $0xA;
	s2 =	sadd.s32 s3, s2  }
0x8d: {  	s2 =	sadd.s32 s2, s17  }
0x8e: {  	[smem:$0x3FC7] =	sst s2  }
0x8f: {  	_ = 	snop  }
0x90: {  	s2 =	sld [smem:$0x3FC9]  }
0x91: {  	s18 =	sld [smem:$0x3FD0];
	(tm) =	ssettm $0x1  }
0x92: {  	s4 =	sld [smem:$0x3FFB];
	_ =	sdelay $0x3  }
0x93: {  	_ =	strace s4  }
0x94: {  	s4 =	sld [smem:$0x3FFC];
	_ =	sdelay $0x3  }
0x95: {  	_ =	strace s4  }
0x96: {  	s4 =	sld [smem:$0x3FFD];
	_ =	sdelay $0x3  }
0x97: {  	_ =	strace s4  }
0x98: {  	_ =	strace $0x8FFFFFFF  }
0x99: {  	s19 =	sld [smem:$0x3FDB];
	_ =	sdelay $0x1  }
0x9a: {  	s5 =	simm.s32 $_scs_section_size  }
0x9b: {  	s6 =	simm.s32 $_size__tile_overlayer_lowered;
	s7 =	simm.s32 $_tile_overlayer_lowered  }
0x9c: {  	s22 =	simm.s32 $0x1BFF;
	s21 =	sshll.u32 s7, $0x1;
	s4 =	sadd.s32 s5, s19  }
0x9d: {  	s8 =	simm.s32 $0x0;
	s20 =	sshll.u32 s6, $0x1;
	s6 =	sadd.s32 s21, s4  }
0x9e: {  	[timem:s8], [sflag:s22] =	dma.local [hbm:s6], s20  }
0x9f: {  	_ =	swait.ge [sflag:s22], s20  }
0xa0: {  	s5 =	ssub.s32 $0x0, s20;
	[sflag:s22] =	ssyncset.done $0x0  }
0xa1: {  	[sflag:s22] =	ssyncadd.s32 s5;
	_ =	sdelay $0x1  }
0xa2: {  	s23 =	simm.s32 $0x1B8B  }
0xa3: {  	_ =	swait.ge [sflag:s23], $0x1  }
0xa4: {  	[sflag:s23] =	ssyncset.done $0x0  }
0xa5: {  	s25 =	simm.s32 $0x1B8E;
	s24 =	sld [smem:$0x3FFE];
	[sflag:s23] =	ssyncadd.s32 $0xFFFFFFFF  }
0xa6: {  	s26 =	simm.s32 $execute0_lowered;
	[smem:$0x3FD2] =	sst s25  }
0xa7: {  	s6 =	sshll.u32 s26, $0x1;
	_ =	strace $0x80000046;
	[dreg:$0x1] =	wrdreg $0xFFFFFFFF  }
0xa8: {  	s28 =	simm.s32 $_size_execute0_lowered;
	s4 =	sadd.s32 s4, s6;
	[dreg:$0x0] =	wrdreg $0x0  }
0xa9: {  	s6 =	sshll.u32 s28, $0x1;
	[dreg:$0x2] =	wrdreg s4  }
0xaa: {  	[dreg:$0x3] =	wrdreg s6  }
0xab: {  	[dreg:$0x4] =	wrdreg $0xC0  }
0xac: {  	_ =	task [dreg:s8], $0x5FFFF  }
0xad: {  	[dreg:$0x1] =	wrdreg $0xFFFFFFFF  }
0xae: {  	[dreg:$0x0] =	wrdreg $0x60  }
0xaf: {  	[dreg:$0x2] =	wrdreg s2  }
0xb0: {  	[dreg:$0x3] =	wrdreg s24  }
0xb1: {  	[dreg:$0x4] =	wrdreg s18  }
0xb2: {  	[dreg:$0x5] =	wrdreg $0x9  }
0xb3: {  	_ =	task.clear_ibuf [dreg:s8], $0x6FFFF;
	_ =	strace $0x90000046  }
0xb4: {  	s29 =	simm.s32 $0x9;
	_ =	strace $0x80000048  }
0xb5: {  	_ =	swait.ge [sflag:s29], $0x1  }
0xb6: {  	[sflag:s29] =	ssyncadd.s32 $0xFFFFFFFF  }
0xb7: {  	_ =	strace $0x90000048  }
0xb8: {  	_ =	sfence  }
0xb9: {  	s30 =	sld [smem:$0x0];
	_ =	sdelay $0x2  }
0xba: {  	s31 =	sshll.u32 s1, $0xD;
	s1 =	sshrl.u32 s1, $0x2  }
0xbb: {  	s3 =	sand.u32 $0x4000, s31;
	s1 =	sadd.s32 s1, s30  }
0xbc: {  	s0 =	sor.u32 s3, s0;
	s1 =	sshll.u32 s1, $0x11  }
0xbd: {  	s0 =	sor.u32 s1, s0  }
0xbe: {  	s0 =	sadd.s32 $0x8F2B, s0  }
0xbf: {  	[sflag:s0] =	ssyncadd.remote.s32 $0x1  }
0xc0: {  	_ =	sfence.sel $0xFFFF  }
0xc1: {  	[dreg:$0x0] =	wrdreg $0xFFFFFFFF;
	(pc) =	sbr.abs _section_cstart, $3  }
0xc2: {  	[dreg:$0x1] =	wrdreg $0xFFFFFFFF  }
0xc3: {  	_ =	task.clear_ibuf [dreg:s8], $0x2FFFF;
	_ =	strace $0x9FFFFFFF  }
0xc4: {  	(tm) =	ssettm $0x7FFFFFFF  }
0xc5: {  	_ =	shalt  }
tec
execute0_lowered:
.L_overlay_start_1:
0x0: {  	(tag) =	ssettag $0x1  }
0x1: {  	s4 =	rddreg [dreg:$0x0]  }
0x2: {  	s2 =	rddreg [dreg:$0x1]  }
0x3: {  	s8 =	rddreg [dreg:$0x2]  }
0x4: {  	s0 =	rddreg [dreg:$0x3];
	s1 =	simm.s32 $0x0;
	s3 =	srdreg.scid  }
0x5: {  	s13 =	simm.s32 $0x4000;
	s14 =	simm.s32 $0x10800;
	s15 =	simm.s32 $0x800  }
0x6: {  	s16 =	simm.s32 $0x1;
	s17 =	simm.s32 $0x2;
	s18 =	simm.s32 $0x0  }
0x7: {  	[smem:$0x7FF] =	sst s1;
	s5 =	sand.u32 $0x1, s3;
	s3 =	sadd.s32 $0x400, s2  }
0x8: {  	s2 =	stileid.u32;
	_ =	strace $0x80000047;
	s6 =	ssub.s32 $0x2, s5  }
0x9: {  	s9 =	sshll.u32 s2, $0xA;
	s10 =	sshll.u32 s5, $0x9;
	s12 =	sshll.u32 s2, $0xD  }
0xa: {  	v0 =	vlaneseq.u32;
	v1 =	vimm.f32 $1.000000000e+00;
	v17 =	vimm.f32 $0.0e+00;
	s5 =	sshll.u32 s5, $0xC;
	s7 =	sshrl.u32 s6, $0x1;
	s11 =	sor.u32 s10, s9  }
0xb: {  	v2 =	vor.u32 $0x10, v0;
	v3 =	vor.u32 $0x20, v0;
	v4 =	vor.u32 $0x30, v0;
	s30 =	sor.u32 s5, s12;
	s9 =	sadd.s32 s9, s8;
	s12 =	simm.s32 $0x3  }
0xc: {  	v5 =	vor.u32 $0x40, v0;
	v6 =	vor.u32 $0x50, v0;
	v7 =	vor.u32 $0x60, v0;
	s7 =	ssub.s32 s6, s7;
	s4 =	sadd.s32 s4, s11;
	s5 =	sadd.s32 s8, s11  }
0xd: {  	v8 =	vor.u32 $0x70, v0;
	v9 =	vor.u32 $0x400, v0;
	v10 =	vor.u32 $0x410, v0;
	s31 =	sor.u32 $0x320800, s30;
	s9 =	sadd.s32 s10, s9;
	s10 =	simm.s32 $0x1000  }
0xe: {  	v11 =	vor.u32 $0x420, v0;
	v12 =	vor.u32 $0x430, v0;
	v13 =	vor.u32 $0x440, v0;
	s6 =	sadd.s32 $0x100, s5;
	s11 =	sshrl.u32 s31, $0x3;
	s7 =	smax.u32 s7, $0x1  }
0xf: {  	v14 =	vor.u32 $0x450, v0;
	v15 =	vor.u32 $0x460, v0;
	v16 =	vor.u32 $0x470, v0;
	s9 =	sadd.s32 $0x64000, s9;
	s8 =	sadd.s32 s11, s8;
	s11 =	simm.s32 $0x20000  }
.LBB2_1:
0x10: {  	[tilespmem:s1], [sflag:$0x3] =	stream.strided.gather [hbm4b:s4+s10], $0x4000, s11, s10, $0x38;
	[tilespmem:$0x1D400] =	vst v63  }
0x11: {  	_ =	swait.ge [sflag:s12], $0x4000  }
0x12: {  	[sflag:s12] =	ssyncset.done $0x0  }
0x13: {  	[sflag:s12] =	ssyncadd.s32 $0xFFFFC000  }
0x14: {  	[tilespmem:s13], [sflag:$0x3] =	stream.linear.gather [hbm4b:s3+s1], $0xC800, $0x38;
	[tilespmem:$0x1D400] =	vst v63  }
0x15: {  	_ =	swait.ge [sflag:s12], $0xC800  }
0x16: {  	[sflag:s12] =	ssyncset.done $0x0  }
0x17: {  	[sflag:s12] =	ssyncadd.s32 $0xFFFF3800  }
0x18: {  	[tilespmem:s14], [sflag:$0x3] =	stream.linear.gather [hbm4b:s3+s1], $0xC800, $0x38;
	[tilespmem:$0x1D400] =	vst v63  }
0x19: {  	_ =	swait.ge [sflag:s12], $0xC800  }
0x1a: {  	[sflag:s12] =	ssyncset.done $0x0  }
0x1b: {  	[sflag:s12] =	ssyncadd.s32 $0xFFFF3800  }
0x1c: {  	v18 =	vld [tilespmem:$0x0];
	_ =	sdelay $0x4  }
0x1d: {  	vm0 =	vgt.s32 v18, $0x1  }
0x1e: {  	v19 =	vnsel vm0, $0x1, v18  }
0x1f: {  	v19 =	vadd.s32 $0xFFFFFFFF, v19  }
0x20: {  	v20 =	vshll.u32 v19, $0x8;
	v21 =	vshll.u32 v19, $0x7  }
0x21: {  	v20 =	vand.u32 $0xFFFFF800, v20;
	v21 =	vand.u32 $0x380, v21  }
0x22: {  	vm9 =	vgt.s32 v18, $0x0;
	v18 =	vor.u32 v20, v21  }
0x23: {  	v18 =	vor.u32 v0, v18;
	_ =	sdelay $0x4  }
0x24: {  	[tilespmem:v18+s13+$0x0] =	vst.idx.msk vm9, v1  }
0x25: {  	v18 =	vld [tilespmem:$0x10];
	_ =	sdelay $0x4  }
0x26: {  	vm10 =	vgt.s32 v18, $0x1  }
0x27: {  	v27 =	vnsel vm10, $0x1, v18  }
0x28: {  	v20 =	vadd.s32 $0xFFFFFFFF, v27  }
0x29: {  	v28 =	vshll.u32 v20, $0x8;
	v22 =	vshll.u32 v20, $0x7  }
0x2a: {  	v21 =	vand.u32 $0xFFFFF800, v28;
	v22 =	vand.u32 $0x380, v22  }
0x2b: {  	vm11 =	vgt.s32 v18, $0x0;
	v18 =	vor.u32 v21, v22  }
0x2c: {  	v18 =	vor.u32 v2, v18;
	_ =	sdelay $0x3  }
0x2d: {  	[tilespmem:$0x1D000] =	vst v19  }
0x2e: {  	[tilespmem:v18+s13+$0x0] =	vst.idx.msk vm11, v1  }
0x2f: {  	v18 =	vld [tilespmem:$0x20];
	_ =	sdelay $0x4  }
0x30: {  	vm12 =	vgt.s32 v18, $0x1  }
0x31: {  	v19 =	vnsel vm12, $0x1, v18  }
0x32: {  	v19 =	vadd.s32 $0xFFFFFFFF, v19  }
0x33: {  	v29 =	vshll.u32 v19, $0x8;
	v30 =	vshll.u32 v19, $0x7  }
0x34: {  	v21 =	vand.u32 $0xFFFFF800, v29;
	v22 =	vand.u32 $0x380, v30  }
0x35: {  	vm13 =	vgt.s32 v18, $0x0;
	v18 =	vor.u32 v21, v22  }
0x36: {  	v18 =	vor.u32 v3, v18;
	_ =	sdelay $0x3  }
0x37: {  	[tilespmem:$0x1D010] =	vst v20  }
0x38: {  	[tilespmem:v18+s13+$0x0] =	vst.idx.msk vm13, v1  }
0x39: {  	v18 =	vld [tilespmem:$0x30];
	_ =	sdelay $0x4  }
0x3a: {  	vm14 =	vgt.s32 v18, $0x1  }
0x3b: {  	v31 =	vnsel vm14, $0x1, v18  }
0x3c: {  	v20 =	vadd.s32 $0xFFFFFFFF, v31  }
0x3d: {  	v32 =	vshll.u32 v20, $0x8;
	v33 =	vshll.u32 v20, $0x7  }
0x3e: {  	v21 =	vand.u32 $0xFFFFF800, v32;
	v22 =	vand.u32 $0x380, v33  }
0x3f: {  	vm15 =	vgt.s32 v18, $0x0;
	v18 =	vor.u32 v21, v22  }
0x40: {  	v18 =	vor.u32 v4, v18;
	_ =	sdelay $0x3  }
0x41: {  	[tilespmem:$0x1D020] =	vst v19  }
0x42: {  	[tilespmem:v18+s13+$0x0] =	vst.idx.msk vm15, v1  }
0x43: {  	v18 =	vld [tilespmem:$0x40];
	_ =	sdelay $0x4  }
0x44: {  	vm4 =	vgt.s32 v18, $0x1  }
0x45: {  	v19 =	vnsel vm4, $0x1, v18  }
0x46: {  	v19 =	vadd.s32 $0xFFFFFFFF, v19  }
0x47: {  	v34 =	vshll.u32 v19, $0x8;
	v35 =	vshll.u32 v19, $0x7  }
0x48: {  	v21 =	vand.u32 $0xFFFFF800, v34;
	v22 =	vand.u32 $0x380, v35  }
0x49: {  	vm5 =	vgt.s32 v18, $0x0;
	v18 =	vor.u32 v21, v22  }
0x4a: {  	v18 =	vor.u32 v5, v18;
	_ =	sdelay $0x3  }
0x4b: {  	[tilespmem:$0x1D030] =	vst v20  }
0x4c: {  	[tilespmem:v18+s13+$0x0] =	vst.idx.msk vm5, v1  }
0x4d: {  	v18 =	vld [tilespmem:$0x50];
	_ =	sdelay $0x4  }
0x4e: {  	vm6 =	vgt.s32 v18, $0x1  }
0x4f: {  	v36 =	vnsel vm6, $0x1, v18  }
0x50: {  	v20 =	vadd.s32 $0xFFFFFFFF, v36  }
0x51: {  	v37 =	vshll.u32 v20, $0x8;
	v38 =	vshll.u32 v20, $0x7  }
0x52: {  	v21 =	vand.u32 $0xFFFFF800, v37;
	v22 =	vand.u32 $0x380, v38  }
0x53: {  	vm7 =	vgt.s32 v18, $0x0;
	v18 =	vor.u32 v21, v22  }
0x54: {  	v18 =	vor.u32 v6, v18;
	_ =	sdelay $0x3  }
0x55: {  	[tilespmem:$0x1D040] =	vst v19  }
0x56: {  	[tilespmem:v18+s13+$0x0] =	vst.idx.msk vm7, v1  }
0x57: {  	v18 =	vld [tilespmem:$0x60];
	_ =	sdelay $0x4  }
0x58: {  	vm8 =	vgt.s32 v18, $0x1  }
0x59: {  	v19 =	vnsel vm8, $0x1, v18  }
0x5a: {  	v19 =	vadd.s32 $0xFFFFFFFF, v19  }
0x5b: {  	v39 =	vshll.u32 v19, $0x8;
	v40 =	vshll.u32 v19, $0x7  }
0x5c: {  	v21 =	vand.u32 $0xFFFFF800, v39;
	v22 =	vand.u32 $0x380, v40  }
0x5d: {  	vm9 =	vgt.s32 v18, $0x0;
	v18 =	vor.u32 v21, v22  }
0x5e: {  	v18 =	vor.u32 v7, v18;
	_ =	sdelay $0x3  }
0x5f: {  	[tilespmem:$0x1D050] =	vst v20  }
0x60: {  	[tilespmem:v18+s13+$0x0] =	vst.idx.msk vm9, v1  }
0x61: {  	v18 =	vld [tilespmem:$0x70];
	_ =	sdelay $0x4  }
0x62: {  	vm10 =	vgt.s32 v18, $0x1  }
0x63: {  	v41 =	vnsel vm10, $0x1, v18  }
0x64: {  	v20 =	vadd.s32 $0xFFFFFFFF, v41  }
0x65: {  	v42 =	vshll.u32 v20, $0x8;
	v43 =	vshll.u32 v20, $0x7  }
0x66: {  	v21 =	vand.u32 $0xFFFFF800, v42;
	v22 =	vand.u32 $0x380, v43  }
0x67: {  	vm11 =	vgt.s32 v18, $0x0;
	v18 =	vor.u32 v21, v22  }
0x68: {  	v18 =	vor.u32 v8, v18;
	_ =	sdelay $0x3  }
0x69: {  	[tilespmem:$0x1D060] =	vst v19  }
0x6a: {  	[tilespmem:v18+s13+$0x0] =	vst.idx.msk vm11, v1  }
0x6b: {  	v18 =	vld [tilespmem:$0x400];
	_ =	sdelay $0x4  }
0x6c: {  	vm12 =	vgt.s32 v18, $0x1  }
0x6d: {  	v19 =	vnsel vm12, $0x1, v18  }
0x6e: {  	v19 =	vadd.s32 $0xFFFFFFFF, v19  }
0x6f: {  	v44 =	vshll.u32 v19, $0x8;
	v45 =	vshll.u32 v19, $0x7  }
0x70: {  	v21 =	vand.u32 $0xFFFFF800, v44;
	v22 =	vand.u32 $0x380, v45  }
0x71: {  	vm13 =	vgt.s32 v18, $0x0;
	v18 =	vor.u32 v22, v21  }
0x72: {  	v18 =	vor.u32 v9, v18;
	_ =	sdelay $0x3  }
0x73: {  	[tilespmem:$0x1D070] =	vst v20  }
0x74: {  	[tilespmem:v18+s13+$0x0] =	vst.idx.msk vm13, v1  }
0x75: {  	v18 =	vld [tilespmem:$0x410];
	_ =	sdelay $0x4  }
0x76: {  	vm14 =	vgt.s32 v18, $0x1  }
0x77: {  	v46 =	vnsel vm14, $0x1, v18  }
0x78: {  	v20 =	vadd.s32 $0xFFFFFFFF, v46  }
0x79: {  	v47 =	vshll.u32 v20, $0x8;
	v48 =	vshll.u32 v20, $0x7  }
0x7a: {  	v21 =	vand.u32 $0xFFFFF800, v47;
	v22 =	vand.u32 $0x380, v48  }
0x7b: {  	vm15 =	vgt.s32 v18, $0x0;
	v18 =	vor.u32 v22, v21  }
0x7c: {  	v18 =	vor.u32 v10, v18;
	_ =	sdelay $0x3  }
0x7d: {  	[tilespmem:$0x1D080] =	vst v19  }
0x7e: {  	[tilespmem:v18+s13+$0x0] =	vst.idx.msk vm15, v1  }
0x7f: {  	v18 =	vld [tilespmem:$0x420];
	_ =	sdelay $0x4  }
0x80: {  	vm4 =	vgt.s32 v18, $0x1  }
0x81: {  	v19 =	vnsel vm4, $0x1, v18  }
0x82: {  	v19 =	vadd.s32 $0xFFFFFFFF, v19  }
0x83: {  	v49 =	vshll.u32 v19, $0x8;
	v50 =	vshll.u32 v19, $0x7  }
0x84: {  	v21 =	vand.u32 $0xFFFFF800, v49;
	v22 =	vand.u32 $0x380, v50  }
0x85: {  	vm5 =	vgt.s32 v18, $0x0;
	v18 =	vor.u32 v22, v21  }
0x86: {  	v18 =	vor.u32 v11, v18;
	_ =	sdelay $0x3  }
0x87: {  	[tilespmem:$0x1D090] =	vst v20  }
0x88: {  	[tilespmem:v18+s13+$0x0] =	vst.idx.msk vm5, v1  }
0x89: {  	v18 =	vld [tilespmem:$0x430];
	_ =	sdelay $0x4  }
0x8a: {  	vm6 =	vgt.s32 v18, $0x1  }
0x8b: {  	v51 =	vnsel vm6, $0x1, v18  }
0x8c: {  	v20 =	vadd.s32 $0xFFFFFFFF, v51  }
0x8d: {  	v52 =	vshll.u32 v20, $0x8;
	v53 =	vshll.u32 v20, $0x7  }
0x8e: {  	v21 =	vand.u32 $0xFFFFF800, v52;
	v22 =	vand.u32 $0x380, v53  }
0x8f: {  	vm7 =	vgt.s32 v18, $0x0;
	v18 =	vor.u32 v22, v21  }
0x90: {  	v18 =	vor.u32 v12, v18;
	_ =	sdelay $0x3  }
0x91: {  	[tilespmem:$0x1D0A0] =	vst v19  }
0x92: {  	[tilespmem:v18+s13+$0x0] =	vst.idx.msk vm7, v1  }
0x93: {  	v18 =	vld [tilespmem:$0x440];
	_ =	sdelay $0x4  }
0x94: {  	vm8 =	vgt.s32 v18, $0x1  }
0x95: {  	v19 =	vnsel vm8, $0x1, v18  }
0x96: {  	v19 =	vadd.s32 $0xFFFFFFFF, v19  }
0x97: {  	v54 =	vshll.u32 v19, $0x8;
	v55 =	vshll.u32 v19, $0x7  }
0x98: {  	v21 =	vand.u32 $0xFFFFF800, v54;
	v22 =	vand.u32 $0x380, v55  }
0x99: {  	vm9 =	vgt.s32 v18, $0x0;
	v18 =	vor.u32 v22, v21  }
0x9a: {  	v18 =	vor.u32 v13, v18;
	_ =	sdelay $0x3  }
0x9b: {  	[tilespmem:$0x1D0B0] =	vst v20  }
0x9c: {  	[tilespmem:v18+s13+$0x0] =	vst.idx.msk vm9, v1  }
0x9d: {  	v18 =	vld [tilespmem:$0x450];
	_ =	sdelay $0x4  }
0x9e: {  	vm10 =	vgt.s32 v18, $0x1  }
0x9f: {  	v56 =	vnsel vm10, $0x1, v18  }
0xa0: {  	v20 =	vadd.s32 $0xFFFFFFFF, v56  }
0xa1: {  	v57 =	vshll.u32 v20, $0x8;
	v58 =	vshll.u32 v20, $0x7  }
0xa2: {  	v21 =	vand.u32 $0xFFFFF800, v57;
	v22 =	vand.u32 $0x380, v58  }
0xa3: {  	vm11 =	vgt.s32 v18, $0x0;
	v18 =	vor.u32 v22, v21  }
0xa4: {  	v18 =	vor.u32 v14, v18;
	_ =	sdelay $0x3  }
0xa5: {  	[tilespmem:$0x1D0C0] =	vst v19  }
0xa6: {  	[tilespmem:v18+s13+$0x0] =	vst.idx.msk vm11, v1  }
0xa7: {  	v18 =	vld [tilespmem:$0x460];
	_ =	sdelay $0x4  }
0xa8: {  	vm12 =	vgt.s32 v18, $0x1  }
0xa9: {  	v19 =	vnsel vm12, $0x1, v18  }
0xaa: {  	v19 =	vadd.s32 $0xFFFFFFFF, v19  }
0xab: {  	v59 =	vshll.u32 v19, $0x8;
	v60 =	vshll.u32 v19, $0x7  }
0xac: {  	v21 =	vand.u32 $0xFFFFF800, v59;
	v22 =	vand.u32 $0x380, v60  }
0xad: {  	vm13 =	vgt.s32 v18, $0x0;
	v18 =	vor.u32 v22, v21  }
0xae: {  	v18 =	vor.u32 v15, v18;
	_ =	sdelay $0x3  }
0xaf: {  	[tilespmem:$0x1D0D0] =	vst v20  }
0xb0: {  	[tilespmem:v18+s13+$0x0] =	vst.idx.msk vm13, v1  }
0xb1: {  	v18 =	vld [tilespmem:$0x470];
	_ =	sdelay $0x4  }
0xb2: {  	vm14 =	vgt.s32 v18, $0x1  }
0xb3: {  	v61 =	vnsel vm14, $0x1, v18  }
0xb4: {  	v20 =	vadd.s32 $0xFFFFFFFF, v61  }
0xb5: {  	v62 =	vshll.u32 v20, $0x8;
	v63 =	vshll.u32 v20, $0x7  }
0xb6: {  	v21 =	vand.u32 $0xFFFFF800, v62;
	v22 =	vand.u32 $0x380, v63  }
0xb7: {  	vm15 =	vgt.s32 v18, $0x0;
	v18 =	vor.u32 v22, v21  }
0xb8: {  	v18 =	vor.u32 v16, v18;
	_ =	sdelay $0x3  }
0xb9: {  	[tilespmem:$0x1D0E0] =	vst v19  }
0xba: {  	[tilespmem:v18+s13+$0x0] =	vst.idx.msk vm15, v1  }
0xbb: {  	v18 =	vld [tilespmem:$0x80];
	_ =	sdelay $0x4  }
0xbc: {  	vm4 =	vgt.s32 v18, $0x1  }
0xbd: {  	v19 =	vnsel vm4, $0x1, v18  }
0xbe: {  	v19 =	vadd.s32 $0x63, v19  }
0xbf: {  	v24 =	vshll.u32 v19, $0x8;
	v25 =	vshll.u32 v19, $0x7  }
0xc0: {  	v21 =	vand.u32 $0xFFFFF800, v24;
	v22 =	vand.u32 $0x380, v25  }
0xc1: {  	vm5 =	vgt.s32 v18, $0x0;
	v18 =	vor.u32 v21, v22  }
0xc2: {  	v18 =	vor.u32 v0, v18;
	_ =	sdelay $0x3  }
0xc3: {  	[tilespmem:$0x1D0F0] =	vst v20  }
0xc4: {  	[tilespmem:v18+s13+$0x0] =	vst.idx.msk vm5, v1  }
0xc5: {  	v18 =	vld [tilespmem:$0x90];
	_ =	sdelay $0x4  }
0xc6: {  	vm6 =	vgt.s32 v18, $0x1  }
0xc7: {  	v26 =	vnsel vm6, $0x1, v18  }
0xc8: {  	v20 =	vadd.s32 $0x63, v26  }
0xc9: {  	v27 =	vshll.u32 v20, $0x8;
	v28 =	vshll.u32 v20, $0x7  }
0xca: {  	v21 =	vand.u32 $0xFFFFF800, v27;
	v22 =	vand.u32 $0x380, v28  }
0xcb: {  	vm7 =	vgt.s32 v18, $0x0;
	v18 =	vor.u32 v21, v22  }
0xcc: {  	v18 =	vor.u32 v2, v18;
	_ =	sdelay $0x3  }
0xcd: {  	[tilespmem:$0x1D100] =	vst v19  }
0xce: {  	[tilespmem:v18+s13+$0x0] =	vst.idx.msk vm7, v1  }
0xcf: {  	v18 =	vld [tilespmem:$0xA0];
	_ =	sdelay $0x4  }
0xd0: {  	vm8 =	vgt.s32 v18, $0x1  }
0xd1: {  	v19 =	vnsel vm8, $0x1, v18  }
0xd2: {  	v19 =	vadd.s32 $0x63, v19  }
0xd3: {  	v29 =	vshll.u32 v19, $0x8;
	v30 =	vshll.u32 v19, $0x7  }
0xd4: {  	v21 =	vand.u32 $0xFFFFF800, v29;
	v22 =	vand.u32 $0x380, v30  }
0xd5: {  	vm9 =	vgt.s32 v18, $0x0;
	v18 =	vor.u32 v21, v22  }
0xd6: {  	v18 =	vor.u32 v3, v18;
	_ =	sdelay $0x3  }
0xd7: {  	[tilespmem:$0x1D110] =	vst v20  }
0xd8: {  	[tilespmem:v18+s13+$0x0] =	vst.idx.msk vm9, v1  }
0xd9: {  	v18 =	vld [tilespmem:$0xB0];
	_ =	sdelay $0x4  }
0xda: {  	vm10 =	vgt.s32 v18, $0x1  }
0xdb: {  	v31 =	vnsel vm10, $0x1, v18  }
0xdc: {  	v20 =	vadd.s32 $0x63, v31  }
0xdd: {  	v32 =	vshll.u32 v20, $0x8;
	v33 =	vshll.u32 v20, $0x7  }
0xde: {  	v21 =	vand.u32 $0xFFFFF800, v32;
	v22 =	vand.u32 $0x380, v33  }
0xdf: {  	vm11 =	vgt.s32 v18, $0x0;
	v18 =	vor.u32 v21, v22  }
0xe0: {  	v18 =	vor.u32 v4, v18;
	_ =	sdelay $0x3  }
0xe1: {  	[tilespmem:$0x1D120] =	vst v19  }
0xe2: {  	[tilespmem:v18+s13+$0x0] =	vst.idx.msk vm11, v1  }
0xe3: {  	v18 =	vld [tilespmem:$0xC0];
	_ =	sdelay $0x4  }
0xe4: {  	vm12 =	vgt.s32 v18, $0x1  }
0xe5: {  	v19 =	vnsel vm12, $0x1, v18  }
0xe6: {  	v19 =	vadd.s32 $0x63, v19  }
0xe7: {  	v34 =	vshll.u32 v19, $0x8;
	v35 =	vshll.u32 v19, $0x7  }
0xe8: {  	v21 =	vand.u32 $0xFFFFF800, v34;
	v22 =	vand.u32 $0x380, v35  }
0xe9: {  	vm13 =	vgt.s32 v18, $0x0;
	v18 =	vor.u32 v21, v22  }
0xea: {  	v18 =	vor.u32 v5, v18;
	_ =	sdelay $0x3  }
0xeb: {  	[tilespmem:$0x1D130] =	vst v20  }
0xec: {  	[tilespmem:v18+s13+$0x0] =	vst.idx.msk vm13, v1  }
0xed: {  	v18 =	vld [tilespmem:$0xD0];
	_ =	sdelay $0x4  }
0xee: {  	vm14 =	vgt.s32 v18, $0x1  }
0xef: {  	v36 =	vnsel vm14, $0x1, v18  }
0xf0: {  	v20 =	vadd.s32 $0x63, v36  }
0xf1: {  	v37 =	vshll.u32 v20, $0x8;
	v38 =	vshll.u32 v20, $0x7  }
0xf2: {  	v21 =	vand.u32 $0xFFFFF800, v37;
	v22 =	vand.u32 $0x380, v38  }
0xf3: {  	vm15 =	vgt.s32 v18, $0x0;
	v18 =	vor.u32 v21, v22  }
0xf4: {  	v18 =	vor.u32 v6, v18;
	_ =	sdelay $0x3  }
0xf5: {  	[tilespmem:$0x1D140] =	vst v19  }
0xf6: {  	[tilespmem:v18+s13+$0x0] =	vst.idx.msk vm15, v1  }
0xf7: {  	v18 =	vld [tilespmem:$0xE0];
	_ =	sdelay $0x4  }
0xf8: {  	vm4 =	vgt.s32 v18, $0x1  }
0xf9: {  	v19 =	vnsel vm4, $0x1, v18  }
0xfa: {  	v19 =	vadd.s32 $0x63, v19  }
0xfb: {  	v39 =	vshll.u32 v19, $0x8;
	v40 =	vshll.u32 v19, $0x7  }
0xfc: {  	v21 =	vand.u32 $0xFFFFF800, v39;
	v22 =	vand.u32 $0x380, v40  }
0xfd: {  	vm5 =	vgt.s32 v18, $0x0;
	v18 =	vor.u32 v21, v22  }
0xfe: {  	v18 =	vor.u32 v7, v18;
	_ =	sdelay $0x3  }
0xff: {  	[tilespmem:$0x1D150] =	vst v20  }
0x100: {  	[tilespmem:v18+s13+$0x0] =	vst.idx.msk vm5, v1  }
0x101: {  	v18 =	vld [tilespmem:$0xF0];
	_ =	sdelay $0x4  }
0x102: {  	vm6 =	vgt.s32 v18, $0x1  }
0x103: {  	v41 =	vnsel vm6, $0x1, v18  }
0x104: {  	v20 =	vadd.s32 $0x63, v41  }
0x105: {  	v42 =	vshll.u32 v20, $0x8;
	v43 =	vshll.u32 v20, $0x7  }
0x106: {  	v21 =	vand.u32 $0xFFFFF800, v42;
	v22 =	vand.u32 $0x380, v43  }
0x107: {  	vm7 =	vgt.s32 v18, $0x0;
	v18 =	vor.u32 v21, v22  }
0x108: {  	v18 =	vor.u32 v8, v18;
	_ =	sdelay $0x3  }
0x109: {  	[tilespmem:$0x1D160] =	vst v19  }
0x10a: {  	[tilespmem:v18+s13+$0x0] =	vst.idx.msk vm7, v1  }
0x10b: {  	v18 =	vld [tilespmem:$0x480];
	_ =	sdelay $0x4  }
0x10c: {  	vm8 =	vgt.s32 v18, $0x1  }
0x10d: {  	v19 =	vnsel vm8, $0x1, v18  }
0x10e: {  	v19 =	vadd.s32 $0x63, v19  }
0x10f: {  	v44 =	vshll.u32 v19, $0x8;
	v45 =	vshll.u32 v19, $0x7  }
0x110: {  	v21 =	vand.u32 $0xFFFFF800, v44;
	v22 =	vand.u32 $0x380, v45  }
0x111: {  	vm9 =	vgt.s32 v18, $0x0;
	v18 =	vor.u32 v22, v21  }
0x112: {  	v18 =	vor.u32 v9, v18;
	_ =	sdelay $0x3  }
0x113: {  	[tilespmem:$0x1D170] =	vst v20  }
0x114: {  	[tilespmem:v18+s13+$0x0] =	vst.idx.msk vm9, v1  }
0x115: {  	v18 =	vld [tilespmem:$0x490];
	_ =	sdelay $0x4  }
0x116: {  	vm10 =	vgt.s32 v18, $0x1  }
0x117: {  	v46 =	vnsel vm10, $0x1, v18  }
0x118: {  	v20 =	vadd.s32 $0x63, v46  }
0x119: {  	v47 =	vshll.u32 v20, $0x8;
	v48 =	vshll.u32 v20, $0x7  }
0x11a: {  	v21 =	vand.u32 $0xFFFFF800, v47;
	v22 =	vand.u32 $0x380, v48  }
0x11b: {  	vm11 =	vgt.s32 v18, $0x0;
	v18 =	vor.u32 v22, v21  }
0x11c: {  	v18 =	vor.u32 v10, v18;
	_ =	sdelay $0x3  }
0x11d: {  	[tilespmem:$0x1D180] =	vst v19  }
0x11e: {  	[tilespmem:v18+s13+$0x0] =	vst.idx.msk vm11, v1  }
0x11f: {  	v18 =	vld [tilespmem:$0x4A0];
	_ =	sdelay $0x4  }
0x120: {  	vm12 =	vgt.s32 v18, $0x1  }
0x121: {  	v19 =	vnsel vm12, $0x1, v18  }
0x122: {  	v19 =	vadd.s32 $0x63, v19  }
0x123: {  	v49 =	vshll.u32 v19, $0x8;
	v50 =	vshll.u32 v19, $0x7  }
0x124: {  	v21 =	vand.u32 $0xFFFFF800, v49;
	v22 =	vand.u32 $0x380, v50  }
0x125: {  	vm13 =	vgt.s32 v18, $0x0;
	v18 =	vor.u32 v22, v21  }
0x126: {  	v18 =	vor.u32 v11, v18;
	_ =	sdelay $0x3  }
0x127: {  	[tilespmem:$0x1D190] =	vst v20  }
0x128: {  	[tilespmem:v18+s13+$0x0] =	vst.idx.msk vm13, v1  }
0x129: {  	v18 =	vld [tilespmem:$0x4B0];
	_ =	sdelay $0x4  }
0x12a: {  	vm14 =	vgt.s32 v18, $0x1  }
0x12b: {  	v51 =	vnsel vm14, $0x1, v18  }
0x12c: {  	v20 =	vadd.s32 $0x63, v51  }
0x12d: {  	v52 =	vshll.u32 v20, $0x8;
	v53 =	vshll.u32 v20, $0x7  }
0x12e: {  	v21 =	vand.u32 $0xFFFFF800, v52;
	v22 =	vand.u32 $0x380, v53  }
0x12f: {  	vm15 =	vgt.s32 v18, $0x0;
	v18 =	vor.u32 v22, v21  }
0x130: {  	v18 =	vor.u32 v12, v18;
	_ =	sdelay $0x3  }
0x131: {  	[tilespmem:$0x1D1A0] =	vst v19  }
0x132: {  	[tilespmem:v18+s13+$0x0] =	vst.idx.msk vm15, v1  }
0x133: {  	v18 =	vld [tilespmem:$0x4C0];
	_ =	sdelay $0x4  }
0x134: {  	vm4 =	vgt.s32 v18, $0x1  }
0x135: {  	v19 =	vnsel vm4, $0x1, v18  }
0x136: {  	v19 =	vadd.s32 $0x63, v19  }
0x137: {  	v54 =	vshll.u32 v19, $0x8;
	v55 =	vshll.u32 v19, $0x7  }
0x138: {  	v21 =	vand.u32 $0xFFFFF800, v54;
	v22 =	vand.u32 $0x380, v55  }
0x139: {  	vm5 =	vgt.s32 v18, $0x0;
	v18 =	vor.u32 v22, v21  }
0x13a: {  	v18 =	vor.u32 v13, v18;
	_ =	sdelay $0x3  }
0x13b: {  	[tilespmem:$0x1D1B0] =	vst v20  }
0x13c: {  	[tilespmem:v18+s13+$0x0] =	vst.idx.msk vm5, v1  }
0x13d: {  	v18 =	vld [tilespmem:$0x4D0];
	_ =	sdelay $0x4  }
0x13e: {  	vm6 =	vgt.s32 v18, $0x1  }
0x13f: {  	v56 =	vnsel vm6, $0x1, v18  }
0x140: {  	v20 =	vadd.s32 $0x63, v56  }
0x141: {  	v57 =	vshll.u32 v20, $0x8;
	v58 =	vshll.u32 v20, $0x7  }
0x142: {  	v21 =	vand.u32 $0xFFFFF800, v57;
	v22 =	vand.u32 $0x380, v58  }
0x143: {  	vm7 =	vgt.s32 v18, $0x0;
	v18 =	vor.u32 v22, v21  }
0x144: {  	v18 =	vor.u32 v14, v18;
	_ =	sdelay $0x3  }
0x145: {  	[tilespmem:$0x1D1C0] =	vst v19  }
0x146: {  	[tilespmem:v18+s13+$0x0] =	vst.idx.msk vm7, v1  }
0x147: {  	v18 =	vld [tilespmem:$0x4E0];
	_ =	sdelay $0x4  }
0x148: {  	vm8 =	vgt.s32 v18, $0x1  }
0x149: {  	v19 =	vnsel vm8, $0x1, v18  }
0x14a: {  	v19 =	vadd.s32 $0x63, v19  }
0x14b: {  	v59 =	vshll.u32 v19, $0x8;
	v60 =	vshll.u32 v19, $0x7  }
0x14c: {  	v21 =	vand.u32 $0xFFFFF800, v59;
	v22 =	vand.u32 $0x380, v60  }
0x14d: {  	vm9 =	vgt.s32 v18, $0x0;
	v18 =	vor.u32 v22, v21  }
0x14e: {  	v18 =	vor.u32 v15, v18;
	_ =	sdelay $0x3  }
0x14f: {  	[tilespmem:$0x1D1D0] =	vst v20  }
0x150: {  	[tilespmem:v18+s13+$0x0] =	vst.idx.msk vm9, v1  }
0x151: {  	v18 =	vld [tilespmem:$0x4F0];
	_ =	sdelay $0x4  }
0x152: {  	vm10 =	vgt.s32 v18, $0x1  }
0x153: {  	v61 =	vnsel vm10, $0x1, v18  }
0x154: {  	v20 =	vadd.s32 $0x63, v61  }
0x155: {  	v62 =	vshll.u32 v20, $0x8;
	v63 =	vshll.u32 v20, $0x7  }
0x156: {  	v21 =	vand.u32 $0xFFFFF800, v62;
	v22 =	vand.u32 $0x380, v63  }
0x157: {  	vm11 =	vgt.s32 v18, $0x0;
	v18 =	vor.u32 v22, v21  }
0x158: {  	v18 =	vor.u32 v16, v18;
	_ =	sdelay $0x3  }
0x159: {  	[tilespmem:$0x1D1E0] =	vst v19  }
0x15a: {  	[tilespmem:v18+s13+$0x0] =	vst.idx.msk vm11, v1  }
0x15b: {  	[tilespmem:$0x1D1F0] =	vst v20  }
0x15c: {  	[hbm4b:s5+s15] =	stream.strided.scatter [tilespmem:s13], [sflag:$0x1], $0xC800, s11, s15, $0x38;
	[tilespmem:$0x1D400] =	vst v63  }
0x15d: {  	v18 =	vld [tilespmem:$0x800];
	_ =	sdelay $0x4  }
0x15e: {  	vm12 =	vgt.s32 v18, $0x1  }
0x15f: {  	v19 =	vnsel vm12, $0x1, v18  }
0x160: {  	v19 =	vadd.s32 $0xFFFFFFFF, v19  }
0x161: {  	v24 =	vshll.u32 v19, $0x8;
	v25 =	vshll.u32 v19, $0x7  }
0x162: {  	v20 =	vand.u32 $0xFFFFF800, v24;
	v21 =	vand.u32 $0x380, v25  }
0x163: {  	vm13 =	vgt.s32 v18, $0x0;
	v18 =	vor.u32 v20, v21  }
0x164: {  	v18 =	vor.u32 v0, v18;
	_ =	sdelay $0x4  }
0x165: {  	[tilespmem:v18+s14+$0x0] =	vst.idx.msk vm13, v1  }
0x166: {  	v18 =	vld [tilespmem:$0x810];
	_ =	sdelay $0x4  }
0x167: {  	vm14 =	vgt.s32 v18, $0x1  }
0x168: {  	v26 =	vnsel vm14, $0x1, v18  }
0x169: {  	v20 =	vadd.s32 $0xFFFFFFFF, v26  }
0x16a: {  	v27 =	vshll.u32 v20, $0x8;
	v28 =	vshll.u32 v20, $0x7  }
0x16b: {  	v21 =	vand.u32 $0xFFFFF800, v27;
	v22 =	vand.u32 $0x380, v28  }
0x16c: {  	vm15 =	vgt.s32 v18, $0x0;
	v18 =	vor.u32 v21, v22  }
0x16d: {  	v18 =	vor.u32 v2, v18;
	_ =	sdelay $0x3  }
0x16e: {  	[tilespmem:$0x1D200] =	vst v19  }
0x16f: {  	[tilespmem:v18+s14+$0x0] =	vst.idx.msk vm15, v1  }
0x170: {  	v18 =	vld [tilespmem:$0x820];
	_ =	sdelay $0x4  }
0x171: {  	vm4 =	vgt.s32 v18, $0x1  }
0x172: {  	v19 =	vnsel vm4, $0x1, v18  }
0x173: {  	v19 =	vadd.s32 $0xFFFFFFFF, v19  }
0x174: {  	v29 =	vshll.u32 v19, $0x8;
	v30 =	vshll.u32 v19, $0x7  }
0x175: {  	v21 =	vand.u32 $0xFFFFF800, v29;
	v22 =	vand.u32 $0x380, v30  }
0x176: {  	vm5 =	vgt.s32 v18, $0x0;
	v18 =	vor.u32 v21, v22  }
0x177: {  	v18 =	vor.u32 v3, v18;
	_ =	sdelay $0x3  }
0x178: {  	[tilespmem:$0x1D210] =	vst v20  }
0x179: {  	[tilespmem:v18+s14+$0x0] =	vst.idx.msk vm5, v1  }
0x17a: {  	v18 =	vld [tilespmem:$0x830];
	_ =	sdelay $0x4  }
0x17b: {  	vm6 =	vgt.s32 v18, $0x1  }
0x17c: {  	v31 =	vnsel vm6, $0x1, v18  }
0x17d: {  	v20 =	vadd.s32 $0xFFFFFFFF, v31  }
0x17e: {  	v32 =	vshll.u32 v20, $0x8;
	v33 =	vshll.u32 v20, $0x7  }
0x17f: {  	v21 =	vand.u32 $0xFFFFF800, v32;
	v22 =	vand.u32 $0x380, v33  }
0x180: {  	vm7 =	vgt.s32 v18, $0x0;
	v18 =	vor.u32 v21, v22  }
0x181: {  	v18 =	vor.u32 v4, v18;
	_ =	sdelay $0x3  }
0x182: {  	[tilespmem:$0x1D220] =	vst v19  }
0x183: {  	[tilespmem:v18+s14+$0x0] =	vst.idx.msk vm7, v1  }
0x184: {  	v18 =	vld [tilespmem:$0x840];
	_ =	sdelay $0x4  }
0x185: {  	vm8 =	vgt.s32 v18, $0x1  }
0x186: {  	v19 =	vnsel vm8, $0x1, v18  }
0x187: {  	v19 =	vadd.s32 $0xFFFFFFFF, v19  }
0x188: {  	v34 =	vshll.u32 v19, $0x8;
	v35 =	vshll.u32 v19, $0x7  }
0x189: {  	v21 =	vand.u32 $0xFFFFF800, v34;
	v22 =	vand.u32 $0x380, v35  }
0x18a: {  	vm9 =	vgt.s32 v18, $0x0;
	v18 =	vor.u32 v21, v22  }
0x18b: {  	v18 =	vor.u32 v5, v18;
	_ =	sdelay $0x3  }
0x18c: {  	[tilespmem:$0x1D230] =	vst v20  }
0x18d: {  	[tilespmem:v18+s14+$0x0] =	vst.idx.msk vm9, v1  }
0x18e: {  	v18 =	vld [tilespmem:$0x850];
	_ =	sdelay $0x4  }
0x18f: {  	vm10 =	vgt.s32 v18, $0x1  }
0x190: {  	v36 =	vnsel vm10, $0x1, v18  }
0x191: {  	v20 =	vadd.s32 $0xFFFFFFFF, v36  }
0x192: {  	v37 =	vshll.u32 v20, $0x8;
	v38 =	vshll.u32 v20, $0x7  }
0x193: {  	v21 =	vand.u32 $0xFFFFF800, v37;
	v22 =	vand.u32 $0x380, v38  }
0x194: {  	vm11 =	vgt.s32 v18, $0x0;
	v18 =	vor.u32 v21, v22  }
0x195: {  	v18 =	vor.u32 v6, v18;
	_ =	sdelay $0x3  }
0x196: {  	[tilespmem:$0x1D240] =	vst v19  }
0x197: {  	[tilespmem:v18+s14+$0x0] =	vst.idx.msk vm11, v1  }
0x198: {  	v18 =	vld [tilespmem:$0x860];
	_ =	sdelay $0x4  }
0x199: {  	vm12 =	vgt.s32 v18, $0x1  }
0x19a: {  	v19 =	vnsel vm12, $0x1, v18  }
0x19b: {  	v19 =	vadd.s32 $0xFFFFFFFF, v19  }
0x19c: {  	v39 =	vshll.u32 v19, $0x8;
	v40 =	vshll.u32 v19, $0x7  }
0x19d: {  	v21 =	vand.u32 $0xFFFFF800, v39;
	v22 =	vand.u32 $0x380, v40  }
0x19e: {  	vm13 =	vgt.s32 v18, $0x0;
	v18 =	vor.u32 v21, v22  }
0x19f: {  	v18 =	vor.u32 v7, v18;
	_ =	sdelay $0x3  }
0x1a0: {  	[tilespmem:$0x1D250] =	vst v20  }
0x1a1: {  	[tilespmem:v18+s14+$0x0] =	vst.idx.msk vm13, v1  }
0x1a2: {  	v18 =	vld [tilespmem:$0x870];
	_ =	sdelay $0x4  }
0x1a3: {  	vm14 =	vgt.s32 v18, $0x1  }
0x1a4: {  	v41 =	vnsel vm14, $0x1, v18  }
0x1a5: {  	v20 =	vadd.s32 $0xFFFFFFFF, v41  }
0x1a6: {  	v42 =	vshll.u32 v20, $0x8;
	v43 =	vshll.u32 v20, $0x7  }
0x1a7: {  	v21 =	vand.u32 $0xFFFFF800, v42;
	v22 =	vand.u32 $0x380, v43  }
0x1a8: {  	vm15 =	vgt.s32 v18, $0x0;
	v18 =	vor.u32 v21, v22  }
0x1a9: {  	v18 =	vor.u32 v8, v18;
	_ =	sdelay $0x3  }
0x1aa: {  	[tilespmem:$0x1D260] =	vst v19  }
0x1ab: {  	[tilespmem:v18+s14+$0x0] =	vst.idx.msk vm15, v1  }
0x1ac: {  	v18 =	vld [tilespmem:$0xC00];
	_ =	sdelay $0x4  }
0x1ad: {  	vm4 =	vgt.s32 v18, $0x1  }
0x1ae: {  	v19 =	vnsel vm4, $0x1, v18  }
0x1af: {  	v19 =	vadd.s32 $0xFFFFFFFF, v19  }
0x1b0: {  	v44 =	vshll.u32 v19, $0x8;
	v45 =	vshll.u32 v19, $0x7  }
0x1b1: {  	v21 =	vand.u32 $0xFFFFF800, v44;
	v22 =	vand.u32 $0x380, v45  }
0x1b2: {  	vm5 =	vgt.s32 v18, $0x0;
	v18 =	vor.u32 v22, v21  }
0x1b3: {  	v18 =	vor.u32 v9, v18;
	_ =	sdelay $0x3  }
0x1b4: {  	[tilespmem:$0x1D270] =	vst v20  }
0x1b5: {  	[tilespmem:v18+s14+$0x0] =	vst.idx.msk vm5, v1  }
0x1b6: {  	v18 =	vld [tilespmem:$0xC10];
	_ =	sdelay $0x4  }
0x1b7: {  	vm6 =	vgt.s32 v18, $0x1  }
0x1b8: {  	v46 =	vnsel vm6, $0x1, v18  }
0x1b9: {  	v20 =	vadd.s32 $0xFFFFFFFF, v46  }
0x1ba: {  	v47 =	vshll.u32 v20, $0x8;
	v48 =	vshll.u32 v20, $0x7  }
0x1bb: {  	v21 =	vand.u32 $0xFFFFF800, v47;
	v22 =	vand.u32 $0x380, v48  }
0x1bc: {  	vm7 =	vgt.s32 v18, $0x0;
	v18 =	vor.u32 v22, v21  }
0x1bd: {  	v18 =	vor.u32 v10, v18;
	_ =	sdelay $0x3  }
0x1be: {  	[tilespmem:$0x1D280] =	vst v19  }
0x1bf: {  	[tilespmem:v18+s14+$0x0] =	vst.idx.msk vm7, v1  }
0x1c0: {  	v18 =	vld [tilespmem:$0xC20];
	_ =	sdelay $0x4  }
0x1c1: {  	vm8 =	vgt.s32 v18, $0x1  }
0x1c2: {  	v19 =	vnsel vm8, $0x1, v18  }
0x1c3: {  	v19 =	vadd.s32 $0xFFFFFFFF, v19  }
0x1c4: {  	v49 =	vshll.u32 v19, $0x8;
	v50 =	vshll.u32 v19, $0x7  }
0x1c5: {  	v21 =	vand.u32 $0xFFFFF800, v49;
	v22 =	vand.u32 $0x380, v50  }
0x1c6: {  	vm9 =	vgt.s32 v18, $0x0;
	v18 =	vor.u32 v22, v21  }
0x1c7: {  	v18 =	vor.u32 v11, v18;
	_ =	sdelay $0x3  }
0x1c8: {  	[tilespmem:$0x1D290] =	vst v20  }
0x1c9: {  	[tilespmem:v18+s14+$0x0] =	vst.idx.msk vm9, v1  }
0x1ca: {  	v18 =	vld [tilespmem:$0xC30];
	_ =	sdelay $0x4  }
0x1cb: {  	vm10 =	vgt.s32 v18, $0x1  }
0x1cc: {  	v51 =	vnsel vm10, $0x1, v18  }
0x1cd: {  	v20 =	vadd.s32 $0xFFFFFFFF, v51  }
0x1ce: {  	v52 =	vshll.u32 v20, $0x8;
	v53 =	vshll.u32 v20, $0x7  }
0x1cf: {  	v21 =	vand.u32 $0xFFFFF800, v52;
	v22 =	vand.u32 $0x380, v53  }
0x1d0: {  	vm11 =	vgt.s32 v18, $0x0;
	v18 =	vor.u32 v22, v21  }
0x1d1: {  	v18 =	vor.u32 v12, v18;
	_ =	sdelay $0x3  }
0x1d2: {  	[tilespmem:$0x1D2A0] =	vst v19  }
0x1d3: {  	[tilespmem:v18+s14+$0x0] =	vst.idx.msk vm11, v1  }
0x1d4: {  	v18 =	vld [tilespmem:$0xC40];
	_ =	sdelay $0x4  }
0x1d5: {  	vm12 =	vgt.s32 v18, $0x1  }
0x1d6: {  	v19 =	vnsel vm12, $0x1, v18  }
0x1d7: {  	v19 =	vadd.s32 $0xFFFFFFFF, v19  }
0x1d8: {  	v54 =	vshll.u32 v19, $0x8;
	v55 =	vshll.u32 v19, $0x7  }
0x1d9: {  	v21 =	vand.u32 $0xFFFFF800, v54;
	v22 =	vand.u32 $0x380, v55  }
0x1da: {  	vm13 =	vgt.s32 v18, $0x0;
	v18 =	vor.u32 v22, v21  }
0x1db: {  	v18 =	vor.u32 v13, v18;
	_ =	sdelay $0x3  }
0x1dc: {  	[tilespmem:$0x1D2B0] =	vst v20  }
0x1dd: {  	[tilespmem:v18+s14+$0x0] =	vst.idx.msk vm13, v1  }
0x1de: {  	v18 =	vld [tilespmem:$0xC50];
	_ =	sdelay $0x4  }
0x1df: {  	vm14 =	vgt.s32 v18, $0x1  }
0x1e0: {  	v56 =	vnsel vm14, $0x1, v18  }
0x1e1: {  	v20 =	vadd.s32 $0xFFFFFFFF, v56  }
0x1e2: {  	v57 =	vshll.u32 v20, $0x8;
	v58 =	vshll.u32 v20, $0x7  }
0x1e3: {  	v21 =	vand.u32 $0xFFFFF800, v57;
	v22 =	vand.u32 $0x380, v58  }
0x1e4: {  	vm15 =	vgt.s32 v18, $0x0;
	v18 =	vor.u32 v22, v21  }
0x1e5: {  	v18 =	vor.u32 v14, v18;
	_ =	sdelay $0x3  }
0x1e6: {  	[tilespmem:$0x1D2C0] =	vst v19  }
0x1e7: {  	[tilespmem:v18+s14+$0x0] =	vst.idx.msk vm15, v1  }
0x1e8: {  	v18 =	vld [tilespmem:$0xC60];
	_ =	sdelay $0x4  }
0x1e9: {  	vm4 =	vgt.s32 v18, $0x1  }
0x1ea: {  	v19 =	vnsel vm4, $0x1, v18  }
0x1eb: {  	v19 =	vadd.s32 $0xFFFFFFFF, v19  }
0x1ec: {  	v59 =	vshll.u32 v19, $0x8;
	v60 =	vshll.u32 v19, $0x7  }
0x1ed: {  	v21 =	vand.u32 $0xFFFFF800, v59;
	v22 =	vand.u32 $0x380, v60  }
0x1ee: {  	vm5 =	vgt.s32 v18, $0x0;
	v18 =	vor.u32 v22, v21  }
0x1ef: {  	v18 =	vor.u32 v15, v18;
	_ =	sdelay $0x3  }
0x1f0: {  	[tilespmem:$0x1D2D0] =	vst v20  }
0x1f1: {  	[tilespmem:v18+s14+$0x0] =	vst.idx.msk vm5, v1  }
0x1f2: {  	v18 =	vld [tilespmem:$0xC70];
	_ =	sdelay $0x4  }
0x1f3: {  	vm6 =	vgt.s32 v18, $0x1  }
0x1f4: {  	v61 =	vnsel vm6, $0x1, v18  }
0x1f5: {  	v20 =	vadd.s32 $0xFFFFFFFF, v61  }
0x1f6: {  	v62 =	vshll.u32 v20, $0x8;
	v63 =	vshll.u32 v20, $0x7  }
0x1f7: {  	v21 =	vand.u32 $0xFFFFF800, v62;
	v22 =	vand.u32 $0x380, v63  }
0x1f8: {  	vm7 =	vgt.s32 v18, $0x0;
	v18 =	vor.u32 v22, v21  }
0x1f9: {  	v18 =	vor.u32 v16, v18;
	_ =	sdelay $0x3  }
0x1fa: {  	[tilespmem:$0x1D2E0] =	vst v19  }
0x1fb: {  	[tilespmem:v18+s14+$0x0] =	vst.idx.msk vm7, v1  }
0x1fc: {  	v18 =	vld [tilespmem:$0x880];
	_ =	sdelay $0x4  }
0x1fd: {  	vm8 =	vgt.s32 v18, $0x1  }
0x1fe: {  	v19 =	vnsel vm8, $0x1, v18  }
0x1ff: {  	v19 =	vadd.s32 $0x63, v19  }
0x200: {  	v24 =	vshll.u32 v19, $0x8;
	v25 =	vshll.u32 v19, $0x7  }
0x201: {  	v21 =	vand.u32 $0xFFFFF800, v24;
	v22 =	vand.u32 $0x380, v25  }
0x202: {  	vm9 =	vgt.s32 v18, $0x0;
	v18 =	vor.u32 v21, v22  }
0x203: {  	v18 =	vor.u32 v0, v18;
	_ =	sdelay $0x3  }
0x204: {  	[tilespmem:$0x1D2F0] =	vst v20  }
0x205: {  	[tilespmem:v18+s14+$0x0] =	vst.idx.msk vm9, v1  }
0x206: {  	v18 =	vld [tilespmem:$0x890];
	_ =	sdelay $0x4  }
0x207: {  	vm10 =	vgt.s32 v18, $0x1  }
0x208: {  	v26 =	vnsel vm10, $0x1, v18  }
0x209: {  	v20 =	vadd.s32 $0x63, v26  }
0x20a: {  	v27 =	vshll.u32 v20, $0x8;
	v28 =	vshll.u32 v20, $0x7  }
0x20b: {  	v21 =	vand.u32 $0xFFFFF800, v27;
	v22 =	vand.u32 $0x380, v28  }
0x20c: {  	vm11 =	vgt.s32 v18, $0x0;
	v18 =	vor.u32 v21, v22  }
0x20d: {  	v18 =	vor.u32 v2, v18;
	_ =	sdelay $0x3  }
0x20e: {  	[tilespmem:$0x1D300] =	vst v19  }
0x20f: {  	[tilespmem:v18+s14+$0x0] =	vst.idx.msk vm11, v1  }
0x210: {  	v18 =	vld [tilespmem:$0x8A0];
	_ =	sdelay $0x4  }
0x211: {  	vm12 =	vgt.s32 v18, $0x1  }
0x212: {  	v19 =	vnsel vm12, $0x1, v18  }
0x213: {  	v19 =	vadd.s32 $0x63, v19  }
0x214: {  	v29 =	vshll.u32 v19, $0x8;
	v30 =	vshll.u32 v19, $0x7  }
0x215: {  	v21 =	vand.u32 $0xFFFFF800, v29;
	v22 =	vand.u32 $0x380, v30  }
0x216: {  	vm13 =	vgt.s32 v18, $0x0;
	v18 =	vor.u32 v21, v22  }
0x217: {  	v18 =	vor.u32 v3, v18;
	_ =	sdelay $0x3  }
0x218: {  	[tilespmem:$0x1D310] =	vst v20  }
0x219: {  	[tilespmem:v18+s14+$0x0] =	vst.idx.msk vm13, v1  }
0x21a: {  	v18 =	vld [tilespmem:$0x8B0];
	_ =	sdelay $0x4  }
0x21b: {  	vm14 =	vgt.s32 v18, $0x1  }
0x21c: {  	v31 =	vnsel vm14, $0x1, v18  }
0x21d: {  	v20 =	vadd.s32 $0x63, v31  }
0x21e: {  	v32 =	vshll.u32 v20, $0x8;
	v33 =	vshll.u32 v20, $0x7  }
0x21f: {  	v21 =	vand.u32 $0xFFFFF800, v32;
	v22 =	vand.u32 $0x380, v33  }
0x220: {  	vm15 =	vgt.s32 v18, $0x0;
	v18 =	vor.u32 v21, v22  }
0x221: {  	v18 =	vor.u32 v4, v18;
	_ =	sdelay $0x3  }
0x222: {  	[tilespmem:$0x1D320] =	vst v19  }
0x223: {  	[tilespmem:v18+s14+$0x0] =	vst.idx.msk vm15, v1  }
0x224: {  	v18 =	vld [tilespmem:$0x8C0];
	_ =	sdelay $0x4  }
0x225: {  	vm4 =	vgt.s32 v18, $0x1  }
0x226: {  	v19 =	vnsel vm4, $0x1, v18  }
0x227: {  	v19 =	vadd.s32 $0x63, v19  }
0x228: {  	v34 =	vshll.u32 v19, $0x8;
	v35 =	vshll.u32 v19, $0x7  }
0x229: {  	v21 =	vand.u32 $0xFFFFF800, v34;
	v22 =	vand.u32 $0x380, v35  }
0x22a: {  	vm5 =	vgt.s32 v18, $0x0;
	v18 =	vor.u32 v21, v22  }
0x22b: {  	v18 =	vor.u32 v5, v18;
	_ =	sdelay $0x3  }
0x22c: {  	[tilespmem:$0x1D330] =	vst v20  }
0x22d: {  	[tilespmem:v18+s14+$0x0] =	vst.idx.msk vm5, v1  }
0x22e: {  	v18 =	vld [tilespmem:$0x8D0];
	_ =	sdelay $0x4  }
0x22f: {  	vm6 =	vgt.s32 v18, $0x1  }
0x230: {  	v36 =	vnsel vm6, $0x1, v18  }
0x231: {  	v20 =	vadd.s32 $0x63, v36  }
0x232: {  	v37 =	vshll.u32 v20, $0x8;
	v38 =	vshll.u32 v20, $0x7  }
0x233: {  	v21 =	vand.u32 $0xFFFFF800, v37;
	v22 =	vand.u32 $0x380, v38  }
0x234: {  	vm7 =	vgt.s32 v18, $0x0;
	v18 =	vor.u32 v21, v22  }
0x235: {  	v18 =	vor.u32 v6, v18;
	_ =	sdelay $0x3  }
0x236: {  	[tilespmem:$0x1D340] =	vst v19  }
0x237: {  	[tilespmem:v18+s14+$0x0] =	vst.idx.msk vm7, v1  }
0x238: {  	v18 =	vld [tilespmem:$0x8E0];
	_ =	sdelay $0x4  }
0x239: {  	vm8 =	vgt.s32 v18, $0x1  }
0x23a: {  	v19 =	vnsel vm8, $0x1, v18  }
0x23b: {  	v19 =	vadd.s32 $0x63, v19  }
0x23c: {  	v39 =	vshll.u32 v19, $0x8;
	v40 =	vshll.u32 v19, $0x7  }
0x23d: {  	v21 =	vand.u32 $0xFFFFF800, v39;
	v22 =	vand.u32 $0x380, v40  }
0x23e: {  	vm9 =	vgt.s32 v18, $0x0;
	v18 =	vor.u32 v21, v22  }
0x23f: {  	v18 =	vor.u32 v7, v18;
	_ =	sdelay $0x3  }
0x240: {  	[tilespmem:$0x1D350] =	vst v20  }
0x241: {  	[tilespmem:v18+s14+$0x0] =	vst.idx.msk vm9, v1  }
0x242: {  	v18 =	vld [tilespmem:$0x8F0];
	_ =	sdelay $0x4  }
0x243: {  	vm10 =	vgt.s32 v18, $0x1  }
0x244: {  	v41 =	vnsel vm10, $0x1, v18  }
0x245: {  	v20 =	vadd.s32 $0x63, v41  }
0x246: {  	v42 =	vshll.u32 v20, $0x8;
	v43 =	vshll.u32 v20, $0x7  }
0x247: {  	v21 =	vand.u32 $0xFFFFF800, v42;
	v22 =	vand.u32 $0x380, v43  }
0x248: {  	vm11 =	vgt.s32 v18, $0x0;
	v18 =	vor.u32 v21, v22  }
0x249: {  	v18 =	vor.u32 v8, v18;
	_ =	sdelay $0x3  }
0x24a: {  	[tilespmem:$0x1D360] =	vst v19  }
0x24b: {  	[tilespmem:v18+s14+$0x0] =	vst.idx.msk vm11, v1  }
0x24c: {  	v18 =	vld [tilespmem:$0xC80];
	_ =	sdelay $0x4  }
0x24d: {  	vm12 =	vgt.s32 v18, $0x1  }
0x24e: {  	v19 =	vnsel vm12, $0x1, v18  }
0x24f: {  	v19 =	vadd.s32 $0x63, v19  }
0x250: {  	v44 =	vshll.u32 v19, $0x8;
	v45 =	vshll.u32 v19, $0x7  }
0x251: {  	v21 =	vand.u32 $0xFFFFF800, v44;
	v22 =	vand.u32 $0x380, v45  }
0x252: {  	vm13 =	vgt.s32 v18, $0x0;
	v18 =	vor.u32 v22, v21  }
0x253: {  	v18 =	vor.u32 v9, v18;
	_ =	sdelay $0x3  }
0x254: {  	[tilespmem:$0x1D370] =	vst v20  }
0x255: {  	[tilespmem:v18+s14+$0x0] =	vst.idx.msk vm13, v1  }
0x256: {  	v18 =	vld [tilespmem:$0xC90];
	_ =	sdelay $0x4  }
0x257: {  	vm14 =	vgt.s32 v18, $0x1  }
0x258: {  	v46 =	vnsel vm14, $0x1, v18  }
0x259: {  	v20 =	vadd.s32 $0x63, v46  }
0x25a: {  	v47 =	vshll.u32 v20, $0x8;
	v48 =	vshll.u32 v20, $0x7  }
0x25b: {  	v21 =	vand.u32 $0xFFFFF800, v47;
	v22 =	vand.u32 $0x380, v48  }
0x25c: {  	vm15 =	vgt.s32 v18, $0x0;
	v18 =	vor.u32 v22, v21  }
0x25d: {  	v18 =	vor.u32 v10, v18;
	_ =	sdelay $0x3  }
0x25e: {  	[tilespmem:$0x1D380] =	vst v19  }
0x25f: {  	[tilespmem:v18+s14+$0x0] =	vst.idx.msk vm15, v1  }
0x260: {  	v18 =	vld [tilespmem:$0xCA0];
	_ =	sdelay $0x4  }
0x261: {  	vm4 =	vgt.s32 v18, $0x1  }
0x262: {  	v19 =	vnsel vm4, $0x1, v18  }
0x263: {  	v19 =	vadd.s32 $0x63, v19  }
0x264: {  	v49 =	vshll.u32 v19, $0x8;
	v50 =	vshll.u32 v19, $0x7  }
0x265: {  	v21 =	vand.u32 $0xFFFFF800, v49;
	v22 =	vand.u32 $0x380, v50  }
0x266: {  	vm5 =	vgt.s32 v18, $0x0;
	v18 =	vor.u32 v22, v21  }
0x267: {  	v18 =	vor.u32 v11, v18;
	_ =	sdelay $0x3  }
0x268: {  	[tilespmem:$0x1D390] =	vst v20  }
0x269: {  	[tilespmem:v18+s14+$0x0] =	vst.idx.msk vm5, v1  }
0x26a: {  	v18 =	vld [tilespmem:$0xCB0];
	_ =	sdelay $0x4  }
0x26b: {  	vm6 =	vgt.s32 v18, $0x1  }
0x26c: {  	v51 =	vnsel vm6, $0x1, v18  }
0x26d: {  	v20 =	vadd.s32 $0x63, v51  }
0x26e: {  	v52 =	vshll.u32 v20, $0x8;
	v53 =	vshll.u32 v20, $0x7  }
0x26f: {  	v21 =	vand.u32 $0xFFFFF800, v52;
	v22 =	vand.u32 $0x380, v53  }
0x270: {  	vm7 =	vgt.s32 v18, $0x0;
	v18 =	vor.u32 v22, v21  }
0x271: {  	v18 =	vor.u32 v12, v18;
	_ =	sdelay $0x3  }
0x272: {  	[tilespmem:$0x1D3A0] =	vst v19  }
0x273: {  	[tilespmem:v18+s14+$0x0] =	vst.idx.msk vm7, v1  }
0x274: {  	v18 =	vld [tilespmem:$0xCC0];
	_ =	sdelay $0x4  }
0x275: {  	vm8 =	vgt.s32 v18, $0x1  }
0x276: {  	v19 =	vnsel vm8, $0x1, v18  }
0x277: {  	v19 =	vadd.s32 $0x63, v19  }
0x278: {  	v54 =	vshll.u32 v19, $0x8;
	v55 =	vshll.u32 v19, $0x7  }
0x279: {  	v21 =	vand.u32 $0xFFFFF800, v54;
	v22 =	vand.u32 $0x380, v55  }
0x27a: {  	vm9 =	vgt.s32 v18, $0x0;
	v18 =	vor.u32 v22, v21  }
0x27b: {  	v18 =	vor.u32 v13, v18;
	_ =	sdelay $0x3  }
0x27c: {  	[tilespmem:$0x1D3B0] =	vst v20  }
0x27d: {  	[tilespmem:v18+s14+$0x0] =	vst.idx.msk vm9, v1  }
0x27e: {  	v18 =	vld [tilespmem:$0xCD0];
	_ =	sdelay $0x4  }
0x27f: {  	vm10 =	vgt.s32 v18, $0x1  }
0x280: {  	v56 =	vnsel vm10, $0x1, v18  }
0x281: {  	v20 =	vadd.s32 $0x63, v56  }
0x282: {  	v57 =	vshll.u32 v20, $0x8;
	v58 =	vshll.u32 v20, $0x7  }
0x283: {  	v21 =	vand.u32 $0xFFFFF800, v57;
	v22 =	vand.u32 $0x380, v58  }
0x284: {  	vm11 =	vgt.s32 v18, $0x0;
	v18 =	vor.u32 v22, v21  }
0x285: {  	v18 =	vor.u32 v14, v18;
	_ =	sdelay $0x3  }
0x286: {  	[tilespmem:$0x1D3C0] =	vst v19  }
0x287: {  	[tilespmem:v18+s14+$0x0] =	vst.idx.msk vm11, v1  }
0x288: {  	v18 =	vld [tilespmem:$0xCE0];
	_ =	sdelay $0x4  }
0x289: {  	vm12 =	vgt.s32 v18, $0x1  }
0x28a: {  	v19 =	vnsel vm12, $0x1, v18  }
0x28b: {  	v19 =	vadd.s32 $0x63, v19  }
0x28c: {  	v59 =	vshll.u32 v19, $0x8;
	v60 =	vshll.u32 v19, $0x7  }
0x28d: {  	v21 =	vand.u32 $0xFFFFF800, v59;
	v22 =	vand.u32 $0x380, v60  }
0x28e: {  	vm13 =	vgt.s32 v18, $0x0;
	v18 =	vor.u32 v22, v21  }
0x28f: {  	v18 =	vor.u32 v15, v18;
	_ =	sdelay $0x3  }
0x290: {  	[tilespmem:$0x1D3D0] =	vst v20  }
0x291: {  	[tilespmem:v18+s14+$0x0] =	vst.idx.msk vm13, v1  }
0x292: {  	v18 =	vld [tilespmem:$0xCF0];
	_ =	sdelay $0x4  }
0x293: {  	vm14 =	vgt.s32 v18, $0x1  }
0x294: {  	v61 =	vnsel vm14, $0x1, v18  }
0x295: {  	v20 =	vadd.s32 $0x63, v61  }
0x296: {  	v62 =	vshll.u32 v20, $0x8;
	v63 =	vshll.u32 v20, $0x7  }
0x297: {  	v21 =	vand.u32 $0xFFFFF800, v62;
	v22 =	vand.u32 $0x380, v63  }
0x298: {  	vm15 =	vgt.s32 v18, $0x0;
	v18 =	vor.u32 v22, v21  }
0x299: {  	v18 =	vor.u32 v16, v18;
	_ =	sdelay $0x3  }
0x29a: {  	[tilespmem:$0x1D3E0] =	vst v19  }
0x29b: {  	s19 =	simm.s32 $0x480;
	s20 =	simm.s32 $0x100;
	[tilespmem:v18+s14+$0x0] =	vst.idx.msk vm15, v1  }
0x29c: {  	s21 =	simm.s32 $0x1;
	s22 =	smov.u32 s9;
	s23 =	smov.u32 s8;
	[tilespmem:$0x1D3F0] =	vst v20  }
0x29d: {  	[hbm4b:s6+s15] =	stream.strided.scatter [tilespmem:s14], [sflag:$0x2], $0xC800, s11, s15, $0x38;
	[tilespmem:$0x1D400] =	vst v63  }
.LBB2_2:
0x29e: {  	_ =	swait.ge [sflag:s16], $0xC800  }
0x29f: {  	[sflag:s16] =	ssyncset.done $0x0  }
0x2a0: {  	[sflag:s16] =	ssyncadd.s32 $0xFFFF3800  }
0x2a1: {  	v18 =	vld [tilespmem:$0x1D000];
	_ =	sdelay $0x4  }
0x2a2: {  	v19 =	vshll.u32 v18, $0x8;
	v18 =	vshll.u32 v18, $0x7  }
0x2a3: {  	v19 =	vand.u32 $0xFFFFF800, v19;
	v18 =	vand.u32 $0x380, v18  }
0x2a4: {  	v18 =	vor.u32 v19, v18  }
0x2a5: {  	v18 =	vor.u32 v0, v18;
	_ =	sdelay $0x4  }
0x2a6: {  	[tilespmem:v18+s13+$0x0] =	vst.idx.msk $0xffff, v17  }
0x2a7: {  	v18 =	vld [tilespmem:$0x1D010];
	_ =	sdelay $0x4  }
0x2a8: {  	v19 =	vshll.u32 v18, $0x8;
	v18 =	vshll.u32 v18, $0x7  }
0x2a9: {  	v19 =	vand.u32 $0xFFFFF800, v19;
	v18 =	vand.u32 $0x380, v18  }
0x2aa: {  	v18 =	vor.u32 v19, v18  }
0x2ab: {  	v18 =	vor.u32 v2, v18;
	_ =	sdelay $0x4  }
0x2ac: {  	[tilespmem:v18+s13+$0x0] =	vst.idx.msk $0xffff, v17  }
0x2ad: {  	v18 =	vld [tilespmem:$0x1D020];
	_ =	sdelay $0x4  }
0x2ae: {  	v19 =	vshll.u32 v18, $0x8;
	v18 =	vshll.u32 v18, $0x7  }
0x2af: {  	v19 =	vand.u32 $0xFFFFF800, v19;
	v18 =	vand.u32 $0x380, v18  }
0x2b0: {  	v18 =	vor.u32 v19, v18  }
0x2b1: {  	v18 =	vor.u32 v3, v18;
	_ =	sdelay $0x4  }
0x2b2: {  	[tilespmem:v18+s13+$0x0] =	vst.idx.msk $0xffff, v17  }
0x2b3: {  	v18 =	vld [tilespmem:$0x1D030];
	_ =	sdelay $0x4  }
0x2b4: {  	v19 =	vshll.u32 v18, $0x8;
	v18 =	vshll.u32 v18, $0x7  }
0x2b5: {  	v19 =	vand.u32 $0xFFFFF800, v19;
	v18 =	vand.u32 $0x380, v18  }
0x2b6: {  	v18 =	vor.u32 v19, v18  }
0x2b7: {  	v18 =	vor.u32 v4, v18;
	_ =	sdelay $0x4  }
0x2b8: {  	[tilespmem:v18+s13+$0x0] =	vst.idx.msk $0xffff, v17  }
0x2b9: {  	v18 =	vld [tilespmem:$0x1D040];
	_ =	sdelay $0x4  }
0x2ba: {  	v19 =	vshll.u32 v18, $0x8;
	v18 =	vshll.u32 v18, $0x7  }
0x2bb: {  	v19 =	vand.u32 $0xFFFFF800, v19;
	v18 =	vand.u32 $0x380, v18  }
0x2bc: {  	v18 =	vor.u32 v19, v18  }
0x2bd: {  	v18 =	vor.u32 v5, v18;
	_ =	sdelay $0x4  }
0x2be: {  	[tilespmem:v18+s13+$0x0] =	vst.idx.msk $0xffff, v17  }
0x2bf: {  	v18 =	vld [tilespmem:$0x1D050];
	_ =	sdelay $0x4  }
0x2c0: {  	v19 =	vshll.u32 v18, $0x8;
	v18 =	vshll.u32 v18, $0x7  }
0x2c1: {  	v19 =	vand.u32 $0xFFFFF800, v19;
	v18 =	vand.u32 $0x380, v18  }
0x2c2: {  	v18 =	vor.u32 v19, v18  }
0x2c3: {  	v18 =	vor.u32 v6, v18;
	_ =	sdelay $0x4  }
0x2c4: {  	[tilespmem:v18+s13+$0x0] =	vst.idx.msk $0xffff, v17  }
0x2c5: {  	v18 =	vld [tilespmem:$0x1D060];
	_ =	sdelay $0x4  }
0x2c6: {  	v19 =	vshll.u32 v18, $0x8;
	v18 =	vshll.u32 v18, $0x7  }
0x2c7: {  	v19 =	vand.u32 $0xFFFFF800, v19;
	v18 =	vand.u32 $0x380, v18  }
0x2c8: {  	v18 =	vor.u32 v19, v18  }
0x2c9: {  	v18 =	vor.u32 v7, v18;
	_ =	sdelay $0x4  }
0x2ca: {  	[tilespmem:v18+s13+$0x0] =	vst.idx.msk $0xffff, v17  }
0x2cb: {  	v18 =	vld [tilespmem:$0x1D070];
	_ =	sdelay $0x4  }
0x2cc: {  	v19 =	vshll.u32 v18, $0x8;
	v18 =	vshll.u32 v18, $0x7  }
0x2cd: {  	v19 =	vand.u32 $0xFFFFF800, v19;
	v18 =	vand.u32 $0x380, v18  }
0x2ce: {  	v18 =	vor.u32 v19, v18  }
0x2cf: {  	v18 =	vor.u32 v8, v18;
	_ =	sdelay $0x4  }
0x2d0: {  	[tilespmem:v18+s13+$0x0] =	vst.idx.msk $0xffff, v17  }
0x2d1: {  	v18 =	vld [tilespmem:$0x1D080];
	_ =	sdelay $0x4  }
0x2d2: {  	v19 =	vshll.u32 v18, $0x8;
	v18 =	vshll.u32 v18, $0x7  }
0x2d3: {  	v19 =	vand.u32 $0xFFFFF800, v19;
	v18 =	vand.u32 $0x380, v18  }
0x2d4: {  	v18 =	vor.u32 v18, v19  }
0x2d5: {  	v18 =	vor.u32 v9, v18;
	_ =	sdelay $0x4  }
0x2d6: {  	[tilespmem:v18+s13+$0x0] =	vst.idx.msk $0xffff, v17  }
0x2d7: {  	v18 =	vld [tilespmem:$0x1D090];
	_ =	sdelay $0x4  }
0x2d8: {  	v19 =	vshll.u32 v18, $0x8;
	v18 =	vshll.u32 v18, $0x7  }
0x2d9: {  	v19 =	vand.u32 $0xFFFFF800, v19;
	v18 =	vand.u32 $0x380, v18  }
0x2da: {  	v18 =	vor.u32 v18, v19  }
0x2db: {  	v18 =	vor.u32 v10, v18;
	_ =	sdelay $0x4  }
0x2dc: {  	[tilespmem:v18+s13+$0x0] =	vst.idx.msk $0xffff, v17  }
0x2dd: {  	v18 =	vld [tilespmem:$0x1D0A0];
	_ =	sdelay $0x4  }
0x2de: {  	v19 =	vshll.u32 v18, $0x8;
	v18 =	vshll.u32 v18, $0x7  }
0x2df: {  	v19 =	vand.u32 $0xFFFFF800, v19;
	v18 =	vand.u32 $0x380, v18  }
0x2e0: {  	v18 =	vor.u32 v18, v19  }
0x2e1: {  	v18 =	vor.u32 v11, v18;
	_ =	sdelay $0x4  }
0x2e2: {  	[tilespmem:v18+s13+$0x0] =	vst.idx.msk $0xffff, v17  }
0x2e3: {  	v18 =	vld [tilespmem:$0x1D0B0];
	_ =	sdelay $0x4  }
0x2e4: {  	v19 =	vshll.u32 v18, $0x8;
	v18 =	vshll.u32 v18, $0x7  }
0x2e5: {  	v19 =	vand.u32 $0xFFFFF800, v19;
	v18 =	vand.u32 $0x380, v18  }
0x2e6: {  	v18 =	vor.u32 v18, v19  }
0x2e7: {  	v18 =	vor.u32 v12, v18;
	_ =	sdelay $0x4  }
0x2e8: {  	[tilespmem:v18+s13+$0x0] =	vst.idx.msk $0xffff, v17  }
0x2e9: {  	v18 =	vld [tilespmem:$0x1D0C0];
	_ =	sdelay $0x4  }
0x2ea: {  	v19 =	vshll.u32 v18, $0x8;
	v18 =	vshll.u32 v18, $0x7  }
0x2eb: {  	v19 =	vand.u32 $0xFFFFF800, v19;
	v18 =	vand.u32 $0x380, v18  }
0x2ec: {  	v18 =	vor.u32 v18, v19  }
0x2ed: {  	v18 =	vor.u32 v13, v18;
	_ =	sdelay $0x4  }
0x2ee: {  	[tilespmem:v18+s13+$0x0] =	vst.idx.msk $0xffff, v17  }
0x2ef: {  	v18 =	vld [tilespmem:$0x1D0D0];
	_ =	sdelay $0x4  }
0x2f0: {  	v19 =	vshll.u32 v18, $0x8;
	v18 =	vshll.u32 v18, $0x7  }
0x2f1: {  	v19 =	vand.u32 $0xFFFFF800, v19;
	v18 =	vand.u32 $0x380, v18  }
0x2f2: {  	v18 =	vor.u32 v18, v19  }
0x2f3: {  	v18 =	vor.u32 v14, v18;
	_ =	sdelay $0x4  }
0x2f4: {  	[tilespmem:v18+s13+$0x0] =	vst.idx.msk $0xffff, v17  }
0x2f5: {  	v18 =	vld [tilespmem:$0x1D0E0];
	_ =	sdelay $0x4  }
0x2f6: {  	v19 =	vshll.u32 v18, $0x8;
	v18 =	vshll.u32 v18, $0x7  }
0x2f7: {  	v19 =	vand.u32 $0xFFFFF800, v19;
	v18 =	vand.u32 $0x380, v18  }
0x2f8: {  	v18 =	vor.u32 v18, v19  }
0x2f9: {  	v18 =	vor.u32 v15, v18;
	_ =	sdelay $0x4  }
0x2fa: {  	[tilespmem:v18+s13+$0x0] =	vst.idx.msk $0xffff, v17  }
0x2fb: {  	v18 =	vld [tilespmem:$0x1D0F0];
	_ =	sdelay $0x4  }
0x2fc: {  	v19 =	vshll.u32 v18, $0x8;
	v18 =	vshll.u32 v18, $0x7  }
0x2fd: {  	v19 =	vand.u32 $0xFFFFF800, v19;
	v18 =	vand.u32 $0x380, v18  }
0x2fe: {  	v18 =	vor.u32 v18, v19  }
0x2ff: {  	v18 =	vor.u32 v16, v18;
	_ =	sdelay $0x4  }
0x300: {  	[tilespmem:v18+s13+$0x0] =	vst.idx.msk $0xffff, v17  }
0x301: {  	v18 =	vld [tilespmem:$0x1D100];
	_ =	sdelay $0x4  }
0x302: {  	v19 =	vshll.u32 v18, $0x8;
	v18 =	vshll.u32 v18, $0x7  }
0x303: {  	v19 =	vand.u32 $0xFFFFF800, v19;
	v18 =	vand.u32 $0x380, v18  }
0x304: {  	v18 =	vor.u32 v19, v18  }
0x305: {  	v18 =	vor.u32 v0, v18;
	_ =	sdelay $0x4  }
0x306: {  	[tilespmem:v18+s13+$0x0] =	vst.idx.msk $0xffff, v17  }
0x307: {  	v18 =	vld [tilespmem:$0x1D110];
	_ =	sdelay $0x4  }
0x308: {  	v19 =	vshll.u32 v18, $0x8;
	v18 =	vshll.u32 v18, $0x7  }
0x309: {  	v19 =	vand.u32 $0xFFFFF800, v19;
	v18 =	vand.u32 $0x380, v18  }
0x30a: {  	v18 =	vor.u32 v19, v18  }
0x30b: {  	v18 =	vor.u32 v2, v18;
	_ =	sdelay $0x4  }
0x30c: {  	[tilespmem:v18+s13+$0x0] =	vst.idx.msk $0xffff, v17  }
0x30d: {  	v18 =	vld [tilespmem:$0x1D120];
	_ =	sdelay $0x4  }
0x30e: {  	v19 =	vshll.u32 v18, $0x8;
	v18 =	vshll.u32 v18, $0x7  }
0x30f: {  	v19 =	vand.u32 $0xFFFFF800, v19;
	v18 =	vand.u32 $0x380, v18  }
0x310: {  	v18 =	vor.u32 v19, v18  }
0x311: {  	v18 =	vor.u32 v3, v18;
	_ =	sdelay $0x4  }
0x312: {  	[tilespmem:v18+s13+$0x0] =	vst.idx.msk $0xffff, v17  }
0x313: {  	v18 =	vld [tilespmem:$0x1D130];
	_ =	sdelay $0x4  }
0x314: {  	v19 =	vshll.u32 v18, $0x8;
	v18 =	vshll.u32 v18, $0x7  }
0x315: {  	v19 =	vand.u32 $0xFFFFF800, v19;
	v18 =	vand.u32 $0x380, v18  }
0x316: {  	v18 =	vor.u32 v19, v18  }
0x317: {  	v18 =	vor.u32 v4, v18;
	_ =	sdelay $0x4  }
0x318: {  	[tilespmem:v18+s13+$0x0] =	vst.idx.msk $0xffff, v17  }
0x319: {  	v18 =	vld [tilespmem:$0x1D140];
	_ =	sdelay $0x4  }
0x31a: {  	v19 =	vshll.u32 v18, $0x8;
	v18 =	vshll.u32 v18, $0x7  }
0x31b: {  	v19 =	vand.u32 $0xFFFFF800, v19;
	v18 =	vand.u32 $0x380, v18  }
0x31c: {  	v18 =	vor.u32 v19, v18  }
0x31d: {  	v18 =	vor.u32 v5, v18;
	_ =	sdelay $0x4  }
0x31e: {  	[tilespmem:v18+s13+$0x0] =	vst.idx.msk $0xffff, v17  }
0x31f: {  	v18 =	vld [tilespmem:$0x1D150];
	_ =	sdelay $0x4  }
0x320: {  	v19 =	vshll.u32 v18, $0x8;
	v18 =	vshll.u32 v18, $0x7  }
0x321: {  	v19 =	vand.u32 $0xFFFFF800, v19;
	v18 =	vand.u32 $0x380, v18  }
0x322: {  	v18 =	vor.u32 v19, v18  }
0x323: {  	v18 =	vor.u32 v6, v18;
	_ =	sdelay $0x4  }
0x324: {  	[tilespmem:v18+s13+$0x0] =	vst.idx.msk $0xffff, v17  }
0x325: {  	v18 =	vld [tilespmem:$0x1D160];
	_ =	sdelay $0x4  }
0x326: {  	v19 =	vshll.u32 v18, $0x8;
	v18 =	vshll.u32 v18, $0x7  }
0x327: {  	v19 =	vand.u32 $0xFFFFF800, v19;
	v18 =	vand.u32 $0x380, v18  }
0x328: {  	v18 =	vor.u32 v19, v18  }
0x329: {  	v18 =	vor.u32 v7, v18;
	_ =	sdelay $0x4  }
0x32a: {  	[tilespmem:v18+s13+$0x0] =	vst.idx.msk $0xffff, v17  }
0x32b: {  	v18 =	vld [tilespmem:$0x1D170];
	_ =	sdelay $0x4  }
0x32c: {  	v19 =	vshll.u32 v18, $0x8;
	v18 =	vshll.u32 v18, $0x7  }
0x32d: {  	v19 =	vand.u32 $0xFFFFF800, v19;
	v18 =	vand.u32 $0x380, v18  }
0x32e: {  	v18 =	vor.u32 v19, v18  }
0x32f: {  	v18 =	vor.u32 v8, v18;
	_ =	sdelay $0x4  }
0x330: {  	[tilespmem:v18+s13+$0x0] =	vst.idx.msk $0xffff, v17  }
0x331: {  	v18 =	vld [tilespmem:$0x1D180];
	_ =	sdelay $0x4  }
0x332: {  	v19 =	vshll.u32 v18, $0x8;
	v18 =	vshll.u32 v18, $0x7  }
0x333: {  	v19 =	vand.u32 $0xFFFFF800, v19;
	v18 =	vand.u32 $0x380, v18  }
0x334: {  	v18 =	vor.u32 v18, v19  }
0x335: {  	v18 =	vor.u32 v9, v18;
	_ =	sdelay $0x4  }
0x336: {  	[tilespmem:v18+s13+$0x0] =	vst.idx.msk $0xffff, v17  }
0x337: {  	v18 =	vld [tilespmem:$0x1D190];
	_ =	sdelay $0x4  }
0x338: {  	v19 =	vshll.u32 v18, $0x8;
	v18 =	vshll.u32 v18, $0x7  }
0x339: {  	v19 =	vand.u32 $0xFFFFF800, v19;
	v18 =	vand.u32 $0x380, v18  }
0x33a: {  	v18 =	vor.u32 v18, v19  }
0x33b: {  	v18 =	vor.u32 v10, v18;
	_ =	sdelay $0x4  }
0x33c: {  	[tilespmem:v18+s13+$0x0] =	vst.idx.msk $0xffff, v17  }
0x33d: {  	v18 =	vld [tilespmem:$0x1D1A0];
	_ =	sdelay $0x4  }
0x33e: {  	v19 =	vshll.u32 v18, $0x8;
	v18 =	vshll.u32 v18, $0x7  }
0x33f: {  	v19 =	vand.u32 $0xFFFFF800, v19;
	v18 =	vand.u32 $0x380, v18  }
0x340: {  	v18 =	vor.u32 v18, v19  }
0x341: {  	v18 =	vor.u32 v11, v18;
	_ =	sdelay $0x4  }
0x342: {  	[tilespmem:v18+s13+$0x0] =	vst.idx.msk $0xffff, v17  }
0x343: {  	v18 =	vld [tilespmem:$0x1D1B0];
	_ =	sdelay $0x4  }
0x344: {  	v19 =	vshll.u32 v18, $0x8;
	v18 =	vshll.u32 v18, $0x7  }
0x345: {  	v19 =	vand.u32 $0xFFFFF800, v19;
	v18 =	vand.u32 $0x380, v18  }
0x346: {  	v18 =	vor.u32 v18, v19  }
0x347: {  	v18 =	vor.u32 v12, v18;
	_ =	sdelay $0x4  }
0x348: {  	[tilespmem:v18+s13+$0x0] =	vst.idx.msk $0xffff, v17  }
0x349: {  	v18 =	vld [tilespmem:$0x1D1C0];
	_ =	sdelay $0x4  }
0x34a: {  	v19 =	vshll.u32 v18, $0x8;
	v18 =	vshll.u32 v18, $0x7  }
0x34b: {  	v19 =	vand.u32 $0xFFFFF800, v19;
	v18 =	vand.u32 $0x380, v18  }
0x34c: {  	v18 =	vor.u32 v18, v19  }
0x34d: {  	v18 =	vor.u32 v13, v18;
	_ =	sdelay $0x4  }
0x34e: {  	[tilespmem:v18+s13+$0x0] =	vst.idx.msk $0xffff, v17  }
0x34f: {  	v18 =	vld [tilespmem:$0x1D1D0];
	_ =	sdelay $0x4  }
0x350: {  	v19 =	vshll.u32 v18, $0x8;
	v18 =	vshll.u32 v18, $0x7  }
0x351: {  	v19 =	vand.u32 $0xFFFFF800, v19;
	v18 =	vand.u32 $0x380, v18  }
0x352: {  	v18 =	vor.u32 v18, v19  }
0x353: {  	v18 =	vor.u32 v14, v18;
	_ =	sdelay $0x4  }
0x354: {  	[tilespmem:v18+s13+$0x0] =	vst.idx.msk $0xffff, v17  }
0x355: {  	v18 =	vld [tilespmem:$0x1D1E0];
	_ =	sdelay $0x4  }
0x356: {  	v19 =	vshll.u32 v18, $0x8;
	v18 =	vshll.u32 v18, $0x7  }
0x357: {  	v19 =	vand.u32 $0xFFFFF800, v19;
	v18 =	vand.u32 $0x380, v18  }
0x358: {  	v18 =	vor.u32 v18, v19  }
0x359: {  	v18 =	vor.u32 v15, v18;
	_ =	sdelay $0x4  }
0x35a: {  	[tilespmem:v18+s13+$0x0] =	vst.idx.msk $0xffff, v17  }
0x35b: {  	v18 =	vld [tilespmem:$0x1D1F0];
	_ =	sdelay $0x4  }
0x35c: {  	v19 =	vshll.u32 v18, $0x8;
	v18 =	vshll.u32 v18, $0x7  }
0x35d: {  	v19 =	vand.u32 $0xFFFFF800, v19;
	v18 =	vand.u32 $0x380, v18  }
0x35e: {  	v18 =	vor.u32 v18, v19  }
0x35f: {  	v18 =	vor.u32 v16, v18;
	_ =	sdelay $0x2  }
0x360: {  	s24 =	sadd.s32 $0xFFFFFF80, s19  }
0x361: {  	s25 =	sand.u32 $0x300, s20;
	s24 =	sand.u32 $0x3000, s24  }
0x362: {  	s24 =	sor.u32 s25, s24;
	[tilespmem:v18+s13+$0x0] =	vst.idx.msk $0xffff, v17  }
0x363: {  	v18 =	vld [tilespmem:s24+$0x0];
	_ =	sdelay $0x4  }
0x364: {  	vm0 =	vgt.s32 v18, $0x1  }
0x365: {  	v19 =	vnsel vm0, $0x1, v18  }
0x366: {  	v19 =	vadd.s32 $0xFFFFFFFF, v19  }
0x367: {  	v20 =	vshll.u32 v19, $0x8;
	v21 =	vshll.u32 v19, $0x7  }
0x368: {  	v20 =	vand.u32 $0xFFFFF800, v20;
	v21 =	vand.u32 $0x380, v21  }
0x369: {  	vm9 =	vgt.s32 v18, $0x0;
	v18 =	vor.u32 v20, v21  }
0x36a: {  	v18 =	vor.u32 v0, v18;
	_ =	sdelay $0x4  }
0x36b: {  	[tilespmem:v18+s13+$0x0] =	vst.idx.msk vm9, v1  }
0x36c: {  	[tilespmem:$0x1D000] =	vst v19  }
0x36d: {  	v18 =	vld [tilespmem:s24+$0x10];
	_ =	sdelay $0x4  }
0x36e: {  	vm10 =	vgt.s32 v18, $0x1  }
0x36f: {  	v19 =	vnsel vm10, $0x1, v18  }
0x370: {  	v19 =	vadd.s32 $0xFFFFFFFF, v19  }
0x371: {  	v58 =	vshll.u32 v19, $0x8;
	v59 =	vshll.u32 v19, $0x7  }
0x372: {  	v20 =	vand.u32 $0xFFFFF800, v58;
	v21 =	vand.u32 $0x380, v59  }
0x373: {  	vm11 =	vgt.s32 v18, $0x0;
	v18 =	vor.u32 v20, v21  }
0x374: {  	v18 =	vor.u32 v2, v18;
	_ =	sdelay $0x4  }
0x375: {  	[tilespmem:v18+s13+$0x0] =	vst.idx.msk vm11, v1  }
0x376: {  	[tilespmem:$0x1D010] =	vst v19  }
0x377: {  	v18 =	vld [tilespmem:s24+$0x20];
	_ =	sdelay $0x4  }
0x378: {  	vm12 =	vgt.s32 v18, $0x1  }
0x379: {  	v19 =	vnsel vm12, $0x1, v18  }
0x37a: {  	v19 =	vadd.s32 $0xFFFFFFFF, v19  }
0x37b: {  	v60 =	vshll.u32 v19, $0x8;
	v61 =	vshll.u32 v19, $0x7  }
0x37c: {  	v20 =	vand.u32 $0xFFFFF800, v60;
	v21 =	vand.u32 $0x380, v61  }
0x37d: {  	vm13 =	vgt.s32 v18, $0x0;
	v18 =	vor.u32 v20, v21  }
0x37e: {  	v18 =	vor.u32 v3, v18;
	_ =	sdelay $0x4  }
0x37f: {  	[tilespmem:v18+s13+$0x0] =	vst.idx.msk vm13, v1  }
0x380: {  	[tilespmem:$0x1D020] =	vst v19  }
0x381: {  	v18 =	vld [tilespmem:s24+$0x30];
	_ =	sdelay $0x4  }
0x382: {  	vm14 =	vgt.s32 v18, $0x1  }
0x383: {  	v19 =	vnsel vm14, $0x1, v18  }
0x384: {  	v19 =	vadd.s32 $0xFFFFFFFF, v19  }
0x385: {  	v62 =	vshll.u32 v19, $0x8;
	v63 =	vshll.u32 v19, $0x7  }
0x386: {  	v20 =	vand.u32 $0xFFFFF800, v62;
	v21 =	vand.u32 $0x380, v63  }
0x387: {  	vm15 =	vgt.s32 v18, $0x0;
	v18 =	vor.u32 v20, v21  }
0x388: {  	v18 =	vor.u32 v4, v18;
	_ =	sdelay $0x4  }
0x389: {  	[tilespmem:v18+s13+$0x0] =	vst.idx.msk vm15, v1  }
0x38a: {  	[tilespmem:$0x1D030] =	vst v19  }
0x38b: {  	v18 =	vld [tilespmem:s24+$0x40];
	_ =	sdelay $0x4  }
0x38c: {  	vm4 =	vgt.s32 v18, $0x1  }
0x38d: {  	v19 =	vnsel vm4, $0x1, v18  }
0x38e: {  	v19 =	vadd.s32 $0xFFFFFFFF, v19  }
0x38f: {  	v24 =	vshll.u32 v19, $0x8;
	v25 =	vshll.u32 v19, $0x7  }
0x390: {  	v20 =	vand.u32 $0xFFFFF800, v24;
	v21 =	vand.u32 $0x380, v25  }
0x391: {  	vm5 =	vgt.s32 v18, $0x0;
	v18 =	vor.u32 v20, v21  }
0x392: {  	v18 =	vor.u32 v5, v18;
	_ =	sdelay $0x4  }
0x393: {  	[tilespmem:v18+s13+$0x0] =	vst.idx.msk vm5, v1  }
0x394: {  	[tilespmem:$0x1D040] =	vst v19  }
0x395: {  	v18 =	vld [tilespmem:s24+$0x50];
	_ =	sdelay $0x4  }
0x396: {  	vm6 =	vgt.s32 v18, $0x1  }
0x397: {  	v19 =	vnsel vm6, $0x1, v18  }
0x398: {  	v19 =	vadd.s32 $0xFFFFFFFF, v19  }
0x399: {  	v26 =	vshll.u32 v19, $0x8;
	v27 =	vshll.u32 v19, $0x7  }
0x39a: {  	v20 =	vand.u32 $0xFFFFF800, v26;
	v21 =	vand.u32 $0x380, v27  }
0x39b: {  	vm7 =	vgt.s32 v18, $0x0;
	v18 =	vor.u32 v20, v21  }
0x39c: {  	v18 =	vor.u32 v6, v18;
	_ =	sdelay $0x4  }
0x39d: {  	[tilespmem:v18+s13+$0x0] =	vst.idx.msk vm7, v1  }
0x39e: {  	[tilespmem:$0x1D050] =	vst v19  }
0x39f: {  	v18 =	vld [tilespmem:s24+$0x60];
	_ =	sdelay $0x4  }
0x3a0: {  	vm8 =	vgt.s32 v18, $0x1  }
0x3a1: {  	v19 =	vnsel vm8, $0x1, v18  }
0x3a2: {  	v19 =	vadd.s32 $0xFFFFFFFF, v19  }
0x3a3: {  	v28 =	vshll.u32 v19, $0x8;
	v29 =	vshll.u32 v19, $0x7  }
0x3a4: {  	v20 =	vand.u32 $0xFFFFF800, v28;
	v21 =	vand.u32 $0x380, v29  }
0x3a5: {  	vm9 =	vgt.s32 v18, $0x0;
	v18 =	vor.u32 v20, v21  }
0x3a6: {  	v18 =	vor.u32 v7, v18;
	_ =	sdelay $0x4  }
0x3a7: {  	[tilespmem:v18+s13+$0x0] =	vst.idx.msk vm9, v1  }
0x3a8: {  	[tilespmem:$0x1D060] =	vst v19  }
0x3a9: {  	v18 =	vld [tilespmem:s24+$0x70];
	_ =	sdelay $0x4  }
0x3aa: {  	vm10 =	vgt.s32 v18, $0x1  }
0x3ab: {  	v19 =	vnsel vm10, $0x1, v18  }
0x3ac: {  	v19 =	vadd.s32 $0xFFFFFFFF, v19  }
0x3ad: {  	v30 =	vshll.u32 v19, $0x8;
	v31 =	vshll.u32 v19, $0x7  }
0x3ae: {  	v20 =	vand.u32 $0xFFFFF800, v30;
	v21 =	vand.u32 $0x380, v31  }
0x3af: {  	vm11 =	vgt.s32 v18, $0x0;
	v18 =	vor.u32 v20, v21  }
0x3b0: {  	v18 =	vor.u32 v8, v18;
	_ =	sdelay $0x4  }
0x3b1: {  	[tilespmem:v18+s13+$0x0] =	vst.idx.msk vm11, v1  }
0x3b2: {  	[tilespmem:$0x1D070] =	vst v19  }
0x3b3: {  	v18 =	vld [tilespmem:s24+$0x400];
	_ =	sdelay $0x4  }
0x3b4: {  	vm12 =	vgt.s32 v18, $0x1  }
0x3b5: {  	v19 =	vnsel vm12, $0x1, v18  }
0x3b6: {  	v19 =	vadd.s32 $0xFFFFFFFF, v19  }
0x3b7: {  	v32 =	vshll.u32 v19, $0x8;
	v33 =	vshll.u32 v19, $0x7  }
0x3b8: {  	v20 =	vand.u32 $0xFFFFF800, v32;
	v21 =	vand.u32 $0x380, v33  }
0x3b9: {  	vm13 =	vgt.s32 v18, $0x0;
	v18 =	vor.u32 v21, v20  }
0x3ba: {  	v18 =	vor.u32 v9, v18;
	_ =	sdelay $0x4  }
0x3bb: {  	[tilespmem:v18+s13+$0x0] =	vst.idx.msk vm13, v1  }
0x3bc: {  	[tilespmem:$0x1D080] =	vst v19  }
0x3bd: {  	v18 =	vld [tilespmem:s24+$0x410];
	_ =	sdelay $0x4  }
0x3be: {  	vm14 =	vgt.s32 v18, $0x1  }
0x3bf: {  	v19 =	vnsel vm14, $0x1, v18  }
0x3c0: {  	v19 =	vadd.s32 $0xFFFFFFFF, v19  }
0x3c1: {  	v34 =	vshll.u32 v19, $0x8;
	v35 =	vshll.u32 v19, $0x7  }
0x3c2: {  	v20 =	vand.u32 $0xFFFFF800, v34;
	v21 =	vand.u32 $0x380, v35  }
0x3c3: {  	vm15 =	vgt.s32 v18, $0x0;
	v18 =	vor.u32 v21, v20  }
0x3c4: {  	v18 =	vor.u32 v10, v18;
	_ =	sdelay $0x4  }
0x3c5: {  	[tilespmem:v18+s13+$0x0] =	vst.idx.msk vm15, v1  }
0x3c6: {  	[tilespmem:$0x1D090] =	vst v19  }
0x3c7: {  	v18 =	vld [tilespmem:s24+$0x420];
	_ =	sdelay $0x4  }
0x3c8: {  	vm4 =	vgt.s32 v18, $0x1  }
0x3c9: {  	v19 =	vnsel vm4, $0x1, v18  }
0x3ca: {  	v19 =	vadd.s32 $0xFFFFFFFF, v19  }
0x3cb: {  	v36 =	vshll.u32 v19, $0x8;
	v37 =	vshll.u32 v19, $0x7  }
0x3cc: {  	v20 =	vand.u32 $0xFFFFF800, v36;
	v21 =	vand.u32 $0x380, v37  }
0x3cd: {  	vm5 =	vgt.s32 v18, $0x0;
	v18 =	vor.u32 v21, v20  }
0x3ce: {  	v18 =	vor.u32 v11, v18;
	_ =	sdelay $0x4  }
0x3cf: {  	[tilespmem:v18+s13+$0x0] =	vst.idx.msk vm5, v1  }
0x3d0: {  	[tilespmem:$0x1D0A0] =	vst v19  }
0x3d1: {  	v18 =	vld [tilespmem:s24+$0x430];
	_ =	sdelay $0x4  }
0x3d2: {  	vm6 =	vgt.s32 v18, $0x1  }
0x3d3: {  	v19 =	vnsel vm6, $0x1, v18  }
0x3d4: {  	v19 =	vadd.s32 $0xFFFFFFFF, v19  }
0x3d5: {  	v38 =	vshll.u32 v19, $0x8;
	v39 =	vshll.u32 v19, $0x7  }
0x3d6: {  	v20 =	vand.u32 $0xFFFFF800, v38;
	v21 =	vand.u32 $0x380, v39  }
0x3d7: {  	vm7 =	vgt.s32 v18, $0x0;
	v18 =	vor.u32 v21, v20  }
0x3d8: {  	v18 =	vor.u32 v12, v18;
	_ =	sdelay $0x4  }
0x3d9: {  	[tilespmem:v18+s13+$0x0] =	vst.idx.msk vm7, v1  }
0x3da: {  	[tilespmem:$0x1D0B0] =	vst v19  }
0x3db: {  	v18 =	vld [tilespmem:s24+$0x440];
	_ =	sdelay $0x4  }
0x3dc: {  	vm8 =	vgt.s32 v18, $0x1  }
0x3dd: {  	v19 =	vnsel vm8, $0x1, v18  }
0x3de: {  	v19 =	vadd.s32 $0xFFFFFFFF, v19  }
0x3df: {  	v40 =	vshll.u32 v19, $0x8;
	v41 =	vshll.u32 v19, $0x7  }
0x3e0: {  	v20 =	vand.u32 $0xFFFFF800, v40;
	v21 =	vand.u32 $0x380, v41  }
0x3e1: {  	vm9 =	vgt.s32 v18, $0x0;
	v18 =	vor.u32 v21, v20  }
0x3e2: {  	v18 =	vor.u32 v13, v18;
	_ =	sdelay $0x4  }
0x3e3: {  	[tilespmem:v18+s13+$0x0] =	vst.idx.msk vm9, v1  }
0x3e4: {  	[tilespmem:$0x1D0C0] =	vst v19  }
0x3e5: {  	v18 =	vld [tilespmem:s24+$0x450];
	_ =	sdelay $0x4  }
0x3e6: {  	vm10 =	vgt.s32 v18, $0x1  }
0x3e7: {  	v19 =	vnsel vm10, $0x1, v18  }
0x3e8: {  	v19 =	vadd.s32 $0xFFFFFFFF, v19  }
0x3e9: {  	v42 =	vshll.u32 v19, $0x8;
	v43 =	vshll.u32 v19, $0x7  }
0x3ea: {  	v20 =	vand.u32 $0xFFFFF800, v42;
	v21 =	vand.u32 $0x380, v43  }
0x3eb: {  	vm11 =	vgt.s32 v18, $0x0;
	v18 =	vor.u32 v21, v20  }
0x3ec: {  	v18 =	vor.u32 v14, v18;
	_ =	sdelay $0x4  }
0x3ed: {  	[tilespmem:v18+s13+$0x0] =	vst.idx.msk vm11, v1  }
0x3ee: {  	[tilespmem:$0x1D0D0] =	vst v19  }
0x3ef: {  	v18 =	vld [tilespmem:s24+$0x460];
	_ =	sdelay $0x4  }
0x3f0: {  	vm12 =	vgt.s32 v18, $0x1  }
0x3f1: {  	v19 =	vnsel vm12, $0x1, v18  }
0x3f2: {  	v19 =	vadd.s32 $0xFFFFFFFF, v19  }
0x3f3: {  	v44 =	vshll.u32 v19, $0x8;
	v45 =	vshll.u32 v19, $0x7  }
0x3f4: {  	v20 =	vand.u32 $0xFFFFF800, v44;
	v21 =	vand.u32 $0x380, v45  }
0x3f5: {  	vm13 =	vgt.s32 v18, $0x0;
	v18 =	vor.u32 v21, v20  }
0x3f6: {  	v18 =	vor.u32 v15, v18;
	_ =	sdelay $0x4  }
0x3f7: {  	[tilespmem:v18+s13+$0x0] =	vst.idx.msk vm13, v1  }
0x3f8: {  	[tilespmem:$0x1D0E0] =	vst v19  }
0x3f9: {  	v18 =	vld [tilespmem:s24+$0x470];
	_ =	sdelay $0x4  }
0x3fa: {  	vm14 =	vgt.s32 v18, $0x1  }
0x3fb: {  	v19 =	vnsel vm14, $0x1, v18  }
0x3fc: {  	v19 =	vadd.s32 $0xFFFFFFFF, v19  }
0x3fd: {  	v46 =	vshll.u32 v19, $0x8;
	v47 =	vshll.u32 v19, $0x7  }
0x3fe: {  	v20 =	vand.u32 $0xFFFFF800, v46;
	v21 =	vand.u32 $0x380, v47  }
0x3ff: {  	vm15 =	vgt.s32 v18, $0x0;
	v18 =	vor.u32 v21, v20  }
0x400: {  	v18 =	vor.u32 v16, v18;
	_ =	sdelay $0x4  }
0x401: {  	[tilespmem:v18+s13+$0x0] =	vst.idx.msk vm15, v1  }
0x402: {  	[tilespmem:$0x1D0F0] =	vst v19  }
0x403: {  	v18 =	vld [tilespmem:s24+$0x80];
	_ =	sdelay $0x4  }
0x404: {  	vm4 =	vgt.s32 v18, $0x1  }
0x405: {  	v19 =	vnsel vm4, $0x1, v18  }
0x406: {  	v19 =	vadd.s32 $0x63, v19  }
0x407: {  	v48 =	vshll.u32 v19, $0x8;
	v49 =	vshll.u32 v19, $0x7  }
0x408: {  	v20 =	vand.u32 $0xFFFFF800, v48;
	v21 =	vand.u32 $0x380, v49  }
0x409: {  	vm5 =	vgt.s32 v18, $0x0;
	v18 =	vor.u32 v20, v21  }
0x40a: {  	v18 =	vor.u32 v0, v18;
	_ =	sdelay $0x4  }
0x40b: {  	[tilespmem:v18+s13+$0x0] =	vst.idx.msk vm5, v1  }
0x40c: {  	[tilespmem:$0x1D100] =	vst v19  }
0x40d: {  	v18 =	vld [tilespmem:s24+$0x90];
	_ =	sdelay $0x4  }
0x40e: {  	vm6 =	vgt.s32 v18, $0x1  }
0x40f: {  	v19 =	vnsel vm6, $0x1, v18  }
0x410: {  	v19 =	vadd.s32 $0x63, v19  }
0x411: {  	v50 =	vshll.u32 v19, $0x8;
	v51 =	vshll.u32 v19, $0x7  }
0x412: {  	v20 =	vand.u32 $0xFFFFF800, v50;
	v21 =	vand.u32 $0x380, v51  }
0x413: {  	vm7 =	vgt.s32 v18, $0x0;
	v18 =	vor.u32 v20, v21  }
0x414: {  	v18 =	vor.u32 v2, v18;
	_ =	sdelay $0x4  }
0x415: {  	[tilespmem:v18+s13+$0x0] =	vst.idx.msk vm7, v1  }
0x416: {  	[tilespmem:$0x1D110] =	vst v19  }
0x417: {  	v18 =	vld [tilespmem:s24+$0xA0];
	_ =	sdelay $0x4  }
0x418: {  	vm8 =	vgt.s32 v18, $0x1  }
0x419: {  	v19 =	vnsel vm8, $0x1, v18  }
0x41a: {  	v19 =	vadd.s32 $0x63, v19  }
0x41b: {  	v52 =	vshll.u32 v19, $0x8;
	v53 =	vshll.u32 v19, $0x7  }
0x41c: {  	v20 =	vand.u32 $0xFFFFF800, v52;
	v21 =	vand.u32 $0x380, v53  }
0x41d: {  	vm9 =	vgt.s32 v18, $0x0;
	v18 =	vor.u32 v20, v21  }
0x41e: {  	v18 =	vor.u32 v3, v18;
	_ =	sdelay $0x4  }
0x41f: {  	[tilespmem:v18+s13+$0x0] =	vst.idx.msk vm9, v1  }
0x420: {  	[tilespmem:$0x1D120] =	vst v19  }
0x421: {  	v18 =	vld [tilespmem:s24+$0xB0];
	_ =	sdelay $0x4  }
0x422: {  	vm10 =	vgt.s32 v18, $0x1  }
0x423: {  	v19 =	vnsel vm10, $0x1, v18  }
0x424: {  	v19 =	vadd.s32 $0x63, v19  }
0x425: {  	v54 =	vshll.u32 v19, $0x8;
	v55 =	vshll.u32 v19, $0x7  }
0x426: {  	v20 =	vand.u32 $0xFFFFF800, v54;
	v21 =	vand.u32 $0x380, v55  }
0x427: {  	vm11 =	vgt.s32 v18, $0x0;
	v18 =	vor.u32 v20, v21  }
0x428: {  	v18 =	vor.u32 v4, v18;
	_ =	sdelay $0x4  }
0x429: {  	[tilespmem:v18+s13+$0x0] =	vst.idx.msk vm11, v1  }
0x42a: {  	[tilespmem:$0x1D130] =	vst v19  }
0x42b: {  	v18 =	vld [tilespmem:s24+$0xC0];
	_ =	sdelay $0x4  }
0x42c: {  	vm12 =	vgt.s32 v18, $0x1  }
0x42d: {  	v19 =	vnsel vm12, $0x1, v18  }
0x42e: {  	v19 =	vadd.s32 $0x63, v19  }
0x42f: {  	v56 =	vshll.u32 v19, $0x8;
	v57 =	vshll.u32 v19, $0x7  }
0x430: {  	v20 =	vand.u32 $0xFFFFF800, v56;
	v21 =	vand.u32 $0x380, v57  }
0x431: {  	vm13 =	vgt.s32 v18, $0x0;
	v18 =	vor.u32 v20, v21  }
0x432: {  	v18 =	vor.u32 v5, v18;
	_ =	sdelay $0x4  }
0x433: {  	[tilespmem:v18+s13+$0x0] =	vst.idx.msk vm13, v1  }
0x434: {  	[tilespmem:$0x1D140] =	vst v19  }
0x435: {  	v18 =	vld [tilespmem:s24+$0xD0];
	_ =	sdelay $0x4  }
0x436: {  	vm14 =	vgt.s32 v18, $0x1  }
0x437: {  	v19 =	vnsel vm14, $0x1, v18  }
0x438: {  	v19 =	vadd.s32 $0x63, v19  }
0x439: {  	v58 =	vshll.u32 v19, $0x8;
	v59 =	vshll.u32 v19, $0x7  }
0x43a: {  	v20 =	vand.u32 $0xFFFFF800, v58;
	v21 =	vand.u32 $0x380, v59  }
0x43b: {  	vm15 =	vgt.s32 v18, $0x0;
	v18 =	vor.u32 v20, v21  }
0x43c: {  	v18 =	vor.u32 v6, v18;
	_ =	sdelay $0x4  }
0x43d: {  	[tilespmem:v18+s13+$0x0] =	vst.idx.msk vm15, v1  }
0x43e: {  	[tilespmem:$0x1D150] =	vst v19  }
0x43f: {  	v18 =	vld [tilespmem:s24+$0xE0];
	_ =	sdelay $0x4  }
0x440: {  	vm4 =	vgt.s32 v18, $0x1  }
0x441: {  	v19 =	vnsel vm4, $0x1, v18  }
0x442: {  	v19 =	vadd.s32 $0x63, v19  }
0x443: {  	v60 =	vshll.u32 v19, $0x8;
	v61 =	vshll.u32 v19, $0x7  }
0x444: {  	v20 =	vand.u32 $0xFFFFF800, v60;
	v21 =	vand.u32 $0x380, v61  }
0x445: {  	vm5 =	vgt.s32 v18, $0x0;
	v18 =	vor.u32 v20, v21  }
0x446: {  	v18 =	vor.u32 v7, v18;
	_ =	sdelay $0x4  }
0x447: {  	[tilespmem:v18+s13+$0x0] =	vst.idx.msk vm5, v1  }
0x448: {  	[tilespmem:$0x1D160] =	vst v19  }
0x449: {  	v18 =	vld [tilespmem:s24+$0xF0];
	_ =	sdelay $0x4  }
0x44a: {  	vm6 =	vgt.s32 v18, $0x1  }
0x44b: {  	v19 =	vnsel vm6, $0x1, v18  }
0x44c: {  	v19 =	vadd.s32 $0x63, v19  }
0x44d: {  	v62 =	vshll.u32 v19, $0x8;
	v63 =	vshll.u32 v19, $0x7  }
0x44e: {  	v20 =	vand.u32 $0xFFFFF800, v62;
	v21 =	vand.u32 $0x380, v63  }
0x44f: {  	vm7 =	vgt.s32 v18, $0x0;
	v18 =	vor.u32 v20, v21  }
0x450: {  	v18 =	vor.u32 v8, v18;
	_ =	sdelay $0x4  }
0x451: {  	[tilespmem:v18+s13+$0x0] =	vst.idx.msk vm7, v1  }
0x452: {  	[tilespmem:$0x1D170] =	vst v19  }
0x453: {  	v18 =	vld [tilespmem:s24+$0x480];
	_ =	sdelay $0x4  }
0x454: {  	vm8 =	vgt.s32 v18, $0x1  }
0x455: {  	v19 =	vnsel vm8, $0x1, v18  }
0x456: {  	v19 =	vadd.s32 $0x63, v19  }
0x457: {  	v24 =	vshll.u32 v19, $0x8;
	v25 =	vshll.u32 v19, $0x7  }
0x458: {  	v20 =	vand.u32 $0xFFFFF800, v24;
	v21 =	vand.u32 $0x380, v25  }
0x459: {  	vm9 =	vgt.s32 v18, $0x0;
	v18 =	vor.u32 v21, v20  }
0x45a: {  	v18 =	vor.u32 v9, v18;
	_ =	sdelay $0x4  }
0x45b: {  	[tilespmem:v18+s13+$0x0] =	vst.idx.msk vm9, v1  }
0x45c: {  	[tilespmem:$0x1D180] =	vst v19  }
0x45d: {  	v18 =	vld [tilespmem:s24+$0x490];
	_ =	sdelay $0x4  }
0x45e: {  	vm10 =	vgt.s32 v18, $0x1  }
0x45f: {  	v19 =	vnsel vm10, $0x1, v18  }
0x460: {  	v19 =	vadd.s32 $0x63, v19  }
0x461: {  	v26 =	vshll.u32 v19, $0x8;
	v27 =	vshll.u32 v19, $0x7  }
0x462: {  	v20 =	vand.u32 $0xFFFFF800, v26;
	v21 =	vand.u32 $0x380, v27  }
0x463: {  	vm11 =	vgt.s32 v18, $0x0;
	v18 =	vor.u32 v21, v20  }
0x464: {  	v18 =	vor.u32 v10, v18;
	_ =	sdelay $0x4  }
0x465: {  	[tilespmem:v18+s13+$0x0] =	vst.idx.msk vm11, v1  }
0x466: {  	[tilespmem:$0x1D190] =	vst v19  }
0x467: {  	v18 =	vld [tilespmem:s24+$0x4A0];
	_ =	sdelay $0x4  }
0x468: {  	vm12 =	vgt.s32 v18, $0x1  }
0x469: {  	v19 =	vnsel vm12, $0x1, v18  }
0x46a: {  	v19 =	vadd.s32 $0x63, v19  }
0x46b: {  	v28 =	vshll.u32 v19, $0x8;
	v29 =	vshll.u32 v19, $0x7  }
0x46c: {  	v20 =	vand.u32 $0xFFFFF800, v28;
	v21 =	vand.u32 $0x380, v29  }
0x46d: {  	vm13 =	vgt.s32 v18, $0x0;
	v18 =	vor.u32 v21, v20  }
0x46e: {  	v18 =	vor.u32 v11, v18;
	_ =	sdelay $0x4  }
0x46f: {  	[tilespmem:v18+s13+$0x0] =	vst.idx.msk vm13, v1  }
0x470: {  	[tilespmem:$0x1D1A0] =	vst v19  }
0x471: {  	v18 =	vld [tilespmem:s24+$0x4B0];
	_ =	sdelay $0x4  }
0x472: {  	vm14 =	vgt.s32 v18, $0x1  }
0x473: {  	v19 =	vnsel vm14, $0x1, v18  }
0x474: {  	v19 =	vadd.s32 $0x63, v19  }
0x475: {  	v30 =	vshll.u32 v19, $0x8;
	v31 =	vshll.u32 v19, $0x7  }
0x476: {  	v20 =	vand.u32 $0xFFFFF800, v30;
	v21 =	vand.u32 $0x380, v31  }
0x477: {  	vm15 =	vgt.s32 v18, $0x0;
	v18 =	vor.u32 v21, v20  }
0x478: {  	v18 =	vor.u32 v12, v18;
	_ =	sdelay $0x4  }
0x479: {  	[tilespmem:v18+s13+$0x0] =	vst.idx.msk vm15, v1  }
0x47a: {  	[tilespmem:$0x1D1B0] =	vst v19  }
0x47b: {  	v18 =	vld [tilespmem:s24+$0x4C0];
	_ =	sdelay $0x4  }
0x47c: {  	vm4 =	vgt.s32 v18, $0x1  }
0x47d: {  	v19 =	vnsel vm4, $0x1, v18  }
0x47e: {  	v19 =	vadd.s32 $0x63, v19  }
0x47f: {  	v32 =	vshll.u32 v19, $0x8;
	v33 =	vshll.u32 v19, $0x7  }
0x480: {  	v20 =	vand.u32 $0xFFFFF800, v32;
	v21 =	vand.u32 $0x380, v33  }
0x481: {  	vm5 =	vgt.s32 v18, $0x0;
	v18 =	vor.u32 v21, v20  }
0x482: {  	v18 =	vor.u32 v13, v18;
	_ =	sdelay $0x4  }
0x483: {  	[tilespmem:v18+s13+$0x0] =	vst.idx.msk vm5, v1  }
0x484: {  	[tilespmem:$0x1D1C0] =	vst v19  }
0x485: {  	v18 =	vld [tilespmem:s24+$0x4D0];
	_ =	sdelay $0x4  }
0x486: {  	vm6 =	vgt.s32 v18, $0x1  }
0x487: {  	v19 =	vnsel vm6, $0x1, v18  }
0x488: {  	v19 =	vadd.s32 $0x63, v19  }
0x489: {  	v34 =	vshll.u32 v19, $0x8;
	v35 =	vshll.u32 v19, $0x7  }
0x48a: {  	v20 =	vand.u32 $0xFFFFF800, v34;
	v21 =	vand.u32 $0x380, v35  }
0x48b: {  	vm7 =	vgt.s32 v18, $0x0;
	v18 =	vor.u32 v21, v20  }
0x48c: {  	v18 =	vor.u32 v14, v18;
	_ =	sdelay $0x4  }
0x48d: {  	[tilespmem:v18+s13+$0x0] =	vst.idx.msk vm7, v1  }
0x48e: {  	[tilespmem:$0x1D1D0] =	vst v19  }
0x48f: {  	v18 =	vld [tilespmem:s24+$0x4E0];
	_ =	sdelay $0x4  }
0x490: {  	vm8 =	vgt.s32 v18, $0x1  }
0x491: {  	v19 =	vnsel vm8, $0x1, v18  }
0x492: {  	v19 =	vadd.s32 $0x63, v19  }
0x493: {  	v36 =	vshll.u32 v19, $0x8;
	v37 =	vshll.u32 v19, $0x7  }
0x494: {  	v20 =	vand.u32 $0xFFFFF800, v36;
	v21 =	vand.u32 $0x380, v37  }
0x495: {  	vm9 =	vgt.s32 v18, $0x0;
	v18 =	vor.u32 v21, v20  }
0x496: {  	v18 =	vor.u32 v15, v18;
	_ =	sdelay $0x4  }
0x497: {  	[tilespmem:v18+s13+$0x0] =	vst.idx.msk vm9, v1  }
0x498: {  	[tilespmem:$0x1D1E0] =	vst v19  }
0x499: {  	v18 =	vld [tilespmem:s24+$0x4F0];
	_ =	sdelay $0x4  }
0x49a: {  	vm10 =	vgt.s32 v18, $0x1  }
0x49b: {  	v19 =	vnsel vm10, $0x1, v18  }
0x49c: {  	v19 =	vadd.s32 $0x63, v19  }
0x49d: {  	v38 =	vshll.u32 v19, $0x8;
	v39 =	vshll.u32 v19, $0x7  }
0x49e: {  	v20 =	vand.u32 $0xFFFFF800, v38;
	v21 =	vand.u32 $0x380, v39  }
0x49f: {  	vm11 =	vgt.s32 v18, $0x0;
	v18 =	vor.u32 v21, v20  }
0x4a0: {  	v18 =	vor.u32 v16, v18;
	_ =	sdelay $0x4  }
0x4a1: {  	[tilespmem:v18+s13+$0x0] =	vst.idx.msk vm11, v1  }
0x4a2: {  	[tilespmem:$0x1D1F0] =	vst v19  }
0x4a3: {  	[hbm4b:s22+s15] =	stream.strided.scatter [tilespmem:s13], [sflag:$0x1], $0xC800, s11, s15, $0x38;
	[tilespmem:$0x1D400] =	vst v63  }
0x4a4: {  	_ =	swait.ge [sflag:s17], $0xC800  }
0x4a5: {  	[sflag:s17] =	ssyncset.done $0x0  }
0x4a6: {  	[sflag:s17] =	ssyncadd.s32 $0xFFFF3800  }
0x4a7: {  	v18 =	vld [tilespmem:$0x1D200];
	_ =	sdelay $0x4  }
0x4a8: {  	v19 =	vshll.u32 v18, $0x8;
	v18 =	vshll.u32 v18, $0x7  }
0x4a9: {  	v19 =	vand.u32 $0xFFFFF800, v19;
	v18 =	vand.u32 $0x380, v18  }
0x4aa: {  	v18 =	vor.u32 v19, v18  }
0x4ab: {  	v18 =	vor.u32 v0, v18;
	_ =	sdelay $0x4  }
0x4ac: {  	[tilespmem:v18+s14+$0x0] =	vst.idx.msk $0xffff, v17  }
0x4ad: {  	v18 =	vld [tilespmem:$0x1D210];
	_ =	sdelay $0x4  }
0x4ae: {  	v19 =	vshll.u32 v18, $0x8;
	v18 =	vshll.u32 v18, $0x7  }
0x4af: {  	v19 =	vand.u32 $0xFFFFF800, v19;
	v18 =	vand.u32 $0x380, v18  }
0x4b0: {  	v18 =	vor.u32 v19, v18  }
0x4b1: {  	v18 =	vor.u32 v2, v18;
	_ =	sdelay $0x4  }
0x4b2: {  	[tilespmem:v18+s14+$0x0] =	vst.idx.msk $0xffff, v17  }
0x4b3: {  	v18 =	vld [tilespmem:$0x1D220];
	_ =	sdelay $0x4  }
0x4b4: {  	v19 =	vshll.u32 v18, $0x8;
	v18 =	vshll.u32 v18, $0x7  }
0x4b5: {  	v19 =	vand.u32 $0xFFFFF800, v19;
	v18 =	vand.u32 $0x380, v18  }
0x4b6: {  	v18 =	vor.u32 v19, v18  }
0x4b7: {  	v18 =	vor.u32 v3, v18;
	_ =	sdelay $0x4  }
0x4b8: {  	[tilespmem:v18+s14+$0x0] =	vst.idx.msk $0xffff, v17  }
0x4b9: {  	v18 =	vld [tilespmem:$0x1D230];
	_ =	sdelay $0x4  }
0x4ba: {  	v19 =	vshll.u32 v18, $0x8;
	v18 =	vshll.u32 v18, $0x7  }
0x4bb: {  	v19 =	vand.u32 $0xFFFFF800, v19;
	v18 =	vand.u32 $0x380, v18  }
0x4bc: {  	v18 =	vor.u32 v19, v18  }
0x4bd: {  	v18 =	vor.u32 v4, v18;
	_ =	sdelay $0x4  }
0x4be: {  	[tilespmem:v18+s14+$0x0] =	vst.idx.msk $0xffff, v17  }
0x4bf: {  	v18 =	vld [tilespmem:$0x1D240];
	_ =	sdelay $0x4  }
0x4c0: {  	v19 =	vshll.u32 v18, $0x8;
	v18 =	vshll.u32 v18, $0x7  }
0x4c1: {  	v19 =	vand.u32 $0xFFFFF800, v19;
	v18 =	vand.u32 $0x380, v18  }
0x4c2: {  	v18 =	vor.u32 v19, v18  }
0x4c3: {  	v18 =	vor.u32 v5, v18;
	_ =	sdelay $0x4  }
0x4c4: {  	[tilespmem:v18+s14+$0x0] =	vst.idx.msk $0xffff, v17  }
0x4c5: {  	v18 =	vld [tilespmem:$0x1D250];
	_ =	sdelay $0x4  }
0x4c6: {  	v19 =	vshll.u32 v18, $0x8;
	v18 =	vshll.u32 v18, $0x7  }
0x4c7: {  	v19 =	vand.u32 $0xFFFFF800, v19;
	v18 =	vand.u32 $0x380, v18  }
0x4c8: {  	v18 =	vor.u32 v19, v18  }
0x4c9: {  	v18 =	vor.u32 v6, v18;
	_ =	sdelay $0x4  }
0x4ca: {  	[tilespmem:v18+s14+$0x0] =	vst.idx.msk $0xffff, v17  }
0x4cb: {  	v18 =	vld [tilespmem:$0x1D260];
	_ =	sdelay $0x4  }
0x4cc: {  	v19 =	vshll.u32 v18, $0x8;
	v18 =	vshll.u32 v18, $0x7  }
0x4cd: {  	v19 =	vand.u32 $0xFFFFF800, v19;
	v18 =	vand.u32 $0x380, v18  }
0x4ce: {  	v18 =	vor.u32 v19, v18  }
0x4cf: {  	v18 =	vor.u32 v7, v18;
	_ =	sdelay $0x4  }
0x4d0: {  	[tilespmem:v18+s14+$0x0] =	vst.idx.msk $0xffff, v17  }
0x4d1: {  	v18 =	vld [tilespmem:$0x1D270];
	_ =	sdelay $0x4  }
0x4d2: {  	v19 =	vshll.u32 v18, $0x8;
	v18 =	vshll.u32 v18, $0x7  }
0x4d3: {  	v19 =	vand.u32 $0xFFFFF800, v19;
	v18 =	vand.u32 $0x380, v18  }
0x4d4: {  	v18 =	vor.u32 v19, v18  }
0x4d5: {  	v18 =	vor.u32 v8, v18;
	_ =	sdelay $0x4  }
0x4d6: {  	[tilespmem:v18+s14+$0x0] =	vst.idx.msk $0xffff, v17  }
0x4d7: {  	v18 =	vld [tilespmem:$0x1D280];
	_ =	sdelay $0x4  }
0x4d8: {  	v19 =	vshll.u32 v18, $0x8;
	v18 =	vshll.u32 v18, $0x7  }
0x4d9: {  	v19 =	vand.u32 $0xFFFFF800, v19;
	v18 =	vand.u32 $0x380, v18  }
0x4da: {  	v18 =	vor.u32 v18, v19  }
0x4db: {  	v18 =	vor.u32 v9, v18;
	_ =	sdelay $0x4  }
0x4dc: {  	[tilespmem:v18+s14+$0x0] =	vst.idx.msk $0xffff, v17  }
0x4dd: {  	v18 =	vld [tilespmem:$0x1D290];
	_ =	sdelay $0x4  }
0x4de: {  	v19 =	vshll.u32 v18, $0x8;
	v18 =	vshll.u32 v18, $0x7  }
0x4df: {  	v19 =	vand.u32 $0xFFFFF800, v19;
	v18 =	vand.u32 $0x380, v18  }
0x4e0: {  	v18 =	vor.u32 v18, v19  }
0x4e1: {  	v18 =	vor.u32 v10, v18;
	_ =	sdelay $0x4  }
0x4e2: {  	[tilespmem:v18+s14+$0x0] =	vst.idx.msk $0xffff, v17  }
0x4e3: {  	v18 =	vld [tilespmem:$0x1D2A0];
	_ =	sdelay $0x4  }
0x4e4: {  	v19 =	vshll.u32 v18, $0x8;
	v18 =	vshll.u32 v18, $0x7  }
0x4e5: {  	v19 =	vand.u32 $0xFFFFF800, v19;
	v18 =	vand.u32 $0x380, v18  }
0x4e6: {  	v18 =	vor.u32 v18, v19  }
0x4e7: {  	v18 =	vor.u32 v11, v18;
	_ =	sdelay $0x4  }
0x4e8: {  	[tilespmem:v18+s14+$0x0] =	vst.idx.msk $0xffff, v17  }
0x4e9: {  	v18 =	vld [tilespmem:$0x1D2B0];
	_ =	sdelay $0x4  }
0x4ea: {  	v19 =	vshll.u32 v18, $0x8;
	v18 =	vshll.u32 v18, $0x7  }
0x4eb: {  	v19 =	vand.u32 $0xFFFFF800, v19;
	v18 =	vand.u32 $0x380, v18  }
0x4ec: {  	v18 =	vor.u32 v18, v19  }
0x4ed: {  	v18 =	vor.u32 v12, v18;
	_ =	sdelay $0x4  }
0x4ee: {  	[tilespmem:v18+s14+$0x0] =	vst.idx.msk $0xffff, v17  }
0x4ef: {  	v18 =	vld [tilespmem:$0x1D2C0];
	_ =	sdelay $0x4  }
0x4f0: {  	v19 =	vshll.u32 v18, $0x8;
	v18 =	vshll.u32 v18, $0x7  }
0x4f1: {  	v19 =	vand.u32 $0xFFFFF800, v19;
	v18 =	vand.u32 $0x380, v18  }
0x4f2: {  	v18 =	vor.u32 v18, v19  }
0x4f3: {  	v18 =	vor.u32 v13, v18;
	_ =	sdelay $0x4  }
0x4f4: {  	[tilespmem:v18+s14+$0x0] =	vst.idx.msk $0xffff, v17  }
0x4f5: {  	v18 =	vld [tilespmem:$0x1D2D0];
	_ =	sdelay $0x4  }
0x4f6: {  	v19 =	vshll.u32 v18, $0x8;
	v18 =	vshll.u32 v18, $0x7  }
0x4f7: {  	v19 =	vand.u32 $0xFFFFF800, v19;
	v18 =	vand.u32 $0x380, v18  }
0x4f8: {  	v18 =	vor.u32 v18, v19  }
0x4f9: {  	v18 =	vor.u32 v14, v18;
	_ =	sdelay $0x4  }
0x4fa: {  	[tilespmem:v18+s14+$0x0] =	vst.idx.msk $0xffff, v17  }
0x4fb: {  	v18 =	vld [tilespmem:$0x1D2E0];
	_ =	sdelay $0x4  }
0x4fc: {  	v19 =	vshll.u32 v18, $0x8;
	v18 =	vshll.u32 v18, $0x7  }
0x4fd: {  	v19 =	vand.u32 $0xFFFFF800, v19;
	v18 =	vand.u32 $0x380, v18  }
0x4fe: {  	v18 =	vor.u32 v18, v19  }
0x4ff: {  	v18 =	vor.u32 v15, v18;
	_ =	sdelay $0x4  }
0x500: {  	[tilespmem:v18+s14+$0x0] =	vst.idx.msk $0xffff, v17  }
0x501: {  	v18 =	vld [tilespmem:$0x1D2F0];
	_ =	sdelay $0x4  }
0x502: {  	v19 =	vshll.u32 v18, $0x8;
	v18 =	vshll.u32 v18, $0x7  }
0x503: {  	v19 =	vand.u32 $0xFFFFF800, v19;
	v18 =	vand.u32 $0x380, v18  }
0x504: {  	v18 =	vor.u32 v18, v19  }
0x505: {  	v18 =	vor.u32 v16, v18;
	_ =	sdelay $0x4  }
0x506: {  	[tilespmem:v18+s14+$0x0] =	vst.idx.msk $0xffff, v17  }
0x507: {  	v18 =	vld [tilespmem:$0x1D300];
	_ =	sdelay $0x4  }
0x508: {  	v19 =	vshll.u32 v18, $0x8;
	v18 =	vshll.u32 v18, $0x7  }
0x509: {  	v19 =	vand.u32 $0xFFFFF800, v19;
	v18 =	vand.u32 $0x380, v18  }
0x50a: {  	v18 =	vor.u32 v19, v18  }
0x50b: {  	v18 =	vor.u32 v0, v18;
	_ =	sdelay $0x4  }
0x50c: {  	[tilespmem:v18+s14+$0x0] =	vst.idx.msk $0xffff, v17  }
0x50d: {  	v18 =	vld [tilespmem:$0x1D310];
	_ =	sdelay $0x4  }
0x50e: {  	v19 =	vshll.u32 v18, $0x8;
	v18 =	vshll.u32 v18, $0x7  }
0x50f: {  	v19 =	vand.u32 $0xFFFFF800, v19;
	v18 =	vand.u32 $0x380, v18  }
0x510: {  	v18 =	vor.u32 v19, v18  }
0x511: {  	v18 =	vor.u32 v2, v18;
	_ =	sdelay $0x4  }
0x512: {  	[tilespmem:v18+s14+$0x0] =	vst.idx.msk $0xffff, v17  }
0x513: {  	v18 =	vld [tilespmem:$0x1D320];
	_ =	sdelay $0x4  }
0x514: {  	v19 =	vshll.u32 v18, $0x8;
	v18 =	vshll.u32 v18, $0x7  }
0x515: {  	v19 =	vand.u32 $0xFFFFF800, v19;
	v18 =	vand.u32 $0x380, v18  }
0x516: {  	v18 =	vor.u32 v19, v18  }
0x517: {  	v18 =	vor.u32 v3, v18;
	_ =	sdelay $0x4  }
0x518: {  	[tilespmem:v18+s14+$0x0] =	vst.idx.msk $0xffff, v17  }
0x519: {  	v18 =	vld [tilespmem:$0x1D330];
	_ =	sdelay $0x4  }
0x51a: {  	v19 =	vshll.u32 v18, $0x8;
	v18 =	vshll.u32 v18, $0x7  }
0x51b: {  	v19 =	vand.u32 $0xFFFFF800, v19;
	v18 =	vand.u32 $0x380, v18  }
0x51c: {  	v18 =	vor.u32 v19, v18  }
0x51d: {  	v18 =	vor.u32 v4, v18;
	_ =	sdelay $0x4  }
0x51e: {  	[tilespmem:v18+s14+$0x0] =	vst.idx.msk $0xffff, v17  }
0x51f: {  	v18 =	vld [tilespmem:$0x1D340];
	_ =	sdelay $0x4  }
0x520: {  	v19 =	vshll.u32 v18, $0x8;
	v18 =	vshll.u32 v18, $0x7  }
0x521: {  	v19 =	vand.u32 $0xFFFFF800, v19;
	v18 =	vand.u32 $0x380, v18  }
0x522: {  	v18 =	vor.u32 v19, v18  }
0x523: {  	v18 =	vor.u32 v5, v18;
	_ =	sdelay $0x4  }
0x524: {  	[tilespmem:v18+s14+$0x0] =	vst.idx.msk $0xffff, v17  }
0x525: {  	v18 =	vld [tilespmem:$0x1D350];
	_ =	sdelay $0x4  }
0x526: {  	v19 =	vshll.u32 v18, $0x8;
	v18 =	vshll.u32 v18, $0x7  }
0x527: {  	v19 =	vand.u32 $0xFFFFF800, v19;
	v18 =	vand.u32 $0x380, v18  }
0x528: {  	v18 =	vor.u32 v19, v18  }
0x529: {  	v18 =	vor.u32 v6, v18;
	_ =	sdelay $0x4  }
0x52a: {  	[tilespmem:v18+s14+$0x0] =	vst.idx.msk $0xffff, v17  }
0x52b: {  	v18 =	vld [tilespmem:$0x1D360];
	_ =	sdelay $0x4  }
0x52c: {  	v19 =	vshll.u32 v18, $0x8;
	v18 =	vshll.u32 v18, $0x7  }
0x52d: {  	v19 =	vand.u32 $0xFFFFF800, v19;
	v18 =	vand.u32 $0x380, v18  }
0x52e: {  	v18 =	vor.u32 v19, v18  }
0x52f: {  	v18 =	vor.u32 v7, v18;
	_ =	sdelay $0x4  }
0x530: {  	[tilespmem:v18+s14+$0x0] =	vst.idx.msk $0xffff, v17  }
0x531: {  	v18 =	vld [tilespmem:$0x1D370];
	_ =	sdelay $0x4  }
0x532: {  	v19 =	vshll.u32 v18, $0x8;
	v18 =	vshll.u32 v18, $0x7  }
0x533: {  	v19 =	vand.u32 $0xFFFFF800, v19;
	v18 =	vand.u32 $0x380, v18  }
0x534: {  	v18 =	vor.u32 v19, v18  }
0x535: {  	v18 =	vor.u32 v8, v18;
	_ =	sdelay $0x4  }
0x536: {  	[tilespmem:v18+s14+$0x0] =	vst.idx.msk $0xffff, v17  }
0x537: {  	v18 =	vld [tilespmem:$0x1D380];
	_ =	sdelay $0x4  }
0x538: {  	v19 =	vshll.u32 v18, $0x8;
	v18 =	vshll.u32 v18, $0x7  }
0x539: {  	v19 =	vand.u32 $0xFFFFF800, v19;
	v18 =	vand.u32 $0x380, v18  }
0x53a: {  	v18 =	vor.u32 v18, v19  }
0x53b: {  	v18 =	vor.u32 v9, v18;
	_ =	sdelay $0x4  }
0x53c: {  	[tilespmem:v18+s14+$0x0] =	vst.idx.msk $0xffff, v17  }
0x53d: {  	v18 =	vld [tilespmem:$0x1D390];
	_ =	sdelay $0x4  }
0x53e: {  	v19 =	vshll.u32 v18, $0x8;
	v18 =	vshll.u32 v18, $0x7  }
0x53f: {  	v19 =	vand.u32 $0xFFFFF800, v19;
	v18 =	vand.u32 $0x380, v18  }
0x540: {  	v18 =	vor.u32 v18, v19  }
0x541: {  	v18 =	vor.u32 v10, v18;
	_ =	sdelay $0x4  }
0x542: {  	[tilespmem:v18+s14+$0x0] =	vst.idx.msk $0xffff, v17  }
0x543: {  	v18 =	vld [tilespmem:$0x1D3A0];
	_ =	sdelay $0x4  }
0x544: {  	v19 =	vshll.u32 v18, $0x8;
	v18 =	vshll.u32 v18, $0x7  }
0x545: {  	v19 =	vand.u32 $0xFFFFF800, v19;
	v18 =	vand.u32 $0x380, v18  }
0x546: {  	v18 =	vor.u32 v18, v19  }
0x547: {  	v18 =	vor.u32 v11, v18;
	_ =	sdelay $0x4  }
0x548: {  	[tilespmem:v18+s14+$0x0] =	vst.idx.msk $0xffff, v17  }
0x549: {  	v18 =	vld [tilespmem:$0x1D3B0];
	_ =	sdelay $0x4  }
0x54a: {  	v19 =	vshll.u32 v18, $0x8;
	v18 =	vshll.u32 v18, $0x7  }
0x54b: {  	v19 =	vand.u32 $0xFFFFF800, v19;
	v18 =	vand.u32 $0x380, v18  }
0x54c: {  	v18 =	vor.u32 v18, v19  }
0x54d: {  	v18 =	vor.u32 v12, v18;
	_ =	sdelay $0x4  }
0x54e: {  	[tilespmem:v18+s14+$0x0] =	vst.idx.msk $0xffff, v17  }
0x54f: {  	v18 =	vld [tilespmem:$0x1D3C0];
	_ =	sdelay $0x4  }
0x550: {  	v19 =	vshll.u32 v18, $0x8;
	v18 =	vshll.u32 v18, $0x7  }
0x551: {  	v19 =	vand.u32 $0xFFFFF800, v19;
	v18 =	vand.u32 $0x380, v18  }
0x552: {  	v18 =	vor.u32 v18, v19  }
0x553: {  	v18 =	vor.u32 v13, v18;
	_ =	sdelay $0x4  }
0x554: {  	[tilespmem:v18+s14+$0x0] =	vst.idx.msk $0xffff, v17  }
0x555: {  	v18 =	vld [tilespmem:$0x1D3D0];
	_ =	sdelay $0x4  }
0x556: {  	v19 =	vshll.u32 v18, $0x8;
	v18 =	vshll.u32 v18, $0x7  }
0x557: {  	v19 =	vand.u32 $0xFFFFF800, v19;
	v18 =	vand.u32 $0x380, v18  }
0x558: {  	v18 =	vor.u32 v18, v19  }
0x559: {  	v18 =	vor.u32 v14, v18;
	_ =	sdelay $0x4  }
0x55a: {  	[tilespmem:v18+s14+$0x0] =	vst.idx.msk $0xffff, v17  }
0x55b: {  	v18 =	vld [tilespmem:$0x1D3E0];
	_ =	sdelay $0x4  }
0x55c: {  	v19 =	vshll.u32 v18, $0x8;
	v18 =	vshll.u32 v18, $0x7  }
0x55d: {  	v19 =	vand.u32 $0xFFFFF800, v19;
	v18 =	vand.u32 $0x380, v18  }
0x55e: {  	v18 =	vor.u32 v18, v19  }
0x55f: {  	v18 =	vor.u32 v15, v18;
	_ =	sdelay $0x4  }
0x560: {  	[tilespmem:v18+s14+$0x0] =	vst.idx.msk $0xffff, v17  }
0x561: {  	v18 =	vld [tilespmem:$0x1D3F0];
	_ =	sdelay $0x4  }
0x562: {  	v19 =	vshll.u32 v18, $0x8;
	v18 =	vshll.u32 v18, $0x7  }
0x563: {  	v19 =	vand.u32 $0xFFFFF800, v19;
	v18 =	vand.u32 $0x380, v18  }
0x564: {  	v18 =	vor.u32 v18, v19  }
0x565: {  	v18 =	vor.u32 v16, v18;
	_ =	sdelay $0x4  }
0x566: {  	[tilespmem:v18+s14+$0x0] =	vst.idx.msk $0xffff, v17  }
0x567: {  	v18 =	vld [tilespmem:s24+$0x800];
	_ =	sdelay $0x4  }
0x568: {  	vm12 =	vgt.s32 v18, $0x1  }
0x569: {  	v19 =	vnsel vm12, $0x1, v18  }
0x56a: {  	v19 =	vadd.s32 $0xFFFFFFFF, v19  }
0x56b: {  	v40 =	vshll.u32 v19, $0x8;
	v41 =	vshll.u32 v19, $0x7  }
0x56c: {  	v20 =	vand.u32 $0xFFFFF800, v40;
	v21 =	vand.u32 $0x380, v41  }
0x56d: {  	vm13 =	vgt.s32 v18, $0x0;
	v18 =	vor.u32 v20, v21  }
0x56e: {  	v18 =	vor.u32 v0, v18;
	_ =	sdelay $0x4  }
0x56f: {  	[tilespmem:v18+s14+$0x0] =	vst.idx.msk vm13, v1  }
0x570: {  	[tilespmem:$0x1D200] =	vst v19  }
0x571: {  	v18 =	vld [tilespmem:s24+$0x810];
	_ =	sdelay $0x4  }
0x572: {  	vm14 =	vgt.s32 v18, $0x1  }
0x573: {  	v19 =	vnsel vm14, $0x1, v18  }
0x574: {  	v19 =	vadd.s32 $0xFFFFFFFF, v19  }
0x575: {  	v42 =	vshll.u32 v19, $0x8;
	v43 =	vshll.u32 v19, $0x7  }
0x576: {  	v20 =	vand.u32 $0xFFFFF800, v42;
	v21 =	vand.u32 $0x380, v43  }
0x577: {  	vm15 =	vgt.s32 v18, $0x0;
	v18 =	vor.u32 v20, v21  }
0x578: {  	v18 =	vor.u32 v2, v18;
	_ =	sdelay $0x4  }
0x579: {  	[tilespmem:v18+s14+$0x0] =	vst.idx.msk vm15, v1  }
0x57a: {  	[tilespmem:$0x1D210] =	vst v19  }
0x57b: {  	v18 =	vld [tilespmem:s24+$0x820];
	_ =	sdelay $0x4  }
0x57c: {  	vm4 =	vgt.s32 v18, $0x1  }
0x57d: {  	v19 =	vnsel vm4, $0x1, v18  }
0x57e: {  	v19 =	vadd.s32 $0xFFFFFFFF, v19  }
0x57f: {  	v44 =	vshll.u32 v19, $0x8;
	v45 =	vshll.u32 v19, $0x7  }
0x580: {  	v20 =	vand.u32 $0xFFFFF800, v44;
	v21 =	vand.u32 $0x380, v45  }
0x581: {  	vm5 =	vgt.s32 v18, $0x0;
	v18 =	vor.u32 v20, v21  }
0x582: {  	v18 =	vor.u32 v3, v18;
	_ =	sdelay $0x4  }
0x583: {  	[tilespmem:v18+s14+$0x0] =	vst.idx.msk vm5, v1  }
0x584: {  	[tilespmem:$0x1D220] =	vst v19  }
0x585: {  	v18 =	vld [tilespmem:s24+$0x830];
	_ =	sdelay $0x4  }
0x586: {  	vm6 =	vgt.s32 v18, $0x1  }
0x587: {  	v19 =	vnsel vm6, $0x1, v18  }
0x588: {  	v19 =	vadd.s32 $0xFFFFFFFF, v19  }
0x589: {  	v46 =	vshll.u32 v19, $0x8;
	v47 =	vshll.u32 v19, $0x7  }
0x58a: {  	v20 =	vand.u32 $0xFFFFF800, v46;
	v21 =	vand.u32 $0x380, v47  }
0x58b: {  	vm7 =	vgt.s32 v18, $0x0;
	v18 =	vor.u32 v20, v21  }
0x58c: {  	v18 =	vor.u32 v4, v18;
	_ =	sdelay $0x4  }
0x58d: {  	[tilespmem:v18+s14+$0x0] =	vst.idx.msk vm7, v1  }
0x58e: {  	[tilespmem:$0x1D230] =	vst v19  }
0x58f: {  	v18 =	vld [tilespmem:s24+$0x840];
	_ =	sdelay $0x4  }
0x590: {  	vm8 =	vgt.s32 v18, $0x1  }
0x591: {  	v19 =	vnsel vm8, $0x1, v18  }
0x592: {  	v19 =	vadd.s32 $0xFFFFFFFF, v19  }
0x593: {  	v48 =	vshll.u32 v19, $0x8;
	v49 =	vshll.u32 v19, $0x7  }
0x594: {  	v20 =	vand.u32 $0xFFFFF800, v48;
	v21 =	vand.u32 $0x380, v49  }
0x595: {  	vm9 =	vgt.s32 v18, $0x0;
	v18 =	vor.u32 v20, v21  }
0x596: {  	v18 =	vor.u32 v5, v18;
	_ =	sdelay $0x4  }
0x597: {  	[tilespmem:v18+s14+$0x0] =	vst.idx.msk vm9, v1  }
0x598: {  	[tilespmem:$0x1D240] =	vst v19  }
0x599: {  	v18 =	vld [tilespmem:s24+$0x850];
	_ =	sdelay $0x4  }
0x59a: {  	vm10 =	vgt.s32 v18, $0x1  }
0x59b: {  	v19 =	vnsel vm10, $0x1, v18  }
0x59c: {  	v19 =	vadd.s32 $0xFFFFFFFF, v19  }
0x59d: {  	v50 =	vshll.u32 v19, $0x8;
	v51 =	vshll.u32 v19, $0x7  }
0x59e: {  	v20 =	vand.u32 $0xFFFFF800, v50;
	v21 =	vand.u32 $0x380, v51  }
0x59f: {  	vm11 =	vgt.s32 v18, $0x0;
	v18 =	vor.u32 v20, v21  }
0x5a0: {  	v18 =	vor.u32 v6, v18;
	_ =	sdelay $0x4  }
0x5a1: {  	[tilespmem:v18+s14+$0x0] =	vst.idx.msk vm11, v1  }
0x5a2: {  	[tilespmem:$0x1D250] =	vst v19  }
0x5a3: {  	v18 =	vld [tilespmem:s24+$0x860];
	_ =	sdelay $0x4  }
0x5a4: {  	vm12 =	vgt.s32 v18, $0x1  }
0x5a5: {  	v19 =	vnsel vm12, $0x1, v18  }
0x5a6: {  	v19 =	vadd.s32 $0xFFFFFFFF, v19  }
0x5a7: {  	v52 =	vshll.u32 v19, $0x8;
	v53 =	vshll.u32 v19, $0x7  }
0x5a8: {  	v20 =	vand.u32 $0xFFFFF800, v52;
	v21 =	vand.u32 $0x380, v53  }
0x5a9: {  	vm13 =	vgt.s32 v18, $0x0;
	v18 =	vor.u32 v20, v21  }
0x5aa: {  	v18 =	vor.u32 v7, v18;
	_ =	sdelay $0x4  }
0x5ab: {  	[tilespmem:v18+s14+$0x0] =	vst.idx.msk vm13, v1  }
0x5ac: {  	[tilespmem:$0x1D260] =	vst v19  }
0x5ad: {  	v18 =	vld [tilespmem:s24+$0x870];
	_ =	sdelay $0x4  }
0x5ae: {  	vm14 =	vgt.s32 v18, $0x1  }
0x5af: {  	v19 =	vnsel vm14, $0x1, v18  }
0x5b0: {  	v19 =	vadd.s32 $0xFFFFFFFF, v19  }
0x5b1: {  	v54 =	vshll.u32 v19, $0x8;
	v55 =	vshll.u32 v19, $0x7  }
0x5b2: {  	v20 =	vand.u32 $0xFFFFF800, v54;
	v21 =	vand.u32 $0x380, v55  }
0x5b3: {  	vm15 =	vgt.s32 v18, $0x0;
	v18 =	vor.u32 v20, v21  }
0x5b4: {  	v18 =	vor.u32 v8, v18;
	_ =	sdelay $0x1  }
0x5b5: {  	s28 =	sand.u32 $0x3, s21  }
0x5b6: {  	s25 =	sshll.u32 s28, $0x8  }
0x5b7: {  	s25 =	sadd.s32 s19, s25  }
0x5b8: {  	s26 =	sadd.s32 $0xFFFFFF80, s25;
	[tilespmem:v18+s14+$0x0] =	vst.idx.msk vm15, v1  }
0x5b9: {  	s28 =	sor.u32 $0xC00, s26;
	[tilespmem:$0x1D270] =	vst v19  }
0x5ba: {  	v18 =	vld [tilespmem:s28+$0x0];
	_ =	sdelay $0x4  }
0x5bb: {  	vm4 =	vgt.s32 v18, $0x1  }
0x5bc: {  	v19 =	vnsel vm4, $0x1, v18  }
0x5bd: {  	v19 =	vadd.s32 $0xFFFFFFFF, v19  }
0x5be: {  	v56 =	vshll.u32 v19, $0x8;
	v57 =	vshll.u32 v19, $0x7  }
0x5bf: {  	v20 =	vand.u32 $0xFFFFF800, v56;
	v21 =	vand.u32 $0x380, v57  }
0x5c0: {  	vm5 =	vgt.s32 v18, $0x0;
	v18 =	vor.u32 v21, v20  }
0x5c1: {  	v18 =	vor.u32 v9, v18;
	_ =	sdelay $0x4  }
0x5c2: {  	[tilespmem:v18+s14+$0x0] =	vst.idx.msk vm5, v1  }
0x5c3: {  	s29 =	sor.u32 $0xC10, s26;
	[tilespmem:$0x1D280] =	vst v19  }
0x5c4: {  	v18 =	vld [tilespmem:s29+$0x0];
	_ =	sdelay $0x4  }
0x5c5: {  	vm6 =	vgt.s32 v18, $0x1  }
0x5c6: {  	v19 =	vnsel vm6, $0x1, v18  }
0x5c7: {  	v19 =	vadd.s32 $0xFFFFFFFF, v19  }
0x5c8: {  	v58 =	vshll.u32 v19, $0x8;
	v59 =	vshll.u32 v19, $0x7  }
0x5c9: {  	v20 =	vand.u32 $0xFFFFF800, v58;
	v21 =	vand.u32 $0x380, v59  }
0x5ca: {  	vm7 =	vgt.s32 v18, $0x0;
	v18 =	vor.u32 v21, v20  }
0x5cb: {  	v18 =	vor.u32 v10, v18;
	_ =	sdelay $0x4  }
0x5cc: {  	[tilespmem:v18+s14+$0x0] =	vst.idx.msk vm7, v1  }
0x5cd: {  	s30 =	sor.u32 $0xC20, s26;
	[tilespmem:$0x1D290] =	vst v19  }
0x5ce: {  	v18 =	vld [tilespmem:s30+$0x0];
	_ =	sdelay $0x4  }
0x5cf: {  	vm8 =	vgt.s32 v18, $0x1  }
0x5d0: {  	v19 =	vnsel vm8, $0x1, v18  }
0x5d1: {  	v19 =	vadd.s32 $0xFFFFFFFF, v19  }
0x5d2: {  	v60 =	vshll.u32 v19, $0x8;
	v61 =	vshll.u32 v19, $0x7  }
0x5d3: {  	v20 =	vand.u32 $0xFFFFF800, v60;
	v21 =	vand.u32 $0x380, v61  }
0x5d4: {  	vm9 =	vgt.s32 v18, $0x0;
	v18 =	vor.u32 v21, v20  }
0x5d5: {  	v18 =	vor.u32 v11, v18;
	_ =	sdelay $0x4  }
0x5d6: {  	[tilespmem:v18+s14+$0x0] =	vst.idx.msk vm9, v1  }
0x5d7: {  	s31 =	sor.u32 $0xC30, s26;
	[tilespmem:$0x1D2A0] =	vst v19  }
0x5d8: {  	v18 =	vld [tilespmem:s31+$0x0];
	_ =	sdelay $0x4  }
0x5d9: {  	vm10 =	vgt.s32 v18, $0x1  }
0x5da: {  	v19 =	vnsel vm10, $0x1, v18  }
0x5db: {  	v19 =	vadd.s32 $0xFFFFFFFF, v19  }
0x5dc: {  	v62 =	vshll.u32 v19, $0x8;
	v63 =	vshll.u32 v19, $0x7  }
0x5dd: {  	v20 =	vand.u32 $0xFFFFF800, v62;
	v21 =	vand.u32 $0x380, v63  }
0x5de: {  	vm11 =	vgt.s32 v18, $0x0;
	v18 =	vor.u32 v21, v20  }
0x5df: {  	v18 =	vor.u32 v12, v18;
	_ =	sdelay $0x4  }
0x5e0: {  	[tilespmem:v18+s14+$0x0] =	vst.idx.msk vm11, v1  }
0x5e1: {  	s29 =	sor.u32 $0xC40, s26;
	[tilespmem:$0x1D2B0] =	vst v19  }
0x5e2: {  	v18 =	vld [tilespmem:s29+$0x0];
	_ =	sdelay $0x4  }
0x5e3: {  	vm12 =	vgt.s32 v18, $0x1  }
0x5e4: {  	v19 =	vnsel vm12, $0x1, v18  }
0x5e5: {  	v19 =	vadd.s32 $0xFFFFFFFF, v19  }
0x5e6: {  	v24 =	vshll.u32 v19, $0x8;
	v25 =	vshll.u32 v19, $0x7  }
0x5e7: {  	v20 =	vand.u32 $0xFFFFF800, v24;
	v21 =	vand.u32 $0x380, v25  }
0x5e8: {  	vm13 =	vgt.s32 v18, $0x0;
	v18 =	vor.u32 v21, v20  }
0x5e9: {  	v18 =	vor.u32 v13, v18;
	_ =	sdelay $0x4  }
0x5ea: {  	[tilespmem:v18+s14+$0x0] =	vst.idx.msk vm13, v1  }
0x5eb: {  	s30 =	sor.u32 $0xC50, s26;
	[tilespmem:$0x1D2C0] =	vst v19  }
0x5ec: {  	v18 =	vld [tilespmem:s30+$0x0];
	_ =	sdelay $0x4  }
0x5ed: {  	vm14 =	vgt.s32 v18, $0x1  }
0x5ee: {  	v19 =	vnsel vm14, $0x1, v18  }
0x5ef: {  	v19 =	vadd.s32 $0xFFFFFFFF, v19  }
0x5f0: {  	v26 =	vshll.u32 v19, $0x8;
	v27 =	vshll.u32 v19, $0x7  }
0x5f1: {  	v20 =	vand.u32 $0xFFFFF800, v26;
	v21 =	vand.u32 $0x380, v27  }
0x5f2: {  	vm15 =	vgt.s32 v18, $0x0;
	v18 =	vor.u32 v21, v20  }
0x5f3: {  	v18 =	vor.u32 v14, v18;
	_ =	sdelay $0x4  }
0x5f4: {  	[tilespmem:v18+s14+$0x0] =	vst.idx.msk vm15, v1  }
0x5f5: {  	s31 =	sor.u32 $0xC60, s26;
	[tilespmem:$0x1D2D0] =	vst v19  }
0x5f6: {  	v18 =	vld [tilespmem:s31+$0x0];
	_ =	sdelay $0x4  }
0x5f7: {  	vm4 =	vgt.s32 v18, $0x1  }
0x5f8: {  	v19 =	vnsel vm4, $0x1, v18  }
0x5f9: {  	v19 =	vadd.s32 $0xFFFFFFFF, v19  }
0x5fa: {  	v28 =	vshll.u32 v19, $0x8;
	v29 =	vshll.u32 v19, $0x7  }
0x5fb: {  	v20 =	vand.u32 $0xFFFFF800, v28;
	v21 =	vand.u32 $0x380, v29  }
0x5fc: {  	vm5 =	vgt.s32 v18, $0x0;
	v18 =	vor.u32 v21, v20  }
0x5fd: {  	v18 =	vor.u32 v15, v18;
	_ =	sdelay $0x4  }
0x5fe: {  	[tilespmem:v18+s14+$0x0] =	vst.idx.msk vm5, v1  }
0x5ff: {  	s26 =	sor.u32 $0xC70, s26;
	[tilespmem:$0x1D2E0] =	vst v19  }
0x600: {  	v18 =	vld [tilespmem:s26+$0x0];
	_ =	sdelay $0x4  }
0x601: {  	vm6 =	vgt.s32 v18, $0x1  }
0x602: {  	v19 =	vnsel vm6, $0x1, v18  }
0x603: {  	v19 =	vadd.s32 $0xFFFFFFFF, v19  }
0x604: {  	v30 =	vshll.u32 v19, $0x8;
	v31 =	vshll.u32 v19, $0x7  }
0x605: {  	v20 =	vand.u32 $0xFFFFF800, v30;
	v21 =	vand.u32 $0x380, v31  }
0x606: {  	vm7 =	vgt.s32 v18, $0x0;
	v18 =	vor.u32 v21, v20  }
0x607: {  	v18 =	vor.u32 v16, v18;
	_ =	sdelay $0x4  }
0x608: {  	[tilespmem:v18+s14+$0x0] =	vst.idx.msk vm7, v1  }
0x609: {  	[tilespmem:$0x1D2F0] =	vst v19  }
0x60a: {  	v18 =	vld [tilespmem:s24+$0x880];
	_ =	sdelay $0x4  }
0x60b: {  	vm8 =	vgt.s32 v18, $0x1  }
0x60c: {  	v19 =	vnsel vm8, $0x1, v18  }
0x60d: {  	v19 =	vadd.s32 $0x63, v19  }
0x60e: {  	v32 =	vshll.u32 v19, $0x8;
	v33 =	vshll.u32 v19, $0x7  }
0x60f: {  	v20 =	vand.u32 $0xFFFFF800, v32;
	v21 =	vand.u32 $0x380, v33  }
0x610: {  	vm9 =	vgt.s32 v18, $0x0;
	v18 =	vor.u32 v20, v21  }
0x611: {  	v18 =	vor.u32 v0, v18;
	_ =	sdelay $0x4  }
0x612: {  	[tilespmem:v18+s14+$0x0] =	vst.idx.msk vm9, v1  }
0x613: {  	[tilespmem:$0x1D300] =	vst v19  }
0x614: {  	v18 =	vld [tilespmem:s24+$0x890];
	_ =	sdelay $0x4  }
0x615: {  	vm10 =	vgt.s32 v18, $0x1  }
0x616: {  	v19 =	vnsel vm10, $0x1, v18  }
0x617: {  	v19 =	vadd.s32 $0x63, v19  }
0x618: {  	v34 =	vshll.u32 v19, $0x8;
	v35 =	vshll.u32 v19, $0x7  }
0x619: {  	v20 =	vand.u32 $0xFFFFF800, v34;
	v21 =	vand.u32 $0x380, v35  }
0x61a: {  	vm11 =	vgt.s32 v18, $0x0;
	v18 =	vor.u32 v20, v21  }
0x61b: {  	v18 =	vor.u32 v2, v18;
	_ =	sdelay $0x4  }
0x61c: {  	[tilespmem:v18+s14+$0x0] =	vst.idx.msk vm11, v1  }
0x61d: {  	[tilespmem:$0x1D310] =	vst v19  }
0x61e: {  	v18 =	vld [tilespmem:s24+$0x8A0];
	_ =	sdelay $0x4  }
0x61f: {  	vm12 =	vgt.s32 v18, $0x1  }
0x620: {  	v19 =	vnsel vm12, $0x1, v18  }
0x621: {  	v19 =	vadd.s32 $0x63, v19  }
0x622: {  	v36 =	vshll.u32 v19, $0x8;
	v37 =	vshll.u32 v19, $0x7  }
0x623: {  	v20 =	vand.u32 $0xFFFFF800, v36;
	v21 =	vand.u32 $0x380, v37  }
0x624: {  	vm13 =	vgt.s32 v18, $0x0;
	v18 =	vor.u32 v20, v21  }
0x625: {  	v18 =	vor.u32 v3, v18;
	_ =	sdelay $0x4  }
0x626: {  	[tilespmem:v18+s14+$0x0] =	vst.idx.msk vm13, v1  }
0x627: {  	[tilespmem:$0x1D320] =	vst v19  }
0x628: {  	v18 =	vld [tilespmem:s24+$0x8B0];
	_ =	sdelay $0x4  }
0x629: {  	vm14 =	vgt.s32 v18, $0x1  }
0x62a: {  	v19 =	vnsel vm14, $0x1, v18  }
0x62b: {  	v19 =	vadd.s32 $0x63, v19  }
0x62c: {  	v38 =	vshll.u32 v19, $0x8;
	v39 =	vshll.u32 v19, $0x7  }
0x62d: {  	v20 =	vand.u32 $0xFFFFF800, v38;
	v21 =	vand.u32 $0x380, v39  }
0x62e: {  	vm15 =	vgt.s32 v18, $0x0;
	v18 =	vor.u32 v20, v21  }
0x62f: {  	v18 =	vor.u32 v4, v18;
	_ =	sdelay $0x4  }
0x630: {  	[tilespmem:v18+s14+$0x0] =	vst.idx.msk vm15, v1  }
0x631: {  	[tilespmem:$0x1D330] =	vst v19  }
0x632: {  	v18 =	vld [tilespmem:s24+$0x8C0];
	_ =	sdelay $0x4  }
0x633: {  	vm4 =	vgt.s32 v18, $0x1  }
0x634: {  	v19 =	vnsel vm4, $0x1, v18  }
0x635: {  	v19 =	vadd.s32 $0x63, v19  }
0x636: {  	v40 =	vshll.u32 v19, $0x8;
	v41 =	vshll.u32 v19, $0x7  }
0x637: {  	v20 =	vand.u32 $0xFFFFF800, v40;
	v21 =	vand.u32 $0x380, v41  }
0x638: {  	vm5 =	vgt.s32 v18, $0x0;
	v18 =	vor.u32 v20, v21  }
0x639: {  	v18 =	vor.u32 v5, v18;
	_ =	sdelay $0x4  }
0x63a: {  	[tilespmem:v18+s14+$0x0] =	vst.idx.msk vm5, v1  }
0x63b: {  	[tilespmem:$0x1D340] =	vst v19  }
0x63c: {  	v18 =	vld [tilespmem:s24+$0x8D0];
	_ =	sdelay $0x4  }
0x63d: {  	vm6 =	vgt.s32 v18, $0x1  }
0x63e: {  	v19 =	vnsel vm6, $0x1, v18  }
0x63f: {  	v19 =	vadd.s32 $0x63, v19  }
0x640: {  	v42 =	vshll.u32 v19, $0x8;
	v43 =	vshll.u32 v19, $0x7  }
0x641: {  	v20 =	vand.u32 $0xFFFFF800, v42;
	v21 =	vand.u32 $0x380, v43  }
0x642: {  	vm7 =	vgt.s32 v18, $0x0;
	v18 =	vor.u32 v20, v21  }
0x643: {  	v18 =	vor.u32 v6, v18;
	_ =	sdelay $0x4  }
0x644: {  	[tilespmem:v18+s14+$0x0] =	vst.idx.msk vm7, v1  }
0x645: {  	[tilespmem:$0x1D350] =	vst v19  }
0x646: {  	v18 =	vld [tilespmem:s24+$0x8E0];
	_ =	sdelay $0x4  }
0x647: {  	vm8 =	vgt.s32 v18, $0x1  }
0x648: {  	v19 =	vnsel vm8, $0x1, v18  }
0x649: {  	v19 =	vadd.s32 $0x63, v19  }
0x64a: {  	v44 =	vshll.u32 v19, $0x8;
	v45 =	vshll.u32 v19, $0x7  }
0x64b: {  	v20 =	vand.u32 $0xFFFFF800, v44;
	v21 =	vand.u32 $0x380, v45  }
0x64c: {  	vm9 =	vgt.s32 v18, $0x0;
	v18 =	vor.u32 v20, v21  }
0x64d: {  	v18 =	vor.u32 v7, v18;
	_ =	sdelay $0x4  }
0x64e: {  	[tilespmem:v18+s14+$0x0] =	vst.idx.msk vm9, v1  }
0x64f: {  	[tilespmem:$0x1D360] =	vst v19  }
0x650: {  	v18 =	vld [tilespmem:s24+$0x8F0];
	_ =	sdelay $0x4  }
0x651: {  	vm10 =	vgt.s32 v18, $0x1  }
0x652: {  	v19 =	vnsel vm10, $0x1, v18  }
0x653: {  	v19 =	vadd.s32 $0x63, v19  }
0x654: {  	v46 =	vshll.u32 v19, $0x8;
	v47 =	vshll.u32 v19, $0x7  }
0x655: {  	v20 =	vand.u32 $0xFFFFF800, v46;
	v21 =	vand.u32 $0x380, v47  }
0x656: {  	vm11 =	vgt.s32 v18, $0x0;
	v18 =	vor.u32 v20, v21  }
0x657: {  	v18 =	vor.u32 v8, v18;
	_ =	sdelay $0x4  }
0x658: {  	[tilespmem:v18+s14+$0x0] =	vst.idx.msk vm11, v1  }
0x659: {  	s29 =	sor.u32 $0xC00, s25;
	[tilespmem:$0x1D370] =	vst v19  }
0x65a: {  	v18 =	vld [tilespmem:s29+$0x0];
	_ =	sdelay $0x4  }
0x65b: {  	vm12 =	vgt.s32 v18, $0x1  }
0x65c: {  	v19 =	vnsel vm12, $0x1, v18  }
0x65d: {  	v19 =	vadd.s32 $0x63, v19  }
0x65e: {  	v48 =	vshll.u32 v19, $0x8;
	v49 =	vshll.u32 v19, $0x7  }
0x65f: {  	v20 =	vand.u32 $0xFFFFF800, v48;
	v21 =	vand.u32 $0x380, v49  }
0x660: {  	vm13 =	vgt.s32 v18, $0x0;
	v18 =	vor.u32 v21, v20  }
0x661: {  	v18 =	vor.u32 v9, v18;
	_ =	sdelay $0x4  }
0x662: {  	[tilespmem:v18+s14+$0x0] =	vst.idx.msk vm13, v1  }
0x663: {  	s30 =	sor.u32 $0xC10, s25;
	[tilespmem:$0x1D380] =	vst v19  }
0x664: {  	v18 =	vld [tilespmem:s30+$0x0];
	_ =	sdelay $0x4  }
0x665: {  	vm14 =	vgt.s32 v18, $0x1  }
0x666: {  	v19 =	vnsel vm14, $0x1, v18  }
0x667: {  	v19 =	vadd.s32 $0x63, v19  }
0x668: {  	v50 =	vshll.u32 v19, $0x8;
	v51 =	vshll.u32 v19, $0x7  }
0x669: {  	v20 =	vand.u32 $0xFFFFF800, v50;
	v21 =	vand.u32 $0x380, v51  }
0x66a: {  	vm15 =	vgt.s32 v18, $0x0;
	v18 =	vor.u32 v21, v20  }
0x66b: {  	v18 =	vor.u32 v10, v18;
	_ =	sdelay $0x4  }
0x66c: {  	[tilespmem:v18+s14+$0x0] =	vst.idx.msk vm15, v1  }
0x66d: {  	s31 =	sor.u32 $0xC20, s25;
	[tilespmem:$0x1D390] =	vst v19  }
0x66e: {  	v18 =	vld [tilespmem:s31+$0x0];
	_ =	sdelay $0x4  }
0x66f: {  	vm4 =	vgt.s32 v18, $0x1  }
0x670: {  	v19 =	vnsel vm4, $0x1, v18  }
0x671: {  	v19 =	vadd.s32 $0x63, v19  }
0x672: {  	v52 =	vshll.u32 v19, $0x8;
	v53 =	vshll.u32 v19, $0x7  }
0x673: {  	v20 =	vand.u32 $0xFFFFF800, v52;
	v21 =	vand.u32 $0x380, v53  }
0x674: {  	vm5 =	vgt.s32 v18, $0x0;
	v18 =	vor.u32 v21, v20  }
0x675: {  	v18 =	vor.u32 v11, v18;
	_ =	sdelay $0x4  }
0x676: {  	[tilespmem:v18+s14+$0x0] =	vst.idx.msk vm5, v1  }
0x677: {  	s26 =	sor.u32 $0xC30, s25;
	[tilespmem:$0x1D3A0] =	vst v19  }
0x678: {  	v18 =	vld [tilespmem:s26+$0x0];
	_ =	sdelay $0x4  }
0x679: {  	vm6 =	vgt.s32 v18, $0x1  }
0x67a: {  	v19 =	vnsel vm6, $0x1, v18  }
0x67b: {  	v19 =	vadd.s32 $0x63, v19  }
0x67c: {  	v54 =	vshll.u32 v19, $0x8;
	v55 =	vshll.u32 v19, $0x7  }
0x67d: {  	v20 =	vand.u32 $0xFFFFF800, v54;
	v21 =	vand.u32 $0x380, v55  }
0x67e: {  	vm7 =	vgt.s32 v18, $0x0;
	v18 =	vor.u32 v21, v20  }
0x67f: {  	v18 =	vor.u32 v12, v18;
	_ =	sdelay $0x4  }
0x680: {  	[tilespmem:v18+s14+$0x0] =	vst.idx.msk vm7, v1  }
0x681: {  	s28 =	sor.u32 $0xC40, s25;
	[tilespmem:$0x1D3B0] =	vst v19  }
0x682: {  	v18 =	vld [tilespmem:s28+$0x0];
	_ =	sdelay $0x4  }
0x683: {  	vm8 =	vgt.s32 v18, $0x1  }
0x684: {  	v19 =	vnsel vm8, $0x1, v18  }
0x685: {  	v19 =	vadd.s32 $0x63, v19  }
0x686: {  	v56 =	vshll.u32 v19, $0x8;
	v57 =	vshll.u32 v19, $0x7  }
0x687: {  	v20 =	vand.u32 $0xFFFFF800, v56;
	v21 =	vand.u32 $0x380, v57  }
0x688: {  	vm9 =	vgt.s32 v18, $0x0;
	v18 =	vor.u32 v21, v20  }
0x689: {  	v18 =	vor.u32 v13, v18;
	_ =	sdelay $0x4  }
0x68a: {  	[tilespmem:v18+s14+$0x0] =	vst.idx.msk vm9, v1  }
0x68b: {  	s29 =	sor.u32 $0xC50, s25;
	[tilespmem:$0x1D3C0] =	vst v19  }
0x68c: {  	v18 =	vld [tilespmem:s29+$0x0];
	_ =	sdelay $0x4  }
0x68d: {  	vm10 =	vgt.s32 v18, $0x1  }
0x68e: {  	v19 =	vnsel vm10, $0x1, v18  }
0x68f: {  	v19 =	vadd.s32 $0x63, v19  }
0x690: {  	v58 =	vshll.u32 v19, $0x8;
	v59 =	vshll.u32 v19, $0x7  }
0x691: {  	v20 =	vand.u32 $0xFFFFF800, v58;
	v21 =	vand.u32 $0x380, v59  }
0x692: {  	vm11 =	vgt.s32 v18, $0x0;
	v18 =	vor.u32 v21, v20  }
0x693: {  	v18 =	vor.u32 v14, v18;
	_ =	sdelay $0x4  }
0x694: {  	[tilespmem:v18+s14+$0x0] =	vst.idx.msk vm11, v1  }
0x695: {  	s30 =	sor.u32 $0xC60, s25;
	[tilespmem:$0x1D3D0] =	vst v19  }
0x696: {  	v18 =	vld [tilespmem:s30+$0x0];
	_ =	sdelay $0x4  }
0x697: {  	vm12 =	vgt.s32 v18, $0x1  }
0x698: {  	v19 =	vnsel vm12, $0x1, v18  }
0x699: {  	v19 =	vadd.s32 $0x63, v19  }
0x69a: {  	v60 =	vshll.u32 v19, $0x8;
	v61 =	vshll.u32 v19, $0x7  }
0x69b: {  	v20 =	vand.u32 $0xFFFFF800, v60;
	v21 =	vand.u32 $0x380, v61  }
0x69c: {  	vm13 =	vgt.s32 v18, $0x0;
	v18 =	vor.u32 v21, v20  }
0x69d: {  	v18 =	vor.u32 v15, v18;
	_ =	sdelay $0x4  }
0x69e: {  	[tilespmem:v18+s14+$0x0] =	vst.idx.msk vm13, v1  }
0x69f: {  	s31 =	sor.u32 $0xC70, s25;
	[tilespmem:$0x1D3E0] =	vst v19  }
0x6a0: {  	v18 =	vld [tilespmem:s31+$0x0];
	_ =	sdelay $0x4  }
0x6a1: {  	vm14 =	vgt.s32 v18, $0x1  }
0x6a2: {  	v19 =	vnsel vm14, $0x1, v18  }
0x6a3: {  	v19 =	vadd.s32 $0x63, v19  }
0x6a4: {  	v62 =	vshll.u32 v19, $0x8;
	v63 =	vshll.u32 v19, $0x7  }
0x6a5: {  	v20 =	vand.u32 $0xFFFFF800, v62;
	v21 =	vand.u32 $0x380, v63  }
0x6a6: {  	vm15 =	vgt.s32 v18, $0x0;
	v18 =	vor.u32 v21, v20  }
0x6a7: {  	v18 =	vor.u32 v16, v18;
	_ =	sdelay $0x2  }
0x6a8: {  	p0 =	sne.s32 s19, $0x3080  }
.Ltmp0:
0x6a9: {  	_ = 	snop;
	(pc) =	sbr.rel @p0 .LBB2_2-.Ltmp0, $4  }
0x6aa: {  	[tilespmem:v18+s14+$0x0] =	vst.idx.msk vm15, v1  }
0x6ab: {  	s21 =	sadd.s32 $0x1, s21;
	s20 =	sadd.s32 $0x100, s20;
	[tilespmem:$0x1D3F0] =	vst v19  }
0x6ac: {  	[hbm4b:s23+s15] =	stream.strided.scatter [tilespmem:s14], [sflag:$0x2], $0xC800, s11, s15, $0x38;
	[tilespmem:$0x1D400] =	vst v63  }
0x6ad: {  	s19 =	sadd.s32 $0x400, s19;
	s22 =	sadd.s32 $0x64000, s22;
	s23 =	sadd.s32 $0x64000, s23  }
0x6ae: {  	s18 =	sadd.s32 $0x1, s18  }
0x6af: {  	_ =	swait.ge [sflag:s16], $0xC800;
	p0 =	sne.s32 s18, s7  }
.Ltmp1:
0x6b0: {  	[sflag:s16] =	ssyncset.done $0x0;
	(pc) =	sbr.rel @p0 .LBB2_1-.Ltmp1, $4  }
0x6b1: {  	[sflag:s16] =	ssyncadd.s32 $0xFFFF3800  }
0x6b2: {  	_ =	swait.ge [sflag:s17], $0xC800  }
0x6b3: {  	[sflag:s17] =	ssyncset.done $0x0  }
0x6b4: {  	[sflag:s17] =	ssyncadd.s32 $0xFFFF3800  }
0x6b5: {  	_ =	sfence.sel $0x180000  }
0x6b6: {  	[bflag:$0x0] =	sbarrier.arrive $0xFFFF  }
0x6b7: {  	p0 =	sne.s32 s2, $0x0;
	_ =	strace $0x90000047  }
0x6b8: {  	s0 =	sadd.s32 @!p0 $0x100000, s0;
	[bflag:$0x2] =	sbarrier.arrive $0xFFFF  }
0x6b9: {  	[sflag:s0] =	ssyncadd.tile.s32 @!p0 $0x1;
	_ =	shalt  }
.Lfunc_end2:
_tile_overlayer_lowered:
.L_overlay_start_2:
0x6ba: {  	(tag) =	ssettag $0x2  }
0x6bb: {  	s0 =	rddreg [dreg:$0x0];
	s2 =	stileid.u32  }
0x6bc: {  	s1 =	rddreg [dreg:$0x1];
	p0 =	sne.s32 s2, $0x0  }
0x6bd: {  	s3 =	rddreg [dreg:$0x2];
	[bflag:$0x3] =	sbarrier.arrive $0xFFFF;
	s2 =	simm.s32 @!p0 $0x1C03  }
0x6be: {  	[timem:s3], [sflag:s2] =	dma.local @!p0 [hbm:s0], s1  }
0x6bf: {  	s0 =	simm.s32 @!p0 $0x3  }
0x6c0: {  	_ =	swait.ge @!p0 [sflag:s0], s1  }
0x6c1: {  	s1 =	ssub.s32 @!p0 $0x0, s1;
	[sflag:s0] =	ssyncset.done @!p0 $0x0  }
0x6c2: {  	[sflag:s0] =	ssyncadd.s32 @!p0 s1  }
0x6c3: {  	[bflag:$0x3] =	sbarrier.arrive $0xFFFF  }
0x6c4: {  	_ =	shalt  }

</sc_bundles>
